<compile_context>
chip_gen: v7x
topology: tpu7x:2x2x1
jax: 0.10.2.dev20260603
libtpu: 0.0.44.dev20260713+nightly
codegen_flags: <defaults>
</compile_context>

<pallas_src>
import functools

import jax
import jax.numpy as jnp
from jax import lax
from jax.experimental import pallas as pl
from jax.experimental.pallas import tpu as pltpu
from jax.experimental.pallas import tpu_sc as plsc

_NI_TOT = 16384
_NJ = 26
_B_ROWS = _NI_TOT * _NJ
_DIM = 64
_NC, _NS = 2, 16
_NW = _NC * _NS
_BPW = _B_ROWS // _NW
_IPW = _NI_TOT // _NW
_NI = 8
_CH = _NI * _NJ
_NCH = _BPW // _CH
_NBUF = 4

_mesh = plsc.VectorSubcoreMesh(core_axis_name="c", subcore_axis_name="s")


@functools.partial(
    pl.kernel,
    out_type=jax.ShapeDtypeStruct((_NI_TOT, 32, 2 * _DIM), jnp.float32),
    mesh=_mesh,
    scratch_types=[
        pltpu.VMEM((_BPW,), jnp.int32),
        pltpu.VMEM((_NBUF, _CH, _DIM), jnp.float32),
        [pltpu.SemaphoreType.DMA] * _NBUF,
        [pltpu.SemaphoreType.DMA] * _NBUF,
    ],
    compiler_params=pltpu.CompilerParams(use_tc_tiling_on_sc=False),
)
def _sc_gather(idx_hbm, table_hbm, out_hbm, idx_v, rows_v, gsems, wsems):
    wid = lax.axis_index("s") * _NC + lax.axis_index("c")
    i_base = wid * _IPW

    for c in range(8):
        pltpu.sync_copy(
            idx_hbm.at[wid, c], idx_v.at[pl.ds(c * (_BPW // 8), _BPW // 8)]
        )

    def _start_gather(g, b):
        pltpu.async_copy(
            table_hbm.at[idx_v.at[pl.ds(g * _CH, _CH)]], rows_v.at[b], gsems[b]
        )

    def _wait_gather(b):
        pltpu.make_async_copy(
            table_hbm.at[idx_v.at[pl.ds(0, _CH)]], rows_v.at[b], gsems[b]
        ).wait()

    def _start_writes(g, b):
        for di in range(_NI):
            pltpu.async_copy(
                rows_v.at[b, pl.ds(di * _NJ, _NJ)],
                out_hbm.at[i_base + g * _NI + di, pl.ds(0, _NJ), pl.ds(0, _DIM)],
                wsems[b],
            )

    def _wait_writes(g, b):
        for di in range(_NI):
            pltpu.make_async_copy(
                rows_v.at[b, pl.ds(di * _NJ, _NJ)],
                out_hbm.at[i_base + g * _NI + di, pl.ds(0, _NJ), pl.ds(0, _DIM)],
                wsems[b],
            ).wait()

    for b in range(_NBUF):
        _start_gather(b, b)

    @pl.loop(0, _NCH - _NBUF, step=_NBUF)
    def _body(jj):
        for b in range(_NBUF):
            _wait_gather(b)
            _start_writes(jj + b, b)
        for b in range(_NBUF):
            _wait_writes(jj + b, b)
            _start_gather(jj + b + _NBUF, b)

    for b in range(_NBUF):
        g = _NCH - _NBUF + b
        _wait_gather(b)
        _start_writes(g, b)
        _wait_writes(g, b)


def kernel(x, weight):
    idx = x.astype(jnp.int32).reshape(_NW, 8, _BPW // 8)
    inter = _sc_gather(idx, weight)
    return inter[:, :_NJ, :_DIM]

# --- scband reference (transcript-rebuilt; emitter-appended) ---
"""Pipeline reference for scband-parallel-embedding-85572928405835 (READ-ONLY COPY).

The authoritative reference and input builder live on the scoring server;
editing this copy changes nothing except your own understanding.
"""

import jax, jax.numpy as jnp
import numpy as np

VOCAB_SIZE = 1000000
DIM = 64
RANK = 0
WORLD_SIZE = 1
PART_VOCAB_SIZE = VOCAB_SIZE // WORLD_SIZE
VOCAB_START_IDX = RANK * PART_VOCAB_SIZE
VOCAB_END_IDX = VOCAB_START_IDX + PART_VOCAB_SIZE


def setup_inputs(seed: int = 0) -> dict:
    key = jax.random.key(seed)
    k1, k2 = jax.random.split(key)
    x = jax.random.randint(k1, (16384, 26), 0, VOCAB_SIZE, dtype=jnp.int64) if jax.config.jax_enable_x64 else jax.random.randint(k1, (16384, 26), 0, VOCAB_SIZE, dtype=jnp.int32)
    weight = jax.random.normal(k2, (PART_VOCAB_SIZE, DIM), dtype=jnp.float32) * 0.02
    return {"x": x, "weight": weight}


def reference(x, weight):
    # Faithful translation of ParallelEmbedding.forward with world_size == 1:
    # the mask / all_reduce branch is skipped, so it is a plain embedding gather.
    if WORLD_SIZE > 1:
        mask = (x < VOCAB_START_IDX) | (x >= VOCAB_END_IDX)
        x = x - VOCAB_START_IDX
        x = jnp.where(mask, 0, x)
        y = jnp.take(weight, x, axis=0)
        y = jnp.where(mask[..., None], 0.0, y)
        # dist.all_reduce(y) would happen here across shards
        return y
    y = jnp.take(weight, x, axis=0)
    return y

if __name__ == "__main__":
    import jax
    _d = setup_inputs()
    print(jax.jit(kernel)(*tuple(_d.values())))

</pallas_src>

<mosaic_0001>
#map = affine_map<(d0, d1) -> (0, 0, 0)>
#map1 = affine_map<(d0, d1) -> (0, 0)>
module attributes {stable_mosaic.version = 14 : i64} {
  func.func @_sc_gather(%arg0: i32, %arg1: i32, %arg2: memref<32x8x1664xi32, #tpu.memory_space<hbm>>, %arg3: memref<1000000x64xf32, #tpu.memory_space<hbm>>, %arg4: memref<16384x32x128xf32, #tpu.memory_space<hbm>>, %arg5: memref<13312xi32, #tpu.memory_space<vmem>>, %arg6: memref<4x208x64xf32, #tpu.memory_space<vmem>>, %arg7: memref<!tpu.dma_semaphore, #tpu.memory_space<semaphore_mem>>, %arg8: memref<!tpu.dma_semaphore, #tpu.memory_space<semaphore_mem>>, %arg9: memref<!tpu.dma_semaphore, #tpu.memory_space<semaphore_mem>>, %arg10: memref<!tpu.dma_semaphore, #tpu.memory_space<semaphore_mem>>, %arg11: memref<!tpu.dma_semaphore, #tpu.memory_space<semaphore_mem>>, %arg12: memref<!tpu.dma_semaphore, #tpu.memory_space<semaphore_mem>>, %arg13: memref<!tpu.dma_semaphore, #tpu.memory_space<semaphore_mem>>, %arg14: memref<!tpu.dma_semaphore, #tpu.memory_space<semaphore_mem>>) attributes {dimension_semantics = [#tpu.dimension_semantics<core_parallel>, #tpu.dimension_semantics<subcore_parallel>], iteration_bounds = array<i64: 2, 16>, scalar_prefetch = 0 : i64, scratch_operands = 10 : i64, tpu.core_type = #tpu.core_type<sc_vector_subcore>, window_params = [{transform_indices = #map}, {transform_indices = #map1}, {transform_indices = #map}]} {
    %mul3A = arith.constant 2 : i32
    %mul3A_0 = arith.muli %arg1, %mul3A : i32
    %add3A = arith.addi %mul3A_0, %arg0 : i32
    %mul3A_1 = arith.constant 512 : i32
    %mul3A_2 = arith.muli %add3A, %mul3A_1 : i32
    %run_scoped3A = arith.constant 0 : i32
    "tpu.region"() ({
      %run_scoped3A_1436 = tpu.sem_alloc : memref<!tpu.dma_semaphore, #tpu.memory_space<semaphore_mem>>
      %dma_start3A_1437 = arith.constant 0 : i32
      %dma_start3A_1438 = tpu.memref_slice %arg5[%dma_start3A_1437] : memref<13312xi32, #tpu.memory_space<vmem>> -> memref<1664xi32, #tpu.memory_space<vmem>>
      %dma_start3A_1439 = arith.constant 0 : i32
      %dma_start3A_1440 = tpu.memref_slice %arg2[%add3A, %run_scoped3A, %dma_start3A_1439] : memref<32x8x1664xi32, #tpu.memory_space<hbm>> -> memref<1x1x1664xi32, #tpu.memory_space<hbm>>
      %dma_start3A_1441 = tpu.memref_squeeze %dma_start3A_1440 : memref<1x1x1664xi32, #tpu.memory_space<hbm>> -> memref<1664xi32, #tpu.memory_space<hbm>>
      %dma_start3A_1442 = arith.constant 0 : i32
      %dma_start3A_1443 = tpu.memref_slice %arg5[%dma_start3A_1442] : memref<13312xi32, #tpu.memory_space<vmem>> -> memref<1664xi32, #tpu.memory_space<vmem>>
      %dma_start3A_1444 = arith.constant 0 : i32
      %dma_start3A_1445 = tpu.memref_slice %arg2[%add3A, %run_scoped3A, %dma_start3A_1444] : memref<32x8x1664xi32, #tpu.memory_space<hbm>> -> memref<1x1x1664xi32, #tpu.memory_space<hbm>>
      %dma_start3A_1446 = tpu.memref_squeeze %dma_start3A_1445 : memref<1x1x1664xi32, #tpu.memory_space<hbm>> -> memref<1664xi32, #tpu.memory_space<hbm>>
      tpu.enqueue_dma source(%dma_start3A_1446 : memref<1664xi32, #tpu.memory_space<hbm>>) target(%dma_start3A_1443 : memref<1664xi32, #tpu.memory_space<vmem>>) target_semaphore(%run_scoped3A_1436 : memref<!tpu.dma_semaphore, #tpu.memory_space<semaphore_mem>>)
      %dma_wait3A_1447 = arith.constant 0 : i32
      %dma_wait3A_1448 = tpu.memref_slice %arg5[%dma_wait3A_1447] : memref<13312xi32, #tpu.memory_space<vmem>> -> memref<1664xi32, #tpu.memory_space<vmem>>
      %dma_wait3A_1449 = arith.constant 0 : i32
      %dma_wait3A_1450 = tpu.memref_slice %arg2[%add3A, %run_scoped3A, %dma_wait3A_1449] : memref<32x8x1664xi32, #tpu.memory_space<hbm>> -> memref<1x1x1664xi32, #tpu.memory_space<hbm>>
      %dma_wait3A_1451 = tpu.memref_squeeze %dma_wait3A_1450 : memref<1x1x1664xi32, #tpu.memory_space<hbm>> -> memref<1664xi32, #tpu.memory_space<hbm>>
      %dma_wait3A_1452 = arith.constant 0 : i32
      %dma_wait3A_1453 = tpu.memref_slice %arg5[%dma_wait3A_1452] : memref<13312xi32, #tpu.memory_space<vmem>> -> memref<1664xi32, #tpu.memory_space<vmem>>
      %dma_wait3A_1454 = arith.constant 0 : i32
      %dma_wait3A_1455 = tpu.memref_slice %arg2[%add3A, %run_scoped3A, %dma_wait3A_1454] : memref<32x8x1664xi32, #tpu.memory_space<hbm>> -> memref<1x1x1664xi32, #tpu.memory_space<hbm>>
      %dma_wait3A_1456 = tpu.memref_squeeze %dma_wait3A_1455 : memref<1x1x1664xi32, #tpu.memory_space<hbm>> -> memref<1664xi32, #tpu.memory_space<hbm>>
      tpu.wait_dma2 semaphore(%run_scoped3A_1436 : memref<!tpu.dma_semaphore, #tpu.memory_space<semaphore_mem>>) src(%dma_wait3A_1456 : memref<1664xi32, #tpu.memory_space<hbm>>) dst(%dma_wait3A_1453 : memref<1664xi32, #tpu.memory_space<vmem>>)
      tpu.yield
    }) : () -> ()
    %run_scoped3A_3 = arith.constant 1 : i32
    "tpu.region"() ({
      %run_scoped3A_1436 = tpu.sem_alloc : memref<!tpu.dma_semaphore, #tpu.memory_space<semaphore_mem>>
      %dma_start3A_1437 = arith.constant 1664 : i32
      %dma_start3A_1438 = tpu.memref_slice %arg5[%dma_start3A_1437] : memref<13312xi32, #tpu.memory_space<vmem>> -> memref<1664xi32, #tpu.memory_space<vmem>>
      %dma_start3A_1439 = arith.constant 0 : i32
      %dma_start3A_1440 = tpu.memref_slice %arg2[%add3A, %run_scoped3A_3, %dma_start3A_1439] : memref<32x8x1664xi32, #tpu.memory_space<hbm>> -> memref<1x1x1664xi32, #tpu.memory_space<hbm>>
      %dma_start3A_1441 = tpu.memref_squeeze %dma_start3A_1440 : memref<1x1x1664xi32, #tpu.memory_space<hbm>> -> memref<1664xi32, #tpu.memory_space<hbm>>
      %dma_start3A_1442 = arith.constant 1664 : i32
      %dma_start3A_1443 = tpu.memref_slice %arg5[%dma_start3A_1442] : memref<13312xi32, #tpu.memory_space<vmem>> -> memref<1664xi32, #tpu.memory_space<vmem>>
      %dma_start3A_1444 = arith.constant 0 : i32
      %dma_start3A_1445 = tpu.memref_slice %arg2[%add3A, %run_scoped3A_3, %dma_start3A_1444] : memref<32x8x1664xi32, #tpu.memory_space<hbm>> -> memref<1x1x1664xi32, #tpu.memory_space<hbm>>
      %dma_start3A_1446 = tpu.memref_squeeze %dma_start3A_1445 : memref<1x1x1664xi32, #tpu.memory_space<hbm>> -> memref<1664xi32, #tpu.memory_space<hbm>>
      tpu.enqueue_dma source(%dma_start3A_1446 : memref<1664xi32, #tpu.memory_space<hbm>>) target(%dma_start3A_1443 : memref<1664xi32, #tpu.memory_space<vmem>>) target_semaphore(%run_scoped3A_1436 : memref<!tpu.dma_semaphore, #tpu.memory_space<semaphore_mem>>)
      %dma_wait3A_1447 = arith.constant 1664 : i32
      %dma_wait3A_1448 = tpu.memref_slice %arg5[%dma_wait3A_1447] : memref<13312xi32, #tpu.memory_space<vmem>> -> memref<1664xi32, #tpu.memory_space<vmem>>
      %dma_wait3A_1449 = arith.constant 0 : i32
      %dma_wait3A_1450 = tpu.memref_slice %arg2[%add3A, %run_scoped3A_3, %dma_wait3A_1449] : memref<32x8x1664xi32, #tpu.memory_space<hbm>> -> memref<1x1x1664xi32, #tpu.memory_space<hbm>>
      %dma_wait3A_1451 = tpu.memref_squeeze %dma_wait3A_1450 : memref<1x1x1664xi32, #tpu.memory_space<hbm>> -> memref<1664xi32, #tpu.memory_space<hbm>>
      %dma_wait3A_1452 = arith.constant 1664 : i32
      %dma_wait3A_1453 = tpu.memref_slice %arg5[%dma_wait3A_1452] : memref<13312xi32, #tpu.memory_space<vmem>> -> memref<1664xi32, #tpu.memory_space<vmem>>
      %dma_wait3A_1454 = arith.constant 0 : i32
      %dma_wait3A_1455 = tpu.memref_slice %arg2[%add3A, %run_scoped3A_3, %dma_wait3A_1454] : memref<32x8x1664xi32, #tpu.memory_space<hbm>> -> memref<1x1x1664xi32, #tpu.memory_space<hbm>>
      %dma_wait3A_1456 = tpu.memref_squeeze %dma_wait3A_1455 : memref<1x1x1664xi32, #tpu.memory_space<hbm>> -> memref<1664xi32, #tpu.memory_space<hbm>>
      tpu.wait_dma2 semaphore(%run_scoped3A_1436 : memref<!tpu.dma_semaphore, #tpu.memory_space<semaphore_mem>>) src(%dma_wait3A_1456 : memref<1664xi32, #tpu.memory_space<hbm>>) dst(%dma_wait3A_1453 : memref<1664xi32, #tpu.memory_space<vmem>>)
      tpu.yield
    }) : () -> ()
    %run_scoped3A_4 = arith.constant 2 : i32
    "tpu.region"() ({
      %run_scoped3A_1436 = tpu.sem_alloc : memref<!tpu.dma_semaphore, #tpu.memory_space<semaphore_mem>>
      %dma_start3A_1437 = arith.constant 3328 : i32
      %dma_start3A_1438 = tpu.memref_slice %arg5[%dma_start3A_1437] : memref<13312xi32, #tpu.memory_space<vmem>> -> memref<1664xi32, #tpu.memory_space<vmem>>
      %dma_start3A_1439 = arith.constant 0 : i32
      %dma_start3A_1440 = tpu.memref_slice %arg2[%add3A, %run_scoped3A_4, %dma_start3A_1439] : memref<32x8x1664xi32, #tpu.memory_space<hbm>> -> memref<1x1x1664xi32, #tpu.memory_space<hbm>>
      %dma_start3A_1441 = tpu.memref_squeeze %dma_start3A_1440 : memref<1x1x1664xi32, #tpu.memory_space<hbm>> -> memref<1664xi32, #tpu.memory_space<hbm>>
      %dma_start3A_1442 = arith.constant 3328 : i32
      %dma_start3A_1443 = tpu.memref_slice %arg5[%dma_start3A_1442] : memref<13312xi32, #tpu.memory_space<vmem>> -> memref<1664xi32, #tpu.memory_space<vmem>>
      %dma_start3A_1444 = arith.constant 0 : i32
      %dma_start3A_1445 = tpu.memref_slice %arg2[%add3A, %run_scoped3A_4, %dma_start3A_1444] : memref<32x8x1664xi32, #tpu.memory_space<hbm>> -> memref<1x1x1664xi32, #tpu.memory_space<hbm>>
      %dma_start3A_1446 = tpu.memref_squeeze %dma_start3A_1445 : memref<1x1x1664xi32, #tpu.memory_space<hbm>> -> memref<1664xi32, #tpu.memory_space<hbm>>
      tpu.enqueue_dma source(%dma_start3A_1446 : memref<1664xi32, #tpu.memory_space<hbm>>) target(%dma_start3A_1443 : memref<1664xi32, #tpu.memory_space<vmem>>) target_semaphore(%run_scoped3A_1436 : memref<!tpu.dma_semaphore, #tpu.memory_space<semaphore_mem>>)
      %dma_wait3A_1447 = arith.constant 3328 : i32
      %dma_wait3A_1448 = tpu.memref_slice %arg5[%dma_wait3A_1447] : memref<13312xi32, #tpu.memory_space<vmem>> -> memref<1664xi32, #tpu.memory_space<vmem>>
      %dma_wait3A_1449 = arith.constant 0 : i32
      %dma_wait3A_1450 = tpu.memref_slice %arg2[%add3A, %run_scoped3A_4, %dma_wait3A_1449] : memref<32x8x1664xi32, #tpu.memory_space<hbm>> -> memref<1x1x1664xi32, #tpu.memory_space<hbm>>
      %dma_wait3A_1451 = tpu.memref_squeeze %dma_wait3A_1450 : memref<1x1x1664xi32, #tpu.memory_space<hbm>> -> memref<1664xi32, #tpu.memory_space<hbm>>
      %dma_wait3A_1452 = arith.constant 3328 : i32
      %dma_wait3A_1453 = tpu.memref_slice %arg5[%dma_wait3A_1452] : memref<13312xi32, #tpu.memory_space<vmem>> -> memref<1664xi32, #tpu.memory_space<vmem>>
      %dma_wait3A_1454 = arith.constant 0 : i32
      %dma_wait3A_1455 = tpu.memref_slice %arg2[%add3A, %run_scoped3A_4, %dma_wait3A_1454] : memref<32x8x1664xi32, #tpu.memory_space<hbm>> -> memref<1x1x1664xi32, #tpu.memory_space<hbm>>
      %dma_wait3A_1456 = tpu.memref_squeeze %dma_wait3A_1455 : memref<1x1x1664xi32, #tpu.memory_space<hbm>> -> memref<1664xi32, #tpu.memory_space<hbm>>
      tpu.wait_dma2 semaphore(%run_scoped3A_1436 : memref<!tpu.dma_semaphore, #tpu.memory_space<semaphore_mem>>) src(%dma_wait3A_1456 : memref<1664xi32, #tpu.memory_space<hbm>>) dst(%dma_wait3A_1453 : memref<1664xi32, #tpu.memory_space<vmem>>)
      tpu.yield
    }) : () -> ()
    %run_scoped3A_5 = arith.constant 3 : i32
    "tpu.region"() ({
      %run_scoped3A_1436 = tpu.sem_alloc : memref<!tpu.dma_semaphore, #tpu.memory_space<semaphore_mem>>
      %dma_start3A_1437 = arith.constant 4992 : i32
      %dma_start3A_1438 = tpu.memref_slice %arg5[%dma_start3A_1437] : memref<13312xi32, #tpu.memory_space<vmem>> -> memref<1664xi32, #tpu.memory_space<vmem>>
      %dma_start3A_1439 = arith.constant 0 : i32
      %dma_start3A_1440 = tpu.memref_slice %arg2[%add3A, %run_scoped3A_5, %dma_start3A_1439] : memref<32x8x1664xi32, #tpu.memory_space<hbm>> -> memref<1x1x1664xi32, #tpu.memory_space<hbm>>
      %dma_start3A_1441 = tpu.memref_squeeze %dma_start3A_1440 : memref<1x1x1664xi32, #tpu.memory_space<hbm>> -> memref<1664xi32, #tpu.memory_space<hbm>>
      %dma_start3A_1442 = arith.constant 4992 : i32
      %dma_start3A_1443 = tpu.memref_slice %arg5[%dma_start3A_1442] : memref<13312xi32, #tpu.memory_space<vmem>> -> memref<1664xi32, #tpu.memory_space<vmem>>
      %dma_start3A_1444 = arith.constant 0 : i32
      %dma_start3A_1445 = tpu.memref_slice %arg2[%add3A, %run_scoped3A_5, %dma_start3A_1444] : memref<32x8x1664xi32, #tpu.memory_space<hbm>> -> memref<1x1x1664xi32, #tpu.memory_space<hbm>>
      %dma_start3A_1446 = tpu.memref_squeeze %dma_start3A_1445 : memref<1x1x1664xi32, #tpu.memory_space<hbm>> -> memref<1664xi32, #tpu.memory_space<hbm>>
      tpu.enqueue_dma source(%dma_start3A_1446 : memref<1664xi32, #tpu.memory_space<hbm>>) target(%dma_start3A_1443 : memref<1664xi32, #tpu.memory_space<vmem>>) target_semaphore(%run_scoped3A_1436 : memref<!tpu.dma_semaphore, #tpu.memory_space<semaphore_mem>>)
      %dma_wait3A_1447 = arith.constant 4992 : i32
      %dma_wait3A_1448 = tpu.memref_slice %arg5[%dma_wait3A_1447] : memref<13312xi32, #tpu.memory_space<vmem>> -> memref<1664xi32, #tpu.memory_space<vmem>>
      %dma_wait3A_1449 = arith.constant 0 : i32
      %dma_wait3A_1450 = tpu.memref_slice %arg2[%add3A, %run_scoped3A_5, %dma_wait3A_1449] : memref<32x8x1664xi32, #tpu.memory_space<hbm>> -> memref<1x1x1664xi32, #tpu.memory_space<hbm>>
      %dma_wait3A_1451 = tpu.memref_squeeze %dma_wait3A_1450 : memref<1x1x1664xi32, #tpu.memory_space<hbm>> -> memref<1664xi32, #tpu.memory_space<hbm>>
      %dma_wait3A_1452 = arith.constant 4992 : i32
      %dma_wait3A_1453 = tpu.memref_slice %arg5[%dma_wait3A_1452] : memref<13312xi32, #tpu.memory_space<vmem>> -> memref<1664xi32, #tpu.memory_space<vmem>>
      %dma_wait3A_1454 = arith.constant 0 : i32
      %dma_wait3A_1455 = tpu.memref_slice %arg2[%add3A, %run_scoped3A_5, %dma_wait3A_1454] : memref<32x8x1664xi32, #tpu.memory_space<hbm>> -> memref<1x1x1664xi32, #tpu.memory_space<hbm>>
      %dma_wait3A_1456 = tpu.memref_squeeze %dma_wait3A_1455 : memref<1x1x1664xi32, #tpu.memory_space<hbm>> -> memref<1664xi32, #tpu.memory_space<hbm>>
      tpu.wait_dma2 semaphore(%run_scoped3A_1436 : memref<!tpu.dma_semaphore, #tpu.memory_space<semaphore_mem>>) src(%dma_wait3A_1456 : memref<1664xi32, #tpu.memory_space<hbm>>) dst(%dma_wait3A_1453 : memref<1664xi32, #tpu.memory_space<vmem>>)
      tpu.yield
    }) : () -> ()
    %run_scoped3A_6 = arith.constant 4 : i32
    "tpu.region"() ({
      %run_scoped3A_1436 = tpu.sem_alloc : memref<!tpu.dma_semaphore, #tpu.memory_space<semaphore_mem>>
      %dma_start3A_1437 = arith.constant 6656 : i32
      %dma_start3A_1438 = tpu.memref_slice %arg5[%dma_start3A_1437] : memref<13312xi32, #tpu.memory_space<vmem>> -> memref<1664xi32, #tpu.memory_space<vmem>>
      %dma_start3A_1439 = arith.constant 0 : i32
      %dma_start3A_1440 = tpu.memref_slice %arg2[%add3A, %run_scoped3A_6, %dma_start3A_1439] : memref<32x8x1664xi32, #tpu.memory_space<hbm>> -> memref<1x1x1664xi32, #tpu.memory_space<hbm>>
      %dma_start3A_1441 = tpu.memref_squeeze %dma_start3A_1440 : memref<1x1x1664xi32, #tpu.memory_space<hbm>> -> memref<1664xi32, #tpu.memory_space<hbm>>
      %dma_start3A_1442 = arith.constant 6656 : i32
      %dma_start3A_1443 = tpu.memref_slice %arg5[%dma_start3A_1442] : memref<13312xi32, #tpu.memory_space<vmem>> -> memref<1664xi32, #tpu.memory_space<vmem>>
      %dma_start3A_1444 = arith.constant 0 : i32
      %dma_start3A_1445 = tpu.memref_slice %arg2[%add3A, %run_scoped3A_6, %dma_start3A_1444] : memref<32x8x1664xi32, #tpu.memory_space<hbm>> -> memref<1x1x1664xi32, #tpu.memory_space<hbm>>
      %dma_start3A_1446 = tpu.memref_squeeze %dma_start3A_1445 : memref<1x1x1664xi32, #tpu.memory_space<hbm>> -> memref<1664xi32, #tpu.memory_space<hbm>>
      tpu.enqueue_dma source(%dma_start3A_1446 : memref<1664xi32, #tpu.memory_space<hbm>>) target(%dma_start3A_1443 : memref<1664xi32, #tpu.memory_space<vmem>>) target_semaphore(%run_scoped3A_1436 : memref<!tpu.dma_semaphore, #tpu.memory_space<semaphore_mem>>)
      %dma_wait3A_1447 = arith.constant 6656 : i32
      %dma_wait3A_1448 = tpu.memref_slice %arg5[%dma_wait3A_1447] : memref<13312xi32, #tpu.memory_space<vmem>> -> memref<1664xi32, #tpu.memory_space<vmem>>
      %dma_wait3A_1449 = arith.constant 0 : i32
      %dma_wait3A_1450 = tpu.memref_slice %arg2[%add3A, %run_scoped3A_6, %dma_wait3A_1449] : memref<32x8x1664xi32, #tpu.memory_space<hbm>> -> memref<1x1x1664xi32, #tpu.memory_space<hbm>>
      %dma_wait3A_1451 = tpu.memref_squeeze %dma_wait3A_1450 : memref<1x1x1664xi32, #tpu.memory_space<hbm>> -> memref<1664xi32, #tpu.memory_space<hbm>>
      %dma_wait3A_1452 = arith.constant 6656 : i32
      %dma_wait3A_1453 = tpu.memref_slice %arg5[%dma_wait3A_1452] : memref<13312xi32, #tpu.memory_space<vmem>> -> memref<1664xi32, #tpu.memory_space<vmem>>
      %dma_wait3A_1454 = arith.constant 0 : i32
      %dma_wait3A_1455 = tpu.memref_slice %arg2[%add3A, %run_scoped3A_6, %dma_wait3A_1454] : memref<32x8x1664xi32, #tpu.memory_space<hbm>> -> memref<1x1x1664xi32, #tpu.memory_space<hbm>>
      %dma_wait3A_1456 = tpu.memref_squeeze %dma_wait3A_1455 : memref<1x1x1664xi32, #tpu.memory_space<hbm>> -> memref<1664xi32, #tpu.memory_space<hbm>>
      tpu.wait_dma2 semaphore(%run_scoped3A_1436 : memref<!tpu.dma_semaphore, #tpu.memory_space<semaphore_mem>>) src(%dma_wait3A_1456 : memref<1664xi32, #tpu.memory_space<hbm>>) dst(%dma_wait3A_1453 : memref<1664xi32, #tpu.memory_space<vmem>>)
      tpu.yield
    }) : () -> ()
    %run_scoped3A_7 = arith.constant 5 : i32
    "tpu.region"() ({
      %run_scoped3A_1436 = tpu.sem_alloc : memref<!tpu.dma_semaphore, #tpu.memory_space<semaphore_mem>>
      %dma_start3A_1437 = arith.constant 8320 : i32
      %dma_start3A_1438 = tpu.memref_slice %arg5[%dma_start3A_1437] : memref<13312xi32, #tpu.memory_space<vmem>> -> memref<1664xi32, #tpu.memory_space<vmem>>
      %dma_start3A_1439 = arith.constant 0 : i32
      %dma_start3A_1440 = tpu.memref_slice %arg2[%add3A, %run_scoped3A_7, %dma_start3A_1439] : memref<32x8x1664xi32, #tpu.memory_space<hbm>> -> memref<1x1x1664xi32, #tpu.memory_space<hbm>>
      %dma_start3A_1441 = tpu.memref_squeeze %dma_start3A_1440 : memref<1x1x1664xi32, #tpu.memory_space<hbm>> -> memref<1664xi32, #tpu.memory_space<hbm>>
      %dma_start3A_1442 = arith.constant 8320 : i32
      %dma_start3A_1443 = tpu.memref_slice %arg5[%dma_start3A_1442] : memref<13312xi32, #tpu.memory_space<vmem>> -> memref<1664xi32, #tpu.memory_space<vmem>>
      %dma_start3A_1444 = arith.constant 0 : i32
      %dma_start3A_1445 = tpu.memref_slice %arg2[%add3A, %run_scoped3A_7, %dma_start3A_1444] : memref<32x8x1664xi32, #tpu.memory_space<hbm>> -> memref<1x1x1664xi32, #tpu.memory_space<hbm>>
      %dma_start3A_1446 = tpu.memref_squeeze %dma_start3A_1445 : memref<1x1x1664xi32, #tpu.memory_space<hbm>> -> memref<1664xi32, #tpu.memory_space<hbm>>
      tpu.enqueue_dma source(%dma_start3A_1446 : memref<1664xi32, #tpu.memory_space<hbm>>) target(%dma_start3A_1443 : memref<1664xi32, #tpu.memory_space<vmem>>) target_semaphore(%run_scoped3A_1436 : memref<!tpu.dma_semaphore, #tpu.memory_space<semaphore_mem>>)
      %dma_wait3A_1447 = arith.constant 8320 : i32
      %dma_wait3A_1448 = tpu.memref_slice %arg5[%dma_wait3A_1447] : memref<13312xi32, #tpu.memory_space<vmem>> -> memref<1664xi32, #tpu.memory_space<vmem>>
      %dma_wait3A_1449 = arith.constant 0 : i32
      %dma_wait3A_1450 = tpu.memref_slice %arg2[%add3A, %run_scoped3A_7, %dma_wait3A_1449] : memref<32x8x1664xi32, #tpu.memory_space<hbm>> -> memref<1x1x1664xi32, #tpu.memory_space<hbm>>
      %dma_wait3A_1451 = tpu.memref_squeeze %dma_wait3A_1450 : memref<1x1x1664xi32, #tpu.memory_space<hbm>> -> memref<1664xi32, #tpu.memory_space<hbm>>
      %dma_wait3A_1452 = arith.constant 8320 : i32
      %dma_wait3A_1453 = tpu.memref_slice %arg5[%dma_wait3A_1452] : memref<13312xi32, #tpu.memory_space<vmem>> -> memref<1664xi32, #tpu.memory_space<vmem>>
      %dma_wait3A_1454 = arith.constant 0 : i32
      %dma_wait3A_1455 = tpu.memref_slice %arg2[%add3A, %run_scoped3A_7, %dma_wait3A_1454] : memref<32x8x1664xi32, #tpu.memory_space<hbm>> -> memref<1x1x1664xi32, #tpu.memory_space<hbm>>
      %dma_wait3A_1456 = tpu.memref_squeeze %dma_wait3A_1455 : memref<1x1x1664xi32, #tpu.memory_space<hbm>> -> memref<1664xi32, #tpu.memory_space<hbm>>
      tpu.wait_dma2 semaphore(%run_scoped3A_1436 : memref<!tpu.dma_semaphore, #tpu.memory_space<semaphore_mem>>) src(%dma_wait3A_1456 : memref<1664xi32, #tpu.memory_space<hbm>>) dst(%dma_wait3A_1453 : memref<1664xi32, #tpu.memory_space<vmem>>)
      tpu.yield
    }) : () -> ()
    %run_scoped3A_8 = arith.constant 6 : i32
    "tpu.region"() ({
      %run_scoped3A_1436 = tpu.sem_alloc : memref<!tpu.dma_semaphore, #tpu.memory_space<semaphore_mem>>
      %dma_start3A_1437 = arith.constant 9984 : i32
      %dma_start3A_1438 = tpu.memref_slice %arg5[%dma_start3A_1437] : memref<13312xi32, #tpu.memory_space<vmem>> -> memref<1664xi32, #tpu.memory_space<vmem>>
      %dma_start3A_1439 = arith.constant 0 : i32
      %dma_start3A_1440 = tpu.memref_slice %arg2[%add3A, %run_scoped3A_8, %dma_start3A_1439] : memref<32x8x1664xi32, #tpu.memory_space<hbm>> -> memref<1x1x1664xi32, #tpu.memory_space<hbm>>
      %dma_start3A_1441 = tpu.memref_squeeze %dma_start3A_1440 : memref<1x1x1664xi32, #tpu.memory_space<hbm>> -> memref<1664xi32, #tpu.memory_space<hbm>>
      %dma_start3A_1442 = arith.constant 9984 : i32
      %dma_start3A_1443 = tpu.memref_slice %arg5[%dma_start3A_1442] : memref<13312xi32, #tpu.memory_space<vmem>> -> memref<1664xi32, #tpu.memory_space<vmem>>
      %dma_start3A_1444 = arith.constant 0 : i32
      %dma_start3A_1445 = tpu.memref_slice %arg2[%add3A, %run_scoped3A_8, %dma_start3A_1444] : memref<32x8x1664xi32, #tpu.memory_space<hbm>> -> memref<1x1x1664xi32, #tpu.memory_space<hbm>>
      %dma_start3A_1446 = tpu.memref_squeeze %dma_start3A_1445 : memref<1x1x1664xi32, #tpu.memory_space<hbm>> -> memref<1664xi32, #tpu.memory_space<hbm>>
      tpu.enqueue_dma source(%dma_start3A_1446 : memref<1664xi32, #tpu.memory_space<hbm>>) target(%dma_start3A_1443 : memref<1664xi32, #tpu.memory_space<vmem>>) target_semaphore(%run_scoped3A_1436 : memref<!tpu.dma_semaphore, #tpu.memory_space<semaphore_mem>>)
      %dma_wait3A_1447 = arith.constant 9984 : i32
      %dma_wait3A_1448 = tpu.memref_slice %arg5[%dma_wait3A_1447] : memref<13312xi32, #tpu.memory_space<vmem>> -> memref<1664xi32, #tpu.memory_space<vmem>>
      %dma_wait3A_1449 = arith.constant 0 : i32
      %dma_wait3A_1450 = tpu.memref_slice %arg2[%add3A, %run_scoped3A_8, %dma_wait3A_1449] : memref<32x8x1664xi32, #tpu.memory_space<hbm>> -> memref<1x1x1664xi32, #tpu.memory_space<hbm>>
      %dma_wait3A_1451 = tpu.memref_squeeze %dma_wait3A_1450 : memref<1x1x1664xi32, #tpu.memory_space<hbm>> -> memref<1664xi32, #tpu.memory_space<hbm>>
      %dma_wait3A_1452 = arith.constant 9984 : i32
      %dma_wait3A_1453 = tpu.memref_slice %arg5[%dma_wait3A_1452] : memref<13312xi32, #tpu.memory_space<vmem>> -> memref<1664xi32, #tpu.memory_space<vmem>>
      %dma_wait3A_1454 = arith.constant 0 : i32
      %dma_wait3A_1455 = tpu.memref_slice %arg2[%add3A, %run_scoped3A_8, %dma_wait3A_1454] : memref<32x8x1664xi32, #tpu.memory_space<hbm>> -> memref<1x1x1664xi32, #tpu.memory_space<hbm>>
      %dma_wait3A_1456 = tpu.memref_squeeze %dma_wait3A_1455 : memref<1x1x1664xi32, #tpu.memory_space<hbm>> -> memref<1664xi32, #tpu.memory_space<hbm>>
      tpu.wait_dma2 semaphore(%run_scoped3A_1436 : memref<!tpu.dma_semaphore, #tpu.memory_space<semaphore_mem>>) src(%dma_wait3A_1456 : memref<1664xi32, #tpu.memory_space<hbm>>) dst(%dma_wait3A_1453 : memref<1664xi32, #tpu.memory_space<vmem>>)
      tpu.yield
    }) : () -> ()
    %run_scoped3A_9 = arith.constant 7 : i32
    "tpu.region"() ({
      %run_scoped3A_1436 = tpu.sem_alloc : memref<!tpu.dma_semaphore, #tpu.memory_space<semaphore_mem>>
      %dma_start3A_1437 = arith.constant 11648 : i32
      %dma_start3A_1438 = tpu.memref_slice %arg5[%dma_start3A_1437] : memref<13312xi32, #tpu.memory_space<vmem>> -> memref<1664xi32, #tpu.memory_space<vmem>>
      %dma_start3A_1439 = arith.constant 0 : i32
      %dma_start3A_1440 = tpu.memref_slice %arg2[%add3A, %run_scoped3A_9, %dma_start3A_1439] : memref<32x8x1664xi32, #tpu.memory_space<hbm>> -> memref<1x1x1664xi32, #tpu.memory_space<hbm>>
      %dma_start3A_1441 = tpu.memref_squeeze %dma_start3A_1440 : memref<1x1x1664xi32, #tpu.memory_space<hbm>> -> memref<1664xi32, #tpu.memory_space<hbm>>
      %dma_start3A_1442 = arith.constant 11648 : i32
      %dma_start3A_1443 = tpu.memref_slice %arg5[%dma_start3A_1442] : memref<13312xi32, #tpu.memory_space<vmem>> -> memref<1664xi32, #tpu.memory_space<vmem>>
      %dma_start3A_1444 = arith.constant 0 : i32
      %dma_start3A_1445 = tpu.memref_slice %arg2[%add3A, %run_scoped3A_9, %dma_start3A_1444] : memref<32x8x1664xi32, #tpu.memory_space<hbm>> -> memref<1x1x1664xi32, #tpu.memory_space<hbm>>
      %dma_start3A_1446 = tpu.memref_squeeze %dma_start3A_1445 : memref<1x1x1664xi32, #tpu.memory_space<hbm>> -> memref<1664xi32, #tpu.memory_space<hbm>>
      tpu.enqueue_dma source(%dma_start3A_1446 : memref<1664xi32, #tpu.memory_space<hbm>>) target(%dma_start3A_1443 : memref<1664xi32, #tpu.memory_space<vmem>>) target_semaphore(%run_scoped3A_1436 : memref<!tpu.dma_semaphore, #tpu.memory_space<semaphore_mem>>)
      %dma_wait3A_1447 = arith.constant 11648 : i32
      %dma_wait3A_1448 = tpu.memref_slice %arg5[%dma_wait3A_1447] : memref<13312xi32, #tpu.memory_space<vmem>> -> memref<1664xi32, #tpu.memory_space<vmem>>
      %dma_wait3A_1449 = arith.constant 0 : i32
      %dma_wait3A_1450 = tpu.memref_slice %arg2[%add3A, %run_scoped3A_9, %dma_wait3A_1449] : memref<32x8x1664xi32, #tpu.memory_space<hbm>> -> memref<1x1x1664xi32, #tpu.memory_space<hbm>>
      %dma_wait3A_1451 = tpu.memref_squeeze %dma_wait3A_1450 : memref<1x1x1664xi32, #tpu.memory_space<hbm>> -> memref<1664xi32, #tpu.memory_space<hbm>>
      %dma_wait3A_1452 = arith.constant 11648 : i32
      %dma_wait3A_1453 = tpu.memref_slice %arg5[%dma_wait3A_1452] : memref<13312xi32, #tpu.memory_space<vmem>> -> memref<1664xi32, #tpu.memory_space<vmem>>
      %dma_wait3A_1454 = arith.constant 0 : i32
      %dma_wait3A_1455 = tpu.memref_slice %arg2[%add3A, %run_scoped3A_9, %dma_wait3A_1454] : memref<32x8x1664xi32, #tpu.memory_space<hbm>> -> memref<1x1x1664xi32, #tpu.memory_space<hbm>>
      %dma_wait3A_1456 = tpu.memref_squeeze %dma_wait3A_1455 : memref<1x1x1664xi32, #tpu.memory_space<hbm>> -> memref<1664xi32, #tpu.memory_space<hbm>>
      tpu.wait_dma2 semaphore(%run_scoped3A_1436 : memref<!tpu.dma_semaphore, #tpu.memory_space<semaphore_mem>>) src(%dma_wait3A_1456 : memref<1664xi32, #tpu.memory_space<hbm>>) dst(%dma_wait3A_1453 : memref<1664xi32, #tpu.memory_space<vmem>>)
      tpu.yield
    }) : () -> ()
    %dma_start3A = arith.constant 0 : i32
    %dma_start3A_10 = arith.constant 0 : i32
    %dma_start3A_11 = arith.constant 0 : i32
    %dma_start3A_12 = tpu.memref_slice %arg6[%dma_start3A, %dma_start3A_10, %dma_start3A_11] : memref<4x208x64xf32, #tpu.memory_space<vmem>> -> memref<1x208x64xf32, #tpu.memory_space<vmem>>
    %dma_start3A_13 = tpu.memref_squeeze %dma_start3A_12 : memref<1x208x64xf32, #tpu.memory_space<vmem>> -> memref<208x64xf32, #tpu.memory_space<vmem>>
    %dma_start3A_14 = arith.constant 0 : i32
    %dma_start3A_15 = tpu.memref_slice %arg5[%dma_start3A_14] : memref<13312xi32, #tpu.memory_space<vmem>> -> memref<208xi32, #tpu.memory_space<vmem>>
    %dma_start3A_16 = arith.constant 0 : i32
    %dma_start3A_17 = arith.constant 0 : i32
    %dma_start3A_18 = tpu.memref_slice %arg3[%dma_start3A_16, %dma_start3A_17] : memref<1000000x64xf32, #tpu.memory_space<hbm>> -> memref<1000000x64xf32, #tpu.memory_space<hbm>>
    tpu.enqueue_indirect_dma source(%dma_start3A_18 : memref<1000000x64xf32, #tpu.memory_space<hbm>>) target(%dma_start3A_13 : memref<208x64xf32, #tpu.memory_space<vmem>>) offsets(%dma_start3A_15 : memref<208xi32, #tpu.memory_space<vmem>>) semaphore(%arg7 : memref<!tpu.dma_semaphore, #tpu.memory_space<semaphore_mem>>)
    %dma_start3A_19 = arith.constant 1 : i32
    %dma_start3A_20 = arith.constant 0 : i32
    %dma_start3A_21 = arith.constant 0 : i32
    %dma_start3A_22 = tpu.memref_slice %arg6[%dma_start3A_19, %dma_start3A_20, %dma_start3A_21] : memref<4x208x64xf32, #tpu.memory_space<vmem>> -> memref<1x208x64xf32, #tpu.memory_space<vmem>>
    %dma_start3A_23 = tpu.memref_squeeze %dma_start3A_22 : memref<1x208x64xf32, #tpu.memory_space<vmem>> -> memref<208x64xf32, #tpu.memory_space<vmem>>
    %dma_start3A_24 = arith.constant 208 : i32
    %dma_start3A_25 = tpu.memref_slice %arg5[%dma_start3A_24] : memref<13312xi32, #tpu.memory_space<vmem>> -> memref<208xi32, #tpu.memory_space<vmem>>
    %dma_start3A_26 = arith.constant 0 : i32
    %dma_start3A_27 = arith.constant 0 : i32
    %dma_start3A_28 = tpu.memref_slice %arg3[%dma_start3A_26, %dma_start3A_27] : memref<1000000x64xf32, #tpu.memory_space<hbm>> -> memref<1000000x64xf32, #tpu.memory_space<hbm>>
    tpu.enqueue_indirect_dma source(%dma_start3A_28 : memref<1000000x64xf32, #tpu.memory_space<hbm>>) target(%dma_start3A_23 : memref<208x64xf32, #tpu.memory_space<vmem>>) offsets(%dma_start3A_25 : memref<208xi32, #tpu.memory_space<vmem>>) semaphore(%arg8 : memref<!tpu.dma_semaphore, #tpu.memory_space<semaphore_mem>>)
    %dma_start3A_29 = arith.constant 2 : i32
    %dma_start3A_30 = arith.constant 0 : i32
    %dma_start3A_31 = arith.constant 0 : i32
    %dma_start3A_32 = tpu.memref_slice %arg6[%dma_start3A_29, %dma_start3A_30, %dma_start3A_31] : memref<4x208x64xf32, #tpu.memory_space<vmem>> -> memref<1x208x64xf32, #tpu.memory_space<vmem>>
    %dma_start3A_33 = tpu.memref_squeeze %dma_start3A_32 : memref<1x208x64xf32, #tpu.memory_space<vmem>> -> memref<208x64xf32, #tpu.memory_space<vmem>>
    %dma_start3A_34 = arith.constant 416 : i32
    %dma_start3A_35 = tpu.memref_slice %arg5[%dma_start3A_34] : memref<13312xi32, #tpu.memory_space<vmem>> -> memref<208xi32, #tpu.memory_space<vmem>>
    %dma_start3A_36 = arith.constant 0 : i32
    %dma_start3A_37 = arith.constant 0 : i32
    %dma_start3A_38 = tpu.memref_slice %arg3[%dma_start3A_36, %dma_start3A_37] : memref<1000000x64xf32, #tpu.memory_space<hbm>> -> memref<1000000x64xf32, #tpu.memory_space<hbm>>
    tpu.enqueue_indirect_dma source(%dma_start3A_38 : memref<1000000x64xf32, #tpu.memory_space<hbm>>) target(%dma_start3A_33 : memref<208x64xf32, #tpu.memory_space<vmem>>) offsets(%dma_start3A_35 : memref<208xi32, #tpu.memory_space<vmem>>) semaphore(%arg9 : memref<!tpu.dma_semaphore, #tpu.memory_space<semaphore_mem>>)
    %dma_start3A_39 = arith.constant 3 : i32
    %dma_start3A_40 = arith.constant 0 : i32
    %dma_start3A_41 = arith.constant 0 : i32
    %dma_start3A_42 = tpu.memref_slice %arg6[%dma_start3A_39, %dma_start3A_40, %dma_start3A_41] : memref<4x208x64xf32, #tpu.memory_space<vmem>> -> memref<1x208x64xf32, #tpu.memory_space<vmem>>
    %dma_start3A_43 = tpu.memref_squeeze %dma_start3A_42 : memref<1x208x64xf32, #tpu.memory_space<vmem>> -> memref<208x64xf32, #tpu.memory_space<vmem>>
    %dma_start3A_44 = arith.constant 624 : i32
    %dma_start3A_45 = tpu.memref_slice %arg5[%dma_start3A_44] : memref<13312xi32, #tpu.memory_space<vmem>> -> memref<208xi32, #tpu.memory_space<vmem>>
    %dma_start3A_46 = arith.constant 0 : i32
    %dma_start3A_47 = arith.constant 0 : i32
    %dma_start3A_48 = tpu.memref_slice %arg3[%dma_start3A_46, %dma_start3A_47] : memref<1000000x64xf32, #tpu.memory_space<hbm>> -> memref<1000000x64xf32, #tpu.memory_space<hbm>>
    tpu.enqueue_indirect_dma source(%dma_start3A_48 : memref<1000000x64xf32, #tpu.memory_space<hbm>>) target(%dma_start3A_43 : memref<208x64xf32, #tpu.memory_space<vmem>>) offsets(%dma_start3A_45 : memref<208xi32, #tpu.memory_space<vmem>>) semaphore(%arg10 : memref<!tpu.dma_semaphore, #tpu.memory_space<semaphore_mem>>)
    %scan3A = arith.constant 0 : i32
    %scan3A_49 = arith.constant 15 : i32
    %scan3A_50 = arith.addi %scan3A, %scan3A_49 : i32
    %scan3A_51 = arith.constant 1 : i32
    scf.for %scan3A_1436 = %scan3A to %scan3A_50 step %scan3A_51  : i32 {
      %mul3A_1437 = arith.constant 4 : i32
      %mul3A_1438 = arith.muli %scan3A_1436, %mul3A_1437 : i32
      %add3A_1439 = arith.constant 0 : i32
      %add3A_1440 = arith.addi %add3A_1439, %mul3A_1438 : i32
      %dma_wait3A_1441 = arith.constant 0 : i32
      %dma_wait3A_1442 = arith.constant 0 : i32
      %dma_wait3A_1443 = arith.constant 0 : i32
      %dma_wait3A_1444 = tpu.memref_slice %arg6[%dma_wait3A_1441, %dma_wait3A_1442, %dma_wait3A_1443] : memref<4x208x64xf32, #tpu.memory_space<vmem>> -> memref<1x208x64xf32, #tpu.memory_space<vmem>>
      %dma_wait3A_1445 = tpu.memref_squeeze %dma_wait3A_1444 : memref<1x208x64xf32, #tpu.memory_space<vmem>> -> memref<208x64xf32, #tpu.memory_space<vmem>>
      %dma_wait3A_1446 = arith.constant 0 : i32
      %dma_wait3A_1447 = tpu.memref_slice %arg5[%dma_wait3A_1446] : memref<13312xi32, #tpu.memory_space<vmem>> -> memref<208xi32, #tpu.memory_space<vmem>>
      %dma_wait3A_1448 = arith.constant 0 : i32
      %dma_wait3A_1449 = arith.constant 0 : i32
      %dma_wait3A_1450 = tpu.memref_slice %arg3[%dma_wait3A_1448, %dma_wait3A_1449] : memref<1000000x64xf32, #tpu.memory_space<hbm>> -> memref<1000000x64xf32, #tpu.memory_space<hbm>>
      tpu.wait_indirect_dma semaphore(%arg7 : memref<!tpu.dma_semaphore, #tpu.memory_space<semaphore_mem>>) src(%dma_wait3A_1450 : memref<1000000x64xf32, #tpu.memory_space<hbm>>) dst(%dma_wait3A_1445 : memref<208x64xf32, #tpu.memory_space<vmem>>)
      %add3A_1451 = arith.constant 0 : i32
      %add3A_1452 = arith.addi %add3A_1440, %add3A_1451 : i32
      %mul3A_1453 = arith.constant 8 : i32
      %mul3A_1454 = arith.muli %add3A_1452, %mul3A_1453 : i32
      %add3A_1455 = arith.addi %mul3A_2, %mul3A_1454 : i32
      %add3A_1456 = arith.constant 0 : i32
      %add3A_1457 = arith.addi %add3A_1455, %add3A_1456 : i32
      %dma_start3A_1458 = arith.constant 0 : i32
      %dma_start3A_1459 = arith.constant 0 : i32
      %dma_start3A_1460 = arith.constant 0 : i32
      %dma_start3A_1461 = tpu.memref_slice %arg6[%dma_start3A_1458, %dma_start3A_1459, %dma_start3A_1460] : memref<4x208x64xf32, #tpu.memory_space<vmem>> -> memref<1x26x64xf32, #tpu.memory_space<vmem>>
      %dma_start3A_1462 = tpu.memref_squeeze %dma_start3A_1461 : memref<1x26x64xf32, #tpu.memory_space<vmem>> -> memref<26x64xf32, #tpu.memory_space<vmem>>
      %dma_start3A_1463 = arith.constant 0 : i32
      %dma_start3A_1464 = arith.constant 0 : i32
      %dma_start3A_1465 = tpu.memref_slice %arg4[%add3A_1457, %dma_start3A_1463, %dma_start3A_1464] : memref<16384x32x128xf32, #tpu.memory_space<hbm>> -> memref<1x26x64xf32, #tpu.memory_space<hbm>>
      %dma_start3A_1466 = tpu.memref_squeeze %dma_start3A_1465 : memref<1x26x64xf32, #tpu.memory_space<hbm>> -> memref<26x64xf32, #tpu.memory_space<hbm>>
      %dma_start3A_1467 = arith.constant 0 : i32
      %dma_start3A_1468 = arith.constant 0 : i32
      %dma_start3A_1469 = tpu.memref_slice %arg4[%add3A_1457, %dma_start3A_1467, %dma_start3A_1468] : memref<16384x32x128xf32, #tpu.memory_space<hbm>> -> memref<1x26x64xf32, #tpu.memory_space<hbm>>
      %dma_start3A_1470 = tpu.memref_squeeze %dma_start3A_1469 : memref<1x26x64xf32, #tpu.memory_space<hbm>> -> memref<26x64xf32, #tpu.memory_space<hbm>>
      %dma_start3A_1471 = arith.constant 0 : i32
      %dma_start3A_1472 = arith.constant 0 : i32
      %dma_start3A_1473 = tpu.memref_slice %arg6[%dma_start3A_1458, %dma_start3A_1471, %dma_start3A_1472] : memref<4x208x64xf32, #tpu.memory_space<vmem>> -> memref<1x26x64xf32, #tpu.memory_space<vmem>>
      %dma_start3A_1474 = tpu.memref_squeeze %dma_start3A_1473 : memref<1x26x64xf32, #tpu.memory_space<vmem>> -> memref<26x64xf32, #tpu.memory_space<vmem>>
      tpu.enqueue_dma source(%dma_start3A_1474 : memref<26x64xf32, #tpu.memory_space<vmem>>) target(%dma_start3A_1470 : memref<26x64xf32, #tpu.memory_space<hbm>>) target_semaphore(%arg11 : memref<!tpu.dma_semaphore, #tpu.memory_space<semaphore_mem>>)
      %mul3A_1475 = arith.constant 8 : i32
      %mul3A_1476 = arith.muli %add3A_1452, %mul3A_1475 : i32
      %add3A_1477 = arith.addi %mul3A_2, %mul3A_1476 : i32
      %add3A_1478 = arith.constant 1 : i32
      %add3A_1479 = arith.addi %add3A_1477, %add3A_1478 : i32
      %dma_start3A_1480 = arith.constant 0 : i32
      %dma_start3A_1481 = arith.constant 26 : i32
      %dma_start3A_1482 = arith.constant 0 : i32
      %dma_start3A_1483 = tpu.memref_slice %arg6[%dma_start3A_1480, %dma_start3A_1481, %dma_start3A_1482] : memref<4x208x64xf32, #tpu.memory_space<vmem>> -> memref<1x26x64xf32, #tpu.memory_space<vmem>>
      %dma_start3A_1484 = tpu.memref_squeeze %dma_start3A_1483 : memref<1x26x64xf32, #tpu.memory_space<vmem>> -> memref<26x64xf32, #tpu.memory_space<vmem>>
      %dma_start3A_1485 = arith.constant 0 : i32
      %dma_start3A_1486 = arith.constant 0 : i32
      %dma_start3A_1487 = tpu.memref_slice %arg4[%add3A_1479, %dma_start3A_1485, %dma_start3A_1486] : memref<16384x32x128xf32, #tpu.memory_space<hbm>> -> memref<1x26x64xf32, #tpu.memory_space<hbm>>
      %dma_start3A_1488 = tpu.memref_squeeze %dma_start3A_1487 : memref<1x26x64xf32, #tpu.memory_space<hbm>> -> memref<26x64xf32, #tpu.memory_space<hbm>>
      %dma_start3A_1489 = arith.constant 0 : i32
      %dma_start3A_1490 = arith.constant 0 : i32
      %dma_start3A_1491 = tpu.memref_slice %arg4[%add3A_1479, %dma_start3A_1489, %dma_start3A_1490] : memref<16384x32x128xf32, #tpu.memory_space<hbm>> -> memref<1x26x64xf32, #tpu.memory_space<hbm>>
      %dma_start3A_1492 = tpu.memref_squeeze %dma_start3A_1491 : memref<1x26x64xf32, #tpu.memory_space<hbm>> -> memref<26x64xf32, #tpu.memory_space<hbm>>
      %dma_start3A_1493 = arith.constant 26 : i32
      %dma_start3A_1494 = arith.constant 0 : i32
      %dma_start3A_1495 = tpu.memref_slice %arg6[%dma_start3A_1480, %dma_start3A_1493, %dma_start3A_1494] : memref<4x208x64xf32, #tpu.memory_space<vmem>> -> memref<1x26x64xf32, #tpu.memory_space<vmem>>
      %dma_start3A_1496 = tpu.memref_squeeze %dma_start3A_1495 : memref<1x26x64xf32, #tpu.memory_space<vmem>> -> memref<26x64xf32, #tpu.memory_space<vmem>>
      tpu.enqueue_dma source(%dma_start3A_1496 : memref<26x64xf32, #tpu.memory_space<vmem>>) target(%dma_start3A_1492 : memref<26x64xf32, #tpu.memory_space<hbm>>) target_semaphore(%arg11 : memref<!tpu.dma_semaphore, #tpu.memory_space<semaphore_mem>>)
      %mul3A_1497 = arith.constant 8 : i32
      %mul3A_1498 = arith.muli %add3A_1452, %mul3A_1497 : i32
      %add3A_1499 = arith.addi %mul3A_2, %mul3A_1498 : i32
      %add3A_1500 = arith.constant 2 : i32
      %add3A_1501 = arith.addi %add3A_1499, %add3A_1500 : i32
      %dma_start3A_1502 = arith.constant 0 : i32
      %dma_start3A_1503 = arith.constant 52 : i32
      %dma_start3A_1504 = arith.constant 0 : i32
      %dma_start3A_1505 = tpu.memref_slice %arg6[%dma_start3A_1502, %dma_start3A_1503, %dma_start3A_1504] : memref<4x208x64xf32, #tpu.memory_space<vmem>> -> memref<1x26x64xf32, #tpu.memory_space<vmem>>
      %dma_start3A_1506 = tpu.memref_squeeze %dma_start3A_1505 : memref<1x26x64xf32, #tpu.memory_space<vmem>> -> memref<26x64xf32, #tpu.memory_space<vmem>>
      %dma_start3A_1507 = arith.constant 0 : i32
      %dma_start3A_1508 = arith.constant 0 : i32
      %dma_start3A_1509 = tpu.memref_slice %arg4[%add3A_1501, %dma_start3A_1507, %dma_start3A_1508] : memref<16384x32x128xf32, #tpu.memory_space<hbm>> -> memref<1x26x64xf32, #tpu.memory_space<hbm>>
      %dma_start3A_1510 = tpu.memref_squeeze %dma_start3A_1509 : memref<1x26x64xf32, #tpu.memory_space<hbm>> -> memref<26x64xf32, #tpu.memory_space<hbm>>
      %dma_start3A_1511 = arith.constant 0 : i32
      %dma_start3A_1512 = arith.constant 0 : i32
      %dma_start3A_1513 = tpu.memref_slice %arg4[%add3A_1501, %dma_start3A_1511, %dma_start3A_1512] : memref<16384x32x128xf32, #tpu.memory_space<hbm>> -> memref<1x26x64xf32, #tpu.memory_space<hbm>>
      %dma_start3A_1514 = tpu.memref_squeeze %dma_start3A_1513 : memref<1x26x64xf32, #tpu.memory_space<hbm>> -> memref<26x64xf32, #tpu.memory_space<hbm>>
      %dma_start3A_1515 = arith.constant 52 : i32
      %dma_start3A_1516 = arith.constant 0 : i32
      %dma_start3A_1517 = tpu.memref_slice %arg6[%dma_start3A_1502, %dma_start3A_1515, %dma_start3A_1516] : memref<4x208x64xf32, #tpu.memory_space<vmem>> -> memref<1x26x64xf32, #tpu.memory_space<vmem>>
      %dma_start3A_1518 = tpu.memref_squeeze %dma_start3A_1517 : memref<1x26x64xf32, #tpu.memory_space<vmem>> -> memref<26x64xf32, #tpu.memory_space<vmem>>
      tpu.enqueue_dma source(%dma_start3A_1518 : memref<26x64xf32, #tpu.memory_space<vmem>>) target(%dma_start3A_1514 : memref<26x64xf32, #tpu.memory_space<hbm>>) target_semaphore(%arg11 : memref<!tpu.dma_semaphore, #tpu.memory_space<semaphore_mem>>)
      %mul3A_1519 = arith.constant 8 : i32
      %mul3A_1520 = arith.muli %add3A_1452, %mul3A_1519 : i32
      %add3A_1521 = arith.addi %mul3A_2, %mul3A_1520 : i32
      %add3A_1522 = arith.constant 3 : i32
      %add3A_1523 = arith.addi %add3A_1521, %add3A_1522 : i32
      %dma_start3A_1524 = arith.constant 0 : i32
      %dma_start3A_1525 = arith.constant 78 : i32
      %dma_start3A_1526 = arith.constant 0 : i32
      %dma_start3A_1527 = tpu.memref_slice %arg6[%dma_start3A_1524, %dma_start3A_1525, %dma_start3A_1526] : memref<4x208x64xf32, #tpu.memory_space<vmem>> -> memref<1x26x64xf32, #tpu.memory_space<vmem>>
      %dma_start3A_1528 = tpu.memref_squeeze %dma_start3A_1527 : memref<1x26x64xf32, #tpu.memory_space<vmem>> -> memref<26x64xf32, #tpu.memory_space<vmem>>
      %dma_start3A_1529 = arith.constant 0 : i32
      %dma_start3A_1530 = arith.constant 0 : i32
      %dma_start3A_1531 = tpu.memref_slice %arg4[%add3A_1523, %dma_start3A_1529, %dma_start3A_1530] : memref<16384x32x128xf32, #tpu.memory_space<hbm>> -> memref<1x26x64xf32, #tpu.memory_space<hbm>>
      %dma_start3A_1532 = tpu.memref_squeeze %dma_start3A_1531 : memref<1x26x64xf32, #tpu.memory_space<hbm>> -> memref<26x64xf32, #tpu.memory_space<hbm>>
      %dma_start3A_1533 = arith.constant 0 : i32
      %dma_start3A_1534 = arith.constant 0 : i32
      %dma_start3A_1535 = tpu.memref_slice %arg4[%add3A_1523, %dma_start3A_1533, %dma_start3A_1534] : memref<16384x32x128xf32, #tpu.memory_space<hbm>> -> memref<1x26x64xf32, #tpu.memory_space<hbm>>
      %dma_start3A_1536 = tpu.memref_squeeze %dma_start3A_1535 : memref<1x26x64xf32, #tpu.memory_space<hbm>> -> memref<26x64xf32, #tpu.memory_space<hbm>>
      %dma_start3A_1537 = arith.constant 78 : i32
      %dma_start3A_1538 = arith.constant 0 : i32
      %dma_start3A_1539 = tpu.memref_slice %arg6[%dma_start3A_1524, %dma_start3A_1537, %dma_start3A_1538] : memref<4x208x64xf32, #tpu.memory_space<vmem>> -> memref<1x26x64xf32, #tpu.memory_space<vmem>>
      %dma_start3A_1540 = tpu.memref_squeeze %dma_start3A_1539 : memref<1x26x64xf32, #tpu.memory_space<vmem>> -> memref<26x64xf32, #tpu.memory_space<vmem>>
      tpu.enqueue_dma source(%dma_start3A_1540 : memref<26x64xf32, #tpu.memory_space<vmem>>) target(%dma_start3A_1536 : memref<26x64xf32, #tpu.memory_space<hbm>>) target_semaphore(%arg11 : memref<!tpu.dma_semaphore, #tpu.memory_space<semaphore_mem>>)
      %mul3A_1541 = arith.constant 8 : i32
      %mul3A_1542 = arith.muli %add3A_1452, %mul3A_1541 : i32
      %add3A_1543 = arith.addi %mul3A_2, %mul3A_1542 : i32
      %add3A_1544 = arith.constant 4 : i32
      %add3A_1545 = arith.addi %add3A_1543, %add3A_1544 : i32
      %dma_start3A_1546 = arith.constant 0 : i32
      %dma_start3A_1547 = arith.constant 104 : i32
      %dma_start3A_1548 = arith.constant 0 : i32
      %dma_start3A_1549 = tpu.memref_slice %arg6[%dma_start3A_1546, %dma_start3A_1547, %dma_start3A_1548] : memref<4x208x64xf32, #tpu.memory_space<vmem>> -> memref<1x26x64xf32, #tpu.memory_space<vmem>>
      %dma_start3A_1550 = tpu.memref_squeeze %dma_start3A_1549 : memref<1x26x64xf32, #tpu.memory_space<vmem>> -> memref<26x64xf32, #tpu.memory_space<vmem>>
      %dma_start3A_1551 = arith.constant 0 : i32
      %dma_start3A_1552 = arith.constant 0 : i32
      %dma_start3A_1553 = tpu.memref_slice %arg4[%add3A_1545, %dma_start3A_1551, %dma_start3A_1552] : memref<16384x32x128xf32, #tpu.memory_space<hbm>> -> memref<1x26x64xf32, #tpu.memory_space<hbm>>
      %dma_start3A_1554 = tpu.memref_squeeze %dma_start3A_1553 : memref<1x26x64xf32, #tpu.memory_space<hbm>> -> memref<26x64xf32, #tpu.memory_space<hbm>>
      %dma_start3A_1555 = arith.constant 0 : i32
      %dma_start3A_1556 = arith.constant 0 : i32
      %dma_start3A_1557 = tpu.memref_slice %arg4[%add3A_1545, %dma_start3A_1555, %dma_start3A_1556] : memref<16384x32x128xf32, #tpu.memory_space<hbm>> -> memref<1x26x64xf32, #tpu.memory_space<hbm>>
      %dma_start3A_1558 = tpu.memref_squeeze %dma_start3A_1557 : memref<1x26x64xf32, #tpu.memory_space<hbm>> -> memref<26x64xf32, #tpu.memory_space<hbm>>
      %dma_start3A_1559 = arith.constant 104 : i32
      %dma_start3A_1560 = arith.constant 0 : i32
      %dma_start3A_1561 = tpu.memref_slice %arg6[%dma_start3A_1546, %dma_start3A_1559, %dma_start3A_1560] : memref<4x208x64xf32, #tpu.memory_space<vmem>> -> memref<1x26x64xf32, #tpu.memory_space<vmem>>
      %dma_start3A_1562 = tpu.memref_squeeze %dma_start3A_1561 : memref<1x26x64xf32, #tpu.memory_space<vmem>> -> memref<26x64xf32, #tpu.memory_space<vmem>>
      tpu.enqueue_dma source(%dma_start3A_1562 : memref<26x64xf32, #tpu.memory_space<vmem>>) target(%dma_start3A_1558 : memref<26x64xf32, #tpu.memory_space<hbm>>) target_semaphore(%arg11 : memref<!tpu.dma_semaphore, #tpu.memory_space<semaphore_mem>>)
      %mul3A_1563 = arith.constant 8 : i32
      %mul3A_1564 = arith.muli %add3A_1452, %mul3A_1563 : i32
      %add3A_1565 = arith.addi %mul3A_2, %mul3A_1564 : i32
      %add3A_1566 = arith.constant 5 : i32
      %add3A_1567 = arith.addi %add3A_1565, %add3A_1566 : i32
      %dma_start3A_1568 = arith.constant 0 : i32
      %dma_start3A_1569 = arith.constant 130 : i32
      %dma_start3A_1570 = arith.constant 0 : i32
      %dma_start3A_1571 = tpu.memref_slice %arg6[%dma_start3A_1568, %dma_start3A_1569, %dma_start3A_1570] : memref<4x208x64xf32, #tpu.memory_space<vmem>> -> memref<1x26x64xf32, #tpu.memory_space<vmem>>
      %dma_start3A_1572 = tpu.memref_squeeze %dma_start3A_1571 : memref<1x26x64xf32, #tpu.memory_space<vmem>> -> memref<26x64xf32, #tpu.memory_space<vmem>>
      %dma_start3A_1573 = arith.constant 0 : i32
      %dma_start3A_1574 = arith.constant 0 : i32
      %dma_start3A_1575 = tpu.memref_slice %arg4[%add3A_1567, %dma_start3A_1573, %dma_start3A_1574] : memref<16384x32x128xf32, #tpu.memory_space<hbm>> -> memref<1x26x64xf32, #tpu.memory_space<hbm>>
      %dma_start3A_1576 = tpu.memref_squeeze %dma_start3A_1575 : memref<1x26x64xf32, #tpu.memory_space<hbm>> -> memref<26x64xf32, #tpu.memory_space<hbm>>
      %dma_start3A_1577 = arith.constant 0 : i32
      %dma_start3A_1578 = arith.constant 0 : i32
      %dma_start3A_1579 = tpu.memref_slice %arg4[%add3A_1567, %dma_start3A_1577, %dma_start3A_1578] : memref<16384x32x128xf32, #tpu.memory_space<hbm>> -> memref<1x26x64xf32, #tpu.memory_space<hbm>>
      %dma_start3A_1580 = tpu.memref_squeeze %dma_start3A_1579 : memref<1x26x64xf32, #tpu.memory_space<hbm>> -> memref<26x64xf32, #tpu.memory_space<hbm>>
      %dma_start3A_1581 = arith.constant 130 : i32
      %dma_start3A_1582 = arith.constant 0 : i32
      %dma_start3A_1583 = tpu.memref_slice %arg6[%dma_start3A_1568, %dma_start3A_1581, %dma_start3A_1582] : memref<4x208x64xf32, #tpu.memory_space<vmem>> -> memref<1x26x64xf32, #tpu.memory_space<vmem>>
      %dma_start3A_1584 = tpu.memref_squeeze %dma_start3A_1583 : memref<1x26x64xf32, #tpu.memory_space<vmem>> -> memref<26x64xf32, #tpu.memory_space<vmem>>
      tpu.enqueue_dma source(%dma_start3A_1584 : memref<26x64xf32, #tpu.memory_space<vmem>>) target(%dma_start3A_1580 : memref<26x64xf32, #tpu.memory_space<hbm>>) target_semaphore(%arg11 : memref<!tpu.dma_semaphore, #tpu.memory_space<semaphore_mem>>)
      %mul3A_1585 = arith.constant 8 : i32
      %mul3A_1586 = arith.muli %add3A_1452, %mul3A_1585 : i32
      %add3A_1587 = arith.addi %mul3A_2, %mul3A_1586 : i32
      %add3A_1588 = arith.constant 6 : i32
      %add3A_1589 = arith.addi %add3A_1587, %add3A_1588 : i32
      %dma_start3A_1590 = arith.constant 0 : i32
      %dma_start3A_1591 = arith.constant 156 : i32
      %dma_start3A_1592 = arith.constant 0 : i32
      %dma_start3A_1593 = tpu.memref_slice %arg6[%dma_start3A_1590, %dma_start3A_1591, %dma_start3A_1592] : memref<4x208x64xf32, #tpu.memory_space<vmem>> -> memref<1x26x64xf32, #tpu.memory_space<vmem>>
      %dma_start3A_1594 = tpu.memref_squeeze %dma_start3A_1593 : memref<1x26x64xf32, #tpu.memory_space<vmem>> -> memref<26x64xf32, #tpu.memory_space<vmem>>
      %dma_start3A_1595 = arith.constant 0 : i32
      %dma_start3A_1596 = arith.constant 0 : i32
      %dma_start3A_1597 = tpu.memref_slice %arg4[%add3A_1589, %dma_start3A_1595, %dma_start3A_1596] : memref<16384x32x128xf32, #tpu.memory_space<hbm>> -> memref<1x26x64xf32, #tpu.memory_space<hbm>>
      %dma_start3A_1598 = tpu.memref_squeeze %dma_start3A_1597 : memref<1x26x64xf32, #tpu.memory_space<hbm>> -> memref<26x64xf32, #tpu.memory_space<hbm>>
      %dma_start3A_1599 = arith.constant 0 : i32
      %dma_start3A_1600 = arith.constant 0 : i32
      %dma_start3A_1601 = tpu.memref_slice %arg4[%add3A_1589, %dma_start3A_1599, %dma_start3A_1600] : memref<16384x32x128xf32, #tpu.memory_space<hbm>> -> memref<1x26x64xf32, #tpu.memory_space<hbm>>
      %dma_start3A_1602 = tpu.memref_squeeze %dma_start3A_1601 : memref<1x26x64xf32, #tpu.memory_space<hbm>> -> memref<26x64xf32, #tpu.memory_space<hbm>>
      %dma_start3A_1603 = arith.constant 156 : i32
      %dma_start3A_1604 = arith.constant 0 : i32
      %dma_start3A_1605 = tpu.memref_slice %arg6[%dma_start3A_1590, %dma_start3A_1603, %dma_start3A_1604] : memref<4x208x64xf32, #tpu.memory_space<vmem>> -> memref<1x26x64xf32, #tpu.memory_space<vmem>>
      %dma_start3A_1606 = tpu.memref_squeeze %dma_start3A_1605 : memref<1x26x64xf32, #tpu.memory_space<vmem>> -> memref<26x64xf32, #tpu.memory_space<vmem>>
      tpu.enqueue_dma source(%dma_start3A_1606 : memref<26x64xf32, #tpu.memory_space<vmem>>) target(%dma_start3A_1602 : memref<26x64xf32, #tpu.memory_space<hbm>>) target_semaphore(%arg11 : memref<!tpu.dma_semaphore, #tpu.memory_space<semaphore_mem>>)
      %mul3A_1607 = arith.constant 8 : i32
      %mul3A_1608 = arith.muli %add3A_1452, %mul3A_1607 : i32
      %add3A_1609 = arith.addi %mul3A_2, %mul3A_1608 : i32
      %add3A_1610 = arith.constant 7 : i32
      %add3A_1611 = arith.addi %add3A_1609, %add3A_1610 : i32
      %dma_start3A_1612 = arith.constant 0 : i32
      %dma_start3A_1613 = arith.constant 182 : i32
      %dma_start3A_1614 = arith.constant 0 : i32
      %dma_start3A_1615 = tpu.memref_slice %arg6[%dma_start3A_1612, %dma_start3A_1613, %dma_start3A_1614] : memref<4x208x64xf32, #tpu.memory_space<vmem>> -> memref<1x26x64xf32, #tpu.memory_space<vmem>>
      %dma_start3A_1616 = tpu.memref_squeeze %dma_start3A_1615 : memref<1x26x64xf32, #tpu.memory_space<vmem>> -> memref<26x64xf32, #tpu.memory_space<vmem>>
      %dma_start3A_1617 = arith.constant 0 : i32
      %dma_start3A_1618 = arith.constant 0 : i32
      %dma_start3A_1619 = tpu.memref_slice %arg4[%add3A_1611, %dma_start3A_1617, %dma_start3A_1618] : memref<16384x32x128xf32, #tpu.memory_space<hbm>> -> memref<1x26x64xf32, #tpu.memory_space<hbm>>
      %dma_start3A_1620 = tpu.memref_squeeze %dma_start3A_1619 : memref<1x26x64xf32, #tpu.memory_space<hbm>> -> memref<26x64xf32, #tpu.memory_space<hbm>>
      %dma_start3A_1621 = arith.constant 0 : i32
      %dma_start3A_1622 = arith.constant 0 : i32
      %dma_start3A_1623 = tpu.memref_slice %arg4[%add3A_1611, %dma_start3A_1621, %dma_start3A_1622] : memref<16384x32x128xf32, #tpu.memory_space<hbm>> -> memref<1x26x64xf32, #tpu.memory_space<hbm>>
      %dma_start3A_1624 = tpu.memref_squeeze %dma_start3A_1623 : memref<1x26x64xf32, #tpu.memory_space<hbm>> -> memref<26x64xf32, #tpu.memory_space<hbm>>
      %dma_start3A_1625 = arith.constant 182 : i32
      %dma_start3A_1626 = arith.constant 0 : i32
      %dma_start3A_1627 = tpu.memref_slice %arg6[%dma_start3A_1612, %dma_start3A_1625, %dma_start3A_1626] : memref<4x208x64xf32, #tpu.memory_space<vmem>> -> memref<1x26x64xf32, #tpu.memory_space<vmem>>
      %dma_start3A_1628 = tpu.memref_squeeze %dma_start3A_1627 : memref<1x26x64xf32, #tpu.memory_space<vmem>> -> memref<26x64xf32, #tpu.memory_space<vmem>>
      tpu.enqueue_dma source(%dma_start3A_1628 : memref<26x64xf32, #tpu.memory_space<vmem>>) target(%dma_start3A_1624 : memref<26x64xf32, #tpu.memory_space<hbm>>) target_semaphore(%arg11 : memref<!tpu.dma_semaphore, #tpu.memory_space<semaphore_mem>>)
      %dma_wait3A_1629 = arith.constant 1 : i32
      %dma_wait3A_1630 = arith.constant 0 : i32
      %dma_wait3A_1631 = arith.constant 0 : i32
      %dma_wait3A_1632 = tpu.memref_slice %arg6[%dma_wait3A_1629, %dma_wait3A_1630, %dma_wait3A_1631] : memref<4x208x64xf32, #tpu.memory_space<vmem>> -> memref<1x208x64xf32, #tpu.memory_space<vmem>>
      %dma_wait3A_1633 = tpu.memref_squeeze %dma_wait3A_1632 : memref<1x208x64xf32, #tpu.memory_space<vmem>> -> memref<208x64xf32, #tpu.memory_space<vmem>>
      %dma_wait3A_1634 = arith.constant 0 : i32
      %dma_wait3A_1635 = tpu.memref_slice %arg5[%dma_wait3A_1634] : memref<13312xi32, #tpu.memory_space<vmem>> -> memref<208xi32, #tpu.memory_space<vmem>>
      %dma_wait3A_1636 = arith.constant 0 : i32
      %dma_wait3A_1637 = arith.constant 0 : i32
      %dma_wait3A_1638 = tpu.memref_slice %arg3[%dma_wait3A_1636, %dma_wait3A_1637] : memref<1000000x64xf32, #tpu.memory_space<hbm>> -> memref<1000000x64xf32, #tpu.memory_space<hbm>>
      tpu.wait_indirect_dma semaphore(%arg8 : memref<!tpu.dma_semaphore, #tpu.memory_space<semaphore_mem>>) src(%dma_wait3A_1638 : memref<1000000x64xf32, #tpu.memory_space<hbm>>) dst(%dma_wait3A_1633 : memref<208x64xf32, #tpu.memory_space<vmem>>)
      %add3A_1639 = arith.constant 1 : i32
      %add3A_1640 = arith.addi %add3A_1440, %add3A_1639 : i32
      %mul3A_1641 = arith.constant 8 : i32
      %mul3A_1642 = arith.muli %add3A_1640, %mul3A_1641 : i32
      %add3A_1643 = arith.addi %mul3A_2, %mul3A_1642 : i32
      %add3A_1644 = arith.constant 0 : i32
      %add3A_1645 = arith.addi %add3A_1643, %add3A_1644 : i32
      %dma_start3A_1646 = arith.constant 1 : i32
      %dma_start3A_1647 = arith.constant 0 : i32
      %dma_start3A_1648 = arith.constant 0 : i32
      %dma_start3A_1649 = tpu.memref_slice %arg6[%dma_start3A_1646, %dma_start3A_1647, %dma_start3A_1648] : memref<4x208x64xf32, #tpu.memory_space<vmem>> -> memref<1x26x64xf32, #tpu.memory_space<vmem>>
      %dma_start3A_1650 = tpu.memref_squeeze %dma_start3A_1649 : memref<1x26x64xf32, #tpu.memory_space<vmem>> -> memref<26x64xf32, #tpu.memory_space<vmem>>
      %dma_start3A_1651 = arith.constant 0 : i32
      %dma_start3A_1652 = arith.constant 0 : i32
      %dma_start3A_1653 = tpu.memref_slice %arg4[%add3A_1645, %dma_start3A_1651, %dma_start3A_1652] : memref<16384x32x128xf32, #tpu.memory_space<hbm>> -> memref<1x26x64xf32, #tpu.memory_space<hbm>>
      %dma_start3A_1654 = tpu.memref_squeeze %dma_start3A_1653 : memref<1x26x64xf32, #tpu.memory_space<hbm>> -> memref<26x64xf32, #tpu.memory_space<hbm>>
      %dma_start3A_1655 = arith.constant 0 : i32
      %dma_start3A_1656 = arith.constant 0 : i32
      %dma_start3A_1657 = tpu.memref_slice %arg4[%add3A_1645, %dma_start3A_1655, %dma_start3A_1656] : memref<16384x32x128xf32, #tpu.memory_space<hbm>> -> memref<1x26x64xf32, #tpu.memory_space<hbm>>
      %dma_start3A_1658 = tpu.memref_squeeze %dma_start3A_1657 : memref<1x26x64xf32, #tpu.memory_space<hbm>> -> memref<26x64xf32, #tpu.memory_space<hbm>>
      %dma_start3A_1659 = arith.constant 0 : i32
      %dma_start3A_1660 = arith.constant 0 : i32
      %dma_start3A_1661 = tpu.memref_slice %arg6[%dma_start3A_1646, %dma_start3A_1659, %dma_start3A_1660] : memref<4x208x64xf32, #tpu.memory_space<vmem>> -> memref<1x26x64xf32, #tpu.memory_space<vmem>>
      %dma_start3A_1662 = tpu.memref_squeeze %dma_start3A_1661 : memref<1x26x64xf32, #tpu.memory_space<vmem>> -> memref<26x64xf32, #tpu.memory_space<vmem>>
      tpu.enqueue_dma source(%dma_start3A_1662 : memref<26x64xf32, #tpu.memory_space<vmem>>) target(%dma_start3A_1658 : memref<26x64xf32, #tpu.memory_space<hbm>>) target_semaphore(%arg12 : memref<!tpu.dma_semaphore, #tpu.memory_space<semaphore_mem>>)
      %mul3A_1663 = arith.constant 8 : i32
      %mul3A_1664 = arith.muli %add3A_1640, %mul3A_1663 : i32
      %add3A_1665 = arith.addi %mul3A_2, %mul3A_1664 : i32
      %add3A_1666 = arith.constant 1 : i32
      %add3A_1667 = arith.addi %add3A_1665, %add3A_1666 : i32
      %dma_start3A_1668 = arith.constant 1 : i32
      %dma_start3A_1669 = arith.constant 26 : i32
      %dma_start3A_1670 = arith.constant 0 : i32
      %dma_start3A_1671 = tpu.memref_slice %arg6[%dma_start3A_1668, %dma_start3A_1669, %dma_start3A_1670] : memref<4x208x64xf32, #tpu.memory_space<vmem>> -> memref<1x26x64xf32, #tpu.memory_space<vmem>>
      %dma_start3A_1672 = tpu.memref_squeeze %dma_start3A_1671 : memref<1x26x64xf32, #tpu.memory_space<vmem>> -> memref<26x64xf32, #tpu.memory_space<vmem>>
      %dma_start3A_1673 = arith.constant 0 : i32
      %dma_start3A_1674 = arith.constant 0 : i32
      %dma_start3A_1675 = tpu.memref_slice %arg4[%add3A_1667, %dma_start3A_1673, %dma_start3A_1674] : memref<16384x32x128xf32, #tpu.memory_space<hbm>> -> memref<1x26x64xf32, #tpu.memory_space<hbm>>
      %dma_start3A_1676 = tpu.memref_squeeze %dma_start3A_1675 : memref<1x26x64xf32, #tpu.memory_space<hbm>> -> memref<26x64xf32, #tpu.memory_space<hbm>>
      %dma_start3A_1677 = arith.constant 0 : i32
      %dma_start3A_1678 = arith.constant 0 : i32
      %dma_start3A_1679 = tpu.memref_slice %arg4[%add3A_1667, %dma_start3A_1677, %dma_start3A_1678] : memref<16384x32x128xf32, #tpu.memory_space<hbm>> -> memref<1x26x64xf32, #tpu.memory_space<hbm>>
      %dma_start3A_1680 = tpu.memref_squeeze %dma_start3A_1679 : memref<1x26x64xf32, #tpu.memory_space<hbm>> -> memref<26x64xf32, #tpu.memory_space<hbm>>
      %dma_start3A_1681 = arith.constant 26 : i32
      %dma_start3A_1682 = arith.constant 0 : i32
      %dma_start3A_1683 = tpu.memref_slice %arg6[%dma_start3A_1668, %dma_start3A_1681, %dma_start3A_1682] : memref<4x208x64xf32, #tpu.memory_space<vmem>> -> memref<1x26x64xf32, #tpu.memory_space<vmem>>
      %dma_start3A_1684 = tpu.memref_squeeze %dma_start3A_1683 : memref<1x26x64xf32, #tpu.memory_space<vmem>> -> memref<26x64xf32, #tpu.memory_space<vmem>>
      tpu.enqueue_dma source(%dma_start3A_1684 : memref<26x64xf32, #tpu.memory_space<vmem>>) target(%dma_start3A_1680 : memref<26x64xf32, #tpu.memory_space<hbm>>) target_semaphore(%arg12 : memref<!tpu.dma_semaphore, #tpu.memory_space<semaphore_mem>>)
      %mul3A_1685 = arith.constant 8 : i32
      %mul3A_1686 = arith.muli %add3A_1640, %mul3A_1685 : i32
      %add3A_1687 = arith.addi %mul3A_2, %mul3A_1686 : i32
      %add3A_1688 = arith.constant 2 : i32
      %add3A_1689 = arith.addi %add3A_1687, %add3A_1688 : i32
      %dma_start3A_1690 = arith.constant 1 : i32
      %dma_start3A_1691 = arith.constant 52 : i32
      %dma_start3A_1692 = arith.constant 0 : i32
      %dma_start3A_1693 = tpu.memref_slice %arg6[%dma_start3A_1690, %dma_start3A_1691, %dma_start3A_1692] : memref<4x208x64xf32, #tpu.memory_space<vmem>> -> memref<1x26x64xf32, #tpu.memory_space<vmem>>
      %dma_start3A_1694 = tpu.memref_squeeze %dma_start3A_1693 : memref<1x26x64xf32, #tpu.memory_space<vmem>> -> memref<26x64xf32, #tpu.memory_space<vmem>>
      %dma_start3A_1695 = arith.constant 0 : i32
      %dma_start3A_1696 = arith.constant 0 : i32
      %dma_start3A_1697 = tpu.memref_slice %arg4[%add3A_1689, %dma_start3A_1695, %dma_start3A_1696] : memref<16384x32x128xf32, #tpu.memory_space<hbm>> -> memref<1x26x64xf32, #tpu.memory_space<hbm>>
      %dma_start3A_1698 = tpu.memref_squeeze %dma_start3A_1697 : memref<1x26x64xf32, #tpu.memory_space<hbm>> -> memref<26x64xf32, #tpu.memory_space<hbm>>
      %dma_start3A_1699 = arith.constant 0 : i32
      %dma_start3A_1700 = arith.constant 0 : i32
      %dma_start3A_1701 = tpu.memref_slice %arg4[%add3A_1689, %dma_start3A_1699, %dma_start3A_1700] : memref<16384x32x128xf32, #tpu.memory_space<hbm>> -> memref<1x26x64xf32, #tpu.memory_space<hbm>>
      %dma_start3A_1702 = tpu.memref_squeeze %dma_start3A_1701 : memref<1x26x64xf32, #tpu.memory_space<hbm>> -> memref<26x64xf32, #tpu.memory_space<hbm>>
      %dma_start3A_1703 = arith.constant 52 : i32
      %dma_start3A_1704 = arith.constant 0 : i32
      %dma_start3A_1705 = tpu.memref_slice %arg6[%dma_start3A_1690, %dma_start3A_1703, %dma_start3A_1704] : memref<4x208x64xf32, #tpu.memory_space<vmem>> -> memref<1x26x64xf32, #tpu.memory_space<vmem>>
      %dma_start3A_1706 = tpu.memref_squeeze %dma_start3A_1705 : memref<1x26x64xf32, #tpu.memory_space<vmem>> -> memref<26x64xf32, #tpu.memory_space<vmem>>
      tpu.enqueue_dma source(%dma_start3A_1706 : memref<26x64xf32, #tpu.memory_space<vmem>>) target(%dma_start3A_1702 : memref<26x64xf32, #tpu.memory_space<hbm>>) target_semaphore(%arg12 : memref<!tpu.dma_semaphore, #tpu.memory_space<semaphore_mem>>)
      %mul3A_1707 = arith.constant 8 : i32
      %mul3A_1708 = arith.muli %add3A_1640, %mul3A_1707 : i32
      %add3A_1709 = arith.addi %mul3A_2, %mul3A_1708 : i32
      %add3A_1710 = arith.constant 3 : i32
      %add3A_1711 = arith.addi %add3A_1709, %add3A_1710 : i32
      %dma_start3A_1712 = arith.constant 1 : i32
      %dma_start3A_1713 = arith.constant 78 : i32
      %dma_start3A_1714 = arith.constant 0 : i32
      %dma_start3A_1715 = tpu.memref_slice %arg6[%dma_start3A_1712, %dma_start3A_1713, %dma_start3A_1714] : memref<4x208x64xf32, #tpu.memory_space<vmem>> -> memref<1x26x64xf32, #tpu.memory_space<vmem>>
      %dma_start3A_1716 = tpu.memref_squeeze %dma_start3A_1715 : memref<1x26x64xf32, #tpu.memory_space<vmem>> -> memref<26x64xf32, #tpu.memory_space<vmem>>
      %dma_start3A_1717 = arith.constant 0 : i32
      %dma_start3A_1718 = arith.constant 0 : i32
      %dma_start3A_1719 = tpu.memref_slice %arg4[%add3A_1711, %dma_start3A_1717, %dma_start3A_1718] : memref<16384x32x128xf32, #tpu.memory_space<hbm>> -> memref<1x26x64xf32, #tpu.memory_space<hbm>>
      %dma_start3A_1720 = tpu.memref_squeeze %dma_start3A_1719 : memref<1x26x64xf32, #tpu.memory_space<hbm>> -> memref<26x64xf32, #tpu.memory_space<hbm>>
      %dma_start3A_1721 = arith.constant 0 : i32
      %dma_start3A_1722 = arith.constant 0 : i32
      %dma_start3A_1723 = tpu.memref_slice %arg4[%add3A_1711, %dma_start3A_1721, %dma_start3A_1722] : memref<16384x32x128xf32, #tpu.memory_space<hbm>> -> memref<1x26x64xf32, #tpu.memory_space<hbm>>
      %dma_start3A_1724 = tpu.memref_squeeze %dma_start3A_1723 : memref<1x26x64xf32, #tpu.memory_space<hbm>> -> memref<26x64xf32, #tpu.memory_space<hbm>>
      %dma_start3A_1725 = arith.constant 78 : i32
      %dma_start3A_1726 = arith.constant 0 : i32
      %dma_start3A_1727 = tpu.memref_slice %arg6[%dma_start3A_1712, %dma_start3A_1725, %dma_start3A_1726] : memref<4x208x64xf32, #tpu.memory_space<vmem>> -> memref<1x26x64xf32, #tpu.memory_space<vmem>>
      %dma_start3A_1728 = tpu.memref_squeeze %dma_start3A_1727 : memref<1x26x64xf32, #tpu.memory_space<vmem>> -> memref<26x64xf32, #tpu.memory_space<vmem>>
      tpu.enqueue_dma source(%dma_start3A_1728 : memref<26x64xf32, #tpu.memory_space<vmem>>) target(%dma_start3A_1724 : memref<26x64xf32, #tpu.memory_space<hbm>>) target_semaphore(%arg12 : memref<!tpu.dma_semaphore, #tpu.memory_space<semaphore_mem>>)
      %mul3A_1729 = arith.constant 8 : i32
      %mul3A_1730 = arith.muli %add3A_1640, %mul3A_1729 : i32
      %add3A_1731 = arith.addi %mul3A_2, %mul3A_1730 : i32
      %add3A_1732 = arith.constant 4 : i32
      %add3A_1733 = arith.addi %add3A_1731, %add3A_1732 : i32
      %dma_start3A_1734 = arith.constant 1 : i32
      %dma_start3A_1735 = arith.constant 104 : i32
      %dma_start3A_1736 = arith.constant 0 : i32
      %dma_start3A_1737 = tpu.memref_slice %arg6[%dma_start3A_1734, %dma_start3A_1735, %dma_start3A_1736] : memref<4x208x64xf32, #tpu.memory_space<vmem>> -> memref<1x26x64xf32, #tpu.memory_space<vmem>>
      %dma_start3A_1738 = tpu.memref_squeeze %dma_start3A_1737 : memref<1x26x64xf32, #tpu.memory_space<vmem>> -> memref<26x64xf32, #tpu.memory_space<vmem>>
      %dma_start3A_1739 = arith.constant 0 : i32
      %dma_start3A_1740 = arith.constant 0 : i32
      %dma_start3A_1741 = tpu.memref_slice %arg4[%add3A_1733, %dma_start3A_1739, %dma_start3A_1740] : memref<16384x32x128xf32, #tpu.memory_space<hbm>> -> memref<1x26x64xf32, #tpu.memory_space<hbm>>
      %dma_start3A_1742 = tpu.memref_squeeze %dma_start3A_1741 : memref<1x26x64xf32, #tpu.memory_space<hbm>> -> memref<26x64xf32, #tpu.memory_space<hbm>>
      %dma_start3A_1743 = arith.constant 0 : i32
      %dma_start3A_1744 = arith.constant 0 : i32
      %dma_start3A_1745 = tpu.memref_slice %arg4[%add3A_1733, %dma_start3A_1743, %dma_start3A_1744] : memref<16384x32x128xf32, #tpu.memory_space<hbm>> -> memref<1x26x64xf32, #tpu.memory_space<hbm>>
      %dma_start3A_1746 = tpu.memref_squeeze %dma_start3A_1745 : memref<1x26x64xf32, #tpu.memory_space<hbm>> -> memref<26x64xf32, #tpu.memory_space<hbm>>
      %dma_start3A_1747 = arith.constant 104 : i32
      %dma_start3A_1748 = arith.constant 0 : i32
      %dma_start3A_1749 = tpu.memref_slice %arg6[%dma_start3A_1734, %dma_start3A_1747, %dma_start3A_1748] : memref<4x208x64xf32, #tpu.memory_space<vmem>> -> memref<1x26x64xf32, #tpu.memory_space<vmem>>
      %dma_start3A_1750 = tpu.memref_squeeze %dma_start3A_1749 : memref<1x26x64xf32, #tpu.memory_space<vmem>> -> memref<26x64xf32, #tpu.memory_space<vmem>>
      tpu.enqueue_dma source(%dma_start3A_1750 : memref<26x64xf32, #tpu.memory_space<vmem>>) target(%dma_start3A_1746 : memref<26x64xf32, #tpu.memory_space<hbm>>) target_semaphore(%arg12 : memref<!tpu.dma_semaphore, #tpu.memory_space<semaphore_mem>>)
      %mul3A_1751 = arith.constant 8 : i32
      %mul3A_1752 = arith.muli %add3A_1640, %mul3A_1751 : i32
      %add3A_1753 = arith.addi %mul3A_2, %mul3A_1752 : i32
      %add3A_1754 = arith.constant 5 : i32
      %add3A_1755 = arith.addi %add3A_1753, %add3A_1754 : i32
      %dma_start3A_1756 = arith.constant 1 : i32
      %dma_start3A_1757 = arith.constant 130 : i32
      %dma_start3A_1758 = arith.constant 0 : i32
      %dma_start3A_1759 = tpu.memref_slice %arg6[%dma_start3A_1756, %dma_start3A_1757, %dma_start3A_1758] : memref<4x208x64xf32, #tpu.memory_space<vmem>> -> memref<1x26x64xf32, #tpu.memory_space<vmem>>
      %dma_start3A_1760 = tpu.memref_squeeze %dma_start3A_1759 : memref<1x26x64xf32, #tpu.memory_space<vmem>> -> memref<26x64xf32, #tpu.memory_space<vmem>>
      %dma_start3A_1761 = arith.constant 0 : i32
      %dma_start3A_1762 = arith.constant 0 : i32
      %dma_start3A_1763 = tpu.memref_slice %arg4[%add3A_1755, %dma_start3A_1761, %dma_start3A_1762] : memref<16384x32x128xf32, #tpu.memory_space<hbm>> -> memref<1x26x64xf32, #tpu.memory_space<hbm>>
      %dma_start3A_1764 = tpu.memref_squeeze %dma_start3A_1763 : memref<1x26x64xf32, #tpu.memory_space<hbm>> -> memref<26x64xf32, #tpu.memory_space<hbm>>
      %dma_start3A_1765 = arith.constant 0 : i32
      %dma_start3A_1766 = arith.constant 0 : i32
      %dma_start3A_1767 = tpu.memref_slice %arg4[%add3A_1755, %dma_start3A_1765, %dma_start3A_1766] : memref<16384x32x128xf32, #tpu.memory_space<hbm>> -> memref<1x26x64xf32, #tpu.memory_space<hbm>>
      %dma_start3A_1768 = tpu.memref_squeeze %dma_start3A_1767 : memref<1x26x64xf32, #tpu.memory_space<hbm>> -> memref<26x64xf32, #tpu.memory_space<hbm>>
      %dma_start3A_1769 = arith.constant 130 : i32
      %dma_start3A_1770 = arith.constant 0 : i32
      %dma_start3A_1771 = tpu.memref_slice %arg6[%dma_start3A_1756, %dma_start3A_1769, %dma_start3A_1770] : memref<4x208x64xf32, #tpu.memory_space<vmem>> -> memref<1x26x64xf32, #tpu.memory_space<vmem>>
      %dma_start3A_1772 = tpu.memref_squeeze %dma_start3A_1771 : memref<1x26x64xf32, #tpu.memory_space<vmem>> -> memref<26x64xf32, #tpu.memory_space<vmem>>
      tpu.enqueue_dma source(%dma_start3A_1772 : memref<26x64xf32, #tpu.memory_space<vmem>>) target(%dma_start3A_1768 : memref<26x64xf32, #tpu.memory_space<hbm>>) target_semaphore(%arg12 : memref<!tpu.dma_semaphore, #tpu.memory_space<semaphore_mem>>)
      %mul3A_1773 = arith.constant 8 : i32
      %mul3A_1774 = arith.muli %add3A_1640, %mul3A_1773 : i32
      %add3A_1775 = arith.addi %mul3A_2, %mul3A_1774 : i32
      %add3A_1776 = arith.constant 6 : i32
      %add3A_1777 = arith.addi %add3A_1775, %add3A_1776 : i32
      %dma_start3A_1778 = arith.constant 1 : i32
      %dma_start3A_1779 = arith.constant 156 : i32
      %dma_start3A_1780 = arith.constant 0 : i32
      %dma_start3A_1781 = tpu.memref_slice %arg6[%dma_start3A_1778, %dma_start3A_1779, %dma_start3A_1780] : memref<4x208x64xf32, #tpu.memory_space<vmem>> -> memref<1x26x64xf32, #tpu.memory_space<vmem>>
      %dma_start3A_1782 = tpu.memref_squeeze %dma_start3A_1781 : memref<1x26x64xf32, #tpu.memory_space<vmem>> -> memref<26x64xf32, #tpu.memory_space<vmem>>
      %dma_start3A_1783 = arith.constant 0 : i32
      %dma_start3A_1784 = arith.constant 0 : i32
      %dma_start3A_1785 = tpu.memref_slice %arg4[%add3A_1777, %dma_start3A_1783, %dma_start3A_1784] : memref<16384x32x128xf32, #tpu.memory_space<hbm>> -> memref<1x26x64xf32, #tpu.memory_space<hbm>>
      %dma_start3A_1786 = tpu.memref_squeeze %dma_start3A_1785 : memref<1x26x64xf32, #tpu.memory_space<hbm>> -> memref<26x64xf32, #tpu.memory_space<hbm>>
      %dma_start3A_1787 = arith.constant 0 : i32
      %dma_start3A_1788 = arith.constant 0 : i32
      %dma_start3A_1789 = tpu.memref_slice %arg4[%add3A_1777, %dma_start3A_1787, %dma_start3A_1788] : memref<16384x32x128xf32, #tpu.memory_space<hbm>> -> memref<1x26x64xf32, #tpu.memory_space<hbm>>
      %dma_start3A_1790 = tpu.memref_squeeze %dma_start3A_1789 : memref<1x26x64xf32, #tpu.memory_space<hbm>> -> memref<26x64xf32, #tpu.memory_space<hbm>>
      %dma_start3A_1791 = arith.constant 156 : i32
      %dma_start3A_1792 = arith.constant 0 : i32
      %dma_start3A_1793 = tpu.memref_slice %arg6[%dma_start3A_1778, %dma_start3A_1791, %dma_start3A_1792] : memref<4x208x64xf32, #tpu.memory_space<vmem>> -> memref<1x26x64xf32, #tpu.memory_space<vmem>>
      %dma_start3A_1794 = tpu.memref_squeeze %dma_start3A_1793 : memref<1x26x64xf32, #tpu.memory_space<vmem>> -> memref<26x64xf32, #tpu.memory_space<vmem>>
      tpu.enqueue_dma source(%dma_start3A_1794 : memref<26x64xf32, #tpu.memory_space<vmem>>) target(%dma_start3A_1790 : memref<26x64xf32, #tpu.memory_space<hbm>>) target_semaphore(%arg12 : memref<!tpu.dma_semaphore, #tpu.memory_space<semaphore_mem>>)
      %mul3A_1795 = arith.constant 8 : i32
      %mul3A_1796 = arith.muli %add3A_1640, %mul3A_1795 : i32
      %add3A_1797 = arith.addi %mul3A_2, %mul3A_1796 : i32
      %add3A_1798 = arith.constant 7 : i32
      %add3A_1799 = arith.addi %add3A_1797, %add3A_1798 : i32
      %dma_start3A_1800 = arith.constant 1 : i32
      %dma_start3A_1801 = arith.constant 182 : i32
      %dma_start3A_1802 = arith.constant 0 : i32
      %dma_start3A_1803 = tpu.memref_slice %arg6[%dma_start3A_1800, %dma_start3A_1801, %dma_start3A_1802] : memref<4x208x64xf32, #tpu.memory_space<vmem>> -> memref<1x26x64xf32, #tpu.memory_space<vmem>>
      %dma_start3A_1804 = tpu.memref_squeeze %dma_start3A_1803 : memref<1x26x64xf32, #tpu.memory_space<vmem>> -> memref<26x64xf32, #tpu.memory_space<vmem>>
      %dma_start3A_1805 = arith.constant 0 : i32
      %dma_start3A_1806 = arith.constant 0 : i32
      %dma_start3A_1807 = tpu.memref_slice %arg4[%add3A_1799, %dma_start3A_1805, %dma_start3A_1806] : memref<16384x32x128xf32, #tpu.memory_space<hbm>> -> memref<1x26x64xf32, #tpu.memory_space<hbm>>
      %dma_start3A_1808 = tpu.memref_squeeze %dma_start3A_1807 : memref<1x26x64xf32, #tpu.memory_space<hbm>> -> memref<26x64xf32, #tpu.memory_space<hbm>>
      %dma_start3A_1809 = arith.constant 0 : i32
      %dma_start3A_1810 = arith.constant 0 : i32
      %dma_start3A_1811 = tpu.memref_slice %arg4[%add3A_1799, %dma_start3A_1809, %dma_start3A_1810] : memref<16384x32x128xf32, #tpu.memory_space<hbm>> -> memref<1x26x64xf32, #tpu.memory_space<hbm>>
      %dma_start3A_1812 = tpu.memref_squeeze %dma_start3A_1811 : memref<1x26x64xf32, #tpu.memory_space<hbm>> -> memref<26x64xf32, #tpu.memory_space<hbm>>
      %dma_start3A_1813 = arith.constant 182 : i32
      %dma_start3A_1814 = arith.constant 0 : i32
      %dma_start3A_1815 = tpu.memref_slice %arg6[%dma_start3A_1800, %dma_start3A_1813, %dma_start3A_1814] : memref<4x208x64xf32, #tpu.memory_space<vmem>> -> memref<1x26x64xf32, #tpu.memory_space<vmem>>
      %dma_start3A_1816 = tpu.memref_squeeze %dma_start3A_1815 : memref<1x26x64xf32, #tpu.memory_space<vmem>> -> memref<26x64xf32, #tpu.memory_space<vmem>>
      tpu.enqueue_dma source(%dma_start3A_1816 : memref<26x64xf32, #tpu.memory_space<vmem>>) target(%dma_start3A_1812 : memref<26x64xf32, #tpu.memory_space<hbm>>) target_semaphore(%arg12 : memref<!tpu.dma_semaphore, #tpu.memory_space<semaphore_mem>>)
      %dma_wait3A_1817 = arith.constant 2 : i32
      %dma_wait3A_1818 = arith.constant 0 : i32
      %dma_wait3A_1819 = arith.constant 0 : i32
      %dma_wait3A_1820 = tpu.memref_slice %arg6[%dma_wait3A_1817, %dma_wait3A_1818, %dma_wait3A_1819] : memref<4x208x64xf32, #tpu.memory_space<vmem>> -> memref<1x208x64xf32, #tpu.memory_space<vmem>>
      %dma_wait3A_1821 = tpu.memref_squeeze %dma_wait3A_1820 : memref<1x208x64xf32, #tpu.memory_space<vmem>> -> memref<208x64xf32, #tpu.memory_space<vmem>>
      %dma_wait3A_1822 = arith.constant 0 : i32
      %dma_wait3A_1823 = tpu.memref_slice %arg5[%dma_wait3A_1822] : memref<13312xi32, #tpu.memory_space<vmem>> -> memref<208xi32, #tpu.memory_space<vmem>>
      %dma_wait3A_1824 = arith.constant 0 : i32
      %dma_wait3A_1825 = arith.constant 0 : i32
      %dma_wait3A_1826 = tpu.memref_slice %arg3[%dma_wait3A_1824, %dma_wait3A_1825] : memref<1000000x64xf32, #tpu.memory_space<hbm>> -> memref<1000000x64xf32, #tpu.memory_space<hbm>>
      tpu.wait_indirect_dma semaphore(%arg9 : memref<!tpu.dma_semaphore, #tpu.memory_space<semaphore_mem>>) src(%dma_wait3A_1826 : memref<1000000x64xf32, #tpu.memory_space<hbm>>) dst(%dma_wait3A_1821 : memref<208x64xf32, #tpu.memory_space<vmem>>)
      %add3A_1827 = arith.constant 2 : i32
      %add3A_1828 = arith.addi %add3A_1440, %add3A_1827 : i32
      %mul3A_1829 = arith.constant 8 : i32
      %mul3A_1830 = arith.muli %add3A_1828, %mul3A_1829 : i32
      %add3A_1831 = arith.addi %mul3A_2, %mul3A_1830 : i32
      %add3A_1832 = arith.constant 0 : i32
      %add3A_1833 = arith.addi %add3A_1831, %add3A_1832 : i32
      %dma_start3A_1834 = arith.constant 2 : i32
      %dma_start3A_1835 = arith.constant 0 : i32
      %dma_start3A_1836 = arith.constant 0 : i32
      %dma_start3A_1837 = tpu.memref_slice %arg6[%dma_start3A_1834, %dma_start3A_1835, %dma_start3A_1836] : memref<4x208x64xf32, #tpu.memory_space<vmem>> -> memref<1x26x64xf32, #tpu.memory_space<vmem>>
      %dma_start3A_1838 = tpu.memref_squeeze %dma_start3A_1837 : memref<1x26x64xf32, #tpu.memory_space<vmem>> -> memref<26x64xf32, #tpu.memory_space<vmem>>
      %dma_start3A_1839 = arith.constant 0 : i32
      %dma_start3A_1840 = arith.constant 0 : i32
      %dma_start3A_1841 = tpu.memref_slice %arg4[%add3A_1833, %dma_start3A_1839, %dma_start3A_1840] : memref<16384x32x128xf32, #tpu.memory_space<hbm>> -> memref<1x26x64xf32, #tpu.memory_space<hbm>>
      %dma_start3A_1842 = tpu.memref_squeeze %dma_start3A_1841 : memref<1x26x64xf32, #tpu.memory_space<hbm>> -> memref<26x64xf32, #tpu.memory_space<hbm>>
      %dma_start3A_1843 = arith.constant 0 : i32
      %dma_start3A_1844 = arith.constant 0 : i32
      %dma_start3A_1845 = tpu.memref_slice %arg4[%add3A_1833, %dma_start3A_1843, %dma_start3A_1844] : memref<16384x32x128xf32, #tpu.memory_space<hbm>> -> memref<1x26x64xf32, #tpu.memory_space<hbm>>
      %dma_start3A_1846 = tpu.memref_squeeze %dma_start3A_1845 : memref<1x26x64xf32, #tpu.memory_space<hbm>> -> memref<26x64xf32, #tpu.memory_space<hbm>>
      %dma_start3A_1847 = arith.constant 0 : i32
      %dma_start3A_1848 = arith.constant 0 : i32
      %dma_start3A_1849 = tpu.memref_slice %arg6[%dma_start3A_1834, %dma_start3A_1847, %dma_start3A_1848] : memref<4x208x64xf32, #tpu.memory_space<vmem>> -> memref<1x26x64xf32, #tpu.memory_space<vmem>>
      %dma_start3A_1850 = tpu.memref_squeeze %dma_start3A_1849 : memref<1x26x64xf32, #tpu.memory_space<vmem>> -> memref<26x64xf32, #tpu.memory_space<vmem>>
      tpu.enqueue_dma source(%dma_start3A_1850 : memref<26x64xf32, #tpu.memory_space<vmem>>) target(%dma_start3A_1846 : memref<26x64xf32, #tpu.memory_space<hbm>>) target_semaphore(%arg13 : memref<!tpu.dma_semaphore, #tpu.memory_space<semaphore_mem>>)
      %mul3A_1851 = arith.constant 8 : i32
      %mul3A_1852 = arith.muli %add3A_1828, %mul3A_1851 : i32
      %add3A_1853 = arith.addi %mul3A_2, %mul3A_1852 : i32
      %add3A_1854 = arith.constant 1 : i32
      %add3A_1855 = arith.addi %add3A_1853, %add3A_1854 : i32
      %dma_start3A_1856 = arith.constant 2 : i32
      %dma_start3A_1857 = arith.constant 26 : i32
      %dma_start3A_1858 = arith.constant 0 : i32
      %dma_start3A_1859 = tpu.memref_slice %arg6[%dma_start3A_1856, %dma_start3A_1857, %dma_start3A_1858] : memref<4x208x64xf32, #tpu.memory_space<vmem>> -> memref<1x26x64xf32, #tpu.memory_space<vmem>>
      %dma_start3A_1860 = tpu.memref_squeeze %dma_start3A_1859 : memref<1x26x64xf32, #tpu.memory_space<vmem>> -> memref<26x64xf32, #tpu.memory_space<vmem>>
      %dma_start3A_1861 = arith.constant 0 : i32
      %dma_start3A_1862 = arith.constant 0 : i32
      %dma_start3A_1863 = tpu.memref_slice %arg4[%add3A_1855, %dma_start3A_1861, %dma_start3A_1862] : memref<16384x32x128xf32, #tpu.memory_space<hbm>> -> memref<1x26x64xf32, #tpu.memory_space<hbm>>
      %dma_start3A_1864 = tpu.memref_squeeze %dma_start3A_1863 : memref<1x26x64xf32, #tpu.memory_space<hbm>> -> memref<26x64xf32, #tpu.memory_space<hbm>>
      %dma_start3A_1865 = arith.constant 0 : i32
      %dma_start3A_1866 = arith.constant 0 : i32
      %dma_start3A_1867 = tpu.memref_slice %arg4[%add3A_1855, %dma_start3A_1865, %dma_start3A_1866] : memref<16384x32x128xf32, #tpu.memory_space<hbm>> -> memref<1x26x64xf32, #tpu.memory_space<hbm>>
      %dma_start3A_1868 = tpu.memref_squeeze %dma_start3A_1867 : memref<1x26x64xf32, #tpu.memory_space<hbm>> -> memref<26x64xf32, #tpu.memory_space<hbm>>
      %dma_start3A_1869 = arith.constant 26 : i32
      %dma_start3A_1870 = arith.constant 0 : i32
      %dma_start3A_1871 = tpu.memref_slice %arg6[%dma_start3A_1856, %dma_start3A_1869, %dma_start3A_1870] : memref<4x208x64xf32, #tpu.memory_space<vmem>> -> memref<1x26x64xf32, #tpu.memory_space<vmem>>
      %dma_start3A_1872 = tpu.memref_squeeze %dma_start3A_1871 : memref<1x26x64xf32, #tpu.memory_space<vmem>> -> memref<26x64xf32, #tpu.memory_space<vmem>>
      tpu.enqueue_dma source(%dma_start3A_1872 : memref<26x64xf32, #tpu.memory_space<vmem>>) target(%dma_start3A_1868 : memref<26x64xf32, #tpu.memory_space<hbm>>) target_semaphore(%arg13 : memref<!tpu.dma_semaphore, #tpu.memory_space<semaphore_mem>>)
      %mul3A_1873 = arith.constant 8 : i32
      %mul3A_1874 = arith.muli %add3A_1828, %mul3A_1873 : i32
      %add3A_1875 = arith.addi %mul3A_2, %mul3A_1874 : i32
      %add3A_1876 = arith.constant 2 : i32
      %add3A_1877 = arith.addi %add3A_1875, %add3A_1876 : i32
      %dma_start3A_1878 = arith.constant 2 : i32
      %dma_start3A_1879 = arith.constant 52 : i32
      %dma_start3A_1880 = arith.constant 0 : i32
      %dma_start3A_1881 = tpu.memref_slice %arg6[%dma_start3A_1878, %dma_start3A_1879, %dma_start3A_1880] : memref<4x208x64xf32, #tpu.memory_space<vmem>> -> memref<1x26x64xf32, #tpu.memory_space<vmem>>
      %dma_start3A_1882 = tpu.memref_squeeze %dma_start3A_1881 : memref<1x26x64xf32, #tpu.memory_space<vmem>> -> memref<26x64xf32, #tpu.memory_space<vmem>>
      %dma_start3A_1883 = arith.constant 0 : i32
      %dma_start3A_1884 = arith.constant 0 : i32
      %dma_start3A_1885 = tpu.memref_slice %arg4[%add3A_1877, %dma_start3A_1883, %dma_start3A_1884] : memref<16384x32x128xf32, #tpu.memory_space<hbm>> -> memref<1x26x64xf32, #tpu.memory_space<hbm>>
      %dma_start3A_1886 = tpu.memref_squeeze %dma_start3A_1885 : memref<1x26x64xf32, #tpu.memory_space<hbm>> -> memref<26x64xf32, #tpu.memory_space<hbm>>
      %dma_start3A_1887 = arith.constant 0 : i32
      %dma_start3A_1888 = arith.constant 0 : i32
      %dma_start3A_1889 = tpu.memref_slice %arg4[%add3A_1877, %dma_start3A_1887, %dma_start3A_1888] : memref<16384x32x128xf32, #tpu.memory_space<hbm>> -> memref<1x26x64xf32, #tpu.memory_space<hbm>>
      %dma_start3A_1890 = tpu.memref_squeeze %dma_start3A_1889 : memref<1x26x64xf32, #tpu.memory_space<hbm>> -> memref<26x64xf32, #tpu.memory_space<hbm>>
      %dma_start3A_1891 = arith.constant 52 : i32
      %dma_start3A_1892 = arith.constant 0 : i32
      %dma_start3A_1893 = tpu.memref_slice %arg6[%dma_start3A_1878, %dma_start3A_1891, %dma_start3A_1892] : memref<4x208x64xf32, #tpu.memory_space<vmem>> -> memref<1x26x64xf32, #tpu.memory_space<vmem>>
      %dma_start3A_1894 = tpu.memref_squeeze %dma_start3A_1893 : memref<1x26x64xf32, #tpu.memory_space<vmem>> -> memref<26x64xf32, #tpu.memory_space<vmem>>
      tpu.enqueue_dma source(%dma_start3A_1894 : memref<26x64xf32, #tpu.memory_space<vmem>>) target(%dma_start3A_1890 : memref<26x64xf32, #tpu.memory_space<hbm>>) target_semaphore(%arg13 : memref<!tpu.dma_semaphore, #tpu.memory_space<semaphore_mem>>)
      %mul3A_1895 = arith.constant 8 : i32
      %mul3A_1896 = arith.muli %add3A_1828, %mul3A_1895 : i32
      %add3A_1897 = arith.addi %mul3A_2, %mul3A_1896 : i32
      %add3A_1898 = arith.constant 3 : i32
      %add3A_1899 = arith.addi %add3A_1897, %add3A_1898 : i32
      %dma_start3A_1900 = arith.constant 2 : i32
      %dma_start3A_1901 = arith.constant 78 : i32
      %dma_start3A_1902 = arith.constant 0 : i32
      %dma_start3A_1903 = tpu.memref_slice %arg6[%dma_start3A_1900, %dma_start3A_1901, %dma_start3A_1902] : memref<4x208x64xf32, #tpu.memory_space<vmem>> -> memref<1x26x64xf32, #tpu.memory_space<vmem>>
      %dma_start3A_1904 = tpu.memref_squeeze %dma_start3A_1903 : memref<1x26x64xf32, #tpu.memory_space<vmem>> -> memref<26x64xf32, #tpu.memory_space<vmem>>
      %dma_start3A_1905 = arith.constant 0 : i32
      %dma_start3A_1906 = arith.constant 0 : i32
      %dma_start3A_1907 = tpu.memref_slice %arg4[%add3A_1899, %dma_start3A_1905, %dma_start3A_1906] : memref<16384x32x128xf32, #tpu.memory_space<hbm>> -> memref<1x26x64xf32, #tpu.memory_space<hbm>>
      %dma_start3A_1908 = tpu.memref_squeeze %dma_start3A_1907 : memref<1x26x64xf32, #tpu.memory_space<hbm>> -> memref<26x64xf32, #tpu.memory_space<hbm>>
      %dma_start3A_1909 = arith.constant 0 : i32
      %dma_start3A_1910 = arith.constant 0 : i32
      %dma_start3A_1911 = tpu.memref_slice %arg4[%add3A_1899, %dma_start3A_1909, %dma_start3A_1910] : memref<16384x32x128xf32, #tpu.memory_space<hbm>> -> memref<1x26x64xf32, #tpu.memory_space<hbm>>
      %dma_start3A_1912 = tpu.memref_squeeze %dma_start3A_1911 : memref<1x26x64xf32, #tpu.memory_space<hbm>> -> memref<26x64xf32, #tpu.memory_space<hbm>>
      %dma_start3A_1913 = arith.constant 78 : i32
      %dma_start3A_1914 = arith.constant 0 : i32
      %dma_start3A_1915 = tpu.memref_slice %arg6[%dma_start3A_1900, %dma_start3A_1913, %dma_start3A_1914] : memref<4x208x64xf32, #tpu.memory_space<vmem>> -> memref<1x26x64xf32, #tpu.memory_space<vmem>>
      %dma_start3A_1916 = tpu.memref_squeeze %dma_start3A_1915 : memref<1x26x64xf32, #tpu.memory_space<vmem>> -> memref<26x64xf32, #tpu.memory_space<vmem>>
      tpu.enqueue_dma source(%dma_start3A_1916 : memref<26x64xf32, #tpu.memory_space<vmem>>) target(%dma_start3A_1912 : memref<26x64xf32, #tpu.memory_space<hbm>>) target_semaphore(%arg13 : memref<!tpu.dma_semaphore, #tpu.memory_space<semaphore_mem>>)
      %mul3A_1917 = arith.constant 8 : i32
      %mul3A_1918 = arith.muli %add3A_1828, %mul3A_1917 : i32
      %add3A_1919 = arith.addi %mul3A_2, %mul3A_1918 : i32
      %add3A_1920 = arith.constant 4 : i32
      %add3A_1921 = arith.addi %add3A_1919, %add3A_1920 : i32
      %dma_start3A_1922 = arith.constant 2 : i32
      %dma_start3A_1923 = arith.constant 104 : i32
      %dma_start3A_1924 = arith.constant 0 : i32
      %dma_start3A_1925 = tpu.memref_slice %arg6[%dma_start3A_1922, %dma_start3A_1923, %dma_start3A_1924] : memref<4x208x64xf32, #tpu.memory_space<vmem>> -> memref<1x26x64xf32, #tpu.memory_space<vmem>>
      %dma_start3A_1926 = tpu.memref_squeeze %dma_start3A_1925 : memref<1x26x64xf32, #tpu.memory_space<vmem>> -> memref<26x64xf32, #tpu.memory_space<vmem>>
      %dma_start3A_1927 = arith.constant 0 : i32
      %dma_start3A_1928 = arith.constant 0 : i32
      %dma_start3A_1929 = tpu.memref_slice %arg4[%add3A_1921, %dma_start3A_1927, %dma_start3A_1928] : memref<16384x32x128xf32, #tpu.memory_space<hbm>> -> memref<1x26x64xf32, #tpu.memory_space<hbm>>
      %dma_start3A_1930 = tpu.memref_squeeze %dma_start3A_1929 : memref<1x26x64xf32, #tpu.memory_space<hbm>> -> memref<26x64xf32, #tpu.memory_space<hbm>>
      %dma_start3A_1931 = arith.constant 0 : i32
      %dma_start3A_1932 = arith.constant 0 : i32
      %dma_start3A_1933 = tpu.memref_slice %arg4[%add3A_1921, %dma_start3A_1931, %dma_start3A_1932] : memref<16384x32x128xf32, #tpu.memory_space<hbm>> -> memref<1x26x64xf32, #tpu.memory_space<hbm>>
      %dma_start3A_1934 = tpu.memref_squeeze %dma_start3A_1933 : memref<1x26x64xf32, #tpu.memory_space<hbm>> -> memref<26x64xf32, #tpu.memory_space<hbm>>
      %dma_start3A_1935 = arith.constant 104 : i32
      %dma_start3A_1936 = arith.constant 0 : i32
      %dma_start3A_1937 = tpu.memref_slice %arg6[%dma_start3A_1922, %dma_start3A_1935, %dma_start3A_1936] : memref<4x208x64xf32, #tpu.memory_space<vmem>> -> memref<1x26x64xf32, #tpu.memory_space<vmem>>
      %dma_start3A_1938 = tpu.memref_squeeze %dma_start3A_1937 : memref<1x26x64xf32, #tpu.memory_space<vmem>> -> memref<26x64xf32, #tpu.memory_space<vmem>>
      tpu.enqueue_dma source(%dma_start3A_1938 : memref<26x64xf32, #tpu.memory_space<vmem>>) target(%dma_start3A_1934 : memref<26x64xf32, #tpu.memory_space<hbm>>) target_semaphore(%arg13 : memref<!tpu.dma_semaphore, #tpu.memory_space<semaphore_mem>>)
      %mul3A_1939 = arith.constant 8 : i32
      %mul3A_1940 = arith.muli %add3A_1828, %mul3A_1939 : i32
      %add3A_1941 = arith.addi %mul3A_2, %mul3A_1940 : i32
      %add3A_1942 = arith.constant 5 : i32
      %add3A_1943 = arith.addi %add3A_1941, %add3A_1942 : i32
      %dma_start3A_1944 = arith.constant 2 : i32
      %dma_start3A_1945 = arith.constant 130 : i32
      %dma_start3A_1946 = arith.constant 0 : i32
      %dma_start3A_1947 = tpu.memref_slice %arg6[%dma_start3A_1944, %dma_start3A_1945, %dma_start3A_1946] : memref<4x208x64xf32, #tpu.memory_space<vmem>> -> memref<1x26x64xf32, #tpu.memory_space<vmem>>
      %dma_start3A_1948 = tpu.memref_squeeze %dma_start3A_1947 : memref<1x26x64xf32, #tpu.memory_space<vmem>> -> memref<26x64xf32, #tpu.memory_space<vmem>>
      %dma_start3A_1949 = arith.constant 0 : i32
      %dma_start3A_1950 = arith.constant 0 : i32
      %dma_start3A_1951 = tpu.memref_slice %arg4[%add3A_1943, %dma_start3A_1949, %dma_start3A_1950] : memref<16384x32x128xf32, #tpu.memory_space<hbm>> -> memref<1x26x64xf32, #tpu.memory_space<hbm>>
      %dma_start3A_1952 = tpu.memref_squeeze %dma_start3A_1951 : memref<1x26x64xf32, #tpu.memory_space<hbm>> -> memref<26x64xf32, #tpu.memory_space<hbm>>
      %dma_start3A_1953 = arith.constant 0 : i32
      %dma_start3A_1954 = arith.constant 0 : i32
      %dma_start3A_1955 = tpu.memref_slice %arg4[%add3A_1943, %dma_start3A_1953, %dma_start3A_1954] : memref<16384x32x128xf32, #tpu.memory_space<hbm>> -> memref<1x26x64xf32, #tpu.memory_space<hbm>>
      %dma_start3A_1956 = tpu.memref_squeeze %dma_start3A_1955 : memref<1x26x64xf32, #tpu.memory_space<hbm>> -> memref<26x64xf32, #tpu.memory_space<hbm>>
      %dma_start3A_1957 = arith.constant 130 : i32
      %dma_start3A_1958 = arith.constant 0 : i32
      %dma_start3A_1959 = tpu.memref_slice %arg6[%dma_start3A_1944, %dma_start3A_1957, %dma_start3A_1958] : memref<4x208x64xf32, #tpu.memory_space<vmem>> -> memref<1x26x64xf32, #tpu.memory_space<vmem>>
      %dma_start3A_1960 = tpu.memref_squeeze %dma_start3A_1959 : memref<1x26x64xf32, #tpu.memory_space<vmem>> -> memref<26x64xf32, #tpu.memory_space<vmem>>
      tpu.enqueue_dma source(%dma_start3A_1960 : memref<26x64xf32, #tpu.memory_space<vmem>>) target(%dma_start3A_1956 : memref<26x64xf32, #tpu.memory_space<hbm>>) target_semaphore(%arg13 : memref<!tpu.dma_semaphore, #tpu.memory_space<semaphore_mem>>)
      %mul3A_1961 = arith.constant 8 : i32
      %mul3A_1962 = arith.muli %add3A_1828, %mul3A_1961 : i32
      %add3A_1963 = arith.addi %mul3A_2, %mul3A_1962 : i32
      %add3A_1964 = arith.constant 6 : i32
      %add3A_1965 = arith.addi %add3A_1963, %add3A_1964 : i32
      %dma_start3A_1966 = arith.constant 2 : i32
      %dma_start3A_1967 = arith.constant 156 : i32
      %dma_start3A_1968 = arith.constant 0 : i32
      %dma_start3A_1969 = tpu.memref_slice %arg6[%dma_start3A_1966, %dma_start3A_1967, %dma_start3A_1968] : memref<4x208x64xf32, #tpu.memory_space<vmem>> -> memref<1x26x64xf32, #tpu.memory_space<vmem>>
      %dma_start3A_1970 = tpu.memref_squeeze %dma_start3A_1969 : memref<1x26x64xf32, #tpu.memory_space<vmem>> -> memref<26x64xf32, #tpu.memory_space<vmem>>
      %dma_start3A_1971 = arith.constant 0 : i32
      %dma_start3A_1972 = arith.constant 0 : i32
      %dma_start3A_1973 = tpu.memref_slice %arg4[%add3A_1965, %dma_start3A_1971, %dma_start3A_1972] : memref<16384x32x128xf32, #tpu.memory_space<hbm>> -> memref<1x26x64xf32, #tpu.memory_space<hbm>>
      %dma_start3A_1974 = tpu.memref_squeeze %dma_start3A_1973 : memref<1x26x64xf32, #tpu.memory_space<hbm>> -> memref<26x64xf32, #tpu.memory_space<hbm>>
      %dma_start3A_1975 = arith.constant 0 : i32
      %dma_start3A_1976 = arith.constant 0 : i32
      %dma_start3A_1977 = tpu.memref_slice %arg4[%add3A_1965, %dma_start3A_1975, %dma_start3A_1976] : memref<16384x32x128xf32, #tpu.memory_space<hbm>> -> memref<1x26x64xf32, #tpu.memory_space<hbm>>
      %dma_start3A_1978 = tpu.memref_squeeze %dma_start3A_1977 : memref<1x26x64xf32, #tpu.memory_space<hbm>> -> memref<26x64xf32, #tpu.memory_space<hbm>>
      %dma_start3A_1979 = arith.constant 156 : i32
      %dma_start3A_1980 = arith.constant 0 : i32
      %dma_start3A_1981 = tpu.memref_slice %arg6[%dma_start3A_1966, %dma_start3A_1979, %dma_start3A_1980] : memref<4x208x64xf32, #tpu.memory_space<vmem>> -> memref<1x26x64xf32, #tpu.memory_space<vmem>>
      %dma_start3A_1982 = tpu.memref_squeeze %dma_start3A_1981 : memref<1x26x64xf32, #tpu.memory_space<vmem>> -> memref<26x64xf32, #tpu.memory_space<vmem>>
      tpu.enqueue_dma source(%dma_start3A_1982 : memref<26x64xf32, #tpu.memory_space<vmem>>) target(%dma_start3A_1978 : memref<26x64xf32, #tpu.memory_space<hbm>>) target_semaphore(%arg13 : memref<!tpu.dma_semaphore, #tpu.memory_space<semaphore_mem>>)
      %mul3A_1983 = arith.constant 8 : i32
      %mul3A_1984 = arith.muli %add3A_1828, %mul3A_1983 : i32
      %add3A_1985 = arith.addi %mul3A_2, %mul3A_1984 : i32
      %add3A_1986 = arith.constant 7 : i32
      %add3A_1987 = arith.addi %add3A_1985, %add3A_1986 : i32
      %dma_start3A_1988 = arith.constant 2 : i32
      %dma_start3A_1989 = arith.constant 182 : i32
      %dma_start3A_1990 = arith.constant 0 : i32
      %dma_start3A_1991 = tpu.memref_slice %arg6[%dma_start3A_1988, %dma_start3A_1989, %dma_start3A_1990] : memref<4x208x64xf32, #tpu.memory_space<vmem>> -> memref<1x26x64xf32, #tpu.memory_space<vmem>>
      %dma_start3A_1992 = tpu.memref_squeeze %dma_start3A_1991 : memref<1x26x64xf32, #tpu.memory_space<vmem>> -> memref<26x64xf32, #tpu.memory_space<vmem>>
      %dma_start3A_1993 = arith.constant 0 : i32
      %dma_start3A_1994 = arith.constant 0 : i32
      %dma_start3A_1995 = tpu.memref_slice %arg4[%add3A_1987, %dma_start3A_1993, %dma_start3A_1994] : memref<16384x32x128xf32, #tpu.memory_space<hbm>> -> memref<1x26x64xf32, #tpu.memory_space<hbm>>
      %dma_start3A_1996 = tpu.memref_squeeze %dma_start3A_1995 : memref<1x26x64xf32, #tpu.memory_space<hbm>> -> memref<26x64xf32, #tpu.memory_space<hbm>>
      %dma_start3A_1997 = arith.constant 0 : i32
      %dma_start3A_1998 = arith.constant 0 : i32
      %dma_start3A_1999 = tpu.memref_slice %arg4[%add3A_1987, %dma_start3A_1997, %dma_start3A_1998] : memref<16384x32x128xf32, #tpu.memory_space<hbm>> -> memref<1x26x64xf32, #tpu.memory_space<hbm>>
      %dma_start3A_2000 = tpu.memref_squeeze %dma_start3A_1999 : memref<1x26x64xf32, #tpu.memory_space<hbm>> -> memref<26x64xf32, #tpu.memory_space<hbm>>
      %dma_start3A_2001 = arith.constant 182 : i32
      %dma_start3A_2002 = arith.constant 0 : i32
      %dma_start3A_2003 = tpu.memref_slice %arg6[%dma_start3A_1988, %dma_start3A_2001, %dma_start3A_2002] : memref<4x208x64xf32, #tpu.memory_space<vmem>> -> memref<1x26x64xf32, #tpu.memory_space<vmem>>
      %dma_start3A_2004 = tpu.memref_squeeze %dma_start3A_2003 : memref<1x26x64xf32, #tpu.memory_space<vmem>> -> memref<26x64xf32, #tpu.memory_space<vmem>>
      tpu.enqueue_dma source(%dma_start3A_2004 : memref<26x64xf32, #tpu.memory_space<vmem>>) target(%dma_start3A_2000 : memref<26x64xf32, #tpu.memory_space<hbm>>) target_semaphore(%arg13 : memref<!tpu.dma_semaphore, #tpu.memory_space<semaphore_mem>>)
      %dma_wait3A_2005 = arith.constant 3 : i32
      %dma_wait3A_2006 = arith.constant 0 : i32
      %dma_wait3A_2007 = arith.constant 0 : i32
      %dma_wait3A_2008 = tpu.memref_slice %arg6[%dma_wait3A_2005, %dma_wait3A_2006, %dma_wait3A_2007] : memref<4x208x64xf32, #tpu.memory_space<vmem>> -> memref<1x208x64xf32, #tpu.memory_space<vmem>>
      %dma_wait3A_2009 = tpu.memref_squeeze %dma_wait3A_2008 : memref<1x208x64xf32, #tpu.memory_space<vmem>> -> memref<208x64xf32, #tpu.memory_space<vmem>>
      %dma_wait3A_2010 = arith.constant 0 : i32
      %dma_wait3A_2011 = tpu.memref_slice %arg5[%dma_wait3A_2010] : memref<13312xi32, #tpu.memory_space<vmem>> -> memref<208xi32, #tpu.memory_space<vmem>>
      %dma_wait3A_2012 = arith.constant 0 : i32
      %dma_wait3A_2013 = arith.constant 0 : i32
      %dma_wait3A_2014 = tpu.memref_slice %arg3[%dma_wait3A_2012, %dma_wait3A_2013] : memref<1000000x64xf32, #tpu.memory_space<hbm>> -> memref<1000000x64xf32, #tpu.memory_space<hbm>>
      tpu.wait_indirect_dma semaphore(%arg10 : memref<!tpu.dma_semaphore, #tpu.memory_space<semaphore_mem>>) src(%dma_wait3A_2014 : memref<1000000x64xf32, #tpu.memory_space<hbm>>) dst(%dma_wait3A_2009 : memref<208x64xf32, #tpu.memory_space<vmem>>)
      %add3A_2015 = arith.constant 3 : i32
      %add3A_2016 = arith.addi %add3A_1440, %add3A_2015 : i32
      %mul3A_2017 = arith.constant 8 : i32
      %mul3A_2018 = arith.muli %add3A_2016, %mul3A_2017 : i32
      %add3A_2019 = arith.addi %mul3A_2, %mul3A_2018 : i32
      %add3A_2020 = arith.constant 0 : i32
      %add3A_2021 = arith.addi %add3A_2019, %add3A_2020 : i32
      %dma_start3A_2022 = arith.constant 3 : i32
      %dma_start3A_2023 = arith.constant 0 : i32
      %dma_start3A_2024 = arith.constant 0 : i32
      %dma_start3A_2025 = tpu.memref_slice %arg6[%dma_start3A_2022, %dma_start3A_2023, %dma_start3A_2024] : memref<4x208x64xf32, #tpu.memory_space<vmem>> -> memref<1x26x64xf32, #tpu.memory_space<vmem>>
      %dma_start3A_2026 = tpu.memref_squeeze %dma_start3A_2025 : memref<1x26x64xf32, #tpu.memory_space<vmem>> -> memref<26x64xf32, #tpu.memory_space<vmem>>
      %dma_start3A_2027 = arith.constant 0 : i32
      %dma_start3A_2028 = arith.constant 0 : i32
      %dma_start3A_2029 = tpu.memref_slice %arg4[%add3A_2021, %dma_start3A_2027, %dma_start3A_2028] : memref<16384x32x128xf32, #tpu.memory_space<hbm>> -> memref<1x26x64xf32, #tpu.memory_space<hbm>>
      %dma_start3A_2030 = tpu.memref_squeeze %dma_start3A_2029 : memref<1x26x64xf32, #tpu.memory_space<hbm>> -> memref<26x64xf32, #tpu.memory_space<hbm>>
      %dma_start3A_2031 = arith.constant 0 : i32
      %dma_start3A_2032 = arith.constant 0 : i32
      %dma_start3A_2033 = tpu.memref_slice %arg4[%add3A_2021, %dma_start3A_2031, %dma_start3A_2032] : memref<16384x32x128xf32, #tpu.memory_space<hbm>> -> memref<1x26x64xf32, #tpu.memory_space<hbm>>
      %dma_start3A_2034 = tpu.memref_squeeze %dma_start3A_2033 : memref<1x26x64xf32, #tpu.memory_space<hbm>> -> memref<26x64xf32, #tpu.memory_space<hbm>>
      %dma_start3A_2035 = arith.constant 0 : i32
      %dma_start3A_2036 = arith.constant 0 : i32
      %dma_start3A_2037 = tpu.memref_slice %arg6[%dma_start3A_2022, %dma_start3A_2035, %dma_start3A_2036] : memref<4x208x64xf32, #tpu.memory_space<vmem>> -> memref<1x26x64xf32, #tpu.memory_space<vmem>>
      %dma_start3A_2038 = tpu.memref_squeeze %dma_start3A_2037 : memref<1x26x64xf32, #tpu.memory_space<vmem>> -> memref<26x64xf32, #tpu.memory_space<vmem>>
      tpu.enqueue_dma source(%dma_start3A_2038 : memref<26x64xf32, #tpu.memory_space<vmem>>) target(%dma_start3A_2034 : memref<26x64xf32, #tpu.memory_space<hbm>>) target_semaphore(%arg14 : memref<!tpu.dma_semaphore, #tpu.memory_space<semaphore_mem>>)
      %mul3A_2039 = arith.constant 8 : i32
      %mul3A_2040 = arith.muli %add3A_2016, %mul3A_2039 : i32
      %add3A_2041 = arith.addi %mul3A_2, %mul3A_2040 : i32
      %add3A_2042 = arith.constant 1 : i32
      %add3A_2043 = arith.addi %add3A_2041, %add3A_2042 : i32
      %dma_start3A_2044 = arith.constant 3 : i32
      %dma_start3A_2045 = arith.constant 26 : i32
      %dma_start3A_2046 = arith.constant 0 : i32
      %dma_start3A_2047 = tpu.memref_slice %arg6[%dma_start3A_2044, %dma_start3A_2045, %dma_start3A_2046] : memref<4x208x64xf32, #tpu.memory_space<vmem>> -> memref<1x26x64xf32, #tpu.memory_space<vmem>>
      %dma_start3A_2048 = tpu.memref_squeeze %dma_start3A_2047 : memref<1x26x64xf32, #tpu.memory_space<vmem>> -> memref<26x64xf32, #tpu.memory_space<vmem>>
      %dma_start3A_2049 = arith.constant 0 : i32
      %dma_start3A_2050 = arith.constant 0 : i32
      %dma_start3A_2051 = tpu.memref_slice %arg4[%add3A_2043, %dma_start3A_2049, %dma_start3A_2050] : memref<16384x32x128xf32, #tpu.memory_space<hbm>> -> memref<1x26x64xf32, #tpu.memory_space<hbm>>
      %dma_start3A_2052 = tpu.memref_squeeze %dma_start3A_2051 : memref<1x26x64xf32, #tpu.memory_space<hbm>> -> memref<26x64xf32, #tpu.memory_space<hbm>>
      %dma_start3A_2053 = arith.constant 0 : i32
      %dma_start3A_2054 = arith.constant 0 : i32
      %dma_start3A_2055 = tpu.memref_slice %arg4[%add3A_2043, %dma_start3A_2053, %dma_start3A_2054] : memref<16384x32x128xf32, #tpu.memory_space<hbm>> -> memref<1x26x64xf32, #tpu.memory_space<hbm>>
      %dma_start3A_2056 = tpu.memref_squeeze %dma_start3A_2055 : memref<1x26x64xf32, #tpu.memory_space<hbm>> -> memref<26x64xf32, #tpu.memory_space<hbm>>
      %dma_start3A_2057 = arith.constant 26 : i32
      %dma_start3A_2058 = arith.constant 0 : i32
      %dma_start3A_2059 = tpu.memref_slice %arg6[%dma_start3A_2044, %dma_start3A_2057, %dma_start3A_2058] : memref<4x208x64xf32, #tpu.memory_space<vmem>> -> memref<1x26x64xf32, #tpu.memory_space<vmem>>
      %dma_start3A_2060 = tpu.memref_squeeze %dma_start3A_2059 : memref<1x26x64xf32, #tpu.memory_space<vmem>> -> memref<26x64xf32, #tpu.memory_space<vmem>>
      tpu.enqueue_dma source(%dma_start3A_2060 : memref<26x64xf32, #tpu.memory_space<vmem>>) target(%dma_start3A_2056 : memref<26x64xf32, #tpu.memory_space<hbm>>) target_semaphore(%arg14 : memref<!tpu.dma_semaphore, #tpu.memory_space<semaphore_mem>>)
      %mul3A_2061 = arith.constant 8 : i32
      %mul3A_2062 = arith.muli %add3A_2016, %mul3A_2061 : i32
      %add3A_2063 = arith.addi %mul3A_2, %mul3A_2062 : i32
      %add3A_2064 = arith.constant 2 : i32
      %add3A_2065 = arith.addi %add3A_2063, %add3A_2064 : i32
      %dma_start3A_2066 = arith.constant 3 : i32
      %dma_start3A_2067 = arith.constant 52 : i32
      %dma_start3A_2068 = arith.constant 0 : i32
      %dma_start3A_2069 = tpu.memref_slice %arg6[%dma_start3A_2066, %dma_start3A_2067, %dma_start3A_2068] : memref<4x208x64xf32, #tpu.memory_space<vmem>> -> memref<1x26x64xf32, #tpu.memory_space<vmem>>
      %dma_start3A_2070 = tpu.memref_squeeze %dma_start3A_2069 : memref<1x26x64xf32, #tpu.memory_space<vmem>> -> memref<26x64xf32, #tpu.memory_space<vmem>>
      %dma_start3A_2071 = arith.constant 0 : i32
      %dma_start3A_2072 = arith.constant 0 : i32
      %dma_start3A_2073 = tpu.memref_slice %arg4[%add3A_2065, %dma_start3A_2071, %dma_start3A_2072] : memref<16384x32x128xf32, #tpu.memory_space<hbm>> -> memref<1x26x64xf32, #tpu.memory_space<hbm>>
      %dma_start3A_2074 = tpu.memref_squeeze %dma_start3A_2073 : memref<1x26x64xf32, #tpu.memory_space<hbm>> -> memref<26x64xf32, #tpu.memory_space<hbm>>
      %dma_start3A_2075 = arith.constant 0 : i32
      %dma_start3A_2076 = arith.constant 0 : i32
      %dma_start3A_2077 = tpu.memref_slice %arg4[%add3A_2065, %dma_start3A_2075, %dma_start3A_2076] : memref<16384x32x128xf32, #tpu.memory_space<hbm>> -> memref<1x26x64xf32, #tpu.memory_space<hbm>>
      %dma_start3A_2078 = tpu.memref_squeeze %dma_start3A_2077 : memref<1x26x64xf32, #tpu.memory_space<hbm>> -> memref<26x64xf32, #tpu.memory_space<hbm>>
      %dma_start3A_2079 = arith.constant 52 : i32
      %dma_start3A_2080 = arith.constant 0 : i32
      %dma_start3A_2081 = tpu.memref_slice %arg6[%dma_start3A_2066, %dma_start3A_2079, %dma_start3A_2080] : memref<4x208x64xf32, #tpu.memory_space<vmem>> -> memref<1x26x64xf32, #tpu.memory_space<vmem>>
      %dma_start3A_2082 = tpu.memref_squeeze %dma_start3A_2081 : memref<1x26x64xf32, #tpu.memory_space<vmem>> -> memref<26x64xf32, #tpu.memory_space<vmem>>
      tpu.enqueue_dma source(%dma_start3A_2082 : memref<26x64xf32, #tpu.memory_space<vmem>>) target(%dma_start3A_2078 : memref<26x64xf32, #tpu.memory_space<hbm>>) target_semaphore(%arg14 : memref<!tpu.dma_semaphore, #tpu.memory_space<semaphore_mem>>)
      %mul3A_2083 = arith.constant 8 : i32
      %mul3A_2084 = arith.muli %add3A_2016, %mul3A_2083 : i32
      %add3A_2085 = arith.addi %mul3A_2, %mul3A_2084 : i32
      %add3A_2086 = arith.constant 3 : i32
      %add3A_2087 = arith.addi %add3A_2085, %add3A_2086 : i32
      %dma_start3A_2088 = arith.constant 3 : i32
      %dma_start3A_2089 = arith.constant 78 : i32
      %dma_start3A_2090 = arith.constant 0 : i32
      %dma_start3A_2091 = tpu.memref_slice %arg6[%dma_start3A_2088, %dma_start3A_2089, %dma_start3A_2090] : memref<4x208x64xf32, #tpu.memory_space<vmem>> -> memref<1x26x64xf32, #tpu.memory_space<vmem>>
      %dma_start3A_2092 = tpu.memref_squeeze %dma_start3A_2091 : memref<1x26x64xf32, #tpu.memory_space<vmem>> -> memref<26x64xf32, #tpu.memory_space<vmem>>
      %dma_start3A_2093 = arith.constant 0 : i32
      %dma_start3A_2094 = arith.constant 0 : i32
      %dma_start3A_2095 = tpu.memref_slice %arg4[%add3A_2087, %dma_start3A_2093, %dma_start3A_2094] : memref<16384x32x128xf32, #tpu.memory_space<hbm>> -> memref<1x26x64xf32, #tpu.memory_space<hbm>>
      %dma_start3A_2096 = tpu.memref_squeeze %dma_start3A_2095 : memref<1x26x64xf32, #tpu.memory_space<hbm>> -> memref<26x64xf32, #tpu.memory_space<hbm>>
      %dma_start3A_2097 = arith.constant 0 : i32
      %dma_start3A_2098 = arith.constant 0 : i32
      %dma_start3A_2099 = tpu.memref_slice %arg4[%add3A_2087, %dma_start3A_2097, %dma_start3A_2098] : memref<16384x32x128xf32, #tpu.memory_space<hbm>> -> memref<1x26x64xf32, #tpu.memory_space<hbm>>
      %dma_start3A_2100 = tpu.memref_squeeze %dma_start3A_2099 : memref<1x26x64xf32, #tpu.memory_space<hbm>> -> memref<26x64xf32, #tpu.memory_space<hbm>>
      %dma_start3A_2101 = arith.constant 78 : i32
      %dma_start3A_2102 = arith.constant 0 : i32
      %dma_start3A_2103 = tpu.memref_slice %arg6[%dma_start3A_2088, %dma_start3A_2101, %dma_start3A_2102] : memref<4x208x64xf32, #tpu.memory_space<vmem>> -> memref<1x26x64xf32, #tpu.memory_space<vmem>>
      %dma_start3A_2104 = tpu.memref_squeeze %dma_start3A_2103 : memref<1x26x64xf32, #tpu.memory_space<vmem>> -> memref<26x64xf32, #tpu.memory_space<vmem>>
      tpu.enqueue_dma source(%dma_start3A_2104 : memref<26x64xf32, #tpu.memory_space<vmem>>) target(%dma_start3A_2100 : memref<26x64xf32, #tpu.memory_space<hbm>>) target_semaphore(%arg14 : memref<!tpu.dma_semaphore, #tpu.memory_space<semaphore_mem>>)
      %mul3A_2105 = arith.constant 8 : i32
      %mul3A_2106 = arith.muli %add3A_2016, %mul3A_2105 : i32
      %add3A_2107 = arith.addi %mul3A_2, %mul3A_2106 : i32
      %add3A_2108 = arith.constant 4 : i32
      %add3A_2109 = arith.addi %add3A_2107, %add3A_2108 : i32
      %dma_start3A_2110 = arith.constant 3 : i32
      %dma_start3A_2111 = arith.constant 104 : i32
      %dma_start3A_2112 = arith.constant 0 : i32
      %dma_start3A_2113 = tpu.memref_slice %arg6[%dma_start3A_2110, %dma_start3A_2111, %dma_start3A_2112] : memref<4x208x64xf32, #tpu.memory_space<vmem>> -> memref<1x26x64xf32, #tpu.memory_space<vmem>>
      %dma_start3A_2114 = tpu.memref_squeeze %dma_start3A_2113 : memref<1x26x64xf32, #tpu.memory_space<vmem>> -> memref<26x64xf32, #tpu.memory_space<vmem>>
      %dma_start3A_2115 = arith.constant 0 : i32
      %dma_start3A_2116 = arith.constant 0 : i32
      %dma_start3A_2117 = tpu.memref_slice %arg4[%add3A_2109, %dma_start3A_2115, %dma_start3A_2116] : memref<16384x32x128xf32, #tpu.memory_space<hbm>> -> memref<1x26x64xf32, #tpu.memory_space<hbm>>
      %dma_start3A_2118 = tpu.memref_squeeze %dma_start3A_2117 : memref<1x26x64xf32, #tpu.memory_space<hbm>> -> memref<26x64xf32, #tpu.memory_space<hbm>>
      %dma_start3A_2119 = arith.constant 0 : i32
      %dma_start3A_2120 = arith.constant 0 : i32
      %dma_start3A_2121 = tpu.memref_slice %arg4[%add3A_2109, %dma_start3A_2119, %dma_start3A_2120] : memref<16384x32x128xf32, #tpu.memory_space<hbm>> -> memref<1x26x64xf32, #tpu.memory_space<hbm>>
      %dma_start3A_2122 = tpu.memref_squeeze %dma_start3A_2121 : memref<1x26x64xf32, #tpu.memory_space<hbm>> -> memref<26x64xf32, #tpu.memory_space<hbm>>
      %dma_start3A_2123 = arith.constant 104 : i32
      %dma_start3A_2124 = arith.constant 0 : i32
      %dma_start3A_2125 = tpu.memref_slice %arg6[%dma_start3A_2110, %dma_start3A_2123, %dma_start3A_2124] : memref<4x208x64xf32, #tpu.memory_space<vmem>> -> memref<1x26x64xf32, #tpu.memory_space<vmem>>
      %dma_start3A_2126 = tpu.memref_squeeze %dma_start3A_2125 : memref<1x26x64xf32, #tpu.memory_space<vmem>> -> memref<26x64xf32, #tpu.memory_space<vmem>>
      tpu.enqueue_dma source(%dma_start3A_2126 : memref<26x64xf32, #tpu.memory_space<vmem>>) target(%dma_start3A_2122 : memref<26x64xf32, #tpu.memory_space<hbm>>) target_semaphore(%arg14 : memref<!tpu.dma_semaphore, #tpu.memory_space<semaphore_mem>>)
      %mul3A_2127 = arith.constant 8 : i32
      %mul3A_2128 = arith.muli %add3A_2016, %mul3A_2127 : i32
      %add3A_2129 = arith.addi %mul3A_2, %mul3A_2128 : i32
      %add3A_2130 = arith.constant 5 : i32
      %add3A_2131 = arith.addi %add3A_2129, %add3A_2130 : i32
      %dma_start3A_2132 = arith.constant 3 : i32
      %dma_start3A_2133 = arith.constant 130 : i32
      %dma_start3A_2134 = arith.constant 0 : i32
      %dma_start3A_2135 = tpu.memref_slice %arg6[%dma_start3A_2132, %dma_start3A_2133, %dma_start3A_2134] : memref<4x208x64xf32, #tpu.memory_space<vmem>> -> memref<1x26x64xf32, #tpu.memory_space<vmem>>
      %dma_start3A_2136 = tpu.memref_squeeze %dma_start3A_2135 : memref<1x26x64xf32, #tpu.memory_space<vmem>> -> memref<26x64xf32, #tpu.memory_space<vmem>>
      %dma_start3A_2137 = arith.constant 0 : i32
      %dma_start3A_2138 = arith.constant 0 : i32
      %dma_start3A_2139 = tpu.memref_slice %arg4[%add3A_2131, %dma_start3A_2137, %dma_start3A_2138] : memref<16384x32x128xf32, #tpu.memory_space<hbm>> -> memref<1x26x64xf32, #tpu.memory_space<hbm>>
      %dma_start3A_2140 = tpu.memref_squeeze %dma_start3A_2139 : memref<1x26x64xf32, #tpu.memory_space<hbm>> -> memref<26x64xf32, #tpu.memory_space<hbm>>
      %dma_start3A_2141 = arith.constant 0 : i32
      %dma_start3A_2142 = arith.constant 0 : i32
      %dma_start3A_2143 = tpu.memref_slice %arg4[%add3A_2131, %dma_start3A_2141, %dma_start3A_2142] : memref<16384x32x128xf32, #tpu.memory_space<hbm>> -> memref<1x26x64xf32, #tpu.memory_space<hbm>>
      %dma_start3A_2144 = tpu.memref_squeeze %dma_start3A_2143 : memref<1x26x64xf32, #tpu.memory_space<hbm>> -> memref<26x64xf32, #tpu.memory_space<hbm>>
      %dma_start3A_2145 = arith.constant 130 : i32
      %dma_start3A_2146 = arith.constant 0 : i32
      %dma_start3A_2147 = tpu.memref_slice %arg6[%dma_start3A_2132, %dma_start3A_2145, %dma_start3A_2146] : memref<4x208x64xf32, #tpu.memory_space<vmem>> -> memref<1x26x64xf32, #tpu.memory_space<vmem>>
      %dma_start3A_2148 = tpu.memref_squeeze %dma_start3A_2147 : memref<1x26x64xf32, #tpu.memory_space<vmem>> -> memref<26x64xf32, #tpu.memory_space<vmem>>
      tpu.enqueue_dma source(%dma_start3A_2148 : memref<26x64xf32, #tpu.memory_space<vmem>>) target(%dma_start3A_2144 : memref<26x64xf32, #tpu.memory_space<hbm>>) target_semaphore(%arg14 : memref<!tpu.dma_semaphore, #tpu.memory_space<semaphore_mem>>)
      %mul3A_2149 = arith.constant 8 : i32
      %mul3A_2150 = arith.muli %add3A_2016, %mul3A_2149 : i32
      %add3A_2151 = arith.addi %mul3A_2, %mul3A_2150 : i32
      %add3A_2152 = arith.constant 6 : i32
      %add3A_2153 = arith.addi %add3A_2151, %add3A_2152 : i32
      %dma_start3A_2154 = arith.constant 3 : i32
      %dma_start3A_2155 = arith.constant 156 : i32
      %dma_start3A_2156 = arith.constant 0 : i32
      %dma_start3A_2157 = tpu.memref_slice %arg6[%dma_start3A_2154, %dma_start3A_2155, %dma_start3A_2156] : memref<4x208x64xf32, #tpu.memory_space<vmem>> -> memref<1x26x64xf32, #tpu.memory_space<vmem>>
      %dma_start3A_2158 = tpu.memref_squeeze %dma_start3A_2157 : memref<1x26x64xf32, #tpu.memory_space<vmem>> -> memref<26x64xf32, #tpu.memory_space<vmem>>
      %dma_start3A_2159 = arith.constant 0 : i32
      %dma_start3A_2160 = arith.constant 0 : i32
      %dma_start3A_2161 = tpu.memref_slice %arg4[%add3A_2153, %dma_start3A_2159, %dma_start3A_2160] : memref<16384x32x128xf32, #tpu.memory_space<hbm>> -> memref<1x26x64xf32, #tpu.memory_space<hbm>>
      %dma_start3A_2162 = tpu.memref_squeeze %dma_start3A_2161 : memref<1x26x64xf32, #tpu.memory_space<hbm>> -> memref<26x64xf32, #tpu.memory_space<hbm>>
      %dma_start3A_2163 = arith.constant 0 : i32
      %dma_start3A_2164 = arith.constant 0 : i32
      %dma_start3A_2165 = tpu.memref_slice %arg4[%add3A_2153, %dma_start3A_2163, %dma_start3A_2164] : memref<16384x32x128xf32, #tpu.memory_space<hbm>> -> memref<1x26x64xf32, #tpu.memory_space<hbm>>
      %dma_start3A_2166 = tpu.memref_squeeze %dma_start3A_2165 : memref<1x26x64xf32, #tpu.memory_space<hbm>> -> memref<26x64xf32, #tpu.memory_space<hbm>>
      %dma_start3A_2167 = arith.constant 156 : i32
      %dma_start3A_2168 = arith.constant 0 : i32
      %dma_start3A_2169 = tpu.memref_slice %arg6[%dma_start3A_2154, %dma_start3A_2167, %dma_start3A_2168] : memref<4x208x64xf32, #tpu.memory_space<vmem>> -> memref<1x26x64xf32, #tpu.memory_space<vmem>>
      %dma_start3A_2170 = tpu.memref_squeeze %dma_start3A_2169 : memref<1x26x64xf32, #tpu.memory_space<vmem>> -> memref<26x64xf32, #tpu.memory_space<vmem>>
      tpu.enqueue_dma source(%dma_start3A_2170 : memref<26x64xf32, #tpu.memory_space<vmem>>) target(%dma_start3A_2166 : memref<26x64xf32, #tpu.memory_space<hbm>>) target_semaphore(%arg14 : memref<!tpu.dma_semaphore, #tpu.memory_space<semaphore_mem>>)
      %mul3A_2171 = arith.constant 8 : i32
      %mul3A_2172 = arith.muli %add3A_2016, %mul3A_2171 : i32
      %add3A_2173 = arith.addi %mul3A_2, %mul3A_2172 : i32
      %add3A_2174 = arith.constant 7 : i32
      %add3A_2175 = arith.addi %add3A_2173, %add3A_2174 : i32
      %dma_start3A_2176 = arith.constant 3 : i32
      %dma_start3A_2177 = arith.constant 182 : i32
      %dma_start3A_2178 = arith.constant 0 : i32
      %dma_start3A_2179 = tpu.memref_slice %arg6[%dma_start3A_2176, %dma_start3A_2177, %dma_start3A_2178] : memref<4x208x64xf32, #tpu.memory_space<vmem>> -> memref<1x26x64xf32, #tpu.memory_space<vmem>>
      %dma_start3A_2180 = tpu.memref_squeeze %dma_start3A_2179 : memref<1x26x64xf32, #tpu.memory_space<vmem>> -> memref<26x64xf32, #tpu.memory_space<vmem>>
      %dma_start3A_2181 = arith.constant 0 : i32
      %dma_start3A_2182 = arith.constant 0 : i32
      %dma_start3A_2183 = tpu.memref_slice %arg4[%add3A_2175, %dma_start3A_2181, %dma_start3A_2182] : memref<16384x32x128xf32, #tpu.memory_space<hbm>> -> memref<1x26x64xf32, #tpu.memory_space<hbm>>
      %dma_start3A_2184 = tpu.memref_squeeze %dma_start3A_2183 : memref<1x26x64xf32, #tpu.memory_space<hbm>> -> memref<26x64xf32, #tpu.memory_space<hbm>>
      %dma_start3A_2185 = arith.constant 0 : i32
      %dma_start3A_2186 = arith.constant 0 : i32
      %dma_start3A_2187 = tpu.memref_slice %arg4[%add3A_2175, %dma_start3A_2185, %dma_start3A_2186] : memref<16384x32x128xf32, #tpu.memory_space<hbm>> -> memref<1x26x64xf32, #tpu.memory_space<hbm>>
      %dma_start3A_2188 = tpu.memref_squeeze %dma_start3A_2187 : memref<1x26x64xf32, #tpu.memory_space<hbm>> -> memref<26x64xf32, #tpu.memory_space<hbm>>
      %dma_start3A_2189 = arith.constant 182 : i32
      %dma_start3A_2190 = arith.constant 0 : i32
      %dma_start3A_2191 = tpu.memref_slice %arg6[%dma_start3A_2176, %dma_start3A_2189, %dma_start3A_2190] : memref<4x208x64xf32, #tpu.memory_space<vmem>> -> memref<1x26x64xf32, #tpu.memory_space<vmem>>
      %dma_start3A_2192 = tpu.memref_squeeze %dma_start3A_2191 : memref<1x26x64xf32, #tpu.memory_space<vmem>> -> memref<26x64xf32, #tpu.memory_space<vmem>>
      tpu.enqueue_dma source(%dma_start3A_2192 : memref<26x64xf32, #tpu.memory_space<vmem>>) target(%dma_start3A_2188 : memref<26x64xf32, #tpu.memory_space<hbm>>) target_semaphore(%arg14 : memref<!tpu.dma_semaphore, #tpu.memory_space<semaphore_mem>>)
      %add3A_2193 = arith.constant 0 : i32
      %add3A_2194 = arith.addi %add3A_1440, %add3A_2193 : i32
      %mul3A_2195 = arith.constant 8 : i32
      %mul3A_2196 = arith.muli %add3A_2194, %mul3A_2195 : i32
      %add3A_2197 = arith.addi %mul3A_2, %mul3A_2196 : i32
      %add3A_2198 = arith.constant 0 : i32
      %add3A_2199 = arith.addi %add3A_2197, %add3A_2198 : i32
      %dma_wait3A_2200 = arith.constant 0 : i32
      %dma_wait3A_2201 = arith.constant 0 : i32
      %dma_wait3A_2202 = arith.constant 0 : i32
      %dma_wait3A_2203 = tpu.memref_slice %arg6[%dma_wait3A_2200, %dma_wait3A_2201, %dma_wait3A_2202] : memref<4x208x64xf32, #tpu.memory_space<vmem>> -> memref<1x26x64xf32, #tpu.memory_space<vmem>>
      %dma_wait3A_2204 = tpu.memref_squeeze %dma_wait3A_2203 : memref<1x26x64xf32, #tpu.memory_space<vmem>> -> memref<26x64xf32, #tpu.memory_space<vmem>>
      %dma_wait3A_2205 = arith.constant 0 : i32
      %dma_wait3A_2206 = arith.constant 0 : i32
      %dma_wait3A_2207 = tpu.memref_slice %arg4[%add3A_2199, %dma_wait3A_2205, %dma_wait3A_2206] : memref<16384x32x128xf32, #tpu.memory_space<hbm>> -> memref<1x26x64xf32, #tpu.memory_space<hbm>>
      %dma_wait3A_2208 = tpu.memref_squeeze %dma_wait3A_2207 : memref<1x26x64xf32, #tpu.memory_space<hbm>> -> memref<26x64xf32, #tpu.memory_space<hbm>>
      %dma_wait3A_2209 = arith.constant 0 : i32
      %dma_wait3A_2210 = arith.constant 0 : i32
      %dma_wait3A_2211 = tpu.memref_slice %arg4[%add3A_2199, %dma_wait3A_2209, %dma_wait3A_2210] : memref<16384x32x128xf32, #tpu.memory_space<hbm>> -> memref<1x26x64xf32, #tpu.memory_space<hbm>>
      %dma_wait3A_2212 = tpu.memref_squeeze %dma_wait3A_2211 : memref<1x26x64xf32, #tpu.memory_space<hbm>> -> memref<26x64xf32, #tpu.memory_space<hbm>>
      %dma_wait3A_2213 = arith.constant 0 : i32
      %dma_wait3A_2214 = arith.constant 0 : i32
      %dma_wait3A_2215 = tpu.memref_slice %arg6[%dma_wait3A_2200, %dma_wait3A_2213, %dma_wait3A_2214] : memref<4x208x64xf32, #tpu.memory_space<vmem>> -> memref<1x26x64xf32, #tpu.memory_space<vmem>>
      %dma_wait3A_2216 = tpu.memref_squeeze %dma_wait3A_2215 : memref<1x26x64xf32, #tpu.memory_space<vmem>> -> memref<26x64xf32, #tpu.memory_space<vmem>>
      tpu.wait_dma2 semaphore(%arg11 : memref<!tpu.dma_semaphore, #tpu.memory_space<semaphore_mem>>) src(%dma_wait3A_2216 : memref<26x64xf32, #tpu.memory_space<vmem>>) dst(%dma_wait3A_2212 : memref<26x64xf32, #tpu.memory_space<hbm>>)
      %mul3A_2217 = arith.constant 8 : i32
      %mul3A_2218 = arith.muli %add3A_2194, %mul3A_2217 : i32
      %add3A_2219 = arith.addi %mul3A_2, %mul3A_2218 : i32
      %add3A_2220 = arith.constant 1 : i32
      %add3A_2221 = arith.addi %add3A_2219, %add3A_2220 : i32
      %dma_wait3A_2222 = arith.constant 0 : i32
      %dma_wait3A_2223 = arith.constant 26 : i32
      %dma_wait3A_2224 = arith.constant 0 : i32
      %dma_wait3A_2225 = tpu.memref_slice %arg6[%dma_wait3A_2222, %dma_wait3A_2223, %dma_wait3A_2224] : memref<4x208x64xf32, #tpu.memory_space<vmem>> -> memref<1x26x64xf32, #tpu.memory_space<vmem>>
      %dma_wait3A_2226 = tpu.memref_squeeze %dma_wait3A_2225 : memref<1x26x64xf32, #tpu.memory_space<vmem>> -> memref<26x64xf32, #tpu.memory_space<vmem>>
      %dma_wait3A_2227 = arith.constant 0 : i32
      %dma_wait3A_2228 = arith.constant 0 : i32
      %dma_wait3A_2229 = tpu.memref_slice %arg4[%add3A_2221, %dma_wait3A_2227, %dma_wait3A_2228] : memref<16384x32x128xf32, #tpu.memory_space<hbm>> -> memref<1x26x64xf32, #tpu.memory_space<hbm>>
      %dma_wait3A_2230 = tpu.memref_squeeze %dma_wait3A_2229 : memref<1x26x64xf32, #tpu.memory_space<hbm>> -> memref<26x64xf32, #tpu.memory_space<hbm>>
      %dma_wait3A_2231 = arith.constant 0 : i32
      %dma_wait3A_2232 = arith.constant 0 : i32
      %dma_wait3A_2233 = tpu.memref_slice %arg4[%add3A_2221, %dma_wait3A_2231, %dma_wait3A_2232] : memref<16384x32x128xf32, #tpu.memory_space<hbm>> -> memref<1x26x64xf32, #tpu.memory_space<hbm>>
      %dma_wait3A_2234 = tpu.memref_squeeze %dma_wait3A_2233 : memref<1x26x64xf32, #tpu.memory_space<hbm>> -> memref<26x64xf32, #tpu.memory_space<hbm>>
      %dma_wait3A_2235 = arith.constant 26 : i32
      %dma_wait3A_2236 = arith.constant 0 : i32
      %dma_wait3A_2237 = tpu.memref_slice %arg6[%dma_wait3A_2222, %dma_wait3A_2235, %dma_wait3A_2236] : memref<4x208x64xf32, #tpu.memory_space<vmem>> -> memref<1x26x64xf32, #tpu.memory_space<vmem>>
      %dma_wait3A_2238 = tpu.memref_squeeze %dma_wait3A_2237 : memref<1x26x64xf32, #tpu.memory_space<vmem>> -> memref<26x64xf32, #tpu.memory_space<vmem>>
      tpu.wait_dma2 semaphore(%arg11 : memref<!tpu.dma_semaphore, #tpu.memory_space<semaphore_mem>>) src(%dma_wait3A_2238 : memref<26x64xf32, #tpu.memory_space<vmem>>) dst(%dma_wait3A_2234 : memref<26x64xf32, #tpu.memory_space<hbm>>)
      %mul3A_2239 = arith.constant 8 : i32
      %mul3A_2240 = arith.muli %add3A_2194, %mul3A_2239 : i32
      %add3A_2241 = arith.addi %mul3A_2, %mul3A_2240 : i32
      %add3A_2242 = arith.constant 2 : i32
      %add3A_2243 = arith.addi %add3A_2241, %add3A_2242 : i32
      %dma_wait3A_2244 = arith.constant 0 : i32
      %dma_wait3A_2245 = arith.constant 52 : i32
      %dma_wait3A_2246 = arith.constant 0 : i32
      %dma_wait3A_2247 = tpu.memref_slice %arg6[%dma_wait3A_2244, %dma_wait3A_2245, %dma_wait3A_2246] : memref<4x208x64xf32, #tpu.memory_space<vmem>> -> memref<1x26x64xf32, #tpu.memory_space<vmem>>
      %dma_wait3A_2248 = tpu.memref_squeeze %dma_wait3A_2247 : memref<1x26x64xf32, #tpu.memory_space<vmem>> -> memref<26x64xf32, #tpu.memory_space<vmem>>
      %dma_wait3A_2249 = arith.constant 0 : i32
      %dma_wait3A_2250 = arith.constant 0 : i32
      %dma_wait3A_2251 = tpu.memref_slice %arg4[%add3A_2243, %dma_wait3A_2249, %dma_wait3A_2250] : memref<16384x32x128xf32, #tpu.memory_space<hbm>> -> memref<1x26x64xf32, #tpu.memory_space<hbm>>
      %dma_wait3A_2252 = tpu.memref_squeeze %dma_wait3A_2251 : memref<1x26x64xf32, #tpu.memory_space<hbm>> -> memref<26x64xf32, #tpu.memory_space<hbm>>
      %dma_wait3A_2253 = arith.constant 0 : i32
      %dma_wait3A_2254 = arith.constant 0 : i32
      %dma_wait3A_2255 = tpu.memref_slice %arg4[%add3A_2243, %dma_wait3A_2253, %dma_wait3A_2254] : memref<16384x32x128xf32, #tpu.memory_space<hbm>> -> memref<1x26x64xf32, #tpu.memory_space<hbm>>
      %dma_wait3A_2256 = tpu.memref_squeeze %dma_wait3A_2255 : memref<1x26x64xf32, #tpu.memory_space<hbm>> -> memref<26x64xf32, #tpu.memory_space<hbm>>
      %dma_wait3A_2257 = arith.constant 52 : i32
      %dma_wait3A_2258 = arith.constant 0 : i32
      %dma_wait3A_2259 = tpu.memref_slice %arg6[%dma_wait3A_2244, %dma_wait3A_2257, %dma_wait3A_2258] : memref<4x208x64xf32, #tpu.memory_space<vmem>> -> memref<1x26x64xf32, #tpu.memory_space<vmem>>
      %dma_wait3A_2260 = tpu.memref_squeeze %dma_wait3A_2259 : memref<1x26x64xf32, #tpu.memory_space<vmem>> -> memref<26x64xf32, #tpu.memory_space<vmem>>
      tpu.wait_dma2 semaphore(%arg11 : memref<!tpu.dma_semaphore, #tpu.memory_space<semaphore_mem>>) src(%dma_wait3A_2260 : memref<26x64xf32, #tpu.memory_space<vmem>>) dst(%dma_wait3A_2256 : memref<26x64xf32, #tpu.memory_space<hbm>>)
      %mul3A_2261 = arith.constant 8 : i32
      %mul3A_2262 = arith.muli %add3A_2194, %mul3A_2261 : i32
      %add3A_2263 = arith.addi %mul3A_2, %mul3A_2262 : i32
      %add3A_2264 = arith.constant 3 : i32
      %add3A_2265 = arith.addi %add3A_2263, %add3A_2264 : i32
      %dma_wait3A_2266 = arith.constant 0 : i32
      %dma_wait3A_2267 = arith.constant 78 : i32
      %dma_wait3A_2268 = arith.constant 0 : i32
      %dma_wait3A_2269 = tpu.memref_slice %arg6[%dma_wait3A_2266, %dma_wait3A_2267, %dma_wait3A_2268] : memref<4x208x64xf32, #tpu.memory_space<vmem>> -> memref<1x26x64xf32, #tpu.memory_space<vmem>>
      %dma_wait3A_2270 = tpu.memref_squeeze %dma_wait3A_2269 : memref<1x26x64xf32, #tpu.memory_space<vmem>> -> memref<26x64xf32, #tpu.memory_space<vmem>>
      %dma_wait3A_2271 = arith.constant 0 : i32
      %dma_wait3A_2272 = arith.constant 0 : i32
      %dma_wait3A_2273 = tpu.memref_slice %arg4[%add3A_2265, %dma_wait3A_2271, %dma_wait3A_2272] : memref<16384x32x128xf32, #tpu.memory_space<hbm>> -> memref<1x26x64xf32, #tpu.memory_space<hbm>>
      %dma_wait3A_2274 = tpu.memref_squeeze %dma_wait3A_2273 : memref<1x26x64xf32, #tpu.memory_space<hbm>> -> memref<26x64xf32, #tpu.memory_space<hbm>>
      %dma_wait3A_2275 = arith.constant 0 : i32
      %dma_wait3A_2276 = arith.constant 0 : i32
      %dma_wait3A_2277 = tpu.memref_slice %arg4[%add3A_2265, %dma_wait3A_2275, %dma_wait3A_2276] : memref<16384x32x128xf32, #tpu.memory_space<hbm>> -> memref<1x26x64xf32, #tpu.memory_space<hbm>>
      %dma_wait3A_2278 = tpu.memref_squeeze %dma_wait3A_2277 : memref<1x26x64xf32, #tpu.memory_space<hbm>> -> memref<26x64xf32, #tpu.memory_space<hbm>>
      %dma_wait3A_2279 = arith.constant 78 : i32
      %dma_wait3A_2280 = arith.constant 0 : i32
      %dma_wait3A_2281 = tpu.memref_slice %arg6[%dma_wait3A_2266, %dma_wait3A_2279, %dma_wait3A_2280] : memref<4x208x64xf32, #tpu.memory_space<vmem>> -> memref<1x26x64xf32, #tpu.memory_space<vmem>>
      %dma_wait3A_2282 = tpu.memref_squeeze %dma_wait3A_2281 : memref<1x26x64xf32, #tpu.memory_space<vmem>> -> memref<26x64xf32, #tpu.memory_space<vmem>>
      tpu.wait_dma2 semaphore(%arg11 : memref<!tpu.dma_semaphore, #tpu.memory_space<semaphore_mem>>) src(%dma_wait3A_2282 : memref<26x64xf32, #tpu.memory_space<vmem>>) dst(%dma_wait3A_2278 : memref<26x64xf32, #tpu.memory_space<hbm>>)
      %mul3A_2283 = arith.constant 8 : i32
      %mul3A_2284 = arith.muli %add3A_2194, %mul3A_2283 : i32
      %add3A_2285 = arith.addi %mul3A_2, %mul3A_2284 : i32
      %add3A_2286 = arith.constant 4 : i32
      %add3A_2287 = arith.addi %add3A_2285, %add3A_2286 : i32
      %dma_wait3A_2288 = arith.constant 0 : i32
      %dma_wait3A_2289 = arith.constant 104 : i32
      %dma_wait3A_2290 = arith.constant 0 : i32
      %dma_wait3A_2291 = tpu.memref_slice %arg6[%dma_wait3A_2288, %dma_wait3A_2289, %dma_wait3A_2290] : memref<4x208x64xf32, #tpu.memory_space<vmem>> -> memref<1x26x64xf32, #tpu.memory_space<vmem>>
      %dma_wait3A_2292 = tpu.memref_squeeze %dma_wait3A_2291 : memref<1x26x64xf32, #tpu.memory_space<vmem>> -> memref<26x64xf32, #tpu.memory_space<vmem>>
      %dma_wait3A_2293 = arith.constant 0 : i32
      %dma_wait3A_2294 = arith.constant 0 : i32
      %dma_wait3A_2295 = tpu.memref_slice %arg4[%add3A_2287, %dma_wait3A_2293, %dma_wait3A_2294] : memref<16384x32x128xf32, #tpu.memory_space<hbm>> -> memref<1x26x64xf32, #tpu.memory_space<hbm>>
      %dma_wait3A_2296 = tpu.memref_squeeze %dma_wait3A_2295 : memref<1x26x64xf32, #tpu.memory_space<hbm>> -> memref<26x64xf32, #tpu.memory_space<hbm>>
      %dma_wait3A_2297 = arith.constant 0 : i32
      %dma_wait3A_2298 = arith.constant 0 : i32
      %dma_wait3A_2299 = tpu.memref_slice %arg4[%add3A_2287, %dma_wait3A_2297, %dma_wait3A_2298] : memref<16384x32x128xf32, #tpu.memory_space<hbm>> -> memref<1x26x64xf32, #tpu.memory_space<hbm>>
      %dma_wait3A_2300 = tpu.memref_squeeze %dma_wait3A_2299 : memref<1x26x64xf32, #tpu.memory_space<hbm>> -> memref<26x64xf32, #tpu.memory_space<hbm>>
      %dma_wait3A_2301 = arith.constant 104 : i32
      %dma_wait3A_2302 = arith.constant 0 : i32
      %dma_wait3A_2303 = tpu.memref_slice %arg6[%dma_wait3A_2288, %dma_wait3A_2301, %dma_wait3A_2302] : memref<4x208x64xf32, #tpu.memory_space<vmem>> -> memref<1x26x64xf32, #tpu.memory_space<vmem>>
      %dma_wait3A_2304 = tpu.memref_squeeze %dma_wait3A_2303 : memref<1x26x64xf32, #tpu.memory_space<vmem>> -> memref<26x64xf32, #tpu.memory_space<vmem>>
      tpu.wait_dma2 semaphore(%arg11 : memref<!tpu.dma_semaphore, #tpu.memory_space<semaphore_mem>>) src(%dma_wait3A_2304 : memref<26x64xf32, #tpu.memory_space<vmem>>) dst(%dma_wait3A_2300 : memref<26x64xf32, #tpu.memory_space<hbm>>)
      %mul3A_2305 = arith.constant 8 : i32
      %mul3A_2306 = arith.muli %add3A_2194, %mul3A_2305 : i32
      %add3A_2307 = arith.addi %mul3A_2, %mul3A_2306 : i32
      %add3A_2308 = arith.constant 5 : i32
      %add3A_2309 = arith.addi %add3A_2307, %add3A_2308 : i32
      %dma_wait3A_2310 = arith.constant 0 : i32
      %dma_wait3A_2311 = arith.constant 130 : i32
      %dma_wait3A_2312 = arith.constant 0 : i32
      %dma_wait3A_2313 = tpu.memref_slice %arg6[%dma_wait3A_2310, %dma_wait3A_2311, %dma_wait3A_2312] : memref<4x208x64xf32, #tpu.memory_space<vmem>> -> memref<1x26x64xf32, #tpu.memory_space<vmem>>
      %dma_wait3A_2314 = tpu.memref_squeeze %dma_wait3A_2313 : memref<1x26x64xf32, #tpu.memory_space<vmem>> -> memref<26x64xf32, #tpu.memory_space<vmem>>
      %dma_wait3A_2315 = arith.constant 0 : i32
      %dma_wait3A_2316 = arith.constant 0 : i32
      %dma_wait3A_2317 = tpu.memref_slice %arg4[%add3A_2309, %dma_wait3A_2315, %dma_wait3A_2316] : memref<16384x32x128xf32, #tpu.memory_space<hbm>> -> memref<1x26x64xf32, #tpu.memory_space<hbm>>
      %dma_wait3A_2318 = tpu.memref_squeeze %dma_wait3A_2317 : memref<1x26x64xf32, #tpu.memory_space<hbm>> -> memref<26x64xf32, #tpu.memory_space<hbm>>
      %dma_wait3A_2319 = arith.constant 0 : i32
      %dma_wait3A_2320 = arith.constant 0 : i32
      %dma_wait3A_2321 = tpu.memref_slice %arg4[%add3A_2309, %dma_wait3A_2319, %dma_wait3A_2320] : memref<16384x32x128xf32, #tpu.memory_space<hbm>> -> memref<1x26x64xf32, #tpu.memory_space<hbm>>
      %dma_wait3A_2322 = tpu.memref_squeeze %dma_wait3A_2321 : memref<1x26x64xf32, #tpu.memory_space<hbm>> -> memref<26x64xf32, #tpu.memory_space<hbm>>
      %dma_wait3A_2323 = arith.constant 130 : i32
      %dma_wait3A_2324 = arith.constant 0 : i32
      %dma_wait3A_2325 = tpu.memref_slice %arg6[%dma_wait3A_2310, %dma_wait3A_2323, %dma_wait3A_2324] : memref<4x208x64xf32, #tpu.memory_space<vmem>> -> memref<1x26x64xf32, #tpu.memory_space<vmem>>
      %dma_wait3A_2326 = tpu.memref_squeeze %dma_wait3A_2325 : memref<1x26x64xf32, #tpu.memory_space<vmem>> -> memref<26x64xf32, #tpu.memory_space<vmem>>
      tpu.wait_dma2 semaphore(%arg11 : memref<!tpu.dma_semaphore, #tpu.memory_space<semaphore_mem>>) src(%dma_wait3A_2326 : memref<26x64xf32, #tpu.memory_space<vmem>>) dst(%dma_wait3A_2322 : memref<26x64xf32, #tpu.memory_space<hbm>>)
      %mul3A_2327 = arith.constant 8 : i32
      %mul3A_2328 = arith.muli %add3A_2194, %mul3A_2327 : i32
      %add3A_2329 = arith.addi %mul3A_2, %mul3A_2328 : i32
      %add3A_2330 = arith.constant 6 : i32
      %add3A_2331 = arith.addi %add3A_2329, %add3A_2330 : i32
      %dma_wait3A_2332 = arith.constant 0 : i32
      %dma_wait3A_2333 = arith.constant 156 : i32
      %dma_wait3A_2334 = arith.constant 0 : i32
      %dma_wait3A_2335 = tpu.memref_slice %arg6[%dma_wait3A_2332, %dma_wait3A_2333, %dma_wait3A_2334] : memref<4x208x64xf32, #tpu.memory_space<vmem>> -> memref<1x26x64xf32, #tpu.memory_space<vmem>>
      %dma_wait3A_2336 = tpu.memref_squeeze %dma_wait3A_2335 : memref<1x26x64xf32, #tpu.memory_space<vmem>> -> memref<26x64xf32, #tpu.memory_space<vmem>>
      %dma_wait3A_2337 = arith.constant 0 : i32
      %dma_wait3A_2338 = arith.constant 0 : i32
      %dma_wait3A_2339 = tpu.memref_slice %arg4[%add3A_2331, %dma_wait3A_2337, %dma_wait3A_2338] : memref<16384x32x128xf32, #tpu.memory_space<hbm>> -> memref<1x26x64xf32, #tpu.memory_space<hbm>>
      %dma_wait3A_2340 = tpu.memref_squeeze %dma_wait3A_2339 : memref<1x26x64xf32, #tpu.memory_space<hbm>> -> memref<26x64xf32, #tpu.memory_space<hbm>>
      %dma_wait3A_2341 = arith.constant 0 : i32
      %dma_wait3A_2342 = arith.constant 0 : i32
      %dma_wait3A_2343 = tpu.memref_slice %arg4[%add3A_2331, %dma_wait3A_2341, %dma_wait3A_2342] : memref<16384x32x128xf32, #tpu.memory_space<hbm>> -> memref<1x26x64xf32, #tpu.memory_space<hbm>>
      %dma_wait3A_2344 = tpu.memref_squeeze %dma_wait3A_2343 : memref<1x26x64xf32, #tpu.memory_space<hbm>> -> memref<26x64xf32, #tpu.memory_space<hbm>>
      %dma_wait3A_2345 = arith.constant 156 : i32
      %dma_wait3A_2346 = arith.constant 0 : i32
      %dma_wait3A_2347 = tpu.memref_slice %arg6[%dma_wait3A_2332, %dma_wait3A_2345, %dma_wait3A_2346] : memref<4x208x64xf32, #tpu.memory_space<vmem>> -> memref<1x26x64xf32, #tpu.memory_space<vmem>>
      %dma_wait3A_2348 = tpu.memref_squeeze %dma_wait3A_2347 : memref<1x26x64xf32, #tpu.memory_space<vmem>> -> memref<26x64xf32, #tpu.memory_space<vmem>>
      tpu.wait_dma2 semaphore(%arg11 : memref<!tpu.dma_semaphore, #tpu.memory_space<semaphore_mem>>) src(%dma_wait3A_2348 : memref<26x64xf32, #tpu.memory_space<vmem>>) dst(%dma_wait3A_2344 : memref<26x64xf32, #tpu.memory_space<hbm>>)
      %mul3A_2349 = arith.constant 8 : i32
      %mul3A_2350 = arith.muli %add3A_2194, %mul3A_2349 : i32
      %add3A_2351 = arith.addi %mul3A_2, %mul3A_2350 : i32
      %add3A_2352 = arith.constant 7 : i32
      %add3A_2353 = arith.addi %add3A_2351, %add3A_2352 : i32
      %dma_wait3A_2354 = arith.constant 0 : i32
      %dma_wait3A_2355 = arith.constant 182 : i32
      %dma_wait3A_2356 = arith.constant 0 : i32
      %dma_wait3A_2357 = tpu.memref_slice %arg6[%dma_wait3A_2354, %dma_wait3A_2355, %dma_wait3A_2356] : memref<4x208x64xf32, #tpu.memory_space<vmem>> -> memref<1x26x64xf32, #tpu.memory_space<vmem>>
      %dma_wait3A_2358 = tpu.memref_squeeze %dma_wait3A_2357 : memref<1x26x64xf32, #tpu.memory_space<vmem>> -> memref<26x64xf32, #tpu.memory_space<vmem>>
      %dma_wait3A_2359 = arith.constant 0 : i32
      %dma_wait3A_2360 = arith.constant 0 : i32
      %dma_wait3A_2361 = tpu.memref_slice %arg4[%add3A_2353, %dma_wait3A_2359, %dma_wait3A_2360] : memref<16384x32x128xf32, #tpu.memory_space<hbm>> -> memref<1x26x64xf32, #tpu.memory_space<hbm>>
      %dma_wait3A_2362 = tpu.memref_squeeze %dma_wait3A_2361 : memref<1x26x64xf32, #tpu.memory_space<hbm>> -> memref<26x64xf32, #tpu.memory_space<hbm>>
      %dma_wait3A_2363 = arith.constant 0 : i32
      %dma_wait3A_2364 = arith.constant 0 : i32
      %dma_wait3A_2365 = tpu.memref_slice %arg4[%add3A_2353, %dma_wait3A_2363, %dma_wait3A_2364] : memref<16384x32x128xf32, #tpu.memory_space<hbm>> -> memref<1x26x64xf32, #tpu.memory_space<hbm>>
      %dma_wait3A_2366 = tpu.memref_squeeze %dma_wait3A_2365 : memref<1x26x64xf32, #tpu.memory_space<hbm>> -> memref<26x64xf32, #tpu.memory_space<hbm>>
      %dma_wait3A_2367 = arith.constant 182 : i32
      %dma_wait3A_2368 = arith.constant 0 : i32
      %dma_wait3A_2369 = tpu.memref_slice %arg6[%dma_wait3A_2354, %dma_wait3A_2367, %dma_wait3A_2368] : memref<4x208x64xf32, #tpu.memory_space<vmem>> -> memref<1x26x64xf32, #tpu.memory_space<vmem>>
      %dma_wait3A_2370 = tpu.memref_squeeze %dma_wait3A_2369 : memref<1x26x64xf32, #tpu.memory_space<vmem>> -> memref<26x64xf32, #tpu.memory_space<vmem>>
      tpu.wait_dma2 semaphore(%arg11 : memref<!tpu.dma_semaphore, #tpu.memory_space<semaphore_mem>>) src(%dma_wait3A_2370 : memref<26x64xf32, #tpu.memory_space<vmem>>) dst(%dma_wait3A_2366 : memref<26x64xf32, #tpu.memory_space<hbm>>)
      %add3A_2371 = arith.constant 0 : i32
      %add3A_2372 = arith.addi %add3A_1440, %add3A_2371 : i32
      %add3A_2373 = arith.constant 4 : i32
      %add3A_2374 = arith.addi %add3A_2372, %add3A_2373 : i32
      %mul3A_2375 = arith.constant 208 : i32
      %mul3A_2376 = arith.muli %add3A_2374, %mul3A_2375 : i32
      %dma_start3A_2377 = arith.constant 0 : i32
      %dma_start3A_2378 = arith.constant 0 : i32
      %dma_start3A_2379 = arith.constant 0 : i32
      %dma_start3A_2380 = tpu.memref_slice %arg6[%dma_start3A_2377, %dma_start3A_2378, %dma_start3A_2379] : memref<4x208x64xf32, #tpu.memory_space<vmem>> -> memref<1x208x64xf32, #tpu.memory_space<vmem>>
      %dma_start3A_2381 = tpu.memref_squeeze %dma_start3A_2380 : memref<1x208x64xf32, #tpu.memory_space<vmem>> -> memref<208x64xf32, #tpu.memory_space<vmem>>
      %dma_start3A_2382 = tpu.memref_slice %arg5[%mul3A_2376] : memref<13312xi32, #tpu.memory_space<vmem>> -> memref<208xi32, #tpu.memory_space<vmem>>
      %dma_start3A_2383 = arith.constant 0 : i32
      %dma_start3A_2384 = arith.constant 0 : i32
      %dma_start3A_2385 = tpu.memref_slice %arg3[%dma_start3A_2383, %dma_start3A_2384] : memref<1000000x64xf32, #tpu.memory_space<hbm>> -> memref<1000000x64xf32, #tpu.memory_space<hbm>>
      tpu.enqueue_indirect_dma source(%dma_start3A_2385 : memref<1000000x64xf32, #tpu.memory_space<hbm>>) target(%dma_start3A_2381 : memref<208x64xf32, #tpu.memory_space<vmem>>) offsets(%dma_start3A_2382 : memref<208xi32, #tpu.memory_space<vmem>>) semaphore(%arg7 : memref<!tpu.dma_semaphore, #tpu.memory_space<semaphore_mem>>)
      %add3A_2386 = arith.constant 1 : i32
      %add3A_2387 = arith.addi %add3A_1440, %add3A_2386 : i32
      %mul3A_2388 = arith.constant 8 : i32
      %mul3A_2389 = arith.muli %add3A_2387, %mul3A_2388 : i32
      %add3A_2390 = arith.addi %mul3A_2, %mul3A_2389 : i32
      %add3A_2391 = arith.constant 0 : i32
      %add3A_2392 = arith.addi %add3A_2390, %add3A_2391 : i32
      %dma_wait3A_2393 = arith.constant 1 : i32
      %dma_wait3A_2394 = arith.constant 0 : i32
      %dma_wait3A_2395 = arith.constant 0 : i32
      %dma_wait3A_2396 = tpu.memref_slice %arg6[%dma_wait3A_2393, %dma_wait3A_2394, %dma_wait3A_2395] : memref<4x208x64xf32, #tpu.memory_space<vmem>> -> memref<1x26x64xf32, #tpu.memory_space<vmem>>
      %dma_wait3A_2397 = tpu.memref_squeeze %dma_wait3A_2396 : memref<1x26x64xf32, #tpu.memory_space<vmem>> -> memref<26x64xf32, #tpu.memory_space<vmem>>
      %dma_wait3A_2398 = arith.constant 0 : i32
      %dma_wait3A_2399 = arith.constant 0 : i32
      %dma_wait3A_2400 = tpu.memref_slice %arg4[%add3A_2392, %dma_wait3A_2398, %dma_wait3A_2399] : memref<16384x32x128xf32, #tpu.memory_space<hbm>> -> memref<1x26x64xf32, #tpu.memory_space<hbm>>
      %dma_wait3A_2401 = tpu.memref_squeeze %dma_wait3A_2400 : memref<1x26x64xf32, #tpu.memory_space<hbm>> -> memref<26x64xf32, #tpu.memory_space<hbm>>
      %dma_wait3A_2402 = arith.constant 0 : i32
      %dma_wait3A_2403 = arith.constant 0 : i32
      %dma_wait3A_2404 = tpu.memref_slice %arg4[%add3A_2392, %dma_wait3A_2402, %dma_wait3A_2403] : memref<16384x32x128xf32, #tpu.memory_space<hbm>> -> memref<1x26x64xf32, #tpu.memory_space<hbm>>
      %dma_wait3A_2405 = tpu.memref_squeeze %dma_wait3A_2404 : memref<1x26x64xf32, #tpu.memory_space<hbm>> -> memref<26x64xf32, #tpu.memory_space<hbm>>
      %dma_wait3A_2406 = arith.constant 0 : i32
      %dma_wait3A_2407 = arith.constant 0 : i32
      %dma_wait3A_2408 = tpu.memref_slice %arg6[%dma_wait3A_2393, %dma_wait3A_2406, %dma_wait3A_2407] : memref<4x208x64xf32, #tpu.memory_space<vmem>> -> memref<1x26x64xf32, #tpu.memory_space<vmem>>
      %dma_wait3A_2409 = tpu.memref_squeeze %dma_wait3A_2408 : memref<1x26x64xf32, #tpu.memory_space<vmem>> -> memref<26x64xf32, #tpu.memory_space<vmem>>
      tpu.wait_dma2 semaphore(%arg12 : memref<!tpu.dma_semaphore, #tpu.memory_space<semaphore_mem>>) src(%dma_wait3A_2409 : memref<26x64xf32, #tpu.memory_space<vmem>>) dst(%dma_wait3A_2405 : memref<26x64xf32, #tpu.memory_space<hbm>>)
      %mul3A_2410 = arith.constant 8 : i32
      %mul3A_2411 = arith.muli %add3A_2387, %mul3A_2410 : i32
      %add3A_2412 = arith.addi %mul3A_2, %mul3A_2411 : i32
      %add3A_2413 = arith.constant 1 : i32
      %add3A_2414 = arith.addi %add3A_2412, %add3A_2413 : i32
      %dma_wait3A_2415 = arith.constant 1 : i32
      %dma_wait3A_2416 = arith.constant 26 : i32
      %dma_wait3A_2417 = arith.constant 0 : i32
      %dma_wait3A_2418 = tpu.memref_slice %arg6[%dma_wait3A_2415, %dma_wait3A_2416, %dma_wait3A_2417] : memref<4x208x64xf32, #tpu.memory_space<vmem>> -> memref<1x26x64xf32, #tpu.memory_space<vmem>>
      %dma_wait3A_2419 = tpu.memref_squeeze %dma_wait3A_2418 : memref<1x26x64xf32, #tpu.memory_space<vmem>> -> memref<26x64xf32, #tpu.memory_space<vmem>>
      %dma_wait3A_2420 = arith.constant 0 : i32
      %dma_wait3A_2421 = arith.constant 0 : i32
      %dma_wait3A_2422 = tpu.memref_slice %arg4[%add3A_2414, %dma_wait3A_2420, %dma_wait3A_2421] : memref<16384x32x128xf32, #tpu.memory_space<hbm>> -> memref<1x26x64xf32, #tpu.memory_space<hbm>>
      %dma_wait3A_2423 = tpu.memref_squeeze %dma_wait3A_2422 : memref<1x26x64xf32, #tpu.memory_space<hbm>> -> memref<26x64xf32, #tpu.memory_space<hbm>>
      %dma_wait3A_2424 = arith.constant 0 : i32
      %dma_wait3A_2425 = arith.constant 0 : i32
      %dma_wait3A_2426 = tpu.memref_slice %arg4[%add3A_2414, %dma_wait3A_2424, %dma_wait3A_2425] : memref<16384x32x128xf32, #tpu.memory_space<hbm>> -> memref<1x26x64xf32, #tpu.memory_space<hbm>>
      %dma_wait3A_2427 = tpu.memref_squeeze %dma_wait3A_2426 : memref<1x26x64xf32, #tpu.memory_space<hbm>> -> memref<26x64xf32, #tpu.memory_space<hbm>>
      %dma_wait3A_2428 = arith.constant 26 : i32
      %dma_wait3A_2429 = arith.constant 0 : i32
      %dma_wait3A_2430 = tpu.memref_slice %arg6[%dma_wait3A_2415, %dma_wait3A_2428, %dma_wait3A_2429] : memref<4x208x64xf32, #tpu.memory_space<vmem>> -> memref<1x26x64xf32, #tpu.memory_space<vmem>>
      %dma_wait3A_2431 = tpu.memref_squeeze %dma_wait3A_2430 : memref<1x26x64xf32, #tpu.memory_space<vmem>> -> memref<26x64xf32, #tpu.memory_space<vmem>>
      tpu.wait_dma2 semaphore(%arg12 : memref<!tpu.dma_semaphore, #tpu.memory_space<semaphore_mem>>) src(%dma_wait3A_2431 : memref<26x64xf32, #tpu.memory_space<vmem>>) dst(%dma_wait3A_2427 : memref<26x64xf32, #tpu.memory_space<hbm>>)
      %mul3A_2432 = arith.constant 8 : i32
      %mul3A_2433 = arith.muli %add3A_2387, %mul3A_2432 : i32
      %add3A_2434 = arith.addi %mul3A_2, %mul3A_2433 : i32
      %add3A_2435 = arith.constant 2 : i32
      %add3A_2436 = arith.addi %add3A_2434, %add3A_2435 : i32
      %dma_wait3A_2437 = arith.constant 1 : i32
      %dma_wait3A_2438 = arith.constant 52 : i32
      %dma_wait3A_2439 = arith.constant 0 : i32
      %dma_wait3A_2440 = tpu.memref_slice %arg6[%dma_wait3A_2437, %dma_wait3A_2438, %dma_wait3A_2439] : memref<4x208x64xf32, #tpu.memory_space<vmem>> -> memref<1x26x64xf32, #tpu.memory_space<vmem>>
      %dma_wait3A_2441 = tpu.memref_squeeze %dma_wait3A_2440 : memref<1x26x64xf32, #tpu.memory_space<vmem>> -> memref<26x64xf32, #tpu.memory_space<vmem>>
      %dma_wait3A_2442 = arith.constant 0 : i32
      %dma_wait3A_2443 = arith.constant 0 : i32
      %dma_wait3A_2444 = tpu.memref_slice %arg4[%add3A_2436, %dma_wait3A_2442, %dma_wait3A_2443] : memref<16384x32x128xf32, #tpu.memory_space<hbm>> -> memref<1x26x64xf32, #tpu.memory_space<hbm>>
      %dma_wait3A_2445 = tpu.memref_squeeze %dma_wait3A_2444 : memref<1x26x64xf32, #tpu.memory_space<hbm>> -> memref<26x64xf32, #tpu.memory_space<hbm>>
      %dma_wait3A_2446 = arith.constant 0 : i32
      %dma_wait3A_2447 = arith.constant 0 : i32
      %dma_wait3A_2448 = tpu.memref_slice %arg4[%add3A_2436, %dma_wait3A_2446, %dma_wait3A_2447] : memref<16384x32x128xf32, #tpu.memory_space<hbm>> -> memref<1x26x64xf32, #tpu.memory_space<hbm>>
      %dma_wait3A_2449 = tpu.memref_squeeze %dma_wait3A_2448 : memref<1x26x64xf32, #tpu.memory_space<hbm>> -> memref<26x64xf32, #tpu.memory_space<hbm>>
      %dma_wait3A_2450 = arith.constant 52 : i32
      %dma_wait3A_2451 = arith.constant 0 : i32
      %dma_wait3A_2452 = tpu.memref_slice %arg6[%dma_wait3A_2437, %dma_wait3A_2450, %dma_wait3A_2451] : memref<4x208x64xf32, #tpu.memory_space<vmem>> -> memref<1x26x64xf32, #tpu.memory_space<vmem>>
      %dma_wait3A_2453 = tpu.memref_squeeze %dma_wait3A_2452 : memref<1x26x64xf32, #tpu.memory_space<vmem>> -> memref<26x64xf32, #tpu.memory_space<vmem>>
      tpu.wait_dma2 semaphore(%arg12 : memref<!tpu.dma_semaphore, #tpu.memory_space<semaphore_mem>>) src(%dma_wait3A_2453 : memref<26x64xf32, #tpu.memory_space<vmem>>) dst(%dma_wait3A_2449 : memref<26x64xf32, #tpu.memory_space<hbm>>)
      %mul3A_2454 = arith.constant 8 : i32
      %mul3A_2455 = arith.muli %add3A_2387, %mul3A_2454 : i32
      %add3A_2456 = arith.addi %mul3A_2, %mul3A_2455 : i32
      %add3A_2457 = arith.constant 3 : i32
      %add3A_2458 = arith.addi %add3A_2456, %add3A_2457 : i32
      %dma_wait3A_2459 = arith.constant 1 : i32
      %dma_wait3A_2460 = arith.constant 78 : i32
      %dma_wait3A_2461 = arith.constant 0 : i32
      %dma_wait3A_2462 = tpu.memref_slice %arg6[%dma_wait3A_2459, %dma_wait3A_2460, %dma_wait3A_2461] : memref<4x208x64xf32, #tpu.memory_space<vmem>> -> memref<1x26x64xf32, #tpu.memory_space<vmem>>
      %dma_wait3A_2463 = tpu.memref_squeeze %dma_wait3A_2462 : memref<1x26x64xf32, #tpu.memory_space<vmem>> -> memref<26x64xf32, #tpu.memory_space<vmem>>
      %dma_wait3A_2464 = arith.constant 0 : i32
      %dma_wait3A_2465 = arith.constant 0 : i32
      %dma_wait3A_2466 = tpu.memref_slice %arg4[%add3A_2458, %dma_wait3A_2464, %dma_wait3A_2465] : memref<16384x32x128xf32, #tpu.memory_space<hbm>> -> memref<1x26x64xf32, #tpu.memory_space<hbm>>
      %dma_wait3A_2467 = tpu.memref_squeeze %dma_wait3A_2466 : memref<1x26x64xf32, #tpu.memory_space<hbm>> -> memref<26x64xf32, #tpu.memory_space<hbm>>
      %dma_wait3A_2468 = arith.constant 0 : i32
      %dma_wait3A_2469 = arith.constant 0 : i32
      %dma_wait3A_2470 = tpu.memref_slice %arg4[%add3A_2458, %dma_wait3A_2468, %dma_wait3A_2469] : memref<16384x32x128xf32, #tpu.memory_space<hbm>> -> memref<1x26x64xf32, #tpu.memory_space<hbm>>
      %dma_wait3A_2471 = tpu.memref_squeeze %dma_wait3A_2470 : memref<1x26x64xf32, #tpu.memory_space<hbm>> -> memref<26x64xf32, #tpu.memory_space<hbm>>
      %dma_wait3A_2472 = arith.constant 78 : i32
      %dma_wait3A_2473 = arith.constant 0 : i32
      %dma_wait3A_2474 = tpu.memref_slice %arg6[%dma_wait3A_2459, %dma_wait3A_2472, %dma_wait3A_2473] : memref<4x208x64xf32, #tpu.memory_space<vmem>> -> memref<1x26x64xf32, #tpu.memory_space<vmem>>
      %dma_wait3A_2475 = tpu.memref_squeeze %dma_wait3A_2474 : memref<1x26x64xf32, #tpu.memory_space<vmem>> -> memref<26x64xf32, #tpu.memory_space<vmem>>
      tpu.wait_dma2 semaphore(%arg12 : memref<!tpu.dma_semaphore, #tpu.memory_space<semaphore_mem>>) src(%dma_wait3A_2475 : memref<26x64xf32, #tpu.memory_space<vmem>>) dst(%dma_wait3A_2471 : memref<26x64xf32, #tpu.memory_space<hbm>>)
      %mul3A_2476 = arith.constant 8 : i32
      %mul3A_2477 = arith.muli %add3A_2387, %mul3A_2476 : i32
      %add3A_2478 = arith.addi %mul3A_2, %mul3A_2477 : i32
      %add3A_2479 = arith.constant 4 : i32
      %add3A_2480 = arith.addi %add3A_2478, %add3A_2479 : i32
      %dma_wait3A_2481 = arith.constant 1 : i32
      %dma_wait3A_2482 = arith.constant 104 : i32
      %dma_wait3A_2483 = arith.constant 0 : i32
      %dma_wait3A_2484 = tpu.memref_slice %arg6[%dma_wait3A_2481, %dma_wait3A_2482, %dma_wait3A_2483] : memref<4x208x64xf32, #tpu.memory_space<vmem>> -> memref<1x26x64xf32, #tpu.memory_space<vmem>>
      %dma_wait3A_2485 = tpu.memref_squeeze %dma_wait3A_2484 : memref<1x26x64xf32, #tpu.memory_space<vmem>> -> memref<26x64xf32, #tpu.memory_space<vmem>>
      %dma_wait3A_2486 = arith.constant 0 : i32
      %dma_wait3A_2487 = arith.constant 0 : i32
      %dma_wait3A_2488 = tpu.memref_slice %arg4[%add3A_2480, %dma_wait3A_2486, %dma_wait3A_2487] : memref<16384x32x128xf32, #tpu.memory_space<hbm>> -> memref<1x26x64xf32, #tpu.memory_space<hbm>>
      %dma_wait3A_2489 = tpu.memref_squeeze %dma_wait3A_2488 : memref<1x26x64xf32, #tpu.memory_space<hbm>> -> memref<26x64xf32, #tpu.memory_space<hbm>>
      %dma_wait3A_2490 = arith.constant 0 : i32
      %dma_wait3A_2491 = arith.constant 0 : i32
      %dma_wait3A_2492 = tpu.memref_slice %arg4[%add3A_2480, %dma_wait3A_2490, %dma_wait3A_2491] : memref<16384x32x128xf32, #tpu.memory_space<hbm>> -> memref<1x26x64xf32, #tpu.memory_space<hbm>>
      %dma_wait3A_2493 = tpu.memref_squeeze %dma_wait3A_2492 : memref<1x26x64xf32, #tpu.memory_space<hbm>> -> memref<26x64xf32, #tpu.memory_space<hbm>>
      %dma_wait3A_2494 = arith.constant 104 : i32
      %dma_wait3A_2495 = arith.constant 0 : i32
      %dma_wait3A_2496 = tpu.memref_slice %arg6[%dma_wait3A_2481, %dma_wait3A_2494, %dma_wait3A_2495] : memref<4x208x64xf32, #tpu.memory_space<vmem>> -> memref<1x26x64xf32, #tpu.memory_space<vmem>>
      %dma_wait3A_2497 = tpu.memref_squeeze %dma_wait3A_2496 : memref<1x26x64xf32, #tpu.memory_space<vmem>> -> memref<26x64xf32, #tpu.memory_space<vmem>>
      tpu.wait_dma2 semaphore(%arg12 : memref<!tpu.dma_semaphore, #tpu.memory_space<semaphore_mem>>) src(%dma_wait3A_2497 : memref<26x64xf32, #tpu.memory_space<vmem>>) dst(%dma_wait3A_2493 : memref<26x64xf32, #tpu.memory_space<hbm>>)
      %mul3A_2498 = arith.constant 8 : i32
      %mul3A_2499 = arith.muli %add3A_2387, %mul3A_2498 : i32
      %add3A_2500 = arith.addi %mul3A_2, %mul3A_2499 : i32
      %add3A_2501 = arith.constant 5 : i32
      %add3A_2502 = arith.addi %add3A_2500, %add3A_2501 : i32
      %dma_wait3A_2503 = arith.constant 1 : i32
      %dma_wait3A_2504 = arith.constant 130 : i32
      %dma_wait3A_2505 = arith.constant 0 : i32
      %dma_wait3A_2506 = tpu.memref_slice %arg6[%dma_wait3A_2503, %dma_wait3A_2504, %dma_wait3A_2505] : memref<4x208x64xf32, #tpu.memory_space<vmem>> -> memref<1x26x64xf32, #tpu.memory_space<vmem>>
      %dma_wait3A_2507 = tpu.memref_squeeze %dma_wait3A_2506 : memref<1x26x64xf32, #tpu.memory_space<vmem>> -> memref<26x64xf32, #tpu.memory_space<vmem>>
      %dma_wait3A_2508 = arith.constant 0 : i32
      %dma_wait3A_2509 = arith.constant 0 : i32
      %dma_wait3A_2510 = tpu.memref_slice %arg4[%add3A_2502, %dma_wait3A_2508, %dma_wait3A_2509] : memref<16384x32x128xf32, #tpu.memory_space<hbm>> -> memref<1x26x64xf32, #tpu.memory_space<hbm>>
      %dma_wait3A_2511 = tpu.memref_squeeze %dma_wait3A_2510 : memref<1x26x64xf32, #tpu.memory_space<hbm>> -> memref<26x64xf32, #tpu.memory_space<hbm>>
      %dma_wait3A_2512 = arith.constant 0 : i32
      %dma_wait3A_2513 = arith.constant 0 : i32
      %dma_wait3A_2514 = tpu.memref_slice %arg4[%add3A_2502, %dma_wait3A_2512, %dma_wait3A_2513] : memref<16384x32x128xf32, #tpu.memory_space<hbm>> -> memref<1x26x64xf32, #tpu.memory_space<hbm>>
      %dma_wait3A_2515 = tpu.memref_squeeze %dma_wait3A_2514 : memref<1x26x64xf32, #tpu.memory_space<hbm>> -> memref<26x64xf32, #tpu.memory_space<hbm>>
      %dma_wait3A_2516 = arith.constant 130 : i32
      %dma_wait3A_2517 = arith.constant 0 : i32
      %dma_wait3A_2518 = tpu.memref_slice %arg6[%dma_wait3A_2503, %dma_wait3A_2516, %dma_wait3A_2517] : memref<4x208x64xf32, #tpu.memory_space<vmem>> -> memref<1x26x64xf32, #tpu.memory_space<vmem>>
      %dma_wait3A_2519 = tpu.memref_squeeze %dma_wait3A_2518 : memref<1x26x64xf32, #tpu.memory_space<vmem>> -> memref<26x64xf32, #tpu.memory_space<vmem>>
      tpu.wait_dma2 semaphore(%arg12 : memref<!tpu.dma_semaphore, #tpu.memory_space<semaphore_mem>>) src(%dma_wait3A_2519 : memref<26x64xf32, #tpu.memory_space<vmem>>) dst(%dma_wait3A_2515 : memref<26x64xf32, #tpu.memory_space<hbm>>)
      %mul3A_2520 = arith.constant 8 : i32
      %mul3A_2521 = arith.muli %add3A_2387, %mul3A_2520 : i32
      %add3A_2522 = arith.addi %mul3A_2, %mul3A_2521 : i32
      %add3A_2523 = arith.constant 6 : i32
      %add3A_2524 = arith.addi %add3A_2522, %add3A_2523 : i32
      %dma_wait3A_2525 = arith.constant 1 : i32
      %dma_wait3A_2526 = arith.constant 156 : i32
      %dma_wait3A_2527 = arith.constant 0 : i32
      %dma_wait3A_2528 = tpu.memref_slice %arg6[%dma_wait3A_2525, %dma_wait3A_2526, %dma_wait3A_2527] : memref<4x208x64xf32, #tpu.memory_space<vmem>> -> memref<1x26x64xf32, #tpu.memory_space<vmem>>
      %dma_wait3A_2529 = tpu.memref_squeeze %dma_wait3A_2528 : memref<1x26x64xf32, #tpu.memory_space<vmem>> -> memref<26x64xf32, #tpu.memory_space<vmem>>
      %dma_wait3A_2530 = arith.constant 0 : i32
      %dma_wait3A_2531 = arith.constant 0 : i32
      %dma_wait3A_2532 = tpu.memref_slice %arg4[%add3A_2524, %dma_wait3A_2530, %dma_wait3A_2531] : memref<16384x32x128xf32, #tpu.memory_space<hbm>> -> memref<1x26x64xf32, #tpu.memory_space<hbm>>
      %dma_wait3A_2533 = tpu.memref_squeeze %dma_wait3A_2532 : memref<1x26x64xf32, #tpu.memory_space<hbm>> -> memref<26x64xf32, #tpu.memory_space<hbm>>
      %dma_wait3A_2534 = arith.constant 0 : i32
      %dma_wait3A_2535 = arith.constant 0 : i32
      %dma_wait3A_2536 = tpu.memref_slice %arg4[%add3A_2524, %dma_wait3A_2534, %dma_wait3A_2535] : memref<16384x32x128xf32, #tpu.memory_space<hbm>> -> memref<1x26x64xf32, #tpu.memory_space<hbm>>
      %dma_wait3A_2537 = tpu.memref_squeeze %dma_wait3A_2536 : memref<1x26x64xf32, #tpu.memory_space<hbm>> -> memref<26x64xf32, #tpu.memory_space<hbm>>
      %dma_wait3A_2538 = arith.constant 156 : i32
      %dma_wait3A_2539 = arith.constant 0 : i32
      %dma_wait3A_2540 = tpu.memref_slice %arg6[%dma_wait3A_2525, %dma_wait3A_2538, %dma_wait3A_2539] : memref<4x208x64xf32, #tpu.memory_space<vmem>> -> memref<1x26x64xf32, #tpu.memory_space<vmem>>
      %dma_wait3A_2541 = tpu.memref_squeeze %dma_wait3A_2540 : memref<1x26x64xf32, #tpu.memory_space<vmem>> -> memref<26x64xf32, #tpu.memory_space<vmem>>
      tpu.wait_dma2 semaphore(%arg12 : memref<!tpu.dma_semaphore, #tpu.memory_space<semaphore_mem>>) src(%dma_wait3A_2541 : memref<26x64xf32, #tpu.memory_space<vmem>>) dst(%dma_wait3A_2537 : memref<26x64xf32, #tpu.memory_space<hbm>>)
      %mul3A_2542 = arith.constant 8 : i32
      %mul3A_2543 = arith.muli %add3A_2387, %mul3A_2542 : i32
      %add3A_2544 = arith.addi %mul3A_2, %mul3A_2543 : i32
      %add3A_2545 = arith.constant 7 : i32
      %add3A_2546 = arith.addi %add3A_2544, %add3A_2545 : i32
      %dma_wait3A_2547 = arith.constant 1 : i32
      %dma_wait3A_2548 = arith.constant 182 : i32
      %dma_wait3A_2549 = arith.constant 0 : i32
      %dma_wait3A_2550 = tpu.memref_slice %arg6[%dma_wait3A_2547, %dma_wait3A_2548, %dma_wait3A_2549] : memref<4x208x64xf32, #tpu.memory_space<vmem>> -> memref<1x26x64xf32, #tpu.memory_space<vmem>>
      %dma_wait3A_2551 = tpu.memref_squeeze %dma_wait3A_2550 : memref<1x26x64xf32, #tpu.memory_space<vmem>> -> memref<26x64xf32, #tpu.memory_space<vmem>>
      %dma_wait3A_2552 = arith.constant 0 : i32
      %dma_wait3A_2553 = arith.constant 0 : i32
      %dma_wait3A_2554 = tpu.memref_slice %arg4[%add3A_2546, %dma_wait3A_2552, %dma_wait3A_2553] : memref<16384x32x128xf32, #tpu.memory_space<hbm>> -> memref<1x26x64xf32, #tpu.memory_space<hbm>>
      %dma_wait3A_2555 = tpu.memref_squeeze %dma_wait3A_2554 : memref<1x26x64xf32, #tpu.memory_space<hbm>> -> memref<26x64xf32, #tpu.memory_space<hbm>>
      %dma_wait3A_2556 = arith.constant 0 : i32
      %dma_wait3A_2557 = arith.constant 0 : i32
      %dma_wait3A_2558 = tpu.memref_slice %arg4[%add3A_2546, %dma_wait3A_2556, %dma_wait3A_2557] : memref<16384x32x128xf32, #tpu.memory_space<hbm>> -> memref<1x26x64xf32, #tpu.memory_space<hbm>>
      %dma_wait3A_2559 = tpu.memref_squeeze %dma_wait3A_2558 : memref<1x26x64xf32, #tpu.memory_space<hbm>> -> memref<26x64xf32, #tpu.memory_space<hbm>>
      %dma_wait3A_2560 = arith.constant 182 : i32
      %dma_wait3A_2561 = arith.constant 0 : i32
      %dma_wait3A_2562 = tpu.memref_slice %arg6[%dma_wait3A_2547, %dma_wait3A_2560, %dma_wait3A_2561] : memref<4x208x64xf32, #tpu.memory_space<vmem>> -> memref<1x26x64xf32, #tpu.memory_space<vmem>>
      %dma_wait3A_2563 = tpu.memref_squeeze %dma_wait3A_2562 : memref<1x26x64xf32, #tpu.memory_space<vmem>> -> memref<26x64xf32, #tpu.memory_space<vmem>>
      tpu.wait_dma2 semaphore(%arg12 : memref<!tpu.dma_semaphore, #tpu.memory_space<semaphore_mem>>) src(%dma_wait3A_2563 : memref<26x64xf32, #tpu.memory_space<vmem>>) dst(%dma_wait3A_2559 : memref<26x64xf32, #tpu.memory_space<hbm>>)
      %add3A_2564 = arith.constant 1 : i32
      %add3A_2565 = arith.addi %add3A_1440, %add3A_2564 : i32
      %add3A_2566 = arith.constant 4 : i32
      %add3A_2567 = arith.addi %add3A_2565, %add3A_2566 : i32
      %mul3A_2568 = arith.constant 208 : i32
      %mul3A_2569 = arith.muli %add3A_2567, %mul3A_2568 : i32
      %dma_start3A_2570 = arith.constant 1 : i32
      %dma_start3A_2571 = arith.constant 0 : i32
      %dma_start3A_2572 = arith.constant 0 : i32
      %dma_start3A_2573 = tpu.memref_slice %arg6[%dma_start3A_2570, %dma_start3A_2571, %dma_start3A_2572] : memref<4x208x64xf32, #tpu.memory_space<vmem>> -> memref<1x208x64xf32, #tpu.memory_space<vmem>>
      %dma_start3A_2574 = tpu.memref_squeeze %dma_start3A_2573 : memref<1x208x64xf32, #tpu.memory_space<vmem>> -> memref<208x64xf32, #tpu.memory_space<vmem>>
      %dma_start3A_2575 = tpu.memref_slice %arg5[%mul3A_2569] : memref<13312xi32, #tpu.memory_space<vmem>> -> memref<208xi32, #tpu.memory_space<vmem>>
      %dma_start3A_2576 = arith.constant 0 : i32
      %dma_start3A_2577 = arith.constant 0 : i32
      %dma_start3A_2578 = tpu.memref_slice %arg3[%dma_start3A_2576, %dma_start3A_2577] : memref<1000000x64xf32, #tpu.memory_space<hbm>> -> memref<1000000x64xf32, #tpu.memory_space<hbm>>
      tpu.enqueue_indirect_dma source(%dma_start3A_2578 : memref<1000000x64xf32, #tpu.memory_space<hbm>>) target(%dma_start3A_2574 : memref<208x64xf32, #tpu.memory_space<vmem>>) offsets(%dma_start3A_2575 : memref<208xi32, #tpu.memory_space<vmem>>) semaphore(%arg8 : memref<!tpu.dma_semaphore, #tpu.memory_space<semaphore_mem>>)
      %add3A_2579 = arith.constant 2 : i32
      %add3A_2580 = arith.addi %add3A_1440, %add3A_2579 : i32
      %mul3A_2581 = arith.constant 8 : i32
      %mul3A_2582 = arith.muli %add3A_2580, %mul3A_2581 : i32
      %add3A_2583 = arith.addi %mul3A_2, %mul3A_2582 : i32
      %add3A_2584 = arith.constant 0 : i32
      %add3A_2585 = arith.addi %add3A_2583, %add3A_2584 : i32
      %dma_wait3A_2586 = arith.constant 2 : i32
      %dma_wait3A_2587 = arith.constant 0 : i32
      %dma_wait3A_2588 = arith.constant 0 : i32
      %dma_wait3A_2589 = tpu.memref_slice %arg6[%dma_wait3A_2586, %dma_wait3A_2587, %dma_wait3A_2588] : memref<4x208x64xf32, #tpu.memory_space<vmem>> -> memref<1x26x64xf32, #tpu.memory_space<vmem>>
      %dma_wait3A_2590 = tpu.memref_squeeze %dma_wait3A_2589 : memref<1x26x64xf32, #tpu.memory_space<vmem>> -> memref<26x64xf32, #tpu.memory_space<vmem>>
      %dma_wait3A_2591 = arith.constant 0 : i32
      %dma_wait3A_2592 = arith.constant 0 : i32
      %dma_wait3A_2593 = tpu.memref_slice %arg4[%add3A_2585, %dma_wait3A_2591, %dma_wait3A_2592] : memref<16384x32x128xf32, #tpu.memory_space<hbm>> -> memref<1x26x64xf32, #tpu.memory_space<hbm>>
      %dma_wait3A_2594 = tpu.memref_squeeze %dma_wait3A_2593 : memref<1x26x64xf32, #tpu.memory_space<hbm>> -> memref<26x64xf32, #tpu.memory_space<hbm>>
      %dma_wait3A_2595 = arith.constant 0 : i32
      %dma_wait3A_2596 = arith.constant 0 : i32
      %dma_wait3A_2597 = tpu.memref_slice %arg4[%add3A_2585, %dma_wait3A_2595, %dma_wait3A_2596] : memref<16384x32x128xf32, #tpu.memory_space<hbm>> -> memref<1x26x64xf32, #tpu.memory_space<hbm>>
      %dma_wait3A_2598 = tpu.memref_squeeze %dma_wait3A_2597 : memref<1x26x64xf32, #tpu.memory_space<hbm>> -> memref<26x64xf32, #tpu.memory_space<hbm>>
      %dma_wait3A_2599 = arith.constant 0 : i32
      %dma_wait3A_2600 = arith.constant 0 : i32
      %dma_wait3A_2601 = tpu.memref_slice %arg6[%dma_wait3A_2586, %dma_wait3A_2599, %dma_wait3A_2600] : memref<4x208x64xf32, #tpu.memory_space<vmem>> -> memref<1x26x64xf32, #tpu.memory_space<vmem>>
      %dma_wait3A_2602 = tpu.memref_squeeze %dma_wait3A_2601 : memref<1x26x64xf32, #tpu.memory_space<vmem>> -> memref<26x64xf32, #tpu.memory_space<vmem>>
      tpu.wait_dma2 semaphore(%arg13 : memref<!tpu.dma_semaphore, #tpu.memory_space<semaphore_mem>>) src(%dma_wait3A_2602 : memref<26x64xf32, #tpu.memory_space<vmem>>) dst(%dma_wait3A_2598 : memref<26x64xf32, #tpu.memory_space<hbm>>)
      %mul3A_2603 = arith.constant 8 : i32
      %mul3A_2604 = arith.muli %add3A_2580, %mul3A_2603 : i32
      %add3A_2605 = arith.addi %mul3A_2, %mul3A_2604 : i32
      %add3A_2606 = arith.constant 1 : i32
      %add3A_2607 = arith.addi %add3A_2605, %add3A_2606 : i32
      %dma_wait3A_2608 = arith.constant 2 : i32
      %dma_wait3A_2609 = arith.constant 26 : i32
      %dma_wait3A_2610 = arith.constant 0 : i32
      %dma_wait3A_2611 = tpu.memref_slice %arg6[%dma_wait3A_2608, %dma_wait3A_2609, %dma_wait3A_2610] : memref<4x208x64xf32, #tpu.memory_space<vmem>> -> memref<1x26x64xf32, #tpu.memory_space<vmem>>
      %dma_wait3A_2612 = tpu.memref_squeeze %dma_wait3A_2611 : memref<1x26x64xf32, #tpu.memory_space<vmem>> -> memref<26x64xf32, #tpu.memory_space<vmem>>
      %dma_wait3A_2613 = arith.constant 0 : i32
      %dma_wait3A_2614 = arith.constant 0 : i32
      %dma_wait3A_2615 = tpu.memref_slice %arg4[%add3A_2607, %dma_wait3A_2613, %dma_wait3A_2614] : memref<16384x32x128xf32, #tpu.memory_space<hbm>> -> memref<1x26x64xf32, #tpu.memory_space<hbm>>
      %dma_wait3A_2616 = tpu.memref_squeeze %dma_wait3A_2615 : memref<1x26x64xf32, #tpu.memory_space<hbm>> -> memref<26x64xf32, #tpu.memory_space<hbm>>
      %dma_wait3A_2617 = arith.constant 0 : i32
      %dma_wait3A_2618 = arith.constant 0 : i32
      %dma_wait3A_2619 = tpu.memref_slice %arg4[%add3A_2607, %dma_wait3A_2617, %dma_wait3A_2618] : memref<16384x32x128xf32, #tpu.memory_space<hbm>> -> memref<1x26x64xf32, #tpu.memory_space<hbm>>
      %dma_wait3A_2620 = tpu.memref_squeeze %dma_wait3A_2619 : memref<1x26x64xf32, #tpu.memory_space<hbm>> -> memref<26x64xf32, #tpu.memory_space<hbm>>
      %dma_wait3A_2621 = arith.constant 26 : i32
      %dma_wait3A_2622 = arith.constant 0 : i32
      %dma_wait3A_2623 = tpu.memref_slice %arg6[%dma_wait3A_2608, %dma_wait3A_2621, %dma_wait3A_2622] : memref<4x208x64xf32, #tpu.memory_space<vmem>> -> memref<1x26x64xf32, #tpu.memory_space<vmem>>
      %dma_wait3A_2624 = tpu.memref_squeeze %dma_wait3A_2623 : memref<1x26x64xf32, #tpu.memory_space<vmem>> -> memref<26x64xf32, #tpu.memory_space<vmem>>
      tpu.wait_dma2 semaphore(%arg13 : memref<!tpu.dma_semaphore, #tpu.memory_space<semaphore_mem>>) src(%dma_wait3A_2624 : memref<26x64xf32, #tpu.memory_space<vmem>>) dst(%dma_wait3A_2620 : memref<26x64xf32, #tpu.memory_space<hbm>>)
      %mul3A_2625 = arith.constant 8 : i32
      %mul3A_2626 = arith.muli %add3A_2580, %mul3A_2625 : i32
      %add3A_2627 = arith.addi %mul3A_2, %mul3A_2626 : i32
      %add3A_2628 = arith.constant 2 : i32
      %add3A_2629 = arith.addi %add3A_2627, %add3A_2628 : i32
      %dma_wait3A_2630 = arith.constant 2 : i32
      %dma_wait3A_2631 = arith.constant 52 : i32
      %dma_wait3A_2632 = arith.constant 0 : i32
      %dma_wait3A_2633 = tpu.memref_slice %arg6[%dma_wait3A_2630, %dma_wait3A_2631, %dma_wait3A_2632] : memref<4x208x64xf32, #tpu.memory_space<vmem>> -> memref<1x26x64xf32, #tpu.memory_space<vmem>>
      %dma_wait3A_2634 = tpu.memref_squeeze %dma_wait3A_2633 : memref<1x26x64xf32, #tpu.memory_space<vmem>> -> memref<26x64xf32, #tpu.memory_space<vmem>>
      %dma_wait3A_2635 = arith.constant 0 : i32
      %dma_wait3A_2636 = arith.constant 0 : i32
      %dma_wait3A_2637 = tpu.memref_slice %arg4[%add3A_2629, %dma_wait3A_2635, %dma_wait3A_2636] : memref<16384x32x128xf32, #tpu.memory_space<hbm>> -> memref<1x26x64xf32, #tpu.memory_space<hbm>>
      %dma_wait3A_2638 = tpu.memref_squeeze %dma_wait3A_2637 : memref<1x26x64xf32, #tpu.memory_space<hbm>> -> memref<26x64xf32, #tpu.memory_space<hbm>>
      %dma_wait3A_2639 = arith.constant 0 : i32
      %dma_wait3A_2640 = arith.constant 0 : i32
      %dma_wait3A_2641 = tpu.memref_slice %arg4[%add3A_2629, %dma_wait3A_2639, %dma_wait3A_2640] : memref<16384x32x128xf32, #tpu.memory_space<hbm>> -> memref<1x26x64xf32, #tpu.memory_space<hbm>>
      %dma_wait3A_2642 = tpu.memref_squeeze %dma_wait3A_2641 : memref<1x26x64xf32, #tpu.memory_space<hbm>> -> memref<26x64xf32, #tpu.memory_space<hbm>>
      %dma_wait3A_2643 = arith.constant 52 : i32
      %dma_wait3A_2644 = arith.constant 0 : i32
      %dma_wait3A_2645 = tpu.memref_slice %arg6[%dma_wait3A_2630, %dma_wait3A_2643, %dma_wait3A_2644] : memref<4x208x64xf32, #tpu.memory_space<vmem>> -> memref<1x26x64xf32, #tpu.memory_space<vmem>>
      %dma_wait3A_2646 = tpu.memref_squeeze %dma_wait3A_2645 : memref<1x26x64xf32, #tpu.memory_space<vmem>> -> memref<26x64xf32, #tpu.memory_space<vmem>>
      tpu.wait_dma2 semaphore(%arg13 : memref<!tpu.dma_semaphore, #tpu.memory_space<semaphore_mem>>) src(%dma_wait3A_2646 : memref<26x64xf32, #tpu.memory_space<vmem>>) dst(%dma_wait3A_2642 : memref<26x64xf32, #tpu.memory_space<hbm>>)
      %mul3A_2647 = arith.constant 8 : i32
      %mul3A_2648 = arith.muli %add3A_2580, %mul3A_2647 : i32
      %add3A_2649 = arith.addi %mul3A_2, %mul3A_2648 : i32
      %add3A_2650 = arith.constant 3 : i32
      %add3A_2651 = arith.addi %add3A_2649, %add3A_2650 : i32
      %dma_wait3A_2652 = arith.constant 2 : i32
      %dma_wait3A_2653 = arith.constant 78 : i32
      %dma_wait3A_2654 = arith.constant 0 : i32
      %dma_wait3A_2655 = tpu.memref_slice %arg6[%dma_wait3A_2652, %dma_wait3A_2653, %dma_wait3A_2654] : memref<4x208x64xf32, #tpu.memory_space<vmem>> -> memref<1x26x64xf32, #tpu.memory_space<vmem>>
      %dma_wait3A_2656 = tpu.memref_squeeze %dma_wait3A_2655 : memref<1x26x64xf32, #tpu.memory_space<vmem>> -> memref<26x64xf32, #tpu.memory_space<vmem>>
      %dma_wait3A_2657 = arith.constant 0 : i32
      %dma_wait3A_2658 = arith.constant 0 : i32
      %dma_wait3A_2659 = tpu.memref_slice %arg4[%add3A_2651, %dma_wait3A_2657, %dma_wait3A_2658] : memref<16384x32x128xf32, #tpu.memory_space<hbm>> -> memref<1x26x64xf32, #tpu.memory_space<hbm>>
      %dma_wait3A_2660 = tpu.memref_squeeze %dma_wait3A_2659 : memref<1x26x64xf32, #tpu.memory_space<hbm>> -> memref<26x64xf32, #tpu.memory_space<hbm>>
      %dma_wait3A_2661 = arith.constant 0 : i32
      %dma_wait3A_2662 = arith.constant 0 : i32
      %dma_wait3A_2663 = tpu.memref_slice %arg4[%add3A_2651, %dma_wait3A_2661, %dma_wait3A_2662] : memref<16384x32x128xf32, #tpu.memory_space<hbm>> -> memref<1x26x64xf32, #tpu.memory_space<hbm>>
      %dma_wait3A_2664 = tpu.memref_squeeze %dma_wait3A_2663 : memref<1x26x64xf32, #tpu.memory_space<hbm>> -> memref<26x64xf32, #tpu.memory_space<hbm>>
      %dma_wait3A_2665 = arith.constant 78 : i32
      %dma_wait3A_2666 = arith.constant 0 : i32
      %dma_wait3A_2667 = tpu.memref_slice %arg6[%dma_wait3A_2652, %dma_wait3A_2665, %dma_wait3A_2666] : memref<4x208x64xf32, #tpu.memory_space<vmem>> -> memref<1x26x64xf32, #tpu.memory_space<vmem>>
      %dma_wait3A_2668 = tpu.memref_squeeze %dma_wait3A_2667 : memref<1x26x64xf32, #tpu.memory_space<vmem>> -> memref<26x64xf32, #tpu.memory_space<vmem>>
      tpu.wait_dma2 semaphore(%arg13 : memref<!tpu.dma_semaphore, #tpu.memory_space<semaphore_mem>>) src(%dma_wait3A_2668 : memref<26x64xf32, #tpu.memory_space<vmem>>) dst(%dma_wait3A_2664 : memref<26x64xf32, #tpu.memory_space<hbm>>)
      %mul3A_2669 = arith.constant 8 : i32
      %mul3A_2670 = arith.muli %add3A_2580, %mul3A_2669 : i32
      %add3A_2671 = arith.addi %mul3A_2, %mul3A_2670 : i32
      %add3A_2672 = arith.constant 4 : i32
      %add3A_2673 = arith.addi %add3A_2671, %add3A_2672 : i32
      %dma_wait3A_2674 = arith.constant 2 : i32
      %dma_wait3A_2675 = arith.constant 104 : i32
      %dma_wait3A_2676 = arith.constant 0 : i32
      %dma_wait3A_2677 = tpu.memref_slice %arg6[%dma_wait3A_2674, %dma_wait3A_2675, %dma_wait3A_2676] : memref<4x208x64xf32, #tpu.memory_space<vmem>> -> memref<1x26x64xf32, #tpu.memory_space<vmem>>
      %dma_wait3A_2678 = tpu.memref_squeeze %dma_wait3A_2677 : memref<1x26x64xf32, #tpu.memory_space<vmem>> -> memref<26x64xf32, #tpu.memory_space<vmem>>
      %dma_wait3A_2679 = arith.constant 0 : i32
      %dma_wait3A_2680 = arith.constant 0 : i32
      %dma_wait3A_2681 = tpu.memref_slice %arg4[%add3A_2673, %dma_wait3A_2679, %dma_wait3A_2680] : memref<16384x32x128xf32, #tpu.memory_space<hbm>> -> memref<1x26x64xf32, #tpu.memory_space<hbm>>
      %dma_wait3A_2682 = tpu.memref_squeeze %dma_wait3A_2681 : memref<1x26x64xf32, #tpu.memory_space<hbm>> -> memref<26x64xf32, #tpu.memory_space<hbm>>
      %dma_wait3A_2683 = arith.constant 0 : i32
      %dma_wait3A_2684 = arith.constant 0 : i32
      %dma_wait3A_2685 = tpu.memref_slice %arg4[%add3A_2673, %dma_wait3A_2683, %dma_wait3A_2684] : memref<16384x32x128xf32, #tpu.memory_space<hbm>> -> memref<1x26x64xf32, #tpu.memory_space<hbm>>
      %dma_wait3A_2686 = tpu.memref_squeeze %dma_wait3A_2685 : memref<1x26x64xf32, #tpu.memory_space<hbm>> -> memref<26x64xf32, #tpu.memory_space<hbm>>
      %dma_wait3A_2687 = arith.constant 104 : i32
      %dma_wait3A_2688 = arith.constant 0 : i32
      %dma_wait3A_2689 = tpu.memref_slice %arg6[%dma_wait3A_2674, %dma_wait3A_2687, %dma_wait3A_2688] : memref<4x208x64xf32, #tpu.memory_space<vmem>> -> memref<1x26x64xf32, #tpu.memory_space<vmem>>
      %dma_wait3A_2690 = tpu.memref_squeeze %dma_wait3A_2689 : memref<1x26x64xf32, #tpu.memory_space<vmem>> -> memref<26x64xf32, #tpu.memory_space<vmem>>
      tpu.wait_dma2 semaphore(%arg13 : memref<!tpu.dma_semaphore, #tpu.memory_space<semaphore_mem>>) src(%dma_wait3A_2690 : memref<26x64xf32, #tpu.memory_space<vmem>>) dst(%dma_wait3A_2686 : memref<26x64xf32, #tpu.memory_space<hbm>>)
      %mul3A_2691 = arith.constant 8 : i32
      %mul3A_2692 = arith.muli %add3A_2580, %mul3A_2691 : i32
      %add3A_2693 = arith.addi %mul3A_2, %mul3A_2692 : i32
      %add3A_2694 = arith.constant 5 : i32
      %add3A_2695 = arith.addi %add3A_2693, %add3A_2694 : i32
      %dma_wait3A_2696 = arith.constant 2 : i32
      %dma_wait3A_2697 = arith.constant 130 : i32
      %dma_wait3A_2698 = arith.constant 0 : i32
      %dma_wait3A_2699 = tpu.memref_slice %arg6[%dma_wait3A_2696, %dma_wait3A_2697, %dma_wait3A_2698] : memref<4x208x64xf32, #tpu.memory_space<vmem>> -> memref<1x26x64xf32, #tpu.memory_space<vmem>>
      %dma_wait3A_2700 = tpu.memref_squeeze %dma_wait3A_2699 : memref<1x26x64xf32, #tpu.memory_space<vmem>> -> memref<26x64xf32, #tpu.memory_space<vmem>>
      %dma_wait3A_2701 = arith.constant 0 : i32
      %dma_wait3A_2702 = arith.constant 0 : i32
      %dma_wait3A_2703 = tpu.memref_slice %arg4[%add3A_2695, %dma_wait3A_2701, %dma_wait3A_2702] : memref<16384x32x128xf32, #tpu.memory_space<hbm>> -> memref<1x26x64xf32, #tpu.memory_space<hbm>>
      %dma_wait3A_2704 = tpu.memref_squeeze %dma_wait3A_2703 : memref<1x26x64xf32, #tpu.memory_space<hbm>> -> memref<26x64xf32, #tpu.memory_space<hbm>>
      %dma_wait3A_2705 = arith.constant 0 : i32
      %dma_wait3A_2706 = arith.constant 0 : i32
      %dma_wait3A_2707 = tpu.memref_slice %arg4[%add3A_2695, %dma_wait3A_2705, %dma_wait3A_2706] : memref<16384x32x128xf32, #tpu.memory_space<hbm>> -> memref<1x26x64xf32, #tpu.memory_space<hbm>>
      %dma_wait3A_2708 = tpu.memref_squeeze %dma_wait3A_2707 : memref<1x26x64xf32, #tpu.memory_space<hbm>> -> memref<26x64xf32, #tpu.memory_space<hbm>>
      %dma_wait3A_2709 = arith.constant 130 : i32
      %dma_wait3A_2710 = arith.constant 0 : i32
      %dma_wait3A_2711 = tpu.memref_slice %arg6[%dma_wait3A_2696, %dma_wait3A_2709, %dma_wait3A_2710] : memref<4x208x64xf32, #tpu.memory_space<vmem>> -> memref<1x26x64xf32, #tpu.memory_space<vmem>>
      %dma_wait3A_2712 = tpu.memref_squeeze %dma_wait3A_2711 : memref<1x26x64xf32, #tpu.memory_space<vmem>> -> memref<26x64xf32, #tpu.memory_space<vmem>>
      tpu.wait_dma2 semaphore(%arg13 : memref<!tpu.dma_semaphore, #tpu.memory_space<semaphore_mem>>) src(%dma_wait3A_2712 : memref<26x64xf32, #tpu.memory_space<vmem>>) dst(%dma_wait3A_2708 : memref<26x64xf32, #tpu.memory_space<hbm>>)
      %mul3A_2713 = arith.constant 8 : i32
      %mul3A_2714 = arith.muli %add3A_2580, %mul3A_2713 : i32
      %add3A_2715 = arith.addi %mul3A_2, %mul3A_2714 : i32
      %add3A_2716 = arith.constant 6 : i32
      %add3A_2717 = arith.addi %add3A_2715, %add3A_2716 : i32
      %dma_wait3A_2718 = arith.constant 2 : i32
      %dma_wait3A_2719 = arith.constant 156 : i32
      %dma_wait3A_2720 = arith.constant 0 : i32
      %dma_wait3A_2721 = tpu.memref_slice %arg6[%dma_wait3A_2718, %dma_wait3A_2719, %dma_wait3A_2720] : memref<4x208x64xf32, #tpu.memory_space<vmem>> -> memref<1x26x64xf32, #tpu.memory_space<vmem>>
      %dma_wait3A_2722 = tpu.memref_squeeze %dma_wait3A_2721 : memref<1x26x64xf32, #tpu.memory_space<vmem>> -> memref<26x64xf32, #tpu.memory_space<vmem>>
      %dma_wait3A_2723 = arith.constant 0 : i32
      %dma_wait3A_2724 = arith.constant 0 : i32
      %dma_wait3A_2725 = tpu.memref_slice %arg4[%add3A_2717, %dma_wait3A_2723, %dma_wait3A_2724] : memref<16384x32x128xf32, #tpu.memory_space<hbm>> -> memref<1x26x64xf32, #tpu.memory_space<hbm>>
      %dma_wait3A_2726 = tpu.memref_squeeze %dma_wait3A_2725 : memref<1x26x64xf32, #tpu.memory_space<hbm>> -> memref<26x64xf32, #tpu.memory_space<hbm>>
      %dma_wait3A_2727 = arith.constant 0 : i32
      %dma_wait3A_2728 = arith.constant 0 : i32
      %dma_wait3A_2729 = tpu.memref_slice %arg4[%add3A_2717, %dma_wait3A_2727, %dma_wait3A_2728] : memref<16384x32x128xf32, #tpu.memory_space<hbm>> -> memref<1x26x64xf32, #tpu.memory_space<hbm>>
      %dma_wait3A_2730 = tpu.memref_squeeze %dma_wait3A_2729 : memref<1x26x64xf32, #tpu.memory_space<hbm>> -> memref<26x64xf32, #tpu.memory_space<hbm>>
      %dma_wait3A_2731 = arith.constant 156 : i32
      %dma_wait3A_2732 = arith.constant 0 : i32
      %dma_wait3A_2733 = tpu.memref_slice %arg6[%dma_wait3A_2718, %dma_wait3A_2731, %dma_wait3A_2732] : memref<4x208x64xf32, #tpu.memory_space<vmem>> -> memref<1x26x64xf32, #tpu.memory_space<vmem>>
      %dma_wait3A_2734 = tpu.memref_squeeze %dma_wait3A_2733 : memref<1x26x64xf32, #tpu.memory_space<vmem>> -> memref<26x64xf32, #tpu.memory_space<vmem>>
      tpu.wait_dma2 semaphore(%arg13 : memref<!tpu.dma_semaphore, #tpu.memory_space<semaphore_mem>>) src(%dma_wait3A_2734 : memref<26x64xf32, #tpu.memory_space<vmem>>) dst(%dma_wait3A_2730 : memref<26x64xf32, #tpu.memory_space<hbm>>)
      %mul3A_2735 = arith.constant 8 : i32
      %mul3A_2736 = arith.muli %add3A_2580, %mul3A_2735 : i32
      %add3A_2737 = arith.addi %mul3A_2, %mul3A_2736 : i32
      %add3A_2738 = arith.constant 7 : i32
      %add3A_2739 = arith.addi %add3A_2737, %add3A_2738 : i32
      %dma_wait3A_2740 = arith.constant 2 : i32
      %dma_wait3A_2741 = arith.constant 182 : i32
      %dma_wait3A_2742 = arith.constant 0 : i32
      %dma_wait3A_2743 = tpu.memref_slice %arg6[%dma_wait3A_2740, %dma_wait3A_2741, %dma_wait3A_2742] : memref<4x208x64xf32, #tpu.memory_space<vmem>> -> memref<1x26x64xf32, #tpu.memory_space<vmem>>
      %dma_wait3A_2744 = tpu.memref_squeeze %dma_wait3A_2743 : memref<1x26x64xf32, #tpu.memory_space<vmem>> -> memref<26x64xf32, #tpu.memory_space<vmem>>
      %dma_wait3A_2745 = arith.constant 0 : i32
      %dma_wait3A_2746 = arith.constant 0 : i32
      %dma_wait3A_2747 = tpu.memref_slice %arg4[%add3A_2739, %dma_wait3A_2745, %dma_wait3A_2746] : memref<16384x32x128xf32, #tpu.memory_space<hbm>> -> memref<1x26x64xf32, #tpu.memory_space<hbm>>
      %dma_wait3A_2748 = tpu.memref_squeeze %dma_wait3A_2747 : memref<1x26x64xf32, #tpu.memory_space<hbm>> -> memref<26x64xf32, #tpu.memory_space<hbm>>
      %dma_wait3A_2749 = arith.constant 0 : i32
      %dma_wait3A_2750 = arith.constant 0 : i32
      %dma_wait3A_2751 = tpu.memref_slice %arg4[%add3A_2739, %dma_wait3A_2749, %dma_wait3A_2750] : memref<16384x32x128xf32, #tpu.memory_space<hbm>> -> memref<1x26x64xf32, #tpu.memory_space<hbm>>
      %dma_wait3A_2752 = tpu.memref_squeeze %dma_wait3A_2751 : memref<1x26x64xf32, #tpu.memory_space<hbm>> -> memref<26x64xf32, #tpu.memory_space<hbm>>
      %dma_wait3A_2753 = arith.constant 182 : i32
      %dma_wait3A_2754 = arith.constant 0 : i32
      %dma_wait3A_2755 = tpu.memref_slice %arg6[%dma_wait3A_2740, %dma_wait3A_2753, %dma_wait3A_2754] : memref<4x208x64xf32, #tpu.memory_space<vmem>> -> memref<1x26x64xf32, #tpu.memory_space<vmem>>
      %dma_wait3A_2756 = tpu.memref_squeeze %dma_wait3A_2755 : memref<1x26x64xf32, #tpu.memory_space<vmem>> -> memref<26x64xf32, #tpu.memory_space<vmem>>
      tpu.wait_dma2 semaphore(%arg13 : memref<!tpu.dma_semaphore, #tpu.memory_space<semaphore_mem>>) src(%dma_wait3A_2756 : memref<26x64xf32, #tpu.memory_space<vmem>>) dst(%dma_wait3A_2752 : memref<26x64xf32, #tpu.memory_space<hbm>>)
      %add3A_2757 = arith.constant 2 : i32
      %add3A_2758 = arith.addi %add3A_1440, %add3A_2757 : i32
      %add3A_2759 = arith.constant 4 : i32
      %add3A_2760 = arith.addi %add3A_2758, %add3A_2759 : i32
      %mul3A_2761 = arith.constant 208 : i32
      %mul3A_2762 = arith.muli %add3A_2760, %mul3A_2761 : i32
      %dma_start3A_2763 = arith.constant 2 : i32
      %dma_start3A_2764 = arith.constant 0 : i32
      %dma_start3A_2765 = arith.constant 0 : i32
      %dma_start3A_2766 = tpu.memref_slice %arg6[%dma_start3A_2763, %dma_start3A_2764, %dma_start3A_2765] : memref<4x208x64xf32, #tpu.memory_space<vmem>> -> memref<1x208x64xf32, #tpu.memory_space<vmem>>
      %dma_start3A_2767 = tpu.memref_squeeze %dma_start3A_2766 : memref<1x208x64xf32, #tpu.memory_space<vmem>> -> memref<208x64xf32, #tpu.memory_space<vmem>>
      %dma_start3A_2768 = tpu.memref_slice %arg5[%mul3A_2762] : memref<13312xi32, #tpu.memory_space<vmem>> -> memref<208xi32, #tpu.memory_space<vmem>>
      %dma_start3A_2769 = arith.constant 0 : i32
      %dma_start3A_2770 = arith.constant 0 : i32
      %dma_start3A_2771 = tpu.memref_slice %arg3[%dma_start3A_2769, %dma_start3A_2770] : memref<1000000x64xf32, #tpu.memory_space<hbm>> -> memref<1000000x64xf32, #tpu.memory_space<hbm>>
      tpu.enqueue_indirect_dma source(%dma_start3A_2771 : memref<1000000x64xf32, #tpu.memory_space<hbm>>) target(%dma_start3A_2767 : memref<208x64xf32, #tpu.memory_space<vmem>>) offsets(%dma_start3A_2768 : memref<208xi32, #tpu.memory_space<vmem>>) semaphore(%arg9 : memref<!tpu.dma_semaphore, #tpu.memory_space<semaphore_mem>>)
      %add3A_2772 = arith.constant 3 : i32
      %add3A_2773 = arith.addi %add3A_1440, %add3A_2772 : i32
      %mul3A_2774 = arith.constant 8 : i32
      %mul3A_2775 = arith.muli %add3A_2773, %mul3A_2774 : i32
      %add3A_2776 = arith.addi %mul3A_2, %mul3A_2775 : i32
      %add3A_2777 = arith.constant 0 : i32
      %add3A_2778 = arith.addi %add3A_2776, %add3A_2777 : i32
      %dma_wait3A_2779 = arith.constant 3 : i32
      %dma_wait3A_2780 = arith.constant 0 : i32
      %dma_wait3A_2781 = arith.constant 0 : i32
      %dma_wait3A_2782 = tpu.memref_slice %arg6[%dma_wait3A_2779, %dma_wait3A_2780, %dma_wait3A_2781] : memref<4x208x64xf32, #tpu.memory_space<vmem>> -> memref<1x26x64xf32, #tpu.memory_space<vmem>>
      %dma_wait3A_2783 = tpu.memref_squeeze %dma_wait3A_2782 : memref<1x26x64xf32, #tpu.memory_space<vmem>> -> memref<26x64xf32, #tpu.memory_space<vmem>>
      %dma_wait3A_2784 = arith.constant 0 : i32
      %dma_wait3A_2785 = arith.constant 0 : i32
      %dma_wait3A_2786 = tpu.memref_slice %arg4[%add3A_2778, %dma_wait3A_2784, %dma_wait3A_2785] : memref<16384x32x128xf32, #tpu.memory_space<hbm>> -> memref<1x26x64xf32, #tpu.memory_space<hbm>>
      %dma_wait3A_2787 = tpu.memref_squeeze %dma_wait3A_2786 : memref<1x26x64xf32, #tpu.memory_space<hbm>> -> memref<26x64xf32, #tpu.memory_space<hbm>>
      %dma_wait3A_2788 = arith.constant 0 : i32
      %dma_wait3A_2789 = arith.constant 0 : i32
      %dma_wait3A_2790 = tpu.memref_slice %arg4[%add3A_2778, %dma_wait3A_2788, %dma_wait3A_2789] : memref<16384x32x128xf32, #tpu.memory_space<hbm>> -> memref<1x26x64xf32, #tpu.memory_space<hbm>>
      %dma_wait3A_2791 = tpu.memref_squeeze %dma_wait3A_2790 : memref<1x26x64xf32, #tpu.memory_space<hbm>> -> memref<26x64xf32, #tpu.memory_space<hbm>>
      %dma_wait3A_2792 = arith.constant 0 : i32
      %dma_wait3A_2793 = arith.constant 0 : i32
      %dma_wait3A_2794 = tpu.memref_slice %arg6[%dma_wait3A_2779, %dma_wait3A_2792, %dma_wait3A_2793] : memref<4x208x64xf32, #tpu.memory_space<vmem>> -> memref<1x26x64xf32, #tpu.memory_space<vmem>>
      %dma_wait3A_2795 = tpu.memref_squeeze %dma_wait3A_2794 : memref<1x26x64xf32, #tpu.memory_space<vmem>> -> memref<26x64xf32, #tpu.memory_space<vmem>>
      tpu.wait_dma2 semaphore(%arg14 : memref<!tpu.dma_semaphore, #tpu.memory_space<semaphore_mem>>) src(%dma_wait3A_2795 : memref<26x64xf32, #tpu.memory_space<vmem>>) dst(%dma_wait3A_2791 : memref<26x64xf32, #tpu.memory_space<hbm>>)
      %mul3A_2796 = arith.constant 8 : i32
      %mul3A_2797 = arith.muli %add3A_2773, %mul3A_2796 : i32
      %add3A_2798 = arith.addi %mul3A_2, %mul3A_2797 : i32
      %add3A_2799 = arith.constant 1 : i32
      %add3A_2800 = arith.addi %add3A_2798, %add3A_2799 : i32
      %dma_wait3A_2801 = arith.constant 3 : i32
      %dma_wait3A_2802 = arith.constant 26 : i32
      %dma_wait3A_2803 = arith.constant 0 : i32
      %dma_wait3A_2804 = tpu.memref_slice %arg6[%dma_wait3A_2801, %dma_wait3A_2802, %dma_wait3A_2803] : memref<4x208x64xf32, #tpu.memory_space<vmem>> -> memref<1x26x64xf32, #tpu.memory_space<vmem>>
      %dma_wait3A_2805 = tpu.memref_squeeze %dma_wait3A_2804 : memref<1x26x64xf32, #tpu.memory_space<vmem>> -> memref<26x64xf32, #tpu.memory_space<vmem>>
      %dma_wait3A_2806 = arith.constant 0 : i32
      %dma_wait3A_2807 = arith.constant 0 : i32
      %dma_wait3A_2808 = tpu.memref_slice %arg4[%add3A_2800, %dma_wait3A_2806, %dma_wait3A_2807] : memref<16384x32x128xf32, #tpu.memory_space<hbm>> -> memref<1x26x64xf32, #tpu.memory_space<hbm>>
      %dma_wait3A_2809 = tpu.memref_squeeze %dma_wait3A_2808 : memref<1x26x64xf32, #tpu.memory_space<hbm>> -> memref<26x64xf32, #tpu.memory_space<hbm>>
      %dma_wait3A_2810 = arith.constant 0 : i32
      %dma_wait3A_2811 = arith.constant 0 : i32
      %dma_wait3A_2812 = tpu.memref_slice %arg4[%add3A_2800, %dma_wait3A_2810, %dma_wait3A_2811] : memref<16384x32x128xf32, #tpu.memory_space<hbm>> -> memref<1x26x64xf32, #tpu.memory_space<hbm>>
      %dma_wait3A_2813 = tpu.memref_squeeze %dma_wait3A_2812 : memref<1x26x64xf32, #tpu.memory_space<hbm>> -> memref<26x64xf32, #tpu.memory_space<hbm>>
      %dma_wait3A_2814 = arith.constant 26 : i32
      %dma_wait3A_2815 = arith.constant 0 : i32
      %dma_wait3A_2816 = tpu.memref_slice %arg6[%dma_wait3A_2801, %dma_wait3A_2814, %dma_wait3A_2815] : memref<4x208x64xf32, #tpu.memory_space<vmem>> -> memref<1x26x64xf32, #tpu.memory_space<vmem>>
      %dma_wait3A_2817 = tpu.memref_squeeze %dma_wait3A_2816 : memref<1x26x64xf32, #tpu.memory_space<vmem>> -> memref<26x64xf32, #tpu.memory_space<vmem>>
      tpu.wait_dma2 semaphore(%arg14 : memref<!tpu.dma_semaphore, #tpu.memory_space<semaphore_mem>>) src(%dma_wait3A_2817 : memref<26x64xf32, #tpu.memory_space<vmem>>) dst(%dma_wait3A_2813 : memref<26x64xf32, #tpu.memory_space<hbm>>)
      %mul3A_2818 = arith.constant 8 : i32
      %mul3A_2819 = arith.muli %add3A_2773, %mul3A_2818 : i32
      %add3A_2820 = arith.addi %mul3A_2, %mul3A_2819 : i32
      %add3A_2821 = arith.constant 2 : i32
      %add3A_2822 = arith.addi %add3A_2820, %add3A_2821 : i32
      %dma_wait3A_2823 = arith.constant 3 : i32
      %dma_wait3A_2824 = arith.constant 52 : i32
      %dma_wait3A_2825 = arith.constant 0 : i32
      %dma_wait3A_2826 = tpu.memref_slice %arg6[%dma_wait3A_2823, %dma_wait3A_2824, %dma_wait3A_2825] : memref<4x208x64xf32, #tpu.memory_space<vmem>> -> memref<1x26x64xf32, #tpu.memory_space<vmem>>
      %dma_wait3A_2827 = tpu.memref_squeeze %dma_wait3A_2826 : memref<1x26x64xf32, #tpu.memory_space<vmem>> -> memref<26x64xf32, #tpu.memory_space<vmem>>
      %dma_wait3A_2828 = arith.constant 0 : i32
      %dma_wait3A_2829 = arith.constant 0 : i32
      %dma_wait3A_2830 = tpu.memref_slice %arg4[%add3A_2822, %dma_wait3A_2828, %dma_wait3A_2829] : memref<16384x32x128xf32, #tpu.memory_space<hbm>> -> memref<1x26x64xf32, #tpu.memory_space<hbm>>
      %dma_wait3A_2831 = tpu.memref_squeeze %dma_wait3A_2830 : memref<1x26x64xf32, #tpu.memory_space<hbm>> -> memref<26x64xf32, #tpu.memory_space<hbm>>
      %dma_wait3A_2832 = arith.constant 0 : i32
      %dma_wait3A_2833 = arith.constant 0 : i32
      %dma_wait3A_2834 = tpu.memref_slice %arg4[%add3A_2822, %dma_wait3A_2832, %dma_wait3A_2833] : memref<16384x32x128xf32, #tpu.memory_space<hbm>> -> memref<1x26x64xf32, #tpu.memory_space<hbm>>
      %dma_wait3A_2835 = tpu.memref_squeeze %dma_wait3A_2834 : memref<1x26x64xf32, #tpu.memory_space<hbm>> -> memref<26x64xf32, #tpu.memory_space<hbm>>
      %dma_wait3A_2836 = arith.constant 52 : i32
      %dma_wait3A_2837 = arith.constant 0 : i32
      %dma_wait3A_2838 = tpu.memref_slice %arg6[%dma_wait3A_2823, %dma_wait3A_2836, %dma_wait3A_2837] : memref<4x208x64xf32, #tpu.memory_space<vmem>> -> memref<1x26x64xf32, #tpu.memory_space<vmem>>
      %dma_wait3A_2839 = tpu.memref_squeeze %dma_wait3A_2838 : memref<1x26x64xf32, #tpu.memory_space<vmem>> -> memref<26x64xf32, #tpu.memory_space<vmem>>
      tpu.wait_dma2 semaphore(%arg14 : memref<!tpu.dma_semaphore, #tpu.memory_space<semaphore_mem>>) src(%dma_wait3A_2839 : memref<26x64xf32, #tpu.memory_space<vmem>>) dst(%dma_wait3A_2835 : memref<26x64xf32, #tpu.memory_space<hbm>>)
      %mul3A_2840 = arith.constant 8 : i32
      %mul3A_2841 = arith.muli %add3A_2773, %mul3A_2840 : i32
      %add3A_2842 = arith.addi %mul3A_2, %mul3A_2841 : i32
      %add3A_2843 = arith.constant 3 : i32
      %add3A_2844 = arith.addi %add3A_2842, %add3A_2843 : i32
      %dma_wait3A_2845 = arith.constant 3 : i32
      %dma_wait3A_2846 = arith.constant 78 : i32
      %dma_wait3A_2847 = arith.constant 0 : i32
      %dma_wait3A_2848 = tpu.memref_slice %arg6[%dma_wait3A_2845, %dma_wait3A_2846, %dma_wait3A_2847] : memref<4x208x64xf32, #tpu.memory_space<vmem>> -> memref<1x26x64xf32, #tpu.memory_space<vmem>>
      %dma_wait3A_2849 = tpu.memref_squeeze %dma_wait3A_2848 : memref<1x26x64xf32, #tpu.memory_space<vmem>> -> memref<26x64xf32, #tpu.memory_space<vmem>>
      %dma_wait3A_2850 = arith.constant 0 : i32
      %dma_wait3A_2851 = arith.constant 0 : i32
      %dma_wait3A_2852 = tpu.memref_slice %arg4[%add3A_2844, %dma_wait3A_2850, %dma_wait3A_2851] : memref<16384x32x128xf32, #tpu.memory_space<hbm>> -> memref<1x26x64xf32, #tpu.memory_space<hbm>>
      %dma_wait3A_2853 = tpu.memref_squeeze %dma_wait3A_2852 : memref<1x26x64xf32, #tpu.memory_space<hbm>> -> memref<26x64xf32, #tpu.memory_space<hbm>>
      %dma_wait3A_2854 = arith.constant 0 : i32
      %dma_wait3A_2855 = arith.constant 0 : i32
      %dma_wait3A_2856 = tpu.memref_slice %arg4[%add3A_2844, %dma_wait3A_2854, %dma_wait3A_2855] : memref<16384x32x128xf32, #tpu.memory_space<hbm>> -> memref<1x26x64xf32, #tpu.memory_space<hbm>>
      %dma_wait3A_2857 = tpu.memref_squeeze %dma_wait3A_2856 : memref<1x26x64xf32, #tpu.memory_space<hbm>> -> memref<26x64xf32, #tpu.memory_space<hbm>>
      %dma_wait3A_2858 = arith.constant 78 : i32
      %dma_wait3A_2859 = arith.constant 0 : i32
      %dma_wait3A_2860 = tpu.memref_slice %arg6[%dma_wait3A_2845, %dma_wait3A_2858, %dma_wait3A_2859] : memref<4x208x64xf32, #tpu.memory_space<vmem>> -> memref<1x26x64xf32, #tpu.memory_space<vmem>>
      %dma_wait3A_2861 = tpu.memref_squeeze %dma_wait3A_2860 : memref<1x26x64xf32, #tpu.memory_space<vmem>> -> memref<26x64xf32, #tpu.memory_space<vmem>>
      tpu.wait_dma2 semaphore(%arg14 : memref<!tpu.dma_semaphore, #tpu.memory_space<semaphore_mem>>) src(%dma_wait3A_2861 : memref<26x64xf32, #tpu.memory_space<vmem>>) dst(%dma_wait3A_2857 : memref<26x64xf32, #tpu.memory_space<hbm>>)
      %mul3A_2862 = arith.constant 8 : i32
      %mul3A_2863 = arith.muli %add3A_2773, %mul3A_2862 : i32
      %add3A_2864 = arith.addi %mul3A_2, %mul3A_2863 : i32
      %add3A_2865 = arith.constant 4 : i32
      %add3A_2866 = arith.addi %add3A_2864, %add3A_2865 : i32
      %dma_wait3A_2867 = arith.constant 3 : i32
      %dma_wait3A_2868 = arith.constant 104 : i32
      %dma_wait3A_2869 = arith.constant 0 : i32
      %dma_wait3A_2870 = tpu.memref_slice %arg6[%dma_wait3A_2867, %dma_wait3A_2868, %dma_wait3A_2869] : memref<4x208x64xf32, #tpu.memory_space<vmem>> -> memref<1x26x64xf32, #tpu.memory_space<vmem>>
      %dma_wait3A_2871 = tpu.memref_squeeze %dma_wait3A_2870 : memref<1x26x64xf32, #tpu.memory_space<vmem>> -> memref<26x64xf32, #tpu.memory_space<vmem>>
      %dma_wait3A_2872 = arith.constant 0 : i32
      %dma_wait3A_2873 = arith.constant 0 : i32
      %dma_wait3A_2874 = tpu.memref_slice %arg4[%add3A_2866, %dma_wait3A_2872, %dma_wait3A_2873] : memref<16384x32x128xf32, #tpu.memory_space<hbm>> -> memref<1x26x64xf32, #tpu.memory_space<hbm>>
      %dma_wait3A_2875 = tpu.memref_squeeze %dma_wait3A_2874 : memref<1x26x64xf32, #tpu.memory_space<hbm>> -> memref<26x64xf32, #tpu.memory_space<hbm>>
      %dma_wait3A_2876 = arith.constant 0 : i32
      %dma_wait3A_2877 = arith.constant 0 : i32
      %dma_wait3A_2878 = tpu.memref_slice %arg4[%add3A_2866, %dma_wait3A_2876, %dma_wait3A_2877] : memref<16384x32x128xf32, #tpu.memory_space<hbm>> -> memref<1x26x64xf32, #tpu.memory_space<hbm>>
      %dma_wait3A_2879 = tpu.memref_squeeze %dma_wait3A_2878 : memref<1x26x64xf32, #tpu.memory_space<hbm>> -> memref<26x64xf32, #tpu.memory_space<hbm>>
      %dma_wait3A_2880 = arith.constant 104 : i32
      %dma_wait3A_2881 = arith.constant 0 : i32
      %dma_wait3A_2882 = tpu.memref_slice %arg6[%dma_wait3A_2867, %dma_wait3A_2880, %dma_wait3A_2881] : memref<4x208x64xf32, #tpu.memory_space<vmem>> -> memref<1x26x64xf32, #tpu.memory_space<vmem>>
      %dma_wait3A_2883 = tpu.memref_squeeze %dma_wait3A_2882 : memref<1x26x64xf32, #tpu.memory_space<vmem>> -> memref<26x64xf32, #tpu.memory_space<vmem>>
      tpu.wait_dma2 semaphore(%arg14 : memref<!tpu.dma_semaphore, #tpu.memory_space<semaphore_mem>>) src(%dma_wait3A_2883 : memref<26x64xf32, #tpu.memory_space<vmem>>) dst(%dma_wait3A_2879 : memref<26x64xf32, #tpu.memory_space<hbm>>)
      %mul3A_2884 = arith.constant 8 : i32
      %mul3A_2885 = arith.muli %add3A_2773, %mul3A_2884 : i32
      %add3A_2886 = arith.addi %mul3A_2, %mul3A_2885 : i32
      %add3A_2887 = arith.constant 5 : i32
      %add3A_2888 = arith.addi %add3A_2886, %add3A_2887 : i32
      %dma_wait3A_2889 = arith.constant 3 : i32
      %dma_wait3A_2890 = arith.constant 130 : i32
      %dma_wait3A_2891 = arith.constant 0 : i32
      %dma_wait3A_2892 = tpu.memref_slice %arg6[%dma_wait3A_2889, %dma_wait3A_2890, %dma_wait3A_2891] : memref<4x208x64xf32, #tpu.memory_space<vmem>> -> memref<1x26x64xf32, #tpu.memory_space<vmem>>
      %dma_wait3A_2893 = tpu.memref_squeeze %dma_wait3A_2892 : memref<1x26x64xf32, #tpu.memory_space<vmem>> -> memref<26x64xf32, #tpu.memory_space<vmem>>
      %dma_wait3A_2894 = arith.constant 0 : i32
      %dma_wait3A_2895 = arith.constant 0 : i32
      %dma_wait3A_2896 = tpu.memref_slice %arg4[%add3A_2888, %dma_wait3A_2894, %dma_wait3A_2895] : memref<16384x32x128xf32, #tpu.memory_space<hbm>> -> memref<1x26x64xf32, #tpu.memory_space<hbm>>
      %dma_wait3A_2897 = tpu.memref_squeeze %dma_wait3A_2896 : memref<1x26x64xf32, #tpu.memory_space<hbm>> -> memref<26x64xf32, #tpu.memory_space<hbm>>
      %dma_wait3A_2898 = arith.constant 0 : i32
      %dma_wait3A_2899 = arith.constant 0 : i32
      %dma_wait3A_2900 = tpu.memref_slice %arg4[%add3A_2888, %dma_wait3A_2898, %dma_wait3A_2899] : memref<16384x32x128xf32, #tpu.memory_space<hbm>> -> memref<1x26x64xf32, #tpu.memory_space<hbm>>
      %dma_wait3A_2901 = tpu.memref_squeeze %dma_wait3A_2900 : memref<1x26x64xf32, #tpu.memory_space<hbm>> -> memref<26x64xf32, #tpu.memory_space<hbm>>
      %dma_wait3A_2902 = arith.constant 130 : i32
      %dma_wait3A_2903 = arith.constant 0 : i32
      %dma_wait3A_2904 = tpu.memref_slice %arg6[%dma_wait3A_2889, %dma_wait3A_2902, %dma_wait3A_2903] : memref<4x208x64xf32, #tpu.memory_space<vmem>> -> memref<1x26x64xf32, #tpu.memory_space<vmem>>
      %dma_wait3A_2905 = tpu.memref_squeeze %dma_wait3A_2904 : memref<1x26x64xf32, #tpu.memory_space<vmem>> -> memref<26x64xf32, #tpu.memory_space<vmem>>
      tpu.wait_dma2 semaphore(%arg14 : memref<!tpu.dma_semaphore, #tpu.memory_space<semaphore_mem>>) src(%dma_wait3A_2905 : memref<26x64xf32, #tpu.memory_space<vmem>>) dst(%dma_wait3A_2901 : memref<26x64xf32, #tpu.memory_space<hbm>>)
      %mul3A_2906 = arith.constant 8 : i32
      %mul3A_2907 = arith.muli %add3A_2773, %mul3A_2906 : i32
      %add3A_2908 = arith.addi %mul3A_2, %mul3A_2907 : i32
      %add3A_2909 = arith.constant 6 : i32
      %add3A_2910 = arith.addi %add3A_2908, %add3A_2909 : i32
      %dma_wait3A_2911 = arith.constant 3 : i32
      %dma_wait3A_2912 = arith.constant 156 : i32
      %dma_wait3A_2913 = arith.constant 0 : i32
      %dma_wait3A_2914 = tpu.memref_slice %arg6[%dma_wait3A_2911, %dma_wait3A_2912, %dma_wait3A_2913] : memref<4x208x64xf32, #tpu.memory_space<vmem>> -> memref<1x26x64xf32, #tpu.memory_space<vmem>>
      %dma_wait3A_2915 = tpu.memref_squeeze %dma_wait3A_2914 : memref<1x26x64xf32, #tpu.memory_space<vmem>> -> memref<26x64xf32, #tpu.memory_space<vmem>>
      %dma_wait3A_2916 = arith.constant 0 : i32
      %dma_wait3A_2917 = arith.constant 0 : i32
      %dma_wait3A_2918 = tpu.memref_slice %arg4[%add3A_2910, %dma_wait3A_2916, %dma_wait3A_2917] : memref<16384x32x128xf32, #tpu.memory_space<hbm>> -> memref<1x26x64xf32, #tpu.memory_space<hbm>>
      %dma_wait3A_2919 = tpu.memref_squeeze %dma_wait3A_2918 : memref<1x26x64xf32, #tpu.memory_space<hbm>> -> memref<26x64xf32, #tpu.memory_space<hbm>>
      %dma_wait3A_2920 = arith.constant 0 : i32
      %dma_wait3A_2921 = arith.constant 0 : i32
      %dma_wait3A_2922 = tpu.memref_slice %arg4[%add3A_2910, %dma_wait3A_2920, %dma_wait3A_2921] : memref<16384x32x128xf32, #tpu.memory_space<hbm>> -> memref<1x26x64xf32, #tpu.memory_space<hbm>>
      %dma_wait3A_2923 = tpu.memref_squeeze %dma_wait3A_2922 : memref<1x26x64xf32, #tpu.memory_space<hbm>> -> memref<26x64xf32, #tpu.memory_space<hbm>>
      %dma_wait3A_2924 = arith.constant 156 : i32
      %dma_wait3A_2925 = arith.constant 0 : i32
      %dma_wait3A_2926 = tpu.memref_slice %arg6[%dma_wait3A_2911, %dma_wait3A_2924, %dma_wait3A_2925] : memref<4x208x64xf32, #tpu.memory_space<vmem>> -> memref<1x26x64xf32, #tpu.memory_space<vmem>>
      %dma_wait3A_2927 = tpu.memref_squeeze %dma_wait3A_2926 : memref<1x26x64xf32, #tpu.memory_space<vmem>> -> memref<26x64xf32, #tpu.memory_space<vmem>>
      tpu.wait_dma2 semaphore(%arg14 : memref<!tpu.dma_semaphore, #tpu.memory_space<semaphore_mem>>) src(%dma_wait3A_2927 : memref<26x64xf32, #tpu.memory_space<vmem>>) dst(%dma_wait3A_2923 : memref<26x64xf32, #tpu.memory_space<hbm>>)
      %mul3A_2928 = arith.constant 8 : i32
      %mul3A_2929 = arith.muli %add3A_2773, %mul3A_2928 : i32
      %add3A_2930 = arith.addi %mul3A_2, %mul3A_2929 : i32
      %add3A_2931 = arith.constant 7 : i32
      %add3A_2932 = arith.addi %add3A_2930, %add3A_2931 : i32
      %dma_wait3A_2933 = arith.constant 3 : i32
      %dma_wait3A_2934 = arith.constant 182 : i32
      %dma_wait3A_2935 = arith.constant 0 : i32
      %dma_wait3A_2936 = tpu.memref_slice %arg6[%dma_wait3A_2933, %dma_wait3A_2934, %dma_wait3A_2935] : memref<4x208x64xf32, #tpu.memory_space<vmem>> -> memref<1x26x64xf32, #tpu.memory_space<vmem>>
      %dma_wait3A_2937 = tpu.memref_squeeze %dma_wait3A_2936 : memref<1x26x64xf32, #tpu.memory_space<vmem>> -> memref<26x64xf32, #tpu.memory_space<vmem>>
      %dma_wait3A_2938 = arith.constant 0 : i32
      %dma_wait3A_2939 = arith.constant 0 : i32
      %dma_wait3A_2940 = tpu.memref_slice %arg4[%add3A_2932, %dma_wait3A_2938, %dma_wait3A_2939] : memref<16384x32x128xf32, #tpu.memory_space<hbm>> -> memref<1x26x64xf32, #tpu.memory_space<hbm>>
      %dma_wait3A_2941 = tpu.memref_squeeze %dma_wait3A_2940 : memref<1x26x64xf32, #tpu.memory_space<hbm>> -> memref<26x64xf32, #tpu.memory_space<hbm>>
      %dma_wait3A_2942 = arith.constant 0 : i32
      %dma_wait3A_2943 = arith.constant 0 : i32
      %dma_wait3A_2944 = tpu.memref_slice %arg4[%add3A_2932, %dma_wait3A_2942, %dma_wait3A_2943] : memref<16384x32x128xf32, #tpu.memory_space<hbm>> -> memref<1x26x64xf32, #tpu.memory_space<hbm>>
      %dma_wait3A_2945 = tpu.memref_squeeze %dma_wait3A_2944 : memref<1x26x64xf32, #tpu.memory_space<hbm>> -> memref<26x64xf32, #tpu.memory_space<hbm>>
      %dma_wait3A_2946 = arith.constant 182 : i32
      %dma_wait3A_2947 = arith.constant 0 : i32
      %dma_wait3A_2948 = tpu.memref_slice %arg6[%dma_wait3A_2933, %dma_wait3A_2946, %dma_wait3A_2947] : memref<4x208x64xf32, #tpu.memory_space<vmem>> -> memref<1x26x64xf32, #tpu.memory_space<vmem>>
      %dma_wait3A_2949 = tpu.memref_squeeze %dma_wait3A_2948 : memref<1x26x64xf32, #tpu.memory_space<vmem>> -> memref<26x64xf32, #tpu.memory_space<vmem>>
      tpu.wait_dma2 semaphore(%arg14 : memref<!tpu.dma_semaphore, #tpu.memory_space<semaphore_mem>>) src(%dma_wait3A_2949 : memref<26x64xf32, #tpu.memory_space<vmem>>) dst(%dma_wait3A_2945 : memref<26x64xf32, #tpu.memory_space<hbm>>)
      %add3A_2950 = arith.constant 3 : i32
      %add3A_2951 = arith.addi %add3A_1440, %add3A_2950 : i32
      %add3A_2952 = arith.constant 4 : i32
      %add3A_2953 = arith.addi %add3A_2951, %add3A_2952 : i32
      %mul3A_2954 = arith.constant 208 : i32
      %mul3A_2955 = arith.muli %add3A_2953, %mul3A_2954 : i32
      %dma_start3A_2956 = arith.constant 3 : i32
      %dma_start3A_2957 = arith.constant 0 : i32
      %dma_start3A_2958 = arith.constant 0 : i32
      %dma_start3A_2959 = tpu.memref_slice %arg6[%dma_start3A_2956, %dma_start3A_2957, %dma_start3A_2958] : memref<4x208x64xf32, #tpu.memory_space<vmem>> -> memref<1x208x64xf32, #tpu.memory_space<vmem>>
      %dma_start3A_2960 = tpu.memref_squeeze %dma_start3A_2959 : memref<1x208x64xf32, #tpu.memory_space<vmem>> -> memref<208x64xf32, #tpu.memory_space<vmem>>
      %dma_start3A_2961 = tpu.memref_slice %arg5[%mul3A_2955] : memref<13312xi32, #tpu.memory_space<vmem>> -> memref<208xi32, #tpu.memory_space<vmem>>
      %dma_start3A_2962 = arith.constant 0 : i32
      %dma_start3A_2963 = arith.constant 0 : i32
      %dma_start3A_2964 = tpu.memref_slice %arg3[%dma_start3A_2962, %dma_start3A_2963] : memref<1000000x64xf32, #tpu.memory_space<hbm>> -> memref<1000000x64xf32, #tpu.memory_space<hbm>>
      tpu.enqueue_indirect_dma source(%dma_start3A_2964 : memref<1000000x64xf32, #tpu.memory_space<hbm>>) target(%dma_start3A_2960 : memref<208x64xf32, #tpu.memory_space<vmem>>) offsets(%dma_start3A_2961 : memref<208xi32, #tpu.memory_space<vmem>>) semaphore(%arg10 : memref<!tpu.dma_semaphore, #tpu.memory_space<semaphore_mem>>)
    }
    %scan3A_52 = arith.constant 15 : i32
    %dma_wait3A = arith.constant 0 : i32
    %dma_wait3A_53 = arith.constant 0 : i32
    %dma_wait3A_54 = arith.constant 0 : i32
    %dma_wait3A_55 = tpu.memref_slice %arg6[%dma_wait3A, %dma_wait3A_53, %dma_wait3A_54] : memref<4x208x64xf32, #tpu.memory_space<vmem>> -> memref<1x208x64xf32, #tpu.memory_space<vmem>>
    %dma_wait3A_56 = tpu.memref_squeeze %dma_wait3A_55 : memref<1x208x64xf32, #tpu.memory_space<vmem>> -> memref<208x64xf32, #tpu.memory_space<vmem>>
    %dma_wait3A_57 = arith.constant 0 : i32
    %dma_wait3A_58 = tpu.memref_slice %arg5[%dma_wait3A_57] : memref<13312xi32, #tpu.memory_space<vmem>> -> memref<208xi32, #tpu.memory_space<vmem>>
    %dma_wait3A_59 = arith.constant 0 : i32
    %dma_wait3A_60 = arith.constant 0 : i32
    %dma_wait3A_61 = tpu.memref_slice %arg3[%dma_wait3A_59, %dma_wait3A_60] : memref<1000000x64xf32, #tpu.memory_space<hbm>> -> memref<1000000x64xf32, #tpu.memory_space<hbm>>
    tpu.wait_indirect_dma semaphore(%arg7 : memref<!tpu.dma_semaphore, #tpu.memory_space<semaphore_mem>>) src(%dma_wait3A_61 : memref<1000000x64xf32, #tpu.memory_space<hbm>>) dst(%dma_wait3A_56 : memref<208x64xf32, #tpu.memory_space<vmem>>)
    %add3A_62 = arith.constant 480 : i32
    %add3A_63 = arith.addi %mul3A_2, %add3A_62 : i32
    %add3A_64 = arith.constant 0 : i32
    %add3A_65 = arith.addi %add3A_63, %add3A_64 : i32
    %dma_start3A_66 = arith.constant 0 : i32
    %dma_start3A_67 = arith.constant 0 : i32
    %dma_start3A_68 = arith.constant 0 : i32
    %dma_start3A_69 = tpu.memref_slice %arg6[%dma_start3A_66, %dma_start3A_67, %dma_start3A_68] : memref<4x208x64xf32, #tpu.memory_space<vmem>> -> memref<1x26x64xf32, #tpu.memory_space<vmem>>
    %dma_start3A_70 = tpu.memref_squeeze %dma_start3A_69 : memref<1x26x64xf32, #tpu.memory_space<vmem>> -> memref<26x64xf32, #tpu.memory_space<vmem>>
    %dma_start3A_71 = arith.constant 0 : i32
    %dma_start3A_72 = arith.constant 0 : i32
    %dma_start3A_73 = tpu.memref_slice %arg4[%add3A_65, %dma_start3A_71, %dma_start3A_72] : memref<16384x32x128xf32, #tpu.memory_space<hbm>> -> memref<1x26x64xf32, #tpu.memory_space<hbm>>
    %dma_start3A_74 = tpu.memref_squeeze %dma_start3A_73 : memref<1x26x64xf32, #tpu.memory_space<hbm>> -> memref<26x64xf32, #tpu.memory_space<hbm>>
    %dma_start3A_75 = arith.constant 0 : i32
    %dma_start3A_76 = arith.constant 0 : i32
    %dma_start3A_77 = tpu.memref_slice %arg4[%add3A_65, %dma_start3A_75, %dma_start3A_76] : memref<16384x32x128xf32, #tpu.memory_space<hbm>> -> memref<1x26x64xf32, #tpu.memory_space<hbm>>
    %dma_start3A_78 = tpu.memref_squeeze %dma_start3A_77 : memref<1x26x64xf32, #tpu.memory_space<hbm>> -> memref<26x64xf32, #tpu.memory_space<hbm>>
    %dma_start3A_79 = arith.constant 0 : i32
    %dma_start3A_80 = arith.constant 0 : i32
    %dma_start3A_81 = tpu.memref_slice %arg6[%dma_start3A_66, %dma_start3A_79, %dma_start3A_80] : memref<4x208x64xf32, #tpu.memory_space<vmem>> -> memref<1x26x64xf32, #tpu.memory_space<vmem>>
    %dma_start3A_82 = tpu.memref_squeeze %dma_start3A_81 : memref<1x26x64xf32, #tpu.memory_space<vmem>> -> memref<26x64xf32, #tpu.memory_space<vmem>>
    tpu.enqueue_dma source(%dma_start3A_82 : memref<26x64xf32, #tpu.memory_space<vmem>>) target(%dma_start3A_78 : memref<26x64xf32, #tpu.memory_space<hbm>>) target_semaphore(%arg11 : memref<!tpu.dma_semaphore, #tpu.memory_space<semaphore_mem>>)
    %add3A_83 = arith.constant 480 : i32
    %add3A_84 = arith.addi %mul3A_2, %add3A_83 : i32
    %add3A_85 = arith.constant 1 : i32
    %add3A_86 = arith.addi %add3A_84, %add3A_85 : i32
    %dma_start3A_87 = arith.constant 0 : i32
    %dma_start3A_88 = arith.constant 26 : i32
    %dma_start3A_89 = arith.constant 0 : i32
    %dma_start3A_90 = tpu.memref_slice %arg6[%dma_start3A_87, %dma_start3A_88, %dma_start3A_89] : memref<4x208x64xf32, #tpu.memory_space<vmem>> -> memref<1x26x64xf32, #tpu.memory_space<vmem>>
    %dma_start3A_91 = tpu.memref_squeeze %dma_start3A_90 : memref<1x26x64xf32, #tpu.memory_space<vmem>> -> memref<26x64xf32, #tpu.memory_space<vmem>>
    %dma_start3A_92 = arith.constant 0 : i32
    %dma_start3A_93 = arith.constant 0 : i32
    %dma_start3A_94 = tpu.memref_slice %arg4[%add3A_86, %dma_start3A_92, %dma_start3A_93] : memref<16384x32x128xf32, #tpu.memory_space<hbm>> -> memref<1x26x64xf32, #tpu.memory_space<hbm>>
    %dma_start3A_95 = tpu.memref_squeeze %dma_start3A_94 : memref<1x26x64xf32, #tpu.memory_space<hbm>> -> memref<26x64xf32, #tpu.memory_space<hbm>>
    %dma_start3A_96 = arith.constant 0 : i32
    %dma_start3A_97 = arith.constant 0 : i32
    %dma_start3A_98 = tpu.memref_slice %arg4[%add3A_86, %dma_start3A_96, %dma_start3A_97] : memref<16384x32x128xf32, #tpu.memory_space<hbm>> -> memref<1x26x64xf32, #tpu.memory_space<hbm>>
    %dma_start3A_99 = tpu.memref_squeeze %dma_start3A_98 : memref<1x26x64xf32, #tpu.memory_space<hbm>> -> memref<26x64xf32, #tpu.memory_space<hbm>>
    %dma_start3A_100 = arith.constant 26 : i32
    %dma_start3A_101 = arith.constant 0 : i32
    %dma_start3A_102 = tpu.memref_slice %arg6[%dma_start3A_87, %dma_start3A_100, %dma_start3A_101] : memref<4x208x64xf32, #tpu.memory_space<vmem>> -> memref<1x26x64xf32, #tpu.memory_space<vmem>>
    %dma_start3A_103 = tpu.memref_squeeze %dma_start3A_102 : memref<1x26x64xf32, #tpu.memory_space<vmem>> -> memref<26x64xf32, #tpu.memory_space<vmem>>
    tpu.enqueue_dma source(%dma_start3A_103 : memref<26x64xf32, #tpu.memory_space<vmem>>) target(%dma_start3A_99 : memref<26x64xf32, #tpu.memory_space<hbm>>) target_semaphore(%arg11 : memref<!tpu.dma_semaphore, #tpu.memory_space<semaphore_mem>>)
    %add3A_104 = arith.constant 480 : i32
    %add3A_105 = arith.addi %mul3A_2, %add3A_104 : i32
    %add3A_106 = arith.constant 2 : i32
    %add3A_107 = arith.addi %add3A_105, %add3A_106 : i32
    %dma_start3A_108 = arith.constant 0 : i32
    %dma_start3A_109 = arith.constant 52 : i32
    %dma_start3A_110 = arith.constant 0 : i32
    %dma_start3A_111 = tpu.memref_slice %arg6[%dma_start3A_108, %dma_start3A_109, %dma_start3A_110] : memref<4x208x64xf32, #tpu.memory_space<vmem>> -> memref<1x26x64xf32, #tpu.memory_space<vmem>>
    %dma_start3A_112 = tpu.memref_squeeze %dma_start3A_111 : memref<1x26x64xf32, #tpu.memory_space<vmem>> -> memref<26x64xf32, #tpu.memory_space<vmem>>
    %dma_start3A_113 = arith.constant 0 : i32
    %dma_start3A_114 = arith.constant 0 : i32
    %dma_start3A_115 = tpu.memref_slice %arg4[%add3A_107, %dma_start3A_113, %dma_start3A_114] : memref<16384x32x128xf32, #tpu.memory_space<hbm>> -> memref<1x26x64xf32, #tpu.memory_space<hbm>>
    %dma_start3A_116 = tpu.memref_squeeze %dma_start3A_115 : memref<1x26x64xf32, #tpu.memory_space<hbm>> -> memref<26x64xf32, #tpu.memory_space<hbm>>
    %dma_start3A_117 = arith.constant 0 : i32
    %dma_start3A_118 = arith.constant 0 : i32
    %dma_start3A_119 = tpu.memref_slice %arg4[%add3A_107, %dma_start3A_117, %dma_start3A_118] : memref<16384x32x128xf32, #tpu.memory_space<hbm>> -> memref<1x26x64xf32, #tpu.memory_space<hbm>>
    %dma_start3A_120 = tpu.memref_squeeze %dma_start3A_119 : memref<1x26x64xf32, #tpu.memory_space<hbm>> -> memref<26x64xf32, #tpu.memory_space<hbm>>
    %dma_start3A_121 = arith.constant 52 : i32
    %dma_start3A_122 = arith.constant 0 : i32
    %dma_start3A_123 = tpu.memref_slice %arg6[%dma_start3A_108, %dma_start3A_121, %dma_start3A_122] : memref<4x208x64xf32, #tpu.memory_space<vmem>> -> memref<1x26x64xf32, #tpu.memory_space<vmem>>
    %dma_start3A_124 = tpu.memref_squeeze %dma_start3A_123 : memref<1x26x64xf32, #tpu.memory_space<vmem>> -> memref<26x64xf32, #tpu.memory_space<vmem>>
    tpu.enqueue_dma source(%dma_start3A_124 : memref<26x64xf32, #tpu.memory_space<vmem>>) target(%dma_start3A_120 : memref<26x64xf32, #tpu.memory_space<hbm>>) target_semaphore(%arg11 : memref<!tpu.dma_semaphore, #tpu.memory_space<semaphore_mem>>)
    %add3A_125 = arith.constant 480 : i32
    %add3A_126 = arith.addi %mul3A_2, %add3A_125 : i32
    %add3A_127 = arith.constant 3 : i32
    %add3A_128 = arith.addi %add3A_126, %add3A_127 : i32
    %dma_start3A_129 = arith.constant 0 : i32
    %dma_start3A_130 = arith.constant 78 : i32
    %dma_start3A_131 = arith.constant 0 : i32
    %dma_start3A_132 = tpu.memref_slice %arg6[%dma_start3A_129, %dma_start3A_130, %dma_start3A_131] : memref<4x208x64xf32, #tpu.memory_space<vmem>> -> memref<1x26x64xf32, #tpu.memory_space<vmem>>
    %dma_start3A_133 = tpu.memref_squeeze %dma_start3A_132 : memref<1x26x64xf32, #tpu.memory_space<vmem>> -> memref<26x64xf32, #tpu.memory_space<vmem>>
    %dma_start3A_134 = arith.constant 0 : i32
    %dma_start3A_135 = arith.constant 0 : i32
    %dma_start3A_136 = tpu.memref_slice %arg4[%add3A_128, %dma_start3A_134, %dma_start3A_135] : memref<16384x32x128xf32, #tpu.memory_space<hbm>> -> memref<1x26x64xf32, #tpu.memory_space<hbm>>
    %dma_start3A_137 = tpu.memref_squeeze %dma_start3A_136 : memref<1x26x64xf32, #tpu.memory_space<hbm>> -> memref<26x64xf32, #tpu.memory_space<hbm>>
    %dma_start3A_138 = arith.constant 0 : i32
    %dma_start3A_139 = arith.constant 0 : i32
    %dma_start3A_140 = tpu.memref_slice %arg4[%add3A_128, %dma_start3A_138, %dma_start3A_139] : memref<16384x32x128xf32, #tpu.memory_space<hbm>> -> memref<1x26x64xf32, #tpu.memory_space<hbm>>
    %dma_start3A_141 = tpu.memref_squeeze %dma_start3A_140 : memref<1x26x64xf32, #tpu.memory_space<hbm>> -> memref<26x64xf32, #tpu.memory_space<hbm>>
    %dma_start3A_142 = arith.constant 78 : i32
    %dma_start3A_143 = arith.constant 0 : i32
    %dma_start3A_144 = tpu.memref_slice %arg6[%dma_start3A_129, %dma_start3A_142, %dma_start3A_143] : memref<4x208x64xf32, #tpu.memory_space<vmem>> -> memref<1x26x64xf32, #tpu.memory_space<vmem>>
    %dma_start3A_145 = tpu.memref_squeeze %dma_start3A_144 : memref<1x26x64xf32, #tpu.memory_space<vmem>> -> memref<26x64xf32, #tpu.memory_space<vmem>>
    tpu.enqueue_dma source(%dma_start3A_145 : memref<26x64xf32, #tpu.memory_space<vmem>>) target(%dma_start3A_141 : memref<26x64xf32, #tpu.memory_space<hbm>>) target_semaphore(%arg11 : memref<!tpu.dma_semaphore, #tpu.memory_space<semaphore_mem>>)
    %add3A_146 = arith.constant 480 : i32
    %add3A_147 = arith.addi %mul3A_2, %add3A_146 : i32
    %add3A_148 = arith.constant 4 : i32
    %add3A_149 = arith.addi %add3A_147, %add3A_148 : i32
    %dma_start3A_150 = arith.constant 0 : i32
    %dma_start3A_151 = arith.constant 104 : i32
    %dma_start3A_152 = arith.constant 0 : i32
    %dma_start3A_153 = tpu.memref_slice %arg6[%dma_start3A_150, %dma_start3A_151, %dma_start3A_152] : memref<4x208x64xf32, #tpu.memory_space<vmem>> -> memref<1x26x64xf32, #tpu.memory_space<vmem>>
    %dma_start3A_154 = tpu.memref_squeeze %dma_start3A_153 : memref<1x26x64xf32, #tpu.memory_space<vmem>> -> memref<26x64xf32, #tpu.memory_space<vmem>>
    %dma_start3A_155 = arith.constant 0 : i32
    %dma_start3A_156 = arith.constant 0 : i32
    %dma_start3A_157 = tpu.memref_slice %arg4[%add3A_149, %dma_start3A_155, %dma_start3A_156] : memref<16384x32x128xf32, #tpu.memory_space<hbm>> -> memref<1x26x64xf32, #tpu.memory_space<hbm>>
    %dma_start3A_158 = tpu.memref_squeeze %dma_start3A_157 : memref<1x26x64xf32, #tpu.memory_space<hbm>> -> memref<26x64xf32, #tpu.memory_space<hbm>>
    %dma_start3A_159 = arith.constant 0 : i32
    %dma_start3A_160 = arith.constant 0 : i32
    %dma_start3A_161 = tpu.memref_slice %arg4[%add3A_149, %dma_start3A_159, %dma_start3A_160] : memref<16384x32x128xf32, #tpu.memory_space<hbm>> -> memref<1x26x64xf32, #tpu.memory_space<hbm>>
    %dma_start3A_162 = tpu.memref_squeeze %dma_start3A_161 : memref<1x26x64xf32, #tpu.memory_space<hbm>> -> memref<26x64xf32, #tpu.memory_space<hbm>>
    %dma_start3A_163 = arith.constant 104 : i32
    %dma_start3A_164 = arith.constant 0 : i32
    %dma_start3A_165 = tpu.memref_slice %arg6[%dma_start3A_150, %dma_start3A_163, %dma_start3A_164] : memref<4x208x64xf32, #tpu.memory_space<vmem>> -> memref<1x26x64xf32, #tpu.memory_space<vmem>>
    %dma_start3A_166 = tpu.memref_squeeze %dma_start3A_165 : memref<1x26x64xf32, #tpu.memory_space<vmem>> -> memref<26x64xf32, #tpu.memory_space<vmem>>
    tpu.enqueue_dma source(%dma_start3A_166 : memref<26x64xf32, #tpu.memory_space<vmem>>) target(%dma_start3A_162 : memref<26x64xf32, #tpu.memory_space<hbm>>) target_semaphore(%arg11 : memref<!tpu.dma_semaphore, #tpu.memory_space<semaphore_mem>>)
    %add3A_167 = arith.constant 480 : i32
    %add3A_168 = arith.addi %mul3A_2, %add3A_167 : i32
    %add3A_169 = arith.constant 5 : i32
    %add3A_170 = arith.addi %add3A_168, %add3A_169 : i32
    %dma_start3A_171 = arith.constant 0 : i32
    %dma_start3A_172 = arith.constant 130 : i32
    %dma_start3A_173 = arith.constant 0 : i32
    %dma_start3A_174 = tpu.memref_slice %arg6[%dma_start3A_171, %dma_start3A_172, %dma_start3A_173] : memref<4x208x64xf32, #tpu.memory_space<vmem>> -> memref<1x26x64xf32, #tpu.memory_space<vmem>>
    %dma_start3A_175 = tpu.memref_squeeze %dma_start3A_174 : memref<1x26x64xf32, #tpu.memory_space<vmem>> -> memref<26x64xf32, #tpu.memory_space<vmem>>
    %dma_start3A_176 = arith.constant 0 : i32
    %dma_start3A_177 = arith.constant 0 : i32
    %dma_start3A_178 = tpu.memref_slice %arg4[%add3A_170, %dma_start3A_176, %dma_start3A_177] : memref<16384x32x128xf32, #tpu.memory_space<hbm>> -> memref<1x26x64xf32, #tpu.memory_space<hbm>>
    %dma_start3A_179 = tpu.memref_squeeze %dma_start3A_178 : memref<1x26x64xf32, #tpu.memory_space<hbm>> -> memref<26x64xf32, #tpu.memory_space<hbm>>
    %dma_start3A_180 = arith.constant 0 : i32
    %dma_start3A_181 = arith.constant 0 : i32
    %dma_start3A_182 = tpu.memref_slice %arg4[%add3A_170, %dma_start3A_180, %dma_start3A_181] : memref<16384x32x128xf32, #tpu.memory_space<hbm>> -> memref<1x26x64xf32, #tpu.memory_space<hbm>>
    %dma_start3A_183 = tpu.memref_squeeze %dma_start3A_182 : memref<1x26x64xf32, #tpu.memory_space<hbm>> -> memref<26x64xf32, #tpu.memory_space<hbm>>
    %dma_start3A_184 = arith.constant 130 : i32
    %dma_start3A_185 = arith.constant 0 : i32
    %dma_start3A_186 = tpu.memref_slice %arg6[%dma_start3A_171, %dma_start3A_184, %dma_start3A_185] : memref<4x208x64xf32, #tpu.memory_space<vmem>> -> memref<1x26x64xf32, #tpu.memory_space<vmem>>
    %dma_start3A_187 = tpu.memref_squeeze %dma_start3A_186 : memref<1x26x64xf32, #tpu.memory_space<vmem>> -> memref<26x64xf32, #tpu.memory_space<vmem>>
    tpu.enqueue_dma source(%dma_start3A_187 : memref<26x64xf32, #tpu.memory_space<vmem>>) target(%dma_start3A_183 : memref<26x64xf32, #tpu.memory_space<hbm>>) target_semaphore(%arg11 : memref<!tpu.dma_semaphore, #tpu.memory_space<semaphore_mem>>)
    %add3A_188 = arith.constant 480 : i32
    %add3A_189 = arith.addi %mul3A_2, %add3A_188 : i32
    %add3A_190 = arith.constant 6 : i32
    %add3A_191 = arith.addi %add3A_189, %add3A_190 : i32
    %dma_start3A_192 = arith.constant 0 : i32
    %dma_start3A_193 = arith.constant 156 : i32
    %dma_start3A_194 = arith.constant 0 : i32
    %dma_start3A_195 = tpu.memref_slice %arg6[%dma_start3A_192, %dma_start3A_193, %dma_start3A_194] : memref<4x208x64xf32, #tpu.memory_space<vmem>> -> memref<1x26x64xf32, #tpu.memory_space<vmem>>
    %dma_start3A_196 = tpu.memref_squeeze %dma_start3A_195 : memref<1x26x64xf32, #tpu.memory_space<vmem>> -> memref<26x64xf32, #tpu.memory_space<vmem>>
    %dma_start3A_197 = arith.constant 0 : i32
    %dma_start3A_198 = arith.constant 0 : i32
    %dma_start3A_199 = tpu.memref_slice %arg4[%add3A_191, %dma_start3A_197, %dma_start3A_198] : memref<16384x32x128xf32, #tpu.memory_space<hbm>> -> memref<1x26x64xf32, #tpu.memory_space<hbm>>
    %dma_start3A_200 = tpu.memref_squeeze %dma_start3A_199 : memref<1x26x64xf32, #tpu.memory_space<hbm>> -> memref<26x64xf32, #tpu.memory_space<hbm>>
    %dma_start3A_201 = arith.constant 0 : i32
    %dma_start3A_202 = arith.constant 0 : i32
    %dma_start3A_203 = tpu.memref_slice %arg4[%add3A_191, %dma_start3A_201, %dma_start3A_202] : memref<16384x32x128xf32, #tpu.memory_space<hbm>> -> memref<1x26x64xf32, #tpu.memory_space<hbm>>
    %dma_start3A_204 = tpu.memref_squeeze %dma_start3A_203 : memref<1x26x64xf32, #tpu.memory_space<hbm>> -> memref<26x64xf32, #tpu.memory_space<hbm>>
    %dma_start3A_205 = arith.constant 156 : i32
    %dma_start3A_206 = arith.constant 0 : i32
    %dma_start3A_207 = tpu.memref_slice %arg6[%dma_start3A_192, %dma_start3A_205, %dma_start3A_206] : memref<4x208x64xf32, #tpu.memory_space<vmem>> -> memref<1x26x64xf32, #tpu.memory_space<vmem>>
    %dma_start3A_208 = tpu.memref_squeeze %dma_start3A_207 : memref<1x26x64xf32, #tpu.memory_space<vmem>> -> memref<26x64xf32, #tpu.memory_space<vmem>>
    tpu.enqueue_dma source(%dma_start3A_208 : memref<26x64xf32, #tpu.memory_space<vmem>>) target(%dma_start3A_204 : memref<26x64xf32, #tpu.memory_space<hbm>>) target_semaphore(%arg11 : memref<!tpu.dma_semaphore, #tpu.memory_space<semaphore_mem>>)
    %add3A_209 = arith.constant 480 : i32
    %add3A_210 = arith.addi %mul3A_2, %add3A_209 : i32
    %add3A_211 = arith.constant 7 : i32
    %add3A_212 = arith.addi %add3A_210, %add3A_211 : i32
    %dma_start3A_213 = arith.constant 0 : i32
    %dma_start3A_214 = arith.constant 182 : i32
    %dma_start3A_215 = arith.constant 0 : i32
    %dma_start3A_216 = tpu.memref_slice %arg6[%dma_start3A_213, %dma_start3A_214, %dma_start3A_215] : memref<4x208x64xf32, #tpu.memory_space<vmem>> -> memref<1x26x64xf32, #tpu.memory_space<vmem>>
    %dma_start3A_217 = tpu.memref_squeeze %dma_start3A_216 : memref<1x26x64xf32, #tpu.memory_space<vmem>> -> memref<26x64xf32, #tpu.memory_space<vmem>>
    %dma_start3A_218 = arith.constant 0 : i32
    %dma_start3A_219 = arith.constant 0 : i32
    %dma_start3A_220 = tpu.memref_slice %arg4[%add3A_212, %dma_start3A_218, %dma_start3A_219] : memref<16384x32x128xf32, #tpu.memory_space<hbm>> -> memref<1x26x64xf32, #tpu.memory_space<hbm>>
    %dma_start3A_221 = tpu.memref_squeeze %dma_start3A_220 : memref<1x26x64xf32, #tpu.memory_space<hbm>> -> memref<26x64xf32, #tpu.memory_space<hbm>>
    %dma_start3A_222 = arith.constant 0 : i32
    %dma_start3A_223 = arith.constant 0 : i32
    %dma_start3A_224 = tpu.memref_slice %arg4[%add3A_212, %dma_start3A_222, %dma_start3A_223] : memref<16384x32x128xf32, #tpu.memory_space<hbm>> -> memref<1x26x64xf32, #tpu.memory_space<hbm>>
    %dma_start3A_225 = tpu.memref_squeeze %dma_start3A_224 : memref<1x26x64xf32, #tpu.memory_space<hbm>> -> memref<26x64xf32, #tpu.memory_space<hbm>>
    %dma_start3A_226 = arith.constant 182 : i32
    %dma_start3A_227 = arith.constant 0 : i32
    %dma_start3A_228 = tpu.memref_slice %arg6[%dma_start3A_213, %dma_start3A_226, %dma_start3A_227] : memref<4x208x64xf32, #tpu.memory_space<vmem>> -> memref<1x26x64xf32, #tpu.memory_space<vmem>>
    %dma_start3A_229 = tpu.memref_squeeze %dma_start3A_228 : memref<1x26x64xf32, #tpu.memory_space<vmem>> -> memref<26x64xf32, #tpu.memory_space<vmem>>
    tpu.enqueue_dma source(%dma_start3A_229 : memref<26x64xf32, #tpu.memory_space<vmem>>) target(%dma_start3A_225 : memref<26x64xf32, #tpu.memory_space<hbm>>) target_semaphore(%arg11 : memref<!tpu.dma_semaphore, #tpu.memory_space<semaphore_mem>>)
    %add3A_230 = arith.constant 480 : i32
    %add3A_231 = arith.addi %mul3A_2, %add3A_230 : i32
    %add3A_232 = arith.constant 0 : i32
    %add3A_233 = arith.addi %add3A_231, %add3A_232 : i32
    %dma_wait3A_234 = arith.constant 0 : i32
    %dma_wait3A_235 = arith.constant 0 : i32
    %dma_wait3A_236 = arith.constant 0 : i32
    %dma_wait3A_237 = tpu.memref_slice %arg6[%dma_wait3A_234, %dma_wait3A_235, %dma_wait3A_236] : memref<4x208x64xf32, #tpu.memory_space<vmem>> -> memref<1x26x64xf32, #tpu.memory_space<vmem>>
    %dma_wait3A_238 = tpu.memref_squeeze %dma_wait3A_237 : memref<1x26x64xf32, #tpu.memory_space<vmem>> -> memref<26x64xf32, #tpu.memory_space<vmem>>
    %dma_wait3A_239 = arith.constant 0 : i32
    %dma_wait3A_240 = arith.constant 0 : i32
    %dma_wait3A_241 = tpu.memref_slice %arg4[%add3A_233, %dma_wait3A_239, %dma_wait3A_240] : memref<16384x32x128xf32, #tpu.memory_space<hbm>> -> memref<1x26x64xf32, #tpu.memory_space<hbm>>
    %dma_wait3A_242 = tpu.memref_squeeze %dma_wait3A_241 : memref<1x26x64xf32, #tpu.memory_space<hbm>> -> memref<26x64xf32, #tpu.memory_space<hbm>>
    %dma_wait3A_243 = arith.constant 0 : i32
    %dma_wait3A_244 = arith.constant 0 : i32
    %dma_wait3A_245 = tpu.memref_slice %arg4[%add3A_233, %dma_wait3A_243, %dma_wait3A_244] : memref<16384x32x128xf32, #tpu.memory_space<hbm>> -> memref<1x26x64xf32, #tpu.memory_space<hbm>>
    %dma_wait3A_246 = tpu.memref_squeeze %dma_wait3A_245 : memref<1x26x64xf32, #tpu.memory_space<hbm>> -> memref<26x64xf32, #tpu.memory_space<hbm>>
    %dma_wait3A_247 = arith.constant 0 : i32
    %dma_wait3A_248 = arith.constant 0 : i32
    %dma_wait3A_249 = tpu.memref_slice %arg6[%dma_wait3A_234, %dma_wait3A_247, %dma_wait3A_248] : memref<4x208x64xf32, #tpu.memory_space<vmem>> -> memref<1x26x64xf32, #tpu.memory_space<vmem>>
    %dma_wait3A_250 = tpu.memref_squeeze %dma_wait3A_249 : memref<1x26x64xf32, #tpu.memory_space<vmem>> -> memref<26x64xf32, #tpu.memory_space<vmem>>
    tpu.wait_dma2 semaphore(%arg11 : memref<!tpu.dma_semaphore, #tpu.memory_space<semaphore_mem>>) src(%dma_wait3A_250 : memref<26x64xf32, #tpu.memory_space<vmem>>) dst(%dma_wait3A_246 : memref<26x64xf32, #tpu.memory_space<hbm>>)
    %add3A_251 = arith.constant 480 : i32
    %add3A_252 = arith.addi %mul3A_2, %add3A_251 : i32
    %add3A_253 = arith.constant 1 : i32
    %add3A_254 = arith.addi %add3A_252, %add3A_253 : i32
    %dma_wait3A_255 = arith.constant 0 : i32
    %dma_wait3A_256 = arith.constant 26 : i32
    %dma_wait3A_257 = arith.constant 0 : i32
    %dma_wait3A_258 = tpu.memref_slice %arg6[%dma_wait3A_255, %dma_wait3A_256, %dma_wait3A_257] : memref<4x208x64xf32, #tpu.memory_space<vmem>> -> memref<1x26x64xf32, #tpu.memory_space<vmem>>
    %dma_wait3A_259 = tpu.memref_squeeze %dma_wait3A_258 : memref<1x26x64xf32, #tpu.memory_space<vmem>> -> memref<26x64xf32, #tpu.memory_space<vmem>>
    %dma_wait3A_260 = arith.constant 0 : i32
    %dma_wait3A_261 = arith.constant 0 : i32
    %dma_wait3A_262 = tpu.memref_slice %arg4[%add3A_254, %dma_wait3A_260, %dma_wait3A_261] : memref<16384x32x128xf32, #tpu.memory_space<hbm>> -> memref<1x26x64xf32, #tpu.memory_space<hbm>>
    %dma_wait3A_263 = tpu.memref_squeeze %dma_wait3A_262 : memref<1x26x64xf32, #tpu.memory_space<hbm>> -> memref<26x64xf32, #tpu.memory_space<hbm>>
    %dma_wait3A_264 = arith.constant 0 : i32
    %dma_wait3A_265 = arith.constant 0 : i32
    %dma_wait3A_266 = tpu.memref_slice %arg4[%add3A_254, %dma_wait3A_264, %dma_wait3A_265] : memref<16384x32x128xf32, #tpu.memory_space<hbm>> -> memref<1x26x64xf32, #tpu.memory_space<hbm>>
    %dma_wait3A_267 = tpu.memref_squeeze %dma_wait3A_266 : memref<1x26x64xf32, #tpu.memory_space<hbm>> -> memref<26x64xf32, #tpu.memory_space<hbm>>
    %dma_wait3A_268 = arith.constant 26 : i32
    %dma_wait3A_269 = arith.constant 0 : i32
    %dma_wait3A_270 = tpu.memref_slice %arg6[%dma_wait3A_255, %dma_wait3A_268, %dma_wait3A_269] : memref<4x208x64xf32, #tpu.memory_space<vmem>> -> memref<1x26x64xf32, #tpu.memory_space<vmem>>
    %dma_wait3A_271 = tpu.memref_squeeze %dma_wait3A_270 : memref<1x26x64xf32, #tpu.memory_space<vmem>> -> memref<26x64xf32, #tpu.memory_space<vmem>>
    tpu.wait_dma2 semaphore(%arg11 : memref<!tpu.dma_semaphore, #tpu.memory_space<semaphore_mem>>) src(%dma_wait3A_271 : memref<26x64xf32, #tpu.memory_space<vmem>>) dst(%dma_wait3A_267 : memref<26x64xf32, #tpu.memory_space<hbm>>)
    %add3A_272 = arith.constant 480 : i32
    %add3A_273 = arith.addi %mul3A_2, %add3A_272 : i32
    %add3A_274 = arith.constant 2 : i32
    %add3A_275 = arith.addi %add3A_273, %add3A_274 : i32
    %dma_wait3A_276 = arith.constant 0 : i32
    %dma_wait3A_277 = arith.constant 52 : i32
    %dma_wait3A_278 = arith.constant 0 : i32
    %dma_wait3A_279 = tpu.memref_slice %arg6[%dma_wait3A_276, %dma_wait3A_277, %dma_wait3A_278] : memref<4x208x64xf32, #tpu.memory_space<vmem>> -> memref<1x26x64xf32, #tpu.memory_space<vmem>>
    %dma_wait3A_280 = tpu.memref_squeeze %dma_wait3A_279 : memref<1x26x64xf32, #tpu.memory_space<vmem>> -> memref<26x64xf32, #tpu.memory_space<vmem>>
    %dma_wait3A_281 = arith.constant 0 : i32
    %dma_wait3A_282 = arith.constant 0 : i32
    %dma_wait3A_283 = tpu.memref_slice %arg4[%add3A_275, %dma_wait3A_281, %dma_wait3A_282] : memref<16384x32x128xf32, #tpu.memory_space<hbm>> -> memref<1x26x64xf32, #tpu.memory_space<hbm>>
    %dma_wait3A_284 = tpu.memref_squeeze %dma_wait3A_283 : memref<1x26x64xf32, #tpu.memory_space<hbm>> -> memref<26x64xf32, #tpu.memory_space<hbm>>
    %dma_wait3A_285 = arith.constant 0 : i32
    %dma_wait3A_286 = arith.constant 0 : i32
    %dma_wait3A_287 = tpu.memref_slice %arg4[%add3A_275, %dma_wait3A_285, %dma_wait3A_286] : memref<16384x32x128xf32, #tpu.memory_space<hbm>> -> memref<1x26x64xf32, #tpu.memory_space<hbm>>
    %dma_wait3A_288 = tpu.memref_squeeze %dma_wait3A_287 : memref<1x26x64xf32, #tpu.memory_space<hbm>> -> memref<26x64xf32, #tpu.memory_space<hbm>>
    %dma_wait3A_289 = arith.constant 52 : i32
    %dma_wait3A_290 = arith.constant 0 : i32
    %dma_wait3A_291 = tpu.memref_slice %arg6[%dma_wait3A_276, %dma_wait3A_289, %dma_wait3A_290] : memref<4x208x64xf32, #tpu.memory_space<vmem>> -> memref<1x26x64xf32, #tpu.memory_space<vmem>>
    %dma_wait3A_292 = tpu.memref_squeeze %dma_wait3A_291 : memref<1x26x64xf32, #tpu.memory_space<vmem>> -> memref<26x64xf32, #tpu.memory_space<vmem>>
    tpu.wait_dma2 semaphore(%arg11 : memref<!tpu.dma_semaphore, #tpu.memory_space<semaphore_mem>>) src(%dma_wait3A_292 : memref<26x64xf32, #tpu.memory_space<vmem>>) dst(%dma_wait3A_288 : memref<26x64xf32, #tpu.memory_space<hbm>>)
    %add3A_293 = arith.constant 480 : i32
    %add3A_294 = arith.addi %mul3A_2, %add3A_293 : i32
    %add3A_295 = arith.constant 3 : i32
    %add3A_296 = arith.addi %add3A_294, %add3A_295 : i32
    %dma_wait3A_297 = arith.constant 0 : i32
    %dma_wait3A_298 = arith.constant 78 : i32
    %dma_wait3A_299 = arith.constant 0 : i32
    %dma_wait3A_300 = tpu.memref_slice %arg6[%dma_wait3A_297, %dma_wait3A_298, %dma_wait3A_299] : memref<4x208x64xf32, #tpu.memory_space<vmem>> -> memref<1x26x64xf32, #tpu.memory_space<vmem>>
    %dma_wait3A_301 = tpu.memref_squeeze %dma_wait3A_300 : memref<1x26x64xf32, #tpu.memory_space<vmem>> -> memref<26x64xf32, #tpu.memory_space<vmem>>
    %dma_wait3A_302 = arith.constant 0 : i32
    %dma_wait3A_303 = arith.constant 0 : i32
    %dma_wait3A_304 = tpu.memref_slice %arg4[%add3A_296, %dma_wait3A_302, %dma_wait3A_303] : memref<16384x32x128xf32, #tpu.memory_space<hbm>> -> memref<1x26x64xf32, #tpu.memory_space<hbm>>
    %dma_wait3A_305 = tpu.memref_squeeze %dma_wait3A_304 : memref<1x26x64xf32, #tpu.memory_space<hbm>> -> memref<26x64xf32, #tpu.memory_space<hbm>>
    %dma_wait3A_306 = arith.constant 0 : i32
    %dma_wait3A_307 = arith.constant 0 : i32
    %dma_wait3A_308 = tpu.memref_slice %arg4[%add3A_296, %dma_wait3A_306, %dma_wait3A_307] : memref<16384x32x128xf32, #tpu.memory_space<hbm>> -> memref<1x26x64xf32, #tpu.memory_space<hbm>>
    %dma_wait3A_309 = tpu.memref_squeeze %dma_wait3A_308 : memref<1x26x64xf32, #tpu.memory_space<hbm>> -> memref<26x64xf32, #tpu.memory_space<hbm>>
    %dma_wait3A_310 = arith.constant 78 : i32
    %dma_wait3A_311 = arith.constant 0 : i32
    %dma_wait3A_312 = tpu.memref_slice %arg6[%dma_wait3A_297, %dma_wait3A_310, %dma_wait3A_311] : memref<4x208x64xf32, #tpu.memory_space<vmem>> -> memref<1x26x64xf32, #tpu.memory_space<vmem>>
    %dma_wait3A_313 = tpu.memref_squeeze %dma_wait3A_312 : memref<1x26x64xf32, #tpu.memory_space<vmem>> -> memref<26x64xf32, #tpu.memory_space<vmem>>
    tpu.wait_dma2 semaphore(%arg11 : memref<!tpu.dma_semaphore, #tpu.memory_space<semaphore_mem>>) src(%dma_wait3A_313 : memref<26x64xf32, #tpu.memory_space<vmem>>) dst(%dma_wait3A_309 : memref<26x64xf32, #tpu.memory_space<hbm>>)
    %add3A_314 = arith.constant 480 : i32
    %add3A_315 = arith.addi %mul3A_2, %add3A_314 : i32
    %add3A_316 = arith.constant 4 : i32
    %add3A_317 = arith.addi %add3A_315, %add3A_316 : i32
    %dma_wait3A_318 = arith.constant 0 : i32
    %dma_wait3A_319 = arith.constant 104 : i32
    %dma_wait3A_320 = arith.constant 0 : i32
    %dma_wait3A_321 = tpu.memref_slice %arg6[%dma_wait3A_318, %dma_wait3A_319, %dma_wait3A_320] : memref<4x208x64xf32, #tpu.memory_space<vmem>> -> memref<1x26x64xf32, #tpu.memory_space<vmem>>
    %dma_wait3A_322 = tpu.memref_squeeze %dma_wait3A_321 : memref<1x26x64xf32, #tpu.memory_space<vmem>> -> memref<26x64xf32, #tpu.memory_space<vmem>>
    %dma_wait3A_323 = arith.constant 0 : i32
    %dma_wait3A_324 = arith.constant 0 : i32
    %dma_wait3A_325 = tpu.memref_slice %arg4[%add3A_317, %dma_wait3A_323, %dma_wait3A_324] : memref<16384x32x128xf32, #tpu.memory_space<hbm>> -> memref<1x26x64xf32, #tpu.memory_space<hbm>>
    %dma_wait3A_326 = tpu.memref_squeeze %dma_wait3A_325 : memref<1x26x64xf32, #tpu.memory_space<hbm>> -> memref<26x64xf32, #tpu.memory_space<hbm>>
    %dma_wait3A_327 = arith.constant 0 : i32
    %dma_wait3A_328 = arith.constant 0 : i32
    %dma_wait3A_329 = tpu.memref_slice %arg4[%add3A_317, %dma_wait3A_327, %dma_wait3A_328] : memref<16384x32x128xf32, #tpu.memory_space<hbm>> -> memref<1x26x64xf32, #tpu.memory_space<hbm>>
    %dma_wait3A_330 = tpu.memref_squeeze %dma_wait3A_329 : memref<1x26x64xf32, #tpu.memory_space<hbm>> -> memref<26x64xf32, #tpu.memory_space<hbm>>
    %dma_wait3A_331 = arith.constant 104 : i32
    %dma_wait3A_332 = arith.constant 0 : i32
    %dma_wait3A_333 = tpu.memref_slice %arg6[%dma_wait3A_318, %dma_wait3A_331, %dma_wait3A_332] : memref<4x208x64xf32, #tpu.memory_space<vmem>> -> memref<1x26x64xf32, #tpu.memory_space<vmem>>
    %dma_wait3A_334 = tpu.memref_squeeze %dma_wait3A_333 : memref<1x26x64xf32, #tpu.memory_space<vmem>> -> memref<26x64xf32, #tpu.memory_space<vmem>>
    tpu.wait_dma2 semaphore(%arg11 : memref<!tpu.dma_semaphore, #tpu.memory_space<semaphore_mem>>) src(%dma_wait3A_334 : memref<26x64xf32, #tpu.memory_space<vmem>>) dst(%dma_wait3A_330 : memref<26x64xf32, #tpu.memory_space<hbm>>)
    %add3A_335 = arith.constant 480 : i32
    %add3A_336 = arith.addi %mul3A_2, %add3A_335 : i32
    %add3A_337 = arith.constant 5 : i32
    %add3A_338 = arith.addi %add3A_336, %add3A_337 : i32
    %dma_wait3A_339 = arith.constant 0 : i32
    %dma_wait3A_340 = arith.constant 130 : i32
    %dma_wait3A_341 = arith.constant 0 : i32
    %dma_wait3A_342 = tpu.memref_slice %arg6[%dma_wait3A_339, %dma_wait3A_340, %dma_wait3A_341] : memref<4x208x64xf32, #tpu.memory_space<vmem>> -> memref<1x26x64xf32, #tpu.memory_space<vmem>>
    %dma_wait3A_343 = tpu.memref_squeeze %dma_wait3A_342 : memref<1x26x64xf32, #tpu.memory_space<vmem>> -> memref<26x64xf32, #tpu.memory_space<vmem>>
    %dma_wait3A_344 = arith.constant 0 : i32
    %dma_wait3A_345 = arith.constant 0 : i32
    %dma_wait3A_346 = tpu.memref_slice %arg4[%add3A_338, %dma_wait3A_344, %dma_wait3A_345] : memref<16384x32x128xf32, #tpu.memory_space<hbm>> -> memref<1x26x64xf32, #tpu.memory_space<hbm>>
    %dma_wait3A_347 = tpu.memref_squeeze %dma_wait3A_346 : memref<1x26x64xf32, #tpu.memory_space<hbm>> -> memref<26x64xf32, #tpu.memory_space<hbm>>
    %dma_wait3A_348 = arith.constant 0 : i32
    %dma_wait3A_349 = arith.constant 0 : i32
    %dma_wait3A_350 = tpu.memref_slice %arg4[%add3A_338, %dma_wait3A_348, %dma_wait3A_349] : memref<16384x32x128xf32, #tpu.memory_space<hbm>> -> memref<1x26x64xf32, #tpu.memory_space<hbm>>
    %dma_wait3A_351 = tpu.memref_squeeze %dma_wait3A_350 : memref<1x26x64xf32, #tpu.memory_space<hbm>> -> memref<26x64xf32, #tpu.memory_space<hbm>>
    %dma_wait3A_352 = arith.constant 130 : i32
    %dma_wait3A_353 = arith.constant 0 : i32
    %dma_wait3A_354 = tpu.memref_slice %arg6[%dma_wait3A_339, %dma_wait3A_352, %dma_wait3A_353] : memref<4x208x64xf32, #tpu.memory_space<vmem>> -> memref<1x26x64xf32, #tpu.memory_space<vmem>>
    %dma_wait3A_355 = tpu.memref_squeeze %dma_wait3A_354 : memref<1x26x64xf32, #tpu.memory_space<vmem>> -> memref<26x64xf32, #tpu.memory_space<vmem>>
    tpu.wait_dma2 semaphore(%arg11 : memref<!tpu.dma_semaphore, #tpu.memory_space<semaphore_mem>>) src(%dma_wait3A_355 : memref<26x64xf32, #tpu.memory_space<vmem>>) dst(%dma_wait3A_351 : memref<26x64xf32, #tpu.memory_space<hbm>>)
    %add3A_356 = arith.constant 480 : i32
    %add3A_357 = arith.addi %mul3A_2, %add3A_356 : i32
    %add3A_358 = arith.constant 6 : i32
    %add3A_359 = arith.addi %add3A_357, %add3A_358 : i32
    %dma_wait3A_360 = arith.constant 0 : i32
    %dma_wait3A_361 = arith.constant 156 : i32
    %dma_wait3A_362 = arith.constant 0 : i32
    %dma_wait3A_363 = tpu.memref_slice %arg6[%dma_wait3A_360, %dma_wait3A_361, %dma_wait3A_362] : memref<4x208x64xf32, #tpu.memory_space<vmem>> -> memref<1x26x64xf32, #tpu.memory_space<vmem>>
    %dma_wait3A_364 = tpu.memref_squeeze %dma_wait3A_363 : memref<1x26x64xf32, #tpu.memory_space<vmem>> -> memref<26x64xf32, #tpu.memory_space<vmem>>
    %dma_wait3A_365 = arith.constant 0 : i32
    %dma_wait3A_366 = arith.constant 0 : i32
    %dma_wait3A_367 = tpu.memref_slice %arg4[%add3A_359, %dma_wait3A_365, %dma_wait3A_366] : memref<16384x32x128xf32, #tpu.memory_space<hbm>> -> memref<1x26x64xf32, #tpu.memory_space<hbm>>
    %dma_wait3A_368 = tpu.memref_squeeze %dma_wait3A_367 : memref<1x26x64xf32, #tpu.memory_space<hbm>> -> memref<26x64xf32, #tpu.memory_space<hbm>>
    %dma_wait3A_369 = arith.constant 0 : i32
    %dma_wait3A_370 = arith.constant 0 : i32
    %dma_wait3A_371 = tpu.memref_slice %arg4[%add3A_359, %dma_wait3A_369, %dma_wait3A_370] : memref<16384x32x128xf32, #tpu.memory_space<hbm>> -> memref<1x26x64xf32, #tpu.memory_space<hbm>>
    %dma_wait3A_372 = tpu.memref_squeeze %dma_wait3A_371 : memref<1x26x64xf32, #tpu.memory_space<hbm>> -> memref<26x64xf32, #tpu.memory_space<hbm>>
    %dma_wait3A_373 = arith.constant 156 : i32
    %dma_wait3A_374 = arith.constant 0 : i32
    %dma_wait3A_375 = tpu.memref_slice %arg6[%dma_wait3A_360, %dma_wait3A_373, %dma_wait3A_374] : memref<4x208x64xf32, #tpu.memory_space<vmem>> -> memref<1x26x64xf32, #tpu.memory_space<vmem>>
    %dma_wait3A_376 = tpu.memref_squeeze %dma_wait3A_375 : memref<1x26x64xf32, #tpu.memory_space<vmem>> -> memref<26x64xf32, #tpu.memory_space<vmem>>
    tpu.wait_dma2 semaphore(%arg11 : memref<!tpu.dma_semaphore, #tpu.memory_space<semaphore_mem>>) src(%dma_wait3A_376 : memref<26x64xf32, #tpu.memory_space<vmem>>) dst(%dma_wait3A_372 : memref<26x64xf32, #tpu.memory_space<hbm>>)
    %add3A_377 = arith.constant 480 : i32
    %add3A_378 = arith.addi %mul3A_2, %add3A_377 : i32
    %add3A_379 = arith.constant 7 : i32
    %add3A_380 = arith.addi %add3A_378, %add3A_379 : i32
    %dma_wait3A_381 = arith.constant 0 : i32
    %dma_wait3A_382 = arith.constant 182 : i32
    %dma_wait3A_383 = arith.constant 0 : i32
    %dma_wait3A_384 = tpu.memref_slice %arg6[%dma_wait3A_381, %dma_wait3A_382, %dma_wait3A_383] : memref<4x208x64xf32, #tpu.memory_space<vmem>> -> memref<1x26x64xf32, #tpu.memory_space<vmem>>
    %dma_wait3A_385 = tpu.memref_squeeze %dma_wait3A_384 : memref<1x26x64xf32, #tpu.memory_space<vmem>> -> memref<26x64xf32, #tpu.memory_space<vmem>>
    %dma_wait3A_386 = arith.constant 0 : i32
    %dma_wait3A_387 = arith.constant 0 : i32
    %dma_wait3A_388 = tpu.memref_slice %arg4[%add3A_380, %dma_wait3A_386, %dma_wait3A_387] : memref<16384x32x128xf32, #tpu.memory_space<hbm>> -> memref<1x26x64xf32, #tpu.memory_space<hbm>>
    %dma_wait3A_389 = tpu.memref_squeeze %dma_wait3A_388 : memref<1x26x64xf32, #tpu.memory_space<hbm>> -> memref<26x64xf32, #tpu.memory_space<hbm>>
    %dma_wait3A_390 = arith.constant 0 : i32
    %dma_wait3A_391 = arith.constant 0 : i32
    %dma_wait3A_392 = tpu.memref_slice %arg4[%add3A_380, %dma_wait3A_390, %dma_wait3A_391] : memref<16384x32x128xf32, #tpu.memory_space<hbm>> -> memref<1x26x64xf32, #tpu.memory_space<hbm>>
    %dma_wait3A_393 = tpu.memref_squeeze %dma_wait3A_392 : memref<1x26x64xf32, #tpu.memory_space<hbm>> -> memref<26x64xf32, #tpu.memory_space<hbm>>
    %dma_wait3A_394 = arith.constant 182 : i32
    %dma_wait3A_395 = arith.constant 0 : i32
    %dma_wait3A_396 = tpu.memref_slice %arg6[%dma_wait3A_381, %dma_wait3A_394, %dma_wait3A_395] : memref<4x208x64xf32, #tpu.memory_space<vmem>> -> memref<1x26x64xf32, #tpu.memory_space<vmem>>
    %dma_wait3A_397 = tpu.memref_squeeze %dma_wait3A_396 : memref<1x26x64xf32, #tpu.memory_space<vmem>> -> memref<26x64xf32, #tpu.memory_space<vmem>>
    tpu.wait_dma2 semaphore(%arg11 : memref<!tpu.dma_semaphore, #tpu.memory_space<semaphore_mem>>) src(%dma_wait3A_397 : memref<26x64xf32, #tpu.memory_space<vmem>>) dst(%dma_wait3A_393 : memref<26x64xf32, #tpu.memory_space<hbm>>)
    %dma_wait3A_398 = arith.constant 1 : i32
    %dma_wait3A_399 = arith.constant 0 : i32
    %dma_wait3A_400 = arith.constant 0 : i32
    %dma_wait3A_401 = tpu.memref_slice %arg6[%dma_wait3A_398, %dma_wait3A_399, %dma_wait3A_400] : memref<4x208x64xf32, #tpu.memory_space<vmem>> -> memref<1x208x64xf32, #tpu.memory_space<vmem>>
    %dma_wait3A_402 = tpu.memref_squeeze %dma_wait3A_401 : memref<1x208x64xf32, #tpu.memory_space<vmem>> -> memref<208x64xf32, #tpu.memory_space<vmem>>
    %dma_wait3A_403 = arith.constant 0 : i32
    %dma_wait3A_404 = tpu.memref_slice %arg5[%dma_wait3A_403] : memref<13312xi32, #tpu.memory_space<vmem>> -> memref<208xi32, #tpu.memory_space<vmem>>
    %dma_wait3A_405 = arith.constant 0 : i32
    %dma_wait3A_406 = arith.constant 0 : i32
    %dma_wait3A_407 = tpu.memref_slice %arg3[%dma_wait3A_405, %dma_wait3A_406] : memref<1000000x64xf32, #tpu.memory_space<hbm>> -> memref<1000000x64xf32, #tpu.memory_space<hbm>>
    tpu.wait_indirect_dma semaphore(%arg8 : memref<!tpu.dma_semaphore, #tpu.memory_space<semaphore_mem>>) src(%dma_wait3A_407 : memref<1000000x64xf32, #tpu.memory_space<hbm>>) dst(%dma_wait3A_402 : memref<208x64xf32, #tpu.memory_space<vmem>>)
    %add3A_408 = arith.constant 488 : i32
    %add3A_409 = arith.addi %mul3A_2, %add3A_408 : i32
    %add3A_410 = arith.constant 0 : i32
    %add3A_411 = arith.addi %add3A_409, %add3A_410 : i32
    %dma_start3A_412 = arith.constant 1 : i32
    %dma_start3A_413 = arith.constant 0 : i32
    %dma_start3A_414 = arith.constant 0 : i32
    %dma_start3A_415 = tpu.memref_slice %arg6[%dma_start3A_412, %dma_start3A_413, %dma_start3A_414] : memref<4x208x64xf32, #tpu.memory_space<vmem>> -> memref<1x26x64xf32, #tpu.memory_space<vmem>>
    %dma_start3A_416 = tpu.memref_squeeze %dma_start3A_415 : memref<1x26x64xf32, #tpu.memory_space<vmem>> -> memref<26x64xf32, #tpu.memory_space<vmem>>
    %dma_start3A_417 = arith.constant 0 : i32
    %dma_start3A_418 = arith.constant 0 : i32
    %dma_start3A_419 = tpu.memref_slice %arg4[%add3A_411, %dma_start3A_417, %dma_start3A_418] : memref<16384x32x128xf32, #tpu.memory_space<hbm>> -> memref<1x26x64xf32, #tpu.memory_space<hbm>>
    %dma_start3A_420 = tpu.memref_squeeze %dma_start3A_419 : memref<1x26x64xf32, #tpu.memory_space<hbm>> -> memref<26x64xf32, #tpu.memory_space<hbm>>
    %dma_start3A_421 = arith.constant 0 : i32
    %dma_start3A_422 = arith.constant 0 : i32
    %dma_start3A_423 = tpu.memref_slice %arg4[%add3A_411, %dma_start3A_421, %dma_start3A_422] : memref<16384x32x128xf32, #tpu.memory_space<hbm>> -> memref<1x26x64xf32, #tpu.memory_space<hbm>>
    %dma_start3A_424 = tpu.memref_squeeze %dma_start3A_423 : memref<1x26x64xf32, #tpu.memory_space<hbm>> -> memref<26x64xf32, #tpu.memory_space<hbm>>
    %dma_start3A_425 = arith.constant 0 : i32
    %dma_start3A_426 = arith.constant 0 : i32
    %dma_start3A_427 = tpu.memref_slice %arg6[%dma_start3A_412, %dma_start3A_425, %dma_start3A_426] : memref<4x208x64xf32, #tpu.memory_space<vmem>> -> memref<1x26x64xf32, #tpu.memory_space<vmem>>
    %dma_start3A_428 = tpu.memref_squeeze %dma_start3A_427 : memref<1x26x64xf32, #tpu.memory_space<vmem>> -> memref<26x64xf32, #tpu.memory_space<vmem>>
    tpu.enqueue_dma source(%dma_start3A_428 : memref<26x64xf32, #tpu.memory_space<vmem>>) target(%dma_start3A_424 : memref<26x64xf32, #tpu.memory_space<hbm>>) target_semaphore(%arg12 : memref<!tpu.dma_semaphore, #tpu.memory_space<semaphore_mem>>)
    %add3A_429 = arith.constant 488 : i32
    %add3A_430 = arith.addi %mul3A_2, %add3A_429 : i32
    %add3A_431 = arith.constant 1 : i32
    %add3A_432 = arith.addi %add3A_430, %add3A_431 : i32
    %dma_start3A_433 = arith.constant 1 : i32
    %dma_start3A_434 = arith.constant 26 : i32
    %dma_start3A_435 = arith.constant 0 : i32
    %dma_start3A_436 = tpu.memref_slice %arg6[%dma_start3A_433, %dma_start3A_434, %dma_start3A_435] : memref<4x208x64xf32, #tpu.memory_space<vmem>> -> memref<1x26x64xf32, #tpu.memory_space<vmem>>
    %dma_start3A_437 = tpu.memref_squeeze %dma_start3A_436 : memref<1x26x64xf32, #tpu.memory_space<vmem>> -> memref<26x64xf32, #tpu.memory_space<vmem>>
    %dma_start3A_438 = arith.constant 0 : i32
    %dma_start3A_439 = arith.constant 0 : i32
    %dma_start3A_440 = tpu.memref_slice %arg4[%add3A_432, %dma_start3A_438, %dma_start3A_439] : memref<16384x32x128xf32, #tpu.memory_space<hbm>> -> memref<1x26x64xf32, #tpu.memory_space<hbm>>
    %dma_start3A_441 = tpu.memref_squeeze %dma_start3A_440 : memref<1x26x64xf32, #tpu.memory_space<hbm>> -> memref<26x64xf32, #tpu.memory_space<hbm>>
    %dma_start3A_442 = arith.constant 0 : i32
    %dma_start3A_443 = arith.constant 0 : i32
    %dma_start3A_444 = tpu.memref_slice %arg4[%add3A_432, %dma_start3A_442, %dma_start3A_443] : memref<16384x32x128xf32, #tpu.memory_space<hbm>> -> memref<1x26x64xf32, #tpu.memory_space<hbm>>
    %dma_start3A_445 = tpu.memref_squeeze %dma_start3A_444 : memref<1x26x64xf32, #tpu.memory_space<hbm>> -> memref<26x64xf32, #tpu.memory_space<hbm>>
    %dma_start3A_446 = arith.constant 26 : i32
    %dma_start3A_447 = arith.constant 0 : i32
    %dma_start3A_448 = tpu.memref_slice %arg6[%dma_start3A_433, %dma_start3A_446, %dma_start3A_447] : memref<4x208x64xf32, #tpu.memory_space<vmem>> -> memref<1x26x64xf32, #tpu.memory_space<vmem>>
    %dma_start3A_449 = tpu.memref_squeeze %dma_start3A_448 : memref<1x26x64xf32, #tpu.memory_space<vmem>> -> memref<26x64xf32, #tpu.memory_space<vmem>>
    tpu.enqueue_dma source(%dma_start3A_449 : memref<26x64xf32, #tpu.memory_space<vmem>>) target(%dma_start3A_445 : memref<26x64xf32, #tpu.memory_space<hbm>>) target_semaphore(%arg12 : memref<!tpu.dma_semaphore, #tpu.memory_space<semaphore_mem>>)
    %add3A_450 = arith.constant 488 : i32
    %add3A_451 = arith.addi %mul3A_2, %add3A_450 : i32
    %add3A_452 = arith.constant 2 : i32
    %add3A_453 = arith.addi %add3A_451, %add3A_452 : i32
    %dma_start3A_454 = arith.constant 1 : i32
    %dma_start3A_455 = arith.constant 52 : i32
    %dma_start3A_456 = arith.constant 0 : i32
    %dma_start3A_457 = tpu.memref_slice %arg6[%dma_start3A_454, %dma_start3A_455, %dma_start3A_456] : memref<4x208x64xf32, #tpu.memory_space<vmem>> -> memref<1x26x64xf32, #tpu.memory_space<vmem>>
    %dma_start3A_458 = tpu.memref_squeeze %dma_start3A_457 : memref<1x26x64xf32, #tpu.memory_space<vmem>> -> memref<26x64xf32, #tpu.memory_space<vmem>>
    %dma_start3A_459 = arith.constant 0 : i32
    %dma_start3A_460 = arith.constant 0 : i32
    %dma_start3A_461 = tpu.memref_slice %arg4[%add3A_453, %dma_start3A_459, %dma_start3A_460] : memref<16384x32x128xf32, #tpu.memory_space<hbm>> -> memref<1x26x64xf32, #tpu.memory_space<hbm>>
    %dma_start3A_462 = tpu.memref_squeeze %dma_start3A_461 : memref<1x26x64xf32, #tpu.memory_space<hbm>> -> memref<26x64xf32, #tpu.memory_space<hbm>>
    %dma_start3A_463 = arith.constant 0 : i32
    %dma_start3A_464 = arith.constant 0 : i32
    %dma_start3A_465 = tpu.memref_slice %arg4[%add3A_453, %dma_start3A_463, %dma_start3A_464] : memref<16384x32x128xf32, #tpu.memory_space<hbm>> -> memref<1x26x64xf32, #tpu.memory_space<hbm>>
    %dma_start3A_466 = tpu.memref_squeeze %dma_start3A_465 : memref<1x26x64xf32, #tpu.memory_space<hbm>> -> memref<26x64xf32, #tpu.memory_space<hbm>>
    %dma_start3A_467 = arith.constant 52 : i32
    %dma_start3A_468 = arith.constant 0 : i32
    %dma_start3A_469 = tpu.memref_slice %arg6[%dma_start3A_454, %dma_start3A_467, %dma_start3A_468] : memref<4x208x64xf32, #tpu.memory_space<vmem>> -> memref<1x26x64xf32, #tpu.memory_space<vmem>>
    %dma_start3A_470 = tpu.memref_squeeze %dma_start3A_469 : memref<1x26x64xf32, #tpu.memory_space<vmem>> -> memref<26x64xf32, #tpu.memory_space<vmem>>
    tpu.enqueue_dma source(%dma_start3A_470 : memref<26x64xf32, #tpu.memory_space<vmem>>) target(%dma_start3A_466 : memref<26x64xf32, #tpu.memory_space<hbm>>) target_semaphore(%arg12 : memref<!tpu.dma_semaphore, #tpu.memory_space<semaphore_mem>>)
    %add3A_471 = arith.constant 488 : i32
    %add3A_472 = arith.addi %mul3A_2, %add3A_471 : i32
    %add3A_473 = arith.constant 3 : i32
    %add3A_474 = arith.addi %add3A_472, %add3A_473 : i32
    %dma_start3A_475 = arith.constant 1 : i32
    %dma_start3A_476 = arith.constant 78 : i32
    %dma_start3A_477 = arith.constant 0 : i32
    %dma_start3A_478 = tpu.memref_slice %arg6[%dma_start3A_475, %dma_start3A_476, %dma_start3A_477] : memref<4x208x64xf32, #tpu.memory_space<vmem>> -> memref<1x26x64xf32, #tpu.memory_space<vmem>>
    %dma_start3A_479 = tpu.memref_squeeze %dma_start3A_478 : memref<1x26x64xf32, #tpu.memory_space<vmem>> -> memref<26x64xf32, #tpu.memory_space<vmem>>
    %dma_start3A_480 = arith.constant 0 : i32
    %dma_start3A_481 = arith.constant 0 : i32
    %dma_start3A_482 = tpu.memref_slice %arg4[%add3A_474, %dma_start3A_480, %dma_start3A_481] : memref<16384x32x128xf32, #tpu.memory_space<hbm>> -> memref<1x26x64xf32, #tpu.memory_space<hbm>>
    %dma_start3A_483 = tpu.memref_squeeze %dma_start3A_482 : memref<1x26x64xf32, #tpu.memory_space<hbm>> -> memref<26x64xf32, #tpu.memory_space<hbm>>
    %dma_start3A_484 = arith.constant 0 : i32
    %dma_start3A_485 = arith.constant 0 : i32
    %dma_start3A_486 = tpu.memref_slice %arg4[%add3A_474, %dma_start3A_484, %dma_start3A_485] : memref<16384x32x128xf32, #tpu.memory_space<hbm>> -> memref<1x26x64xf32, #tpu.memory_space<hbm>>
    %dma_start3A_487 = tpu.memref_squeeze %dma_start3A_486 : memref<1x26x64xf32, #tpu.memory_space<hbm>> -> memref<26x64xf32, #tpu.memory_space<hbm>>
    %dma_start3A_488 = arith.constant 78 : i32
    %dma_start3A_489 = arith.constant 0 : i32
    %dma_start3A_490 = tpu.memref_slice %arg6[%dma_start3A_475, %dma_start3A_488, %dma_start3A_489] : memref<4x208x64xf32, #tpu.memory_space<vmem>> -> memref<1x26x64xf32, #tpu.memory_space<vmem>>
    %dma_start3A_491 = tpu.memref_squeeze %dma_start3A_490 : memref<1x26x64xf32, #tpu.memory_space<vmem>> -> memref<26x64xf32, #tpu.memory_space<vmem>>
    tpu.enqueue_dma source(%dma_start3A_491 : memref<26x64xf32, #tpu.memory_space<vmem>>) target(%dma_start3A_487 : memref<26x64xf32, #tpu.memory_space<hbm>>) target_semaphore(%arg12 : memref<!tpu.dma_semaphore, #tpu.memory_space<semaphore_mem>>)
    %add3A_492 = arith.constant 488 : i32
    %add3A_493 = arith.addi %mul3A_2, %add3A_492 : i32
    %add3A_494 = arith.constant 4 : i32
    %add3A_495 = arith.addi %add3A_493, %add3A_494 : i32
    %dma_start3A_496 = arith.constant 1 : i32
    %dma_start3A_497 = arith.constant 104 : i32
    %dma_start3A_498 = arith.constant 0 : i32
    %dma_start3A_499 = tpu.memref_slice %arg6[%dma_start3A_496, %dma_start3A_497, %dma_start3A_498] : memref<4x208x64xf32, #tpu.memory_space<vmem>> -> memref<1x26x64xf32, #tpu.memory_space<vmem>>
    %dma_start3A_500 = tpu.memref_squeeze %dma_start3A_499 : memref<1x26x64xf32, #tpu.memory_space<vmem>> -> memref<26x64xf32, #tpu.memory_space<vmem>>
    %dma_start3A_501 = arith.constant 0 : i32
    %dma_start3A_502 = arith.constant 0 : i32
    %dma_start3A_503 = tpu.memref_slice %arg4[%add3A_495, %dma_start3A_501, %dma_start3A_502] : memref<16384x32x128xf32, #tpu.memory_space<hbm>> -> memref<1x26x64xf32, #tpu.memory_space<hbm>>
    %dma_start3A_504 = tpu.memref_squeeze %dma_start3A_503 : memref<1x26x64xf32, #tpu.memory_space<hbm>> -> memref<26x64xf32, #tpu.memory_space<hbm>>
    %dma_start3A_505 = arith.constant 0 : i32
    %dma_start3A_506 = arith.constant 0 : i32
    %dma_start3A_507 = tpu.memref_slice %arg4[%add3A_495, %dma_start3A_505, %dma_start3A_506] : memref<16384x32x128xf32, #tpu.memory_space<hbm>> -> memref<1x26x64xf32, #tpu.memory_space<hbm>>
    %dma_start3A_508 = tpu.memref_squeeze %dma_start3A_507 : memref<1x26x64xf32, #tpu.memory_space<hbm>> -> memref<26x64xf32, #tpu.memory_space<hbm>>
    %dma_start3A_509 = arith.constant 104 : i32
    %dma_start3A_510 = arith.constant 0 : i32
    %dma_start3A_511 = tpu.memref_slice %arg6[%dma_start3A_496, %dma_start3A_509, %dma_start3A_510] : memref<4x208x64xf32, #tpu.memory_space<vmem>> -> memref<1x26x64xf32, #tpu.memory_space<vmem>>
    %dma_start3A_512 = tpu.memref_squeeze %dma_start3A_511 : memref<1x26x64xf32, #tpu.memory_space<vmem>> -> memref<26x64xf32, #tpu.memory_space<vmem>>
    tpu.enqueue_dma source(%dma_start3A_512 : memref<26x64xf32, #tpu.memory_space<vmem>>) target(%dma_start3A_508 : memref<26x64xf32, #tpu.memory_space<hbm>>) target_semaphore(%arg12 : memref<!tpu.dma_semaphore, #tpu.memory_space<semaphore_mem>>)
    %add3A_513 = arith.constant 488 : i32
    %add3A_514 = arith.addi %mul3A_2, %add3A_513 : i32
    %add3A_515 = arith.constant 5 : i32
    %add3A_516 = arith.addi %add3A_514, %add3A_515 : i32
    %dma_start3A_517 = arith.constant 1 : i32
    %dma_start3A_518 = arith.constant 130 : i32
    %dma_start3A_519 = arith.constant 0 : i32
    %dma_start3A_520 = tpu.memref_slice %arg6[%dma_start3A_517, %dma_start3A_518, %dma_start3A_519] : memref<4x208x64xf32, #tpu.memory_space<vmem>> -> memref<1x26x64xf32, #tpu.memory_space<vmem>>
    %dma_start3A_521 = tpu.memref_squeeze %dma_start3A_520 : memref<1x26x64xf32, #tpu.memory_space<vmem>> -> memref<26x64xf32, #tpu.memory_space<vmem>>
    %dma_start3A_522 = arith.constant 0 : i32
    %dma_start3A_523 = arith.constant 0 : i32
    %dma_start3A_524 = tpu.memref_slice %arg4[%add3A_516, %dma_start3A_522, %dma_start3A_523] : memref<16384x32x128xf32, #tpu.memory_space<hbm>> -> memref<1x26x64xf32, #tpu.memory_space<hbm>>
    %dma_start3A_525 = tpu.memref_squeeze %dma_start3A_524 : memref<1x26x64xf32, #tpu.memory_space<hbm>> -> memref<26x64xf32, #tpu.memory_space<hbm>>
    %dma_start3A_526 = arith.constant 0 : i32
    %dma_start3A_527 = arith.constant 0 : i32
    %dma_start3A_528 = tpu.memref_slice %arg4[%add3A_516, %dma_start3A_526, %dma_start3A_527] : memref<16384x32x128xf32, #tpu.memory_space<hbm>> -> memref<1x26x64xf32, #tpu.memory_space<hbm>>
    %dma_start3A_529 = tpu.memref_squeeze %dma_start3A_528 : memref<1x26x64xf32, #tpu.memory_space<hbm>> -> memref<26x64xf32, #tpu.memory_space<hbm>>
    %dma_start3A_530 = arith.constant 130 : i32
    %dma_start3A_531 = arith.constant 0 : i32
    %dma_start3A_532 = tpu.memref_slice %arg6[%dma_start3A_517, %dma_start3A_530, %dma_start3A_531] : memref<4x208x64xf32, #tpu.memory_space<vmem>> -> memref<1x26x64xf32, #tpu.memory_space<vmem>>
    %dma_start3A_533 = tpu.memref_squeeze %dma_start3A_532 : memref<1x26x64xf32, #tpu.memory_space<vmem>> -> memref<26x64xf32, #tpu.memory_space<vmem>>
    tpu.enqueue_dma source(%dma_start3A_533 : memref<26x64xf32, #tpu.memory_space<vmem>>) target(%dma_start3A_529 : memref<26x64xf32, #tpu.memory_space<hbm>>) target_semaphore(%arg12 : memref<!tpu.dma_semaphore, #tpu.memory_space<semaphore_mem>>)
    %add3A_534 = arith.constant 488 : i32
    %add3A_535 = arith.addi %mul3A_2, %add3A_534 : i32
    %add3A_536 = arith.constant 6 : i32
    %add3A_537 = arith.addi %add3A_535, %add3A_536 : i32
    %dma_start3A_538 = arith.constant 1 : i32
    %dma_start3A_539 = arith.constant 156 : i32
    %dma_start3A_540 = arith.constant 0 : i32
    %dma_start3A_541 = tpu.memref_slice %arg6[%dma_start3A_538, %dma_start3A_539, %dma_start3A_540] : memref<4x208x64xf32, #tpu.memory_space<vmem>> -> memref<1x26x64xf32, #tpu.memory_space<vmem>>
    %dma_start3A_542 = tpu.memref_squeeze %dma_start3A_541 : memref<1x26x64xf32, #tpu.memory_space<vmem>> -> memref<26x64xf32, #tpu.memory_space<vmem>>
    %dma_start3A_543 = arith.constant 0 : i32
    %dma_start3A_544 = arith.constant 0 : i32
    %dma_start3A_545 = tpu.memref_slice %arg4[%add3A_537, %dma_start3A_543, %dma_start3A_544] : memref<16384x32x128xf32, #tpu.memory_space<hbm>> -> memref<1x26x64xf32, #tpu.memory_space<hbm>>
    %dma_start3A_546 = tpu.memref_squeeze %dma_start3A_545 : memref<1x26x64xf32, #tpu.memory_space<hbm>> -> memref<26x64xf32, #tpu.memory_space<hbm>>
    %dma_start3A_547 = arith.constant 0 : i32
    %dma_start3A_548 = arith.constant 0 : i32
    %dma_start3A_549 = tpu.memref_slice %arg4[%add3A_537, %dma_start3A_547, %dma_start3A_548] : memref<16384x32x128xf32, #tpu.memory_space<hbm>> -> memref<1x26x64xf32, #tpu.memory_space<hbm>>
    %dma_start3A_550 = tpu.memref_squeeze %dma_start3A_549 : memref<1x26x64xf32, #tpu.memory_space<hbm>> -> memref<26x64xf32, #tpu.memory_space<hbm>>
    %dma_start3A_551 = arith.constant 156 : i32
    %dma_start3A_552 = arith.constant 0 : i32
    %dma_start3A_553 = tpu.memref_slice %arg6[%dma_start3A_538, %dma_start3A_551, %dma_start3A_552] : memref<4x208x64xf32, #tpu.memory_space<vmem>> -> memref<1x26x64xf32, #tpu.memory_space<vmem>>
    %dma_start3A_554 = tpu.memref_squeeze %dma_start3A_553 : memref<1x26x64xf32, #tpu.memory_space<vmem>> -> memref<26x64xf32, #tpu.memory_space<vmem>>
    tpu.enqueue_dma source(%dma_start3A_554 : memref<26x64xf32, #tpu.memory_space<vmem>>) target(%dma_start3A_550 : memref<26x64xf32, #tpu.memory_space<hbm>>) target_semaphore(%arg12 : memref<!tpu.dma_semaphore, #tpu.memory_space<semaphore_mem>>)
    %add3A_555 = arith.constant 488 : i32
    %add3A_556 = arith.addi %mul3A_2, %add3A_555 : i32
    %add3A_557 = arith.constant 7 : i32
    %add3A_558 = arith.addi %add3A_556, %add3A_557 : i32
    %dma_start3A_559 = arith.constant 1 : i32
    %dma_start3A_560 = arith.constant 182 : i32
    %dma_start3A_561 = arith.constant 0 : i32
    %dma_start3A_562 = tpu.memref_slice %arg6[%dma_start3A_559, %dma_start3A_560, %dma_start3A_561] : memref<4x208x64xf32, #tpu.memory_space<vmem>> -> memref<1x26x64xf32, #tpu.memory_space<vmem>>
    %dma_start3A_563 = tpu.memref_squeeze %dma_start3A_562 : memref<1x26x64xf32, #tpu.memory_space<vmem>> -> memref<26x64xf32, #tpu.memory_space<vmem>>
    %dma_start3A_564 = arith.constant 0 : i32
    %dma_start3A_565 = arith.constant 0 : i32
    %dma_start3A_566 = tpu.memref_slice %arg4[%add3A_558, %dma_start3A_564, %dma_start3A_565] : memref<16384x32x128xf32, #tpu.memory_space<hbm>> -> memref<1x26x64xf32, #tpu.memory_space<hbm>>
    %dma_start3A_567 = tpu.memref_squeeze %dma_start3A_566 : memref<1x26x64xf32, #tpu.memory_space<hbm>> -> memref<26x64xf32, #tpu.memory_space<hbm>>
    %dma_start3A_568 = arith.constant 0 : i32
    %dma_start3A_569 = arith.constant 0 : i32
    %dma_start3A_570 = tpu.memref_slice %arg4[%add3A_558, %dma_start3A_568, %dma_start3A_569] : memref<16384x32x128xf32, #tpu.memory_space<hbm>> -> memref<1x26x64xf32, #tpu.memory_space<hbm>>
    %dma_start3A_571 = tpu.memref_squeeze %dma_start3A_570 : memref<1x26x64xf32, #tpu.memory_space<hbm>> -> memref<26x64xf32, #tpu.memory_space<hbm>>
    %dma_start3A_572 = arith.constant 182 : i32
    %dma_start3A_573 = arith.constant 0 : i32
    %dma_start3A_574 = tpu.memref_slice %arg6[%dma_start3A_559, %dma_start3A_572, %dma_start3A_573] : memref<4x208x64xf32, #tpu.memory_space<vmem>> -> memref<1x26x64xf32, #tpu.memory_space<vmem>>
    %dma_start3A_575 = tpu.memref_squeeze %dma_start3A_574 : memref<1x26x64xf32, #tpu.memory_space<vmem>> -> memref<26x64xf32, #tpu.memory_space<vmem>>
    tpu.enqueue_dma source(%dma_start3A_575 : memref<26x64xf32, #tpu.memory_space<vmem>>) target(%dma_start3A_571 : memref<26x64xf32, #tpu.memory_space<hbm>>) target_semaphore(%arg12 : memref<!tpu.dma_semaphore, #tpu.memory_space<semaphore_mem>>)
    %add3A_576 = arith.constant 488 : i32
    %add3A_577 = arith.addi %mul3A_2, %add3A_576 : i32
    %add3A_578 = arith.constant 0 : i32
    %add3A_579 = arith.addi %add3A_577, %add3A_578 : i32
    %dma_wait3A_580 = arith.constant 1 : i32
    %dma_wait3A_581 = arith.constant 0 : i32
    %dma_wait3A_582 = arith.constant 0 : i32
    %dma_wait3A_583 = tpu.memref_slice %arg6[%dma_wait3A_580, %dma_wait3A_581, %dma_wait3A_582] : memref<4x208x64xf32, #tpu.memory_space<vmem>> -> memref<1x26x64xf32, #tpu.memory_space<vmem>>
    %dma_wait3A_584 = tpu.memref_squeeze %dma_wait3A_583 : memref<1x26x64xf32, #tpu.memory_space<vmem>> -> memref<26x64xf32, #tpu.memory_space<vmem>>
    %dma_wait3A_585 = arith.constant 0 : i32
    %dma_wait3A_586 = arith.constant 0 : i32
    %dma_wait3A_587 = tpu.memref_slice %arg4[%add3A_579, %dma_wait3A_585, %dma_wait3A_586] : memref<16384x32x128xf32, #tpu.memory_space<hbm>> -> memref<1x26x64xf32, #tpu.memory_space<hbm>>
    %dma_wait3A_588 = tpu.memref_squeeze %dma_wait3A_587 : memref<1x26x64xf32, #tpu.memory_space<hbm>> -> memref<26x64xf32, #tpu.memory_space<hbm>>
    %dma_wait3A_589 = arith.constant 0 : i32
    %dma_wait3A_590 = arith.constant 0 : i32
    %dma_wait3A_591 = tpu.memref_slice %arg4[%add3A_579, %dma_wait3A_589, %dma_wait3A_590] : memref<16384x32x128xf32, #tpu.memory_space<hbm>> -> memref<1x26x64xf32, #tpu.memory_space<hbm>>
    %dma_wait3A_592 = tpu.memref_squeeze %dma_wait3A_591 : memref<1x26x64xf32, #tpu.memory_space<hbm>> -> memref<26x64xf32, #tpu.memory_space<hbm>>
    %dma_wait3A_593 = arith.constant 0 : i32
    %dma_wait3A_594 = arith.constant 0 : i32
    %dma_wait3A_595 = tpu.memref_slice %arg6[%dma_wait3A_580, %dma_wait3A_593, %dma_wait3A_594] : memref<4x208x64xf32, #tpu.memory_space<vmem>> -> memref<1x26x64xf32, #tpu.memory_space<vmem>>
    %dma_wait3A_596 = tpu.memref_squeeze %dma_wait3A_595 : memref<1x26x64xf32, #tpu.memory_space<vmem>> -> memref<26x64xf32, #tpu.memory_space<vmem>>
    tpu.wait_dma2 semaphore(%arg12 : memref<!tpu.dma_semaphore, #tpu.memory_space<semaphore_mem>>) src(%dma_wait3A_596 : memref<26x64xf32, #tpu.memory_space<vmem>>) dst(%dma_wait3A_592 : memref<26x64xf32, #tpu.memory_space<hbm>>)
    %add3A_597 = arith.constant 488 : i32
    %add3A_598 = arith.addi %mul3A_2, %add3A_597 : i32
    %add3A_599 = arith.constant 1 : i32
    %add3A_600 = arith.addi %add3A_598, %add3A_599 : i32
    %dma_wait3A_601 = arith.constant 1 : i32
    %dma_wait3A_602 = arith.constant 26 : i32
    %dma_wait3A_603 = arith.constant 0 : i32
    %dma_wait3A_604 = tpu.memref_slice %arg6[%dma_wait3A_601, %dma_wait3A_602, %dma_wait3A_603] : memref<4x208x64xf32, #tpu.memory_space<vmem>> -> memref<1x26x64xf32, #tpu.memory_space<vmem>>
    %dma_wait3A_605 = tpu.memref_squeeze %dma_wait3A_604 : memref<1x26x64xf32, #tpu.memory_space<vmem>> -> memref<26x64xf32, #tpu.memory_space<vmem>>
    %dma_wait3A_606 = arith.constant 0 : i32
    %dma_wait3A_607 = arith.constant 0 : i32
    %dma_wait3A_608 = tpu.memref_slice %arg4[%add3A_600, %dma_wait3A_606, %dma_wait3A_607] : memref<16384x32x128xf32, #tpu.memory_space<hbm>> -> memref<1x26x64xf32, #tpu.memory_space<hbm>>
    %dma_wait3A_609 = tpu.memref_squeeze %dma_wait3A_608 : memref<1x26x64xf32, #tpu.memory_space<hbm>> -> memref<26x64xf32, #tpu.memory_space<hbm>>
    %dma_wait3A_610 = arith.constant 0 : i32
    %dma_wait3A_611 = arith.constant 0 : i32
    %dma_wait3A_612 = tpu.memref_slice %arg4[%add3A_600, %dma_wait3A_610, %dma_wait3A_611] : memref<16384x32x128xf32, #tpu.memory_space<hbm>> -> memref<1x26x64xf32, #tpu.memory_space<hbm>>
    %dma_wait3A_613 = tpu.memref_squeeze %dma_wait3A_612 : memref<1x26x64xf32, #tpu.memory_space<hbm>> -> memref<26x64xf32, #tpu.memory_space<hbm>>
    %dma_wait3A_614 = arith.constant 26 : i32
    %dma_wait3A_615 = arith.constant 0 : i32
    %dma_wait3A_616 = tpu.memref_slice %arg6[%dma_wait3A_601, %dma_wait3A_614, %dma_wait3A_615] : memref<4x208x64xf32, #tpu.memory_space<vmem>> -> memref<1x26x64xf32, #tpu.memory_space<vmem>>
    %dma_wait3A_617 = tpu.memref_squeeze %dma_wait3A_616 : memref<1x26x64xf32, #tpu.memory_space<vmem>> -> memref<26x64xf32, #tpu.memory_space<vmem>>
    tpu.wait_dma2 semaphore(%arg12 : memref<!tpu.dma_semaphore, #tpu.memory_space<semaphore_mem>>) src(%dma_wait3A_617 : memref<26x64xf32, #tpu.memory_space<vmem>>) dst(%dma_wait3A_613 : memref<26x64xf32, #tpu.memory_space<hbm>>)
    %add3A_618 = arith.constant 488 : i32
    %add3A_619 = arith.addi %mul3A_2, %add3A_618 : i32
    %add3A_620 = arith.constant 2 : i32
    %add3A_621 = arith.addi %add3A_619, %add3A_620 : i32
    %dma_wait3A_622 = arith.constant 1 : i32
    %dma_wait3A_623 = arith.constant 52 : i32
    %dma_wait3A_624 = arith.constant 0 : i32
    %dma_wait3A_625 = tpu.memref_slice %arg6[%dma_wait3A_622, %dma_wait3A_623, %dma_wait3A_624] : memref<4x208x64xf32, #tpu.memory_space<vmem>> -> memref<1x26x64xf32, #tpu.memory_space<vmem>>
    %dma_wait3A_626 = tpu.memref_squeeze %dma_wait3A_625 : memref<1x26x64xf32, #tpu.memory_space<vmem>> -> memref<26x64xf32, #tpu.memory_space<vmem>>
    %dma_wait3A_627 = arith.constant 0 : i32
    %dma_wait3A_628 = arith.constant 0 : i32
    %dma_wait3A_629 = tpu.memref_slice %arg4[%add3A_621, %dma_wait3A_627, %dma_wait3A_628] : memref<16384x32x128xf32, #tpu.memory_space<hbm>> -> memref<1x26x64xf32, #tpu.memory_space<hbm>>
    %dma_wait3A_630 = tpu.memref_squeeze %dma_wait3A_629 : memref<1x26x64xf32, #tpu.memory_space<hbm>> -> memref<26x64xf32, #tpu.memory_space<hbm>>
    %dma_wait3A_631 = arith.constant 0 : i32
    %dma_wait3A_632 = arith.constant 0 : i32
    %dma_wait3A_633 = tpu.memref_slice %arg4[%add3A_621, %dma_wait3A_631, %dma_wait3A_632] : memref<16384x32x128xf32, #tpu.memory_space<hbm>> -> memref<1x26x64xf32, #tpu.memory_space<hbm>>
    %dma_wait3A_634 = tpu.memref_squeeze %dma_wait3A_633 : memref<1x26x64xf32, #tpu.memory_space<hbm>> -> memref<26x64xf32, #tpu.memory_space<hbm>>
    %dma_wait3A_635 = arith.constant 52 : i32
    %dma_wait3A_636 = arith.constant 0 : i32
    %dma_wait3A_637 = tpu.memref_slice %arg6[%dma_wait3A_622, %dma_wait3A_635, %dma_wait3A_636] : memref<4x208x64xf32, #tpu.memory_space<vmem>> -> memref<1x26x64xf32, #tpu.memory_space<vmem>>
    %dma_wait3A_638 = tpu.memref_squeeze %dma_wait3A_637 : memref<1x26x64xf32, #tpu.memory_space<vmem>> -> memref<26x64xf32, #tpu.memory_space<vmem>>
    tpu.wait_dma2 semaphore(%arg12 : memref<!tpu.dma_semaphore, #tpu.memory_space<semaphore_mem>>) src(%dma_wait3A_638 : memref<26x64xf32, #tpu.memory_space<vmem>>) dst(%dma_wait3A_634 : memref<26x64xf32, #tpu.memory_space<hbm>>)
    %add3A_639 = arith.constant 488 : i32
    %add3A_640 = arith.addi %mul3A_2, %add3A_639 : i32
    %add3A_641 = arith.constant 3 : i32
    %add3A_642 = arith.addi %add3A_640, %add3A_641 : i32
    %dma_wait3A_643 = arith.constant 1 : i32
    %dma_wait3A_644 = arith.constant 78 : i32
    %dma_wait3A_645 = arith.constant 0 : i32
    %dma_wait3A_646 = tpu.memref_slice %arg6[%dma_wait3A_643, %dma_wait3A_644, %dma_wait3A_645] : memref<4x208x64xf32, #tpu.memory_space<vmem>> -> memref<1x26x64xf32, #tpu.memory_space<vmem>>
    %dma_wait3A_647 = tpu.memref_squeeze %dma_wait3A_646 : memref<1x26x64xf32, #tpu.memory_space<vmem>> -> memref<26x64xf32, #tpu.memory_space<vmem>>
    %dma_wait3A_648 = arith.constant 0 : i32
    %dma_wait3A_649 = arith.constant 0 : i32
    %dma_wait3A_650 = tpu.memref_slice %arg4[%add3A_642, %dma_wait3A_648, %dma_wait3A_649] : memref<16384x32x128xf32, #tpu.memory_space<hbm>> -> memref<1x26x64xf32, #tpu.memory_space<hbm>>
    %dma_wait3A_651 = tpu.memref_squeeze %dma_wait3A_650 : memref<1x26x64xf32, #tpu.memory_space<hbm>> -> memref<26x64xf32, #tpu.memory_space<hbm>>
    %dma_wait3A_652 = arith.constant 0 : i32
    %dma_wait3A_653 = arith.constant 0 : i32
    %dma_wait3A_654 = tpu.memref_slice %arg4[%add3A_642, %dma_wait3A_652, %dma_wait3A_653] : memref<16384x32x128xf32, #tpu.memory_space<hbm>> -> memref<1x26x64xf32, #tpu.memory_space<hbm>>
    %dma_wait3A_655 = tpu.memref_squeeze %dma_wait3A_654 : memref<1x26x64xf32, #tpu.memory_space<hbm>> -> memref<26x64xf32, #tpu.memory_space<hbm>>
    %dma_wait3A_656 = arith.constant 78 : i32
    %dma_wait3A_657 = arith.constant 0 : i32
    %dma_wait3A_658 = tpu.memref_slice %arg6[%dma_wait3A_643, %dma_wait3A_656, %dma_wait3A_657] : memref<4x208x64xf32, #tpu.memory_space<vmem>> -> memref<1x26x64xf32, #tpu.memory_space<vmem>>
    %dma_wait3A_659 = tpu.memref_squeeze %dma_wait3A_658 : memref<1x26x64xf32, #tpu.memory_space<vmem>> -> memref<26x64xf32, #tpu.memory_space<vmem>>
    tpu.wait_dma2 semaphore(%arg12 : memref<!tpu.dma_semaphore, #tpu.memory_space<semaphore_mem>>) src(%dma_wait3A_659 : memref<26x64xf32, #tpu.memory_space<vmem>>) dst(%dma_wait3A_655 : memref<26x64xf32, #tpu.memory_space<hbm>>)
    %add3A_660 = arith.constant 488 : i32
    %add3A_661 = arith.addi %mul3A_2, %add3A_660 : i32
    %add3A_662 = arith.constant 4 : i32
    %add3A_663 = arith.addi %add3A_661, %add3A_662 : i32
    %dma_wait3A_664 = arith.constant 1 : i32
    %dma_wait3A_665 = arith.constant 104 : i32
    %dma_wait3A_666 = arith.constant 0 : i32
    %dma_wait3A_667 = tpu.memref_slice %arg6[%dma_wait3A_664, %dma_wait3A_665, %dma_wait3A_666] : memref<4x208x64xf32, #tpu.memory_space<vmem>> -> memref<1x26x64xf32, #tpu.memory_space<vmem>>
    %dma_wait3A_668 = tpu.memref_squeeze %dma_wait3A_667 : memref<1x26x64xf32, #tpu.memory_space<vmem>> -> memref<26x64xf32, #tpu.memory_space<vmem>>
    %dma_wait3A_669 = arith.constant 0 : i32
    %dma_wait3A_670 = arith.constant 0 : i32
    %dma_wait3A_671 = tpu.memref_slice %arg4[%add3A_663, %dma_wait3A_669, %dma_wait3A_670] : memref<16384x32x128xf32, #tpu.memory_space<hbm>> -> memref<1x26x64xf32, #tpu.memory_space<hbm>>
    %dma_wait3A_672 = tpu.memref_squeeze %dma_wait3A_671 : memref<1x26x64xf32, #tpu.memory_space<hbm>> -> memref<26x64xf32, #tpu.memory_space<hbm>>
    %dma_wait3A_673 = arith.constant 0 : i32
    %dma_wait3A_674 = arith.constant 0 : i32
    %dma_wait3A_675 = tpu.memref_slice %arg4[%add3A_663, %dma_wait3A_673, %dma_wait3A_674] : memref<16384x32x128xf32, #tpu.memory_space<hbm>> -> memref<1x26x64xf32, #tpu.memory_space<hbm>>
    %dma_wait3A_676 = tpu.memref_squeeze %dma_wait3A_675 : memref<1x26x64xf32, #tpu.memory_space<hbm>> -> memref<26x64xf32, #tpu.memory_space<hbm>>
    %dma_wait3A_677 = arith.constant 104 : i32
    %dma_wait3A_678 = arith.constant 0 : i32
    %dma_wait3A_679 = tpu.memref_slice %arg6[%dma_wait3A_664, %dma_wait3A_677, %dma_wait3A_678] : memref<4x208x64xf32, #tpu.memory_space<vmem>> -> memref<1x26x64xf32, #tpu.memory_space<vmem>>
    %dma_wait3A_680 = tpu.memref_squeeze %dma_wait3A_679 : memref<1x26x64xf32, #tpu.memory_space<vmem>> -> memref<26x64xf32, #tpu.memory_space<vmem>>
    tpu.wait_dma2 semaphore(%arg12 : memref<!tpu.dma_semaphore, #tpu.memory_space<semaphore_mem>>) src(%dma_wait3A_680 : memref<26x64xf32, #tpu.memory_space<vmem>>) dst(%dma_wait3A_676 : memref<26x64xf32, #tpu.memory_space<hbm>>)
    %add3A_681 = arith.constant 488 : i32
    %add3A_682 = arith.addi %mul3A_2, %add3A_681 : i32
    %add3A_683 = arith.constant 5 : i32
    %add3A_684 = arith.addi %add3A_682, %add3A_683 : i32
    %dma_wait3A_685 = arith.constant 1 : i32
    %dma_wait3A_686 = arith.constant 130 : i32
    %dma_wait3A_687 = arith.constant 0 : i32
    %dma_wait3A_688 = tpu.memref_slice %arg6[%dma_wait3A_685, %dma_wait3A_686, %dma_wait3A_687] : memref<4x208x64xf32, #tpu.memory_space<vmem>> -> memref<1x26x64xf32, #tpu.memory_space<vmem>>
    %dma_wait3A_689 = tpu.memref_squeeze %dma_wait3A_688 : memref<1x26x64xf32, #tpu.memory_space<vmem>> -> memref<26x64xf32, #tpu.memory_space<vmem>>
    %dma_wait3A_690 = arith.constant 0 : i32
    %dma_wait3A_691 = arith.constant 0 : i32
    %dma_wait3A_692 = tpu.memref_slice %arg4[%add3A_684, %dma_wait3A_690, %dma_wait3A_691] : memref<16384x32x128xf32, #tpu.memory_space<hbm>> -> memref<1x26x64xf32, #tpu.memory_space<hbm>>
    %dma_wait3A_693 = tpu.memref_squeeze %dma_wait3A_692 : memref<1x26x64xf32, #tpu.memory_space<hbm>> -> memref<26x64xf32, #tpu.memory_space<hbm>>
    %dma_wait3A_694 = arith.constant 0 : i32
    %dma_wait3A_695 = arith.constant 0 : i32
    %dma_wait3A_696 = tpu.memref_slice %arg4[%add3A_684, %dma_wait3A_694, %dma_wait3A_695] : memref<16384x32x128xf32, #tpu.memory_space<hbm>> -> memref<1x26x64xf32, #tpu.memory_space<hbm>>
    %dma_wait3A_697 = tpu.memref_squeeze %dma_wait3A_696 : memref<1x26x64xf32, #tpu.memory_space<hbm>> -> memref<26x64xf32, #tpu.memory_space<hbm>>
    %dma_wait3A_698 = arith.constant 130 : i32
    %dma_wait3A_699 = arith.constant 0 : i32
    %dma_wait3A_700 = tpu.memref_slice %arg6[%dma_wait3A_685, %dma_wait3A_698, %dma_wait3A_699] : memref<4x208x64xf32, #tpu.memory_space<vmem>> -> memref<1x26x64xf32, #tpu.memory_space<vmem>>
    %dma_wait3A_701 = tpu.memref_squeeze %dma_wait3A_700 : memref<1x26x64xf32, #tpu.memory_space<vmem>> -> memref<26x64xf32, #tpu.memory_space<vmem>>
    tpu.wait_dma2 semaphore(%arg12 : memref<!tpu.dma_semaphore, #tpu.memory_space<semaphore_mem>>) src(%dma_wait3A_701 : memref<26x64xf32, #tpu.memory_space<vmem>>) dst(%dma_wait3A_697 : memref<26x64xf32, #tpu.memory_space<hbm>>)
    %add3A_702 = arith.constant 488 : i32
    %add3A_703 = arith.addi %mul3A_2, %add3A_702 : i32
    %add3A_704 = arith.constant 6 : i32
    %add3A_705 = arith.addi %add3A_703, %add3A_704 : i32
    %dma_wait3A_706 = arith.constant 1 : i32
    %dma_wait3A_707 = arith.constant 156 : i32
    %dma_wait3A_708 = arith.constant 0 : i32
    %dma_wait3A_709 = tpu.memref_slice %arg6[%dma_wait3A_706, %dma_wait3A_707, %dma_wait3A_708] : memref<4x208x64xf32, #tpu.memory_space<vmem>> -> memref<1x26x64xf32, #tpu.memory_space<vmem>>
    %dma_wait3A_710 = tpu.memref_squeeze %dma_wait3A_709 : memref<1x26x64xf32, #tpu.memory_space<vmem>> -> memref<26x64xf32, #tpu.memory_space<vmem>>
    %dma_wait3A_711 = arith.constant 0 : i32
    %dma_wait3A_712 = arith.constant 0 : i32
    %dma_wait3A_713 = tpu.memref_slice %arg4[%add3A_705, %dma_wait3A_711, %dma_wait3A_712] : memref<16384x32x128xf32, #tpu.memory_space<hbm>> -> memref<1x26x64xf32, #tpu.memory_space<hbm>>
    %dma_wait3A_714 = tpu.memref_squeeze %dma_wait3A_713 : memref<1x26x64xf32, #tpu.memory_space<hbm>> -> memref<26x64xf32, #tpu.memory_space<hbm>>
    %dma_wait3A_715 = arith.constant 0 : i32
    %dma_wait3A_716 = arith.constant 0 : i32
    %dma_wait3A_717 = tpu.memref_slice %arg4[%add3A_705, %dma_wait3A_715, %dma_wait3A_716] : memref<16384x32x128xf32, #tpu.memory_space<hbm>> -> memref<1x26x64xf32, #tpu.memory_space<hbm>>
    %dma_wait3A_718 = tpu.memref_squeeze %dma_wait3A_717 : memref<1x26x64xf32, #tpu.memory_space<hbm>> -> memref<26x64xf32, #tpu.memory_space<hbm>>
    %dma_wait3A_719 = arith.constant 156 : i32
    %dma_wait3A_720 = arith.constant 0 : i32
    %dma_wait3A_721 = tpu.memref_slice %arg6[%dma_wait3A_706, %dma_wait3A_719, %dma_wait3A_720] : memref<4x208x64xf32, #tpu.memory_space<vmem>> -> memref<1x26x64xf32, #tpu.memory_space<vmem>>
    %dma_wait3A_722 = tpu.memref_squeeze %dma_wait3A_721 : memref<1x26x64xf32, #tpu.memory_space<vmem>> -> memref<26x64xf32, #tpu.memory_space<vmem>>
    tpu.wait_dma2 semaphore(%arg12 : memref<!tpu.dma_semaphore, #tpu.memory_space<semaphore_mem>>) src(%dma_wait3A_722 : memref<26x64xf32, #tpu.memory_space<vmem>>) dst(%dma_wait3A_718 : memref<26x64xf32, #tpu.memory_space<hbm>>)
    %add3A_723 = arith.constant 488 : i32
    %add3A_724 = arith.addi %mul3A_2, %add3A_723 : i32
    %add3A_725 = arith.constant 7 : i32
    %add3A_726 = arith.addi %add3A_724, %add3A_725 : i32
    %dma_wait3A_727 = arith.constant 1 : i32
    %dma_wait3A_728 = arith.constant 182 : i32
    %dma_wait3A_729 = arith.constant 0 : i32
    %dma_wait3A_730 = tpu.memref_slice %arg6[%dma_wait3A_727, %dma_wait3A_728, %dma_wait3A_729] : memref<4x208x64xf32, #tpu.memory_space<vmem>> -> memref<1x26x64xf32, #tpu.memory_space<vmem>>
    %dma_wait3A_731 = tpu.memref_squeeze %dma_wait3A_730 : memref<1x26x64xf32, #tpu.memory_space<vmem>> -> memref<26x64xf32, #tpu.memory_space<vmem>>
    %dma_wait3A_732 = arith.constant 0 : i32
    %dma_wait3A_733 = arith.constant 0 : i32
    %dma_wait3A_734 = tpu.memref_slice %arg4[%add3A_726, %dma_wait3A_732, %dma_wait3A_733] : memref<16384x32x128xf32, #tpu.memory_space<hbm>> -> memref<1x26x64xf32, #tpu.memory_space<hbm>>
    %dma_wait3A_735 = tpu.memref_squeeze %dma_wait3A_734 : memref<1x26x64xf32, #tpu.memory_space<hbm>> -> memref<26x64xf32, #tpu.memory_space<hbm>>
    %dma_wait3A_736 = arith.constant 0 : i32
    %dma_wait3A_737 = arith.constant 0 : i32
    %dma_wait3A_738 = tpu.memref_slice %arg4[%add3A_726, %dma_wait3A_736, %dma_wait3A_737] : memref<16384x32x128xf32, #tpu.memory_space<hbm>> -> memref<1x26x64xf32, #tpu.memory_space<hbm>>
    %dma_wait3A_739 = tpu.memref_squeeze %dma_wait3A_738 : memref<1x26x64xf32, #tpu.memory_space<hbm>> -> memref<26x64xf32, #tpu.memory_space<hbm>>
    %dma_wait3A_740 = arith.constant 182 : i32
    %dma_wait3A_741 = arith.constant 0 : i32
    %dma_wait3A_742 = tpu.memref_slice %arg6[%dma_wait3A_727, %dma_wait3A_740, %dma_wait3A_741] : memref<4x208x64xf32, #tpu.memory_space<vmem>> -> memref<1x26x64xf32, #tpu.memory_space<vmem>>
    %dma_wait3A_743 = tpu.memref_squeeze %dma_wait3A_742 : memref<1x26x64xf32, #tpu.memory_space<vmem>> -> memref<26x64xf32, #tpu.memory_space<vmem>>
    tpu.wait_dma2 semaphore(%arg12 : memref<!tpu.dma_semaphore, #tpu.memory_space<semaphore_mem>>) src(%dma_wait3A_743 : memref<26x64xf32, #tpu.memory_space<vmem>>) dst(%dma_wait3A_739 : memref<26x64xf32, #tpu.memory_space<hbm>>)
    %dma_wait3A_744 = arith.constant 2 : i32
    %dma_wait3A_745 = arith.constant 0 : i32
    %dma_wait3A_746 = arith.constant 0 : i32
    %dma_wait3A_747 = tpu.memref_slice %arg6[%dma_wait3A_744, %dma_wait3A_745, %dma_wait3A_746] : memref<4x208x64xf32, #tpu.memory_space<vmem>> -> memref<1x208x64xf32, #tpu.memory_space<vmem>>
    %dma_wait3A_748 = tpu.memref_squeeze %dma_wait3A_747 : memref<1x208x64xf32, #tpu.memory_space<vmem>> -> memref<208x64xf32, #tpu.memory_space<vmem>>
    %dma_wait3A_749 = arith.constant 0 : i32
    %dma_wait3A_750 = tpu.memref_slice %arg5[%dma_wait3A_749] : memref<13312xi32, #tpu.memory_space<vmem>> -> memref<208xi32, #tpu.memory_space<vmem>>
    %dma_wait3A_751 = arith.constant 0 : i32
    %dma_wait3A_752 = arith.constant 0 : i32
    %dma_wait3A_753 = tpu.memref_slice %arg3[%dma_wait3A_751, %dma_wait3A_752] : memref<1000000x64xf32, #tpu.memory_space<hbm>> -> memref<1000000x64xf32, #tpu.memory_space<hbm>>
    tpu.wait_indirect_dma semaphore(%arg9 : memref<!tpu.dma_semaphore, #tpu.memory_space<semaphore_mem>>) src(%dma_wait3A_753 : memref<1000000x64xf32, #tpu.memory_space<hbm>>) dst(%dma_wait3A_748 : memref<208x64xf32, #tpu.memory_space<vmem>>)
    %add3A_754 = arith.constant 496 : i32
    %add3A_755 = arith.addi %mul3A_2, %add3A_754 : i32
    %add3A_756 = arith.constant 0 : i32
    %add3A_757 = arith.addi %add3A_755, %add3A_756 : i32
    %dma_start3A_758 = arith.constant 2 : i32
    %dma_start3A_759 = arith.constant 0 : i32
    %dma_start3A_760 = arith.constant 0 : i32
    %dma_start3A_761 = tpu.memref_slice %arg6[%dma_start3A_758, %dma_start3A_759, %dma_start3A_760] : memref<4x208x64xf32, #tpu.memory_space<vmem>> -> memref<1x26x64xf32, #tpu.memory_space<vmem>>
    %dma_start3A_762 = tpu.memref_squeeze %dma_start3A_761 : memref<1x26x64xf32, #tpu.memory_space<vmem>> -> memref<26x64xf32, #tpu.memory_space<vmem>>
    %dma_start3A_763 = arith.constant 0 : i32
    %dma_start3A_764 = arith.constant 0 : i32
    %dma_start3A_765 = tpu.memref_slice %arg4[%add3A_757, %dma_start3A_763, %dma_start3A_764] : memref<16384x32x128xf32, #tpu.memory_space<hbm>> -> memref<1x26x64xf32, #tpu.memory_space<hbm>>
    %dma_start3A_766 = tpu.memref_squeeze %dma_start3A_765 : memref<1x26x64xf32, #tpu.memory_space<hbm>> -> memref<26x64xf32, #tpu.memory_space<hbm>>
    %dma_start3A_767 = arith.constant 0 : i32
    %dma_start3A_768 = arith.constant 0 : i32
    %dma_start3A_769 = tpu.memref_slice %arg4[%add3A_757, %dma_start3A_767, %dma_start3A_768] : memref<16384x32x128xf32, #tpu.memory_space<hbm>> -> memref<1x26x64xf32, #tpu.memory_space<hbm>>
    %dma_start3A_770 = tpu.memref_squeeze %dma_start3A_769 : memref<1x26x64xf32, #tpu.memory_space<hbm>> -> memref<26x64xf32, #tpu.memory_space<hbm>>
    %dma_start3A_771 = arith.constant 0 : i32
    %dma_start3A_772 = arith.constant 0 : i32
    %dma_start3A_773 = tpu.memref_slice %arg6[%dma_start3A_758, %dma_start3A_771, %dma_start3A_772] : memref<4x208x64xf32, #tpu.memory_space<vmem>> -> memref<1x26x64xf32, #tpu.memory_space<vmem>>
    %dma_start3A_774 = tpu.memref_squeeze %dma_start3A_773 : memref<1x26x64xf32, #tpu.memory_space<vmem>> -> memref<26x64xf32, #tpu.memory_space<vmem>>
    tpu.enqueue_dma source(%dma_start3A_774 : memref<26x64xf32, #tpu.memory_space<vmem>>) target(%dma_start3A_770 : memref<26x64xf32, #tpu.memory_space<hbm>>) target_semaphore(%arg13 : memref<!tpu.dma_semaphore, #tpu.memory_space<semaphore_mem>>)
    %add3A_775 = arith.constant 496 : i32
    %add3A_776 = arith.addi %mul3A_2, %add3A_775 : i32
    %add3A_777 = arith.constant 1 : i32
    %add3A_778 = arith.addi %add3A_776, %add3A_777 : i32
    %dma_start3A_779 = arith.constant 2 : i32
    %dma_start3A_780 = arith.constant 26 : i32
    %dma_start3A_781 = arith.constant 0 : i32
    %dma_start3A_782 = tpu.memref_slice %arg6[%dma_start3A_779, %dma_start3A_780, %dma_start3A_781] : memref<4x208x64xf32, #tpu.memory_space<vmem>> -> memref<1x26x64xf32, #tpu.memory_space<vmem>>
    %dma_start3A_783 = tpu.memref_squeeze %dma_start3A_782 : memref<1x26x64xf32, #tpu.memory_space<vmem>> -> memref<26x64xf32, #tpu.memory_space<vmem>>
    %dma_start3A_784 = arith.constant 0 : i32
    %dma_start3A_785 = arith.constant 0 : i32
    %dma_start3A_786 = tpu.memref_slice %arg4[%add3A_778, %dma_start3A_784, %dma_start3A_785] : memref<16384x32x128xf32, #tpu.memory_space<hbm>> -> memref<1x26x64xf32, #tpu.memory_space<hbm>>
    %dma_start3A_787 = tpu.memref_squeeze %dma_start3A_786 : memref<1x26x64xf32, #tpu.memory_space<hbm>> -> memref<26x64xf32, #tpu.memory_space<hbm>>
    %dma_start3A_788 = arith.constant 0 : i32
    %dma_start3A_789 = arith.constant 0 : i32
    %dma_start3A_790 = tpu.memref_slice %arg4[%add3A_778, %dma_start3A_788, %dma_start3A_789] : memref<16384x32x128xf32, #tpu.memory_space<hbm>> -> memref<1x26x64xf32, #tpu.memory_space<hbm>>
    %dma_start3A_791 = tpu.memref_squeeze %dma_start3A_790 : memref<1x26x64xf32, #tpu.memory_space<hbm>> -> memref<26x64xf32, #tpu.memory_space<hbm>>
    %dma_start3A_792 = arith.constant 26 : i32
    %dma_start3A_793 = arith.constant 0 : i32
    %dma_start3A_794 = tpu.memref_slice %arg6[%dma_start3A_779, %dma_start3A_792, %dma_start3A_793] : memref<4x208x64xf32, #tpu.memory_space<vmem>> -> memref<1x26x64xf32, #tpu.memory_space<vmem>>
    %dma_start3A_795 = tpu.memref_squeeze %dma_start3A_794 : memref<1x26x64xf32, #tpu.memory_space<vmem>> -> memref<26x64xf32, #tpu.memory_space<vmem>>
    tpu.enqueue_dma source(%dma_start3A_795 : memref<26x64xf32, #tpu.memory_space<vmem>>) target(%dma_start3A_791 : memref<26x64xf32, #tpu.memory_space<hbm>>) target_semaphore(%arg13 : memref<!tpu.dma_semaphore, #tpu.memory_space<semaphore_mem>>)
    %add3A_796 = arith.constant 496 : i32
    %add3A_797 = arith.addi %mul3A_2, %add3A_796 : i32
    %add3A_798 = arith.constant 2 : i32
    %add3A_799 = arith.addi %add3A_797, %add3A_798 : i32
    %dma_start3A_800 = arith.constant 2 : i32
    %dma_start3A_801 = arith.constant 52 : i32
    %dma_start3A_802 = arith.constant 0 : i32
    %dma_start3A_803 = tpu.memref_slice %arg6[%dma_start3A_800, %dma_start3A_801, %dma_start3A_802] : memref<4x208x64xf32, #tpu.memory_space<vmem>> -> memref<1x26x64xf32, #tpu.memory_space<vmem>>
    %dma_start3A_804 = tpu.memref_squeeze %dma_start3A_803 : memref<1x26x64xf32, #tpu.memory_space<vmem>> -> memref<26x64xf32, #tpu.memory_space<vmem>>
    %dma_start3A_805 = arith.constant 0 : i32
    %dma_start3A_806 = arith.constant 0 : i32
    %dma_start3A_807 = tpu.memref_slice %arg4[%add3A_799, %dma_start3A_805, %dma_start3A_806] : memref<16384x32x128xf32, #tpu.memory_space<hbm>> -> memref<1x26x64xf32, #tpu.memory_space<hbm>>
    %dma_start3A_808 = tpu.memref_squeeze %dma_start3A_807 : memref<1x26x64xf32, #tpu.memory_space<hbm>> -> memref<26x64xf32, #tpu.memory_space<hbm>>
    %dma_start3A_809 = arith.constant 0 : i32
    %dma_start3A_810 = arith.constant 0 : i32
    %dma_start3A_811 = tpu.memref_slice %arg4[%add3A_799, %dma_start3A_809, %dma_start3A_810] : memref<16384x32x128xf32, #tpu.memory_space<hbm>> -> memref<1x26x64xf32, #tpu.memory_space<hbm>>
    %dma_start3A_812 = tpu.memref_squeeze %dma_start3A_811 : memref<1x26x64xf32, #tpu.memory_space<hbm>> -> memref<26x64xf32, #tpu.memory_space<hbm>>
    %dma_start3A_813 = arith.constant 52 : i32
    %dma_start3A_814 = arith.constant 0 : i32
    %dma_start3A_815 = tpu.memref_slice %arg6[%dma_start3A_800, %dma_start3A_813, %dma_start3A_814] : memref<4x208x64xf32, #tpu.memory_space<vmem>> -> memref<1x26x64xf32, #tpu.memory_space<vmem>>
    %dma_start3A_816 = tpu.memref_squeeze %dma_start3A_815 : memref<1x26x64xf32, #tpu.memory_space<vmem>> -> memref<26x64xf32, #tpu.memory_space<vmem>>
    tpu.enqueue_dma source(%dma_start3A_816 : memref<26x64xf32, #tpu.memory_space<vmem>>) target(%dma_start3A_812 : memref<26x64xf32, #tpu.memory_space<hbm>>) target_semaphore(%arg13 : memref<!tpu.dma_semaphore, #tpu.memory_space<semaphore_mem>>)
    %add3A_817 = arith.constant 496 : i32
    %add3A_818 = arith.addi %mul3A_2, %add3A_817 : i32
    %add3A_819 = arith.constant 3 : i32
    %add3A_820 = arith.addi %add3A_818, %add3A_819 : i32
    %dma_start3A_821 = arith.constant 2 : i32
    %dma_start3A_822 = arith.constant 78 : i32
    %dma_start3A_823 = arith.constant 0 : i32
    %dma_start3A_824 = tpu.memref_slice %arg6[%dma_start3A_821, %dma_start3A_822, %dma_start3A_823] : memref<4x208x64xf32, #tpu.memory_space<vmem>> -> memref<1x26x64xf32, #tpu.memory_space<vmem>>
    %dma_start3A_825 = tpu.memref_squeeze %dma_start3A_824 : memref<1x26x64xf32, #tpu.memory_space<vmem>> -> memref<26x64xf32, #tpu.memory_space<vmem>>
    %dma_start3A_826 = arith.constant 0 : i32
    %dma_start3A_827 = arith.constant 0 : i32
    %dma_start3A_828 = tpu.memref_slice %arg4[%add3A_820, %dma_start3A_826, %dma_start3A_827] : memref<16384x32x128xf32, #tpu.memory_space<hbm>> -> memref<1x26x64xf32, #tpu.memory_space<hbm>>
    %dma_start3A_829 = tpu.memref_squeeze %dma_start3A_828 : memref<1x26x64xf32, #tpu.memory_space<hbm>> -> memref<26x64xf32, #tpu.memory_space<hbm>>
    %dma_start3A_830 = arith.constant 0 : i32
    %dma_start3A_831 = arith.constant 0 : i32
    %dma_start3A_832 = tpu.memref_slice %arg4[%add3A_820, %dma_start3A_830, %dma_start3A_831] : memref<16384x32x128xf32, #tpu.memory_space<hbm>> -> memref<1x26x64xf32, #tpu.memory_space<hbm>>
    %dma_start3A_833 = tpu.memref_squeeze %dma_start3A_832 : memref<1x26x64xf32, #tpu.memory_space<hbm>> -> memref<26x64xf32, #tpu.memory_space<hbm>>
    %dma_start3A_834 = arith.constant 78 : i32
    %dma_start3A_835 = arith.constant 0 : i32
    %dma_start3A_836 = tpu.memref_slice %arg6[%dma_start3A_821, %dma_start3A_834, %dma_start3A_835] : memref<4x208x64xf32, #tpu.memory_space<vmem>> -> memref<1x26x64xf32, #tpu.memory_space<vmem>>
    %dma_start3A_837 = tpu.memref_squeeze %dma_start3A_836 : memref<1x26x64xf32, #tpu.memory_space<vmem>> -> memref<26x64xf32, #tpu.memory_space<vmem>>
    tpu.enqueue_dma source(%dma_start3A_837 : memref<26x64xf32, #tpu.memory_space<vmem>>) target(%dma_start3A_833 : memref<26x64xf32, #tpu.memory_space<hbm>>) target_semaphore(%arg13 : memref<!tpu.dma_semaphore, #tpu.memory_space<semaphore_mem>>)
    %add3A_838 = arith.constant 496 : i32
    %add3A_839 = arith.addi %mul3A_2, %add3A_838 : i32
    %add3A_840 = arith.constant 4 : i32
    %add3A_841 = arith.addi %add3A_839, %add3A_840 : i32
    %dma_start3A_842 = arith.constant 2 : i32
    %dma_start3A_843 = arith.constant 104 : i32
    %dma_start3A_844 = arith.constant 0 : i32
    %dma_start3A_845 = tpu.memref_slice %arg6[%dma_start3A_842, %dma_start3A_843, %dma_start3A_844] : memref<4x208x64xf32, #tpu.memory_space<vmem>> -> memref<1x26x64xf32, #tpu.memory_space<vmem>>
    %dma_start3A_846 = tpu.memref_squeeze %dma_start3A_845 : memref<1x26x64xf32, #tpu.memory_space<vmem>> -> memref<26x64xf32, #tpu.memory_space<vmem>>
    %dma_start3A_847 = arith.constant 0 : i32
    %dma_start3A_848 = arith.constant 0 : i32
    %dma_start3A_849 = tpu.memref_slice %arg4[%add3A_841, %dma_start3A_847, %dma_start3A_848] : memref<16384x32x128xf32, #tpu.memory_space<hbm>> -> memref<1x26x64xf32, #tpu.memory_space<hbm>>
    %dma_start3A_850 = tpu.memref_squeeze %dma_start3A_849 : memref<1x26x64xf32, #tpu.memory_space<hbm>> -> memref<26x64xf32, #tpu.memory_space<hbm>>
    %dma_start3A_851 = arith.constant 0 : i32
    %dma_start3A_852 = arith.constant 0 : i32
    %dma_start3A_853 = tpu.memref_slice %arg4[%add3A_841, %dma_start3A_851, %dma_start3A_852] : memref<16384x32x128xf32, #tpu.memory_space<hbm>> -> memref<1x26x64xf32, #tpu.memory_space<hbm>>
    %dma_start3A_854 = tpu.memref_squeeze %dma_start3A_853 : memref<1x26x64xf32, #tpu.memory_space<hbm>> -> memref<26x64xf32, #tpu.memory_space<hbm>>
    %dma_start3A_855 = arith.constant 104 : i32
    %dma_start3A_856 = arith.constant 0 : i32
    %dma_start3A_857 = tpu.memref_slice %arg6[%dma_start3A_842, %dma_start3A_855, %dma_start3A_856] : memref<4x208x64xf32, #tpu.memory_space<vmem>> -> memref<1x26x64xf32, #tpu.memory_space<vmem>>
    %dma_start3A_858 = tpu.memref_squeeze %dma_start3A_857 : memref<1x26x64xf32, #tpu.memory_space<vmem>> -> memref<26x64xf32, #tpu.memory_space<vmem>>
    tpu.enqueue_dma source(%dma_start3A_858 : memref<26x64xf32, #tpu.memory_space<vmem>>) target(%dma_start3A_854 : memref<26x64xf32, #tpu.memory_space<hbm>>) target_semaphore(%arg13 : memref<!tpu.dma_semaphore, #tpu.memory_space<semaphore_mem>>)
    %add3A_859 = arith.constant 496 : i32
    %add3A_860 = arith.addi %mul3A_2, %add3A_859 : i32
    %add3A_861 = arith.constant 5 : i32
    %add3A_862 = arith.addi %add3A_860, %add3A_861 : i32
    %dma_start3A_863 = arith.constant 2 : i32
    %dma_start3A_864 = arith.constant 130 : i32
    %dma_start3A_865 = arith.constant 0 : i32
    %dma_start3A_866 = tpu.memref_slice %arg6[%dma_start3A_863, %dma_start3A_864, %dma_start3A_865] : memref<4x208x64xf32, #tpu.memory_space<vmem>> -> memref<1x26x64xf32, #tpu.memory_space<vmem>>
    %dma_start3A_867 = tpu.memref_squeeze %dma_start3A_866 : memref<1x26x64xf32, #tpu.memory_space<vmem>> -> memref<26x64xf32, #tpu.memory_space<vmem>>
    %dma_start3A_868 = arith.constant 0 : i32
    %dma_start3A_869 = arith.constant 0 : i32
    %dma_start3A_870 = tpu.memref_slice %arg4[%add3A_862, %dma_start3A_868, %dma_start3A_869] : memref<16384x32x128xf32, #tpu.memory_space<hbm>> -> memref<1x26x64xf32, #tpu.memory_space<hbm>>
    %dma_start3A_871 = tpu.memref_squeeze %dma_start3A_870 : memref<1x26x64xf32, #tpu.memory_space<hbm>> -> memref<26x64xf32, #tpu.memory_space<hbm>>
    %dma_start3A_872 = arith.constant 0 : i32
    %dma_start3A_873 = arith.constant 0 : i32
    %dma_start3A_874 = tpu.memref_slice %arg4[%add3A_862, %dma_start3A_872, %dma_start3A_873] : memref<16384x32x128xf32, #tpu.memory_space<hbm>> -> memref<1x26x64xf32, #tpu.memory_space<hbm>>
    %dma_start3A_875 = tpu.memref_squeeze %dma_start3A_874 : memref<1x26x64xf32, #tpu.memory_space<hbm>> -> memref<26x64xf32, #tpu.memory_space<hbm>>
    %dma_start3A_876 = arith.constant 130 : i32
    %dma_start3A_877 = arith.constant 0 : i32
    %dma_start3A_878 = tpu.memref_slice %arg6[%dma_start3A_863, %dma_start3A_876, %dma_start3A_877] : memref<4x208x64xf32, #tpu.memory_space<vmem>> -> memref<1x26x64xf32, #tpu.memory_space<vmem>>
    %dma_start3A_879 = tpu.memref_squeeze %dma_start3A_878 : memref<1x26x64xf32, #tpu.memory_space<vmem>> -> memref<26x64xf32, #tpu.memory_space<vmem>>
    tpu.enqueue_dma source(%dma_start3A_879 : memref<26x64xf32, #tpu.memory_space<vmem>>) target(%dma_start3A_875 : memref<26x64xf32, #tpu.memory_space<hbm>>) target_semaphore(%arg13 : memref<!tpu.dma_semaphore, #tpu.memory_space<semaphore_mem>>)
    %add3A_880 = arith.constant 496 : i32
    %add3A_881 = arith.addi %mul3A_2, %add3A_880 : i32
    %add3A_882 = arith.constant 6 : i32
    %add3A_883 = arith.addi %add3A_881, %add3A_882 : i32
    %dma_start3A_884 = arith.constant 2 : i32
    %dma_start3A_885 = arith.constant 156 : i32
    %dma_start3A_886 = arith.constant 0 : i32
    %dma_start3A_887 = tpu.memref_slice %arg6[%dma_start3A_884, %dma_start3A_885, %dma_start3A_886] : memref<4x208x64xf32, #tpu.memory_space<vmem>> -> memref<1x26x64xf32, #tpu.memory_space<vmem>>
    %dma_start3A_888 = tpu.memref_squeeze %dma_start3A_887 : memref<1x26x64xf32, #tpu.memory_space<vmem>> -> memref<26x64xf32, #tpu.memory_space<vmem>>
    %dma_start3A_889 = arith.constant 0 : i32
    %dma_start3A_890 = arith.constant 0 : i32
    %dma_start3A_891 = tpu.memref_slice %arg4[%add3A_883, %dma_start3A_889, %dma_start3A_890] : memref<16384x32x128xf32, #tpu.memory_space<hbm>> -> memref<1x26x64xf32, #tpu.memory_space<hbm>>
    %dma_start3A_892 = tpu.memref_squeeze %dma_start3A_891 : memref<1x26x64xf32, #tpu.memory_space<hbm>> -> memref<26x64xf32, #tpu.memory_space<hbm>>
    %dma_start3A_893 = arith.constant 0 : i32
    %dma_start3A_894 = arith.constant 0 : i32
    %dma_start3A_895 = tpu.memref_slice %arg4[%add3A_883, %dma_start3A_893, %dma_start3A_894] : memref<16384x32x128xf32, #tpu.memory_space<hbm>> -> memref<1x26x64xf32, #tpu.memory_space<hbm>>
    %dma_start3A_896 = tpu.memref_squeeze %dma_start3A_895 : memref<1x26x64xf32, #tpu.memory_space<hbm>> -> memref<26x64xf32, #tpu.memory_space<hbm>>
    %dma_start3A_897 = arith.constant 156 : i32
    %dma_start3A_898 = arith.constant 0 : i32
    %dma_start3A_899 = tpu.memref_slice %arg6[%dma_start3A_884, %dma_start3A_897, %dma_start3A_898] : memref<4x208x64xf32, #tpu.memory_space<vmem>> -> memref<1x26x64xf32, #tpu.memory_space<vmem>>
    %dma_start3A_900 = tpu.memref_squeeze %dma_start3A_899 : memref<1x26x64xf32, #tpu.memory_space<vmem>> -> memref<26x64xf32, #tpu.memory_space<vmem>>
    tpu.enqueue_dma source(%dma_start3A_900 : memref<26x64xf32, #tpu.memory_space<vmem>>) target(%dma_start3A_896 : memref<26x64xf32, #tpu.memory_space<hbm>>) target_semaphore(%arg13 : memref<!tpu.dma_semaphore, #tpu.memory_space<semaphore_mem>>)
    %add3A_901 = arith.constant 496 : i32
    %add3A_902 = arith.addi %mul3A_2, %add3A_901 : i32
    %add3A_903 = arith.constant 7 : i32
    %add3A_904 = arith.addi %add3A_902, %add3A_903 : i32
    %dma_start3A_905 = arith.constant 2 : i32
    %dma_start3A_906 = arith.constant 182 : i32
    %dma_start3A_907 = arith.constant 0 : i32
    %dma_start3A_908 = tpu.memref_slice %arg6[%dma_start3A_905, %dma_start3A_906, %dma_start3A_907] : memref<4x208x64xf32, #tpu.memory_space<vmem>> -> memref<1x26x64xf32, #tpu.memory_space<vmem>>
    %dma_start3A_909 = tpu.memref_squeeze %dma_start3A_908 : memref<1x26x64xf32, #tpu.memory_space<vmem>> -> memref<26x64xf32, #tpu.memory_space<vmem>>
    %dma_start3A_910 = arith.constant 0 : i32
    %dma_start3A_911 = arith.constant 0 : i32
    %dma_start3A_912 = tpu.memref_slice %arg4[%add3A_904, %dma_start3A_910, %dma_start3A_911] : memref<16384x32x128xf32, #tpu.memory_space<hbm>> -> memref<1x26x64xf32, #tpu.memory_space<hbm>>
    %dma_start3A_913 = tpu.memref_squeeze %dma_start3A_912 : memref<1x26x64xf32, #tpu.memory_space<hbm>> -> memref<26x64xf32, #tpu.memory_space<hbm>>
    %dma_start3A_914 = arith.constant 0 : i32
    %dma_start3A_915 = arith.constant 0 : i32
    %dma_start3A_916 = tpu.memref_slice %arg4[%add3A_904, %dma_start3A_914, %dma_start3A_915] : memref<16384x32x128xf32, #tpu.memory_space<hbm>> -> memref<1x26x64xf32, #tpu.memory_space<hbm>>
    %dma_start3A_917 = tpu.memref_squeeze %dma_start3A_916 : memref<1x26x64xf32, #tpu.memory_space<hbm>> -> memref<26x64xf32, #tpu.memory_space<hbm>>
    %dma_start3A_918 = arith.constant 182 : i32
    %dma_start3A_919 = arith.constant 0 : i32
    %dma_start3A_920 = tpu.memref_slice %arg6[%dma_start3A_905, %dma_start3A_918, %dma_start3A_919] : memref<4x208x64xf32, #tpu.memory_space<vmem>> -> memref<1x26x64xf32, #tpu.memory_space<vmem>>
    %dma_start3A_921 = tpu.memref_squeeze %dma_start3A_920 : memref<1x26x64xf32, #tpu.memory_space<vmem>> -> memref<26x64xf32, #tpu.memory_space<vmem>>
    tpu.enqueue_dma source(%dma_start3A_921 : memref<26x64xf32, #tpu.memory_space<vmem>>) target(%dma_start3A_917 : memref<26x64xf32, #tpu.memory_space<hbm>>) target_semaphore(%arg13 : memref<!tpu.dma_semaphore, #tpu.memory_space<semaphore_mem>>)
    %add3A_922 = arith.constant 496 : i32
    %add3A_923 = arith.addi %mul3A_2, %add3A_922 : i32
    %add3A_924 = arith.constant 0 : i32
    %add3A_925 = arith.addi %add3A_923, %add3A_924 : i32
    %dma_wait3A_926 = arith.constant 2 : i32
    %dma_wait3A_927 = arith.constant 0 : i32
    %dma_wait3A_928 = arith.constant 0 : i32
    %dma_wait3A_929 = tpu.memref_slice %arg6[%dma_wait3A_926, %dma_wait3A_927, %dma_wait3A_928] : memref<4x208x64xf32, #tpu.memory_space<vmem>> -> memref<1x26x64xf32, #tpu.memory_space<vmem>>
    %dma_wait3A_930 = tpu.memref_squeeze %dma_wait3A_929 : memref<1x26x64xf32, #tpu.memory_space<vmem>> -> memref<26x64xf32, #tpu.memory_space<vmem>>
    %dma_wait3A_931 = arith.constant 0 : i32
    %dma_wait3A_932 = arith.constant 0 : i32
    %dma_wait3A_933 = tpu.memref_slice %arg4[%add3A_925, %dma_wait3A_931, %dma_wait3A_932] : memref<16384x32x128xf32, #tpu.memory_space<hbm>> -> memref<1x26x64xf32, #tpu.memory_space<hbm>>
    %dma_wait3A_934 = tpu.memref_squeeze %dma_wait3A_933 : memref<1x26x64xf32, #tpu.memory_space<hbm>> -> memref<26x64xf32, #tpu.memory_space<hbm>>
    %dma_wait3A_935 = arith.constant 0 : i32
    %dma_wait3A_936 = arith.constant 0 : i32
    %dma_wait3A_937 = tpu.memref_slice %arg4[%add3A_925, %dma_wait3A_935, %dma_wait3A_936] : memref<16384x32x128xf32, #tpu.memory_space<hbm>> -> memref<1x26x64xf32, #tpu.memory_space<hbm>>
    %dma_wait3A_938 = tpu.memref_squeeze %dma_wait3A_937 : memref<1x26x64xf32, #tpu.memory_space<hbm>> -> memref<26x64xf32, #tpu.memory_space<hbm>>
    %dma_wait3A_939 = arith.constant 0 : i32
    %dma_wait3A_940 = arith.constant 0 : i32
    %dma_wait3A_941 = tpu.memref_slice %arg6[%dma_wait3A_926, %dma_wait3A_939, %dma_wait3A_940] : memref<4x208x64xf32, #tpu.memory_space<vmem>> -> memref<1x26x64xf32, #tpu.memory_space<vmem>>
    %dma_wait3A_942 = tpu.memref_squeeze %dma_wait3A_941 : memref<1x26x64xf32, #tpu.memory_space<vmem>> -> memref<26x64xf32, #tpu.memory_space<vmem>>
    tpu.wait_dma2 semaphore(%arg13 : memref<!tpu.dma_semaphore, #tpu.memory_space<semaphore_mem>>) src(%dma_wait3A_942 : memref<26x64xf32, #tpu.memory_space<vmem>>) dst(%dma_wait3A_938 : memref<26x64xf32, #tpu.memory_space<hbm>>)
    %add3A_943 = arith.constant 496 : i32
    %add3A_944 = arith.addi %mul3A_2, %add3A_943 : i32
    %add3A_945 = arith.constant 1 : i32
    %add3A_946 = arith.addi %add3A_944, %add3A_945 : i32
    %dma_wait3A_947 = arith.constant 2 : i32
    %dma_wait3A_948 = arith.constant 26 : i32
    %dma_wait3A_949 = arith.constant 0 : i32
    %dma_wait3A_950 = tpu.memref_slice %arg6[%dma_wait3A_947, %dma_wait3A_948, %dma_wait3A_949] : memref<4x208x64xf32, #tpu.memory_space<vmem>> -> memref<1x26x64xf32, #tpu.memory_space<vmem>>
    %dma_wait3A_951 = tpu.memref_squeeze %dma_wait3A_950 : memref<1x26x64xf32, #tpu.memory_space<vmem>> -> memref<26x64xf32, #tpu.memory_space<vmem>>
    %dma_wait3A_952 = arith.constant 0 : i32
    %dma_wait3A_953 = arith.constant 0 : i32
    %dma_wait3A_954 = tpu.memref_slice %arg4[%add3A_946, %dma_wait3A_952, %dma_wait3A_953] : memref<16384x32x128xf32, #tpu.memory_space<hbm>> -> memref<1x26x64xf32, #tpu.memory_space<hbm>>
    %dma_wait3A_955 = tpu.memref_squeeze %dma_wait3A_954 : memref<1x26x64xf32, #tpu.memory_space<hbm>> -> memref<26x64xf32, #tpu.memory_space<hbm>>
    %dma_wait3A_956 = arith.constant 0 : i32
    %dma_wait3A_957 = arith.constant 0 : i32
    %dma_wait3A_958 = tpu.memref_slice %arg4[%add3A_946, %dma_wait3A_956, %dma_wait3A_957] : memref<16384x32x128xf32, #tpu.memory_space<hbm>> -> memref<1x26x64xf32, #tpu.memory_space<hbm>>
    %dma_wait3A_959 = tpu.memref_squeeze %dma_wait3A_958 : memref<1x26x64xf32, #tpu.memory_space<hbm>> -> memref<26x64xf32, #tpu.memory_space<hbm>>
    %dma_wait3A_960 = arith.constant 26 : i32
    %dma_wait3A_961 = arith.constant 0 : i32
    %dma_wait3A_962 = tpu.memref_slice %arg6[%dma_wait3A_947, %dma_wait3A_960, %dma_wait3A_961] : memref<4x208x64xf32, #tpu.memory_space<vmem>> -> memref<1x26x64xf32, #tpu.memory_space<vmem>>
    %dma_wait3A_963 = tpu.memref_squeeze %dma_wait3A_962 : memref<1x26x64xf32, #tpu.memory_space<vmem>> -> memref<26x64xf32, #tpu.memory_space<vmem>>
    tpu.wait_dma2 semaphore(%arg13 : memref<!tpu.dma_semaphore, #tpu.memory_space<semaphore_mem>>) src(%dma_wait3A_963 : memref<26x64xf32, #tpu.memory_space<vmem>>) dst(%dma_wait3A_959 : memref<26x64xf32, #tpu.memory_space<hbm>>)
    %add3A_964 = arith.constant 496 : i32
    %add3A_965 = arith.addi %mul3A_2, %add3A_964 : i32
    %add3A_966 = arith.constant 2 : i32
    %add3A_967 = arith.addi %add3A_965, %add3A_966 : i32
    %dma_wait3A_968 = arith.constant 2 : i32
    %dma_wait3A_969 = arith.constant 52 : i32
    %dma_wait3A_970 = arith.constant 0 : i32
    %dma_wait3A_971 = tpu.memref_slice %arg6[%dma_wait3A_968, %dma_wait3A_969, %dma_wait3A_970] : memref<4x208x64xf32, #tpu.memory_space<vmem>> -> memref<1x26x64xf32, #tpu.memory_space<vmem>>
    %dma_wait3A_972 = tpu.memref_squeeze %dma_wait3A_971 : memref<1x26x64xf32, #tpu.memory_space<vmem>> -> memref<26x64xf32, #tpu.memory_space<vmem>>
    %dma_wait3A_973 = arith.constant 0 : i32
    %dma_wait3A_974 = arith.constant 0 : i32
    %dma_wait3A_975 = tpu.memref_slice %arg4[%add3A_967, %dma_wait3A_973, %dma_wait3A_974] : memref<16384x32x128xf32, #tpu.memory_space<hbm>> -> memref<1x26x64xf32, #tpu.memory_space<hbm>>
    %dma_wait3A_976 = tpu.memref_squeeze %dma_wait3A_975 : memref<1x26x64xf32, #tpu.memory_space<hbm>> -> memref<26x64xf32, #tpu.memory_space<hbm>>
    %dma_wait3A_977 = arith.constant 0 : i32
    %dma_wait3A_978 = arith.constant 0 : i32
    %dma_wait3A_979 = tpu.memref_slice %arg4[%add3A_967, %dma_wait3A_977, %dma_wait3A_978] : memref<16384x32x128xf32, #tpu.memory_space<hbm>> -> memref<1x26x64xf32, #tpu.memory_space<hbm>>
    %dma_wait3A_980 = tpu.memref_squeeze %dma_wait3A_979 : memref<1x26x64xf32, #tpu.memory_space<hbm>> -> memref<26x64xf32, #tpu.memory_space<hbm>>
    %dma_wait3A_981 = arith.constant 52 : i32
    %dma_wait3A_982 = arith.constant 0 : i32
    %dma_wait3A_983 = tpu.memref_slice %arg6[%dma_wait3A_968, %dma_wait3A_981, %dma_wait3A_982] : memref<4x208x64xf32, #tpu.memory_space<vmem>> -> memref<1x26x64xf32, #tpu.memory_space<vmem>>
    %dma_wait3A_984 = tpu.memref_squeeze %dma_wait3A_983 : memref<1x26x64xf32, #tpu.memory_space<vmem>> -> memref<26x64xf32, #tpu.memory_space<vmem>>
    tpu.wait_dma2 semaphore(%arg13 : memref<!tpu.dma_semaphore, #tpu.memory_space<semaphore_mem>>) src(%dma_wait3A_984 : memref<26x64xf32, #tpu.memory_space<vmem>>) dst(%dma_wait3A_980 : memref<26x64xf32, #tpu.memory_space<hbm>>)
    %add3A_985 = arith.constant 496 : i32
    %add3A_986 = arith.addi %mul3A_2, %add3A_985 : i32
    %add3A_987 = arith.constant 3 : i32
    %add3A_988 = arith.addi %add3A_986, %add3A_987 : i32
    %dma_wait3A_989 = arith.constant 2 : i32
    %dma_wait3A_990 = arith.constant 78 : i32
    %dma_wait3A_991 = arith.constant 0 : i32
    %dma_wait3A_992 = tpu.memref_slice %arg6[%dma_wait3A_989, %dma_wait3A_990, %dma_wait3A_991] : memref<4x208x64xf32, #tpu.memory_space<vmem>> -> memref<1x26x64xf32, #tpu.memory_space<vmem>>
    %dma_wait3A_993 = tpu.memref_squeeze %dma_wait3A_992 : memref<1x26x64xf32, #tpu.memory_space<vmem>> -> memref<26x64xf32, #tpu.memory_space<vmem>>
    %dma_wait3A_994 = arith.constant 0 : i32
    %dma_wait3A_995 = arith.constant 0 : i32
    %dma_wait3A_996 = tpu.memref_slice %arg4[%add3A_988, %dma_wait3A_994, %dma_wait3A_995] : memref<16384x32x128xf32, #tpu.memory_space<hbm>> -> memref<1x26x64xf32, #tpu.memory_space<hbm>>
    %dma_wait3A_997 = tpu.memref_squeeze %dma_wait3A_996 : memref<1x26x64xf32, #tpu.memory_space<hbm>> -> memref<26x64xf32, #tpu.memory_space<hbm>>
    %dma_wait3A_998 = arith.constant 0 : i32
    %dma_wait3A_999 = arith.constant 0 : i32
    %dma_wait3A_1000 = tpu.memref_slice %arg4[%add3A_988, %dma_wait3A_998, %dma_wait3A_999] : memref<16384x32x128xf32, #tpu.memory_space<hbm>> -> memref<1x26x64xf32, #tpu.memory_space<hbm>>
    %dma_wait3A_1001 = tpu.memref_squeeze %dma_wait3A_1000 : memref<1x26x64xf32, #tpu.memory_space<hbm>> -> memref<26x64xf32, #tpu.memory_space<hbm>>
    %dma_wait3A_1002 = arith.constant 78 : i32
    %dma_wait3A_1003 = arith.constant 0 : i32
    %dma_wait3A_1004 = tpu.memref_slice %arg6[%dma_wait3A_989, %dma_wait3A_1002, %dma_wait3A_1003] : memref<4x208x64xf32, #tpu.memory_space<vmem>> -> memref<1x26x64xf32, #tpu.memory_space<vmem>>
    %dma_wait3A_1005 = tpu.memref_squeeze %dma_wait3A_1004 : memref<1x26x64xf32, #tpu.memory_space<vmem>> -> memref<26x64xf32, #tpu.memory_space<vmem>>
    tpu.wait_dma2 semaphore(%arg13 : memref<!tpu.dma_semaphore, #tpu.memory_space<semaphore_mem>>) src(%dma_wait3A_1005 : memref<26x64xf32, #tpu.memory_space<vmem>>) dst(%dma_wait3A_1001 : memref<26x64xf32, #tpu.memory_space<hbm>>)
    %add3A_1006 = arith.constant 496 : i32
    %add3A_1007 = arith.addi %mul3A_2, %add3A_1006 : i32
    %add3A_1008 = arith.constant 4 : i32
    %add3A_1009 = arith.addi %add3A_1007, %add3A_1008 : i32
    %dma_wait3A_1010 = arith.constant 2 : i32
    %dma_wait3A_1011 = arith.constant 104 : i32
    %dma_wait3A_1012 = arith.constant 0 : i32
    %dma_wait3A_1013 = tpu.memref_slice %arg6[%dma_wait3A_1010, %dma_wait3A_1011, %dma_wait3A_1012] : memref<4x208x64xf32, #tpu.memory_space<vmem>> -> memref<1x26x64xf32, #tpu.memory_space<vmem>>
    %dma_wait3A_1014 = tpu.memref_squeeze %dma_wait3A_1013 : memref<1x26x64xf32, #tpu.memory_space<vmem>> -> memref<26x64xf32, #tpu.memory_space<vmem>>
    %dma_wait3A_1015 = arith.constant 0 : i32
    %dma_wait3A_1016 = arith.constant 0 : i32
    %dma_wait3A_1017 = tpu.memref_slice %arg4[%add3A_1009, %dma_wait3A_1015, %dma_wait3A_1016] : memref<16384x32x128xf32, #tpu.memory_space<hbm>> -> memref<1x26x64xf32, #tpu.memory_space<hbm>>
    %dma_wait3A_1018 = tpu.memref_squeeze %dma_wait3A_1017 : memref<1x26x64xf32, #tpu.memory_space<hbm>> -> memref<26x64xf32, #tpu.memory_space<hbm>>
    %dma_wait3A_1019 = arith.constant 0 : i32
    %dma_wait3A_1020 = arith.constant 0 : i32
    %dma_wait3A_1021 = tpu.memref_slice %arg4[%add3A_1009, %dma_wait3A_1019, %dma_wait3A_1020] : memref<16384x32x128xf32, #tpu.memory_space<hbm>> -> memref<1x26x64xf32, #tpu.memory_space<hbm>>
    %dma_wait3A_1022 = tpu.memref_squeeze %dma_wait3A_1021 : memref<1x26x64xf32, #tpu.memory_space<hbm>> -> memref<26x64xf32, #tpu.memory_space<hbm>>
    %dma_wait3A_1023 = arith.constant 104 : i32
    %dma_wait3A_1024 = arith.constant 0 : i32
    %dma_wait3A_1025 = tpu.memref_slice %arg6[%dma_wait3A_1010, %dma_wait3A_1023, %dma_wait3A_1024] : memref<4x208x64xf32, #tpu.memory_space<vmem>> -> memref<1x26x64xf32, #tpu.memory_space<vmem>>
    %dma_wait3A_1026 = tpu.memref_squeeze %dma_wait3A_1025 : memref<1x26x64xf32, #tpu.memory_space<vmem>> -> memref<26x64xf32, #tpu.memory_space<vmem>>
    tpu.wait_dma2 semaphore(%arg13 : memref<!tpu.dma_semaphore, #tpu.memory_space<semaphore_mem>>) src(%dma_wait3A_1026 : memref<26x64xf32, #tpu.memory_space<vmem>>) dst(%dma_wait3A_1022 : memref<26x64xf32, #tpu.memory_space<hbm>>)
    %add3A_1027 = arith.constant 496 : i32
    %add3A_1028 = arith.addi %mul3A_2, %add3A_1027 : i32
    %add3A_1029 = arith.constant 5 : i32
    %add3A_1030 = arith.addi %add3A_1028, %add3A_1029 : i32
    %dma_wait3A_1031 = arith.constant 2 : i32
    %dma_wait3A_1032 = arith.constant 130 : i32
    %dma_wait3A_1033 = arith.constant 0 : i32
    %dma_wait3A_1034 = tpu.memref_slice %arg6[%dma_wait3A_1031, %dma_wait3A_1032, %dma_wait3A_1033] : memref<4x208x64xf32, #tpu.memory_space<vmem>> -> memref<1x26x64xf32, #tpu.memory_space<vmem>>
    %dma_wait3A_1035 = tpu.memref_squeeze %dma_wait3A_1034 : memref<1x26x64xf32, #tpu.memory_space<vmem>> -> memref<26x64xf32, #tpu.memory_space<vmem>>
    %dma_wait3A_1036 = arith.constant 0 : i32
    %dma_wait3A_1037 = arith.constant 0 : i32
    %dma_wait3A_1038 = tpu.memref_slice %arg4[%add3A_1030, %dma_wait3A_1036, %dma_wait3A_1037] : memref<16384x32x128xf32, #tpu.memory_space<hbm>> -> memref<1x26x64xf32, #tpu.memory_space<hbm>>
    %dma_wait3A_1039 = tpu.memref_squeeze %dma_wait3A_1038 : memref<1x26x64xf32, #tpu.memory_space<hbm>> -> memref<26x64xf32, #tpu.memory_space<hbm>>
    %dma_wait3A_1040 = arith.constant 0 : i32
    %dma_wait3A_1041 = arith.constant 0 : i32
    %dma_wait3A_1042 = tpu.memref_slice %arg4[%add3A_1030, %dma_wait3A_1040, %dma_wait3A_1041] : memref<16384x32x128xf32, #tpu.memory_space<hbm>> -> memref<1x26x64xf32, #tpu.memory_space<hbm>>
    %dma_wait3A_1043 = tpu.memref_squeeze %dma_wait3A_1042 : memref<1x26x64xf32, #tpu.memory_space<hbm>> -> memref<26x64xf32, #tpu.memory_space<hbm>>
    %dma_wait3A_1044 = arith.constant 130 : i32
    %dma_wait3A_1045 = arith.constant 0 : i32
    %dma_wait3A_1046 = tpu.memref_slice %arg6[%dma_wait3A_1031, %dma_wait3A_1044, %dma_wait3A_1045] : memref<4x208x64xf32, #tpu.memory_space<vmem>> -> memref<1x26x64xf32, #tpu.memory_space<vmem>>
    %dma_wait3A_1047 = tpu.memref_squeeze %dma_wait3A_1046 : memref<1x26x64xf32, #tpu.memory_space<vmem>> -> memref<26x64xf32, #tpu.memory_space<vmem>>
    tpu.wait_dma2 semaphore(%arg13 : memref<!tpu.dma_semaphore, #tpu.memory_space<semaphore_mem>>) src(%dma_wait3A_1047 : memref<26x64xf32, #tpu.memory_space<vmem>>) dst(%dma_wait3A_1043 : memref<26x64xf32, #tpu.memory_space<hbm>>)
    %add3A_1048 = arith.constant 496 : i32
    %add3A_1049 = arith.addi %mul3A_2, %add3A_1048 : i32
    %add3A_1050 = arith.constant 6 : i32
    %add3A_1051 = arith.addi %add3A_1049, %add3A_1050 : i32
    %dma_wait3A_1052 = arith.constant 2 : i32
    %dma_wait3A_1053 = arith.constant 156 : i32
    %dma_wait3A_1054 = arith.constant 0 : i32
    %dma_wait3A_1055 = tpu.memref_slice %arg6[%dma_wait3A_1052, %dma_wait3A_1053, %dma_wait3A_1054] : memref<4x208x64xf32, #tpu.memory_space<vmem>> -> memref<1x26x64xf32, #tpu.memory_space<vmem>>
    %dma_wait3A_1056 = tpu.memref_squeeze %dma_wait3A_1055 : memref<1x26x64xf32, #tpu.memory_space<vmem>> -> memref<26x64xf32, #tpu.memory_space<vmem>>
    %dma_wait3A_1057 = arith.constant 0 : i32
    %dma_wait3A_1058 = arith.constant 0 : i32
    %dma_wait3A_1059 = tpu.memref_slice %arg4[%add3A_1051, %dma_wait3A_1057, %dma_wait3A_1058] : memref<16384x32x128xf32, #tpu.memory_space<hbm>> -> memref<1x26x64xf32, #tpu.memory_space<hbm>>
    %dma_wait3A_1060 = tpu.memref_squeeze %dma_wait3A_1059 : memref<1x26x64xf32, #tpu.memory_space<hbm>> -> memref<26x64xf32, #tpu.memory_space<hbm>>
    %dma_wait3A_1061 = arith.constant 0 : i32
    %dma_wait3A_1062 = arith.constant 0 : i32
    %dma_wait3A_1063 = tpu.memref_slice %arg4[%add3A_1051, %dma_wait3A_1061, %dma_wait3A_1062] : memref<16384x32x128xf32, #tpu.memory_space<hbm>> -> memref<1x26x64xf32, #tpu.memory_space<hbm>>
    %dma_wait3A_1064 = tpu.memref_squeeze %dma_wait3A_1063 : memref<1x26x64xf32, #tpu.memory_space<hbm>> -> memref<26x64xf32, #tpu.memory_space<hbm>>
    %dma_wait3A_1065 = arith.constant 156 : i32
    %dma_wait3A_1066 = arith.constant 0 : i32
    %dma_wait3A_1067 = tpu.memref_slice %arg6[%dma_wait3A_1052, %dma_wait3A_1065, %dma_wait3A_1066] : memref<4x208x64xf32, #tpu.memory_space<vmem>> -> memref<1x26x64xf32, #tpu.memory_space<vmem>>
    %dma_wait3A_1068 = tpu.memref_squeeze %dma_wait3A_1067 : memref<1x26x64xf32, #tpu.memory_space<vmem>> -> memref<26x64xf32, #tpu.memory_space<vmem>>
    tpu.wait_dma2 semaphore(%arg13 : memref<!tpu.dma_semaphore, #tpu.memory_space<semaphore_mem>>) src(%dma_wait3A_1068 : memref<26x64xf32, #tpu.memory_space<vmem>>) dst(%dma_wait3A_1064 : memref<26x64xf32, #tpu.memory_space<hbm>>)
    %add3A_1069 = arith.constant 496 : i32
    %add3A_1070 = arith.addi %mul3A_2, %add3A_1069 : i32
    %add3A_1071 = arith.constant 7 : i32
    %add3A_1072 = arith.addi %add3A_1070, %add3A_1071 : i32
    %dma_wait3A_1073 = arith.constant 2 : i32
    %dma_wait3A_1074 = arith.constant 182 : i32
    %dma_wait3A_1075 = arith.constant 0 : i32
    %dma_wait3A_1076 = tpu.memref_slice %arg6[%dma_wait3A_1073, %dma_wait3A_1074, %dma_wait3A_1075] : memref<4x208x64xf32, #tpu.memory_space<vmem>> -> memref<1x26x64xf32, #tpu.memory_space<vmem>>
    %dma_wait3A_1077 = tpu.memref_squeeze %dma_wait3A_1076 : memref<1x26x64xf32, #tpu.memory_space<vmem>> -> memref<26x64xf32, #tpu.memory_space<vmem>>
    %dma_wait3A_1078 = arith.constant 0 : i32
    %dma_wait3A_1079 = arith.constant 0 : i32
    %dma_wait3A_1080 = tpu.memref_slice %arg4[%add3A_1072, %dma_wait3A_1078, %dma_wait3A_1079] : memref<16384x32x128xf32, #tpu.memory_space<hbm>> -> memref<1x26x64xf32, #tpu.memory_space<hbm>>
    %dma_wait3A_1081 = tpu.memref_squeeze %dma_wait3A_1080 : memref<1x26x64xf32, #tpu.memory_space<hbm>> -> memref<26x64xf32, #tpu.memory_space<hbm>>
    %dma_wait3A_1082 = arith.constant 0 : i32
    %dma_wait3A_1083 = arith.constant 0 : i32
    %dma_wait3A_1084 = tpu.memref_slice %arg4[%add3A_1072, %dma_wait3A_1082, %dma_wait3A_1083] : memref<16384x32x128xf32, #tpu.memory_space<hbm>> -> memref<1x26x64xf32, #tpu.memory_space<hbm>>
    %dma_wait3A_1085 = tpu.memref_squeeze %dma_wait3A_1084 : memref<1x26x64xf32, #tpu.memory_space<hbm>> -> memref<26x64xf32, #tpu.memory_space<hbm>>
    %dma_wait3A_1086 = arith.constant 182 : i32
    %dma_wait3A_1087 = arith.constant 0 : i32
    %dma_wait3A_1088 = tpu.memref_slice %arg6[%dma_wait3A_1073, %dma_wait3A_1086, %dma_wait3A_1087] : memref<4x208x64xf32, #tpu.memory_space<vmem>> -> memref<1x26x64xf32, #tpu.memory_space<vmem>>
    %dma_wait3A_1089 = tpu.memref_squeeze %dma_wait3A_1088 : memref<1x26x64xf32, #tpu.memory_space<vmem>> -> memref<26x64xf32, #tpu.memory_space<vmem>>
    tpu.wait_dma2 semaphore(%arg13 : memref<!tpu.dma_semaphore, #tpu.memory_space<semaphore_mem>>) src(%dma_wait3A_1089 : memref<26x64xf32, #tpu.memory_space<vmem>>) dst(%dma_wait3A_1085 : memref<26x64xf32, #tpu.memory_space<hbm>>)
    %dma_wait3A_1090 = arith.constant 3 : i32
    %dma_wait3A_1091 = arith.constant 0 : i32
    %dma_wait3A_1092 = arith.constant 0 : i32
    %dma_wait3A_1093 = tpu.memref_slice %arg6[%dma_wait3A_1090, %dma_wait3A_1091, %dma_wait3A_1092] : memref<4x208x64xf32, #tpu.memory_space<vmem>> -> memref<1x208x64xf32, #tpu.memory_space<vmem>>
    %dma_wait3A_1094 = tpu.memref_squeeze %dma_wait3A_1093 : memref<1x208x64xf32, #tpu.memory_space<vmem>> -> memref<208x64xf32, #tpu.memory_space<vmem>>
    %dma_wait3A_1095 = arith.constant 0 : i32
    %dma_wait3A_1096 = tpu.memref_slice %arg5[%dma_wait3A_1095] : memref<13312xi32, #tpu.memory_space<vmem>> -> memref<208xi32, #tpu.memory_space<vmem>>
    %dma_wait3A_1097 = arith.constant 0 : i32
    %dma_wait3A_1098 = arith.constant 0 : i32
    %dma_wait3A_1099 = tpu.memref_slice %arg3[%dma_wait3A_1097, %dma_wait3A_1098] : memref<1000000x64xf32, #tpu.memory_space<hbm>> -> memref<1000000x64xf32, #tpu.memory_space<hbm>>
    tpu.wait_indirect_dma semaphore(%arg10 : memref<!tpu.dma_semaphore, #tpu.memory_space<semaphore_mem>>) src(%dma_wait3A_1099 : memref<1000000x64xf32, #tpu.memory_space<hbm>>) dst(%dma_wait3A_1094 : memref<208x64xf32, #tpu.memory_space<vmem>>)
    %add3A_1100 = arith.constant 504 : i32
    %add3A_1101 = arith.addi %mul3A_2, %add3A_1100 : i32
    %add3A_1102 = arith.constant 0 : i32
    %add3A_1103 = arith.addi %add3A_1101, %add3A_1102 : i32
    %dma_start3A_1104 = arith.constant 3 : i32
    %dma_start3A_1105 = arith.constant 0 : i32
    %dma_start3A_1106 = arith.constant 0 : i32
    %dma_start3A_1107 = tpu.memref_slice %arg6[%dma_start3A_1104, %dma_start3A_1105, %dma_start3A_1106] : memref<4x208x64xf32, #tpu.memory_space<vmem>> -> memref<1x26x64xf32, #tpu.memory_space<vmem>>
    %dma_start3A_1108 = tpu.memref_squeeze %dma_start3A_1107 : memref<1x26x64xf32, #tpu.memory_space<vmem>> -> memref<26x64xf32, #tpu.memory_space<vmem>>
    %dma_start3A_1109 = arith.constant 0 : i32
    %dma_start3A_1110 = arith.constant 0 : i32
    %dma_start3A_1111 = tpu.memref_slice %arg4[%add3A_1103, %dma_start3A_1109, %dma_start3A_1110] : memref<16384x32x128xf32, #tpu.memory_space<hbm>> -> memref<1x26x64xf32, #tpu.memory_space<hbm>>
    %dma_start3A_1112 = tpu.memref_squeeze %dma_start3A_1111 : memref<1x26x64xf32, #tpu.memory_space<hbm>> -> memref<26x64xf32, #tpu.memory_space<hbm>>
    %dma_start3A_1113 = arith.constant 0 : i32
    %dma_start3A_1114 = arith.constant 0 : i32
    %dma_start3A_1115 = tpu.memref_slice %arg4[%add3A_1103, %dma_start3A_1113, %dma_start3A_1114] : memref<16384x32x128xf32, #tpu.memory_space<hbm>> -> memref<1x26x64xf32, #tpu.memory_space<hbm>>
    %dma_start3A_1116 = tpu.memref_squeeze %dma_start3A_1115 : memref<1x26x64xf32, #tpu.memory_space<hbm>> -> memref<26x64xf32, #tpu.memory_space<hbm>>
    %dma_start3A_1117 = arith.constant 0 : i32
    %dma_start3A_1118 = arith.constant 0 : i32
    %dma_start3A_1119 = tpu.memref_slice %arg6[%dma_start3A_1104, %dma_start3A_1117, %dma_start3A_1118] : memref<4x208x64xf32, #tpu.memory_space<vmem>> -> memref<1x26x64xf32, #tpu.memory_space<vmem>>
    %dma_start3A_1120 = tpu.memref_squeeze %dma_start3A_1119 : memref<1x26x64xf32, #tpu.memory_space<vmem>> -> memref<26x64xf32, #tpu.memory_space<vmem>>
    tpu.enqueue_dma source(%dma_start3A_1120 : memref<26x64xf32, #tpu.memory_space<vmem>>) target(%dma_start3A_1116 : memref<26x64xf32, #tpu.memory_space<hbm>>) target_semaphore(%arg14 : memref<!tpu.dma_semaphore, #tpu.memory_space<semaphore_mem>>)
    %add3A_1121 = arith.constant 504 : i32
    %add3A_1122 = arith.addi %mul3A_2, %add3A_1121 : i32
    %add3A_1123 = arith.constant 1 : i32
    %add3A_1124 = arith.addi %add3A_1122, %add3A_1123 : i32
    %dma_start3A_1125 = arith.constant 3 : i32
    %dma_start3A_1126 = arith.constant 26 : i32
    %dma_start3A_1127 = arith.constant 0 : i32
    %dma_start3A_1128 = tpu.memref_slice %arg6[%dma_start3A_1125, %dma_start3A_1126, %dma_start3A_1127] : memref<4x208x64xf32, #tpu.memory_space<vmem>> -> memref<1x26x64xf32, #tpu.memory_space<vmem>>
    %dma_start3A_1129 = tpu.memref_squeeze %dma_start3A_1128 : memref<1x26x64xf32, #tpu.memory_space<vmem>> -> memref<26x64xf32, #tpu.memory_space<vmem>>
    %dma_start3A_1130 = arith.constant 0 : i32
    %dma_start3A_1131 = arith.constant 0 : i32
    %dma_start3A_1132 = tpu.memref_slice %arg4[%add3A_1124, %dma_start3A_1130, %dma_start3A_1131] : memref<16384x32x128xf32, #tpu.memory_space<hbm>> -> memref<1x26x64xf32, #tpu.memory_space<hbm>>
    %dma_start3A_1133 = tpu.memref_squeeze %dma_start3A_1132 : memref<1x26x64xf32, #tpu.memory_space<hbm>> -> memref<26x64xf32, #tpu.memory_space<hbm>>
    %dma_start3A_1134 = arith.constant 0 : i32
    %dma_start3A_1135 = arith.constant 0 : i32
    %dma_start3A_1136 = tpu.memref_slice %arg4[%add3A_1124, %dma_start3A_1134, %dma_start3A_1135] : memref<16384x32x128xf32, #tpu.memory_space<hbm>> -> memref<1x26x64xf32, #tpu.memory_space<hbm>>
    %dma_start3A_1137 = tpu.memref_squeeze %dma_start3A_1136 : memref<1x26x64xf32, #tpu.memory_space<hbm>> -> memref<26x64xf32, #tpu.memory_space<hbm>>
    %dma_start3A_1138 = arith.constant 26 : i32
    %dma_start3A_1139 = arith.constant 0 : i32
    %dma_start3A_1140 = tpu.memref_slice %arg6[%dma_start3A_1125, %dma_start3A_1138, %dma_start3A_1139] : memref<4x208x64xf32, #tpu.memory_space<vmem>> -> memref<1x26x64xf32, #tpu.memory_space<vmem>>
    %dma_start3A_1141 = tpu.memref_squeeze %dma_start3A_1140 : memref<1x26x64xf32, #tpu.memory_space<vmem>> -> memref<26x64xf32, #tpu.memory_space<vmem>>
    tpu.enqueue_dma source(%dma_start3A_1141 : memref<26x64xf32, #tpu.memory_space<vmem>>) target(%dma_start3A_1137 : memref<26x64xf32, #tpu.memory_space<hbm>>) target_semaphore(%arg14 : memref<!tpu.dma_semaphore, #tpu.memory_space<semaphore_mem>>)
    %add3A_1142 = arith.constant 504 : i32
    %add3A_1143 = arith.addi %mul3A_2, %add3A_1142 : i32
    %add3A_1144 = arith.constant 2 : i32
    %add3A_1145 = arith.addi %add3A_1143, %add3A_1144 : i32
    %dma_start3A_1146 = arith.constant 3 : i32
    %dma_start3A_1147 = arith.constant 52 : i32
    %dma_start3A_1148 = arith.constant 0 : i32
    %dma_start3A_1149 = tpu.memref_slice %arg6[%dma_start3A_1146, %dma_start3A_1147, %dma_start3A_1148] : memref<4x208x64xf32, #tpu.memory_space<vmem>> -> memref<1x26x64xf32, #tpu.memory_space<vmem>>
    %dma_start3A_1150 = tpu.memref_squeeze %dma_start3A_1149 : memref<1x26x64xf32, #tpu.memory_space<vmem>> -> memref<26x64xf32, #tpu.memory_space<vmem>>
    %dma_start3A_1151 = arith.constant 0 : i32
    %dma_start3A_1152 = arith.constant 0 : i32
    %dma_start3A_1153 = tpu.memref_slice %arg4[%add3A_1145, %dma_start3A_1151, %dma_start3A_1152] : memref<16384x32x128xf32, #tpu.memory_space<hbm>> -> memref<1x26x64xf32, #tpu.memory_space<hbm>>
    %dma_start3A_1154 = tpu.memref_squeeze %dma_start3A_1153 : memref<1x26x64xf32, #tpu.memory_space<hbm>> -> memref<26x64xf32, #tpu.memory_space<hbm>>
    %dma_start3A_1155 = arith.constant 0 : i32
    %dma_start3A_1156 = arith.constant 0 : i32
    %dma_start3A_1157 = tpu.memref_slice %arg4[%add3A_1145, %dma_start3A_1155, %dma_start3A_1156] : memref<16384x32x128xf32, #tpu.memory_space<hbm>> -> memref<1x26x64xf32, #tpu.memory_space<hbm>>
    %dma_start3A_1158 = tpu.memref_squeeze %dma_start3A_1157 : memref<1x26x64xf32, #tpu.memory_space<hbm>> -> memref<26x64xf32, #tpu.memory_space<hbm>>
    %dma_start3A_1159 = arith.constant 52 : i32
    %dma_start3A_1160 = arith.constant 0 : i32
    %dma_start3A_1161 = tpu.memref_slice %arg6[%dma_start3A_1146, %dma_start3A_1159, %dma_start3A_1160] : memref<4x208x64xf32, #tpu.memory_space<vmem>> -> memref<1x26x64xf32, #tpu.memory_space<vmem>>
    %dma_start3A_1162 = tpu.memref_squeeze %dma_start3A_1161 : memref<1x26x64xf32, #tpu.memory_space<vmem>> -> memref<26x64xf32, #tpu.memory_space<vmem>>
    tpu.enqueue_dma source(%dma_start3A_1162 : memref<26x64xf32, #tpu.memory_space<vmem>>) target(%dma_start3A_1158 : memref<26x64xf32, #tpu.memory_space<hbm>>) target_semaphore(%arg14 : memref<!tpu.dma_semaphore, #tpu.memory_space<semaphore_mem>>)
    %add3A_1163 = arith.constant 504 : i32
    %add3A_1164 = arith.addi %mul3A_2, %add3A_1163 : i32
    %add3A_1165 = arith.constant 3 : i32
    %add3A_1166 = arith.addi %add3A_1164, %add3A_1165 : i32
    %dma_start3A_1167 = arith.constant 3 : i32
    %dma_start3A_1168 = arith.constant 78 : i32
    %dma_start3A_1169 = arith.constant 0 : i32
    %dma_start3A_1170 = tpu.memref_slice %arg6[%dma_start3A_1167, %dma_start3A_1168, %dma_start3A_1169] : memref<4x208x64xf32, #tpu.memory_space<vmem>> -> memref<1x26x64xf32, #tpu.memory_space<vmem>>
    %dma_start3A_1171 = tpu.memref_squeeze %dma_start3A_1170 : memref<1x26x64xf32, #tpu.memory_space<vmem>> -> memref<26x64xf32, #tpu.memory_space<vmem>>
    %dma_start3A_1172 = arith.constant 0 : i32
    %dma_start3A_1173 = arith.constant 0 : i32
    %dma_start3A_1174 = tpu.memref_slice %arg4[%add3A_1166, %dma_start3A_1172, %dma_start3A_1173] : memref<16384x32x128xf32, #tpu.memory_space<hbm>> -> memref<1x26x64xf32, #tpu.memory_space<hbm>>
    %dma_start3A_1175 = tpu.memref_squeeze %dma_start3A_1174 : memref<1x26x64xf32, #tpu.memory_space<hbm>> -> memref<26x64xf32, #tpu.memory_space<hbm>>
    %dma_start3A_1176 = arith.constant 0 : i32
    %dma_start3A_1177 = arith.constant 0 : i32
    %dma_start3A_1178 = tpu.memref_slice %arg4[%add3A_1166, %dma_start3A_1176, %dma_start3A_1177] : memref<16384x32x128xf32, #tpu.memory_space<hbm>> -> memref<1x26x64xf32, #tpu.memory_space<hbm>>
    %dma_start3A_1179 = tpu.memref_squeeze %dma_start3A_1178 : memref<1x26x64xf32, #tpu.memory_space<hbm>> -> memref<26x64xf32, #tpu.memory_space<hbm>>
    %dma_start3A_1180 = arith.constant 78 : i32
    %dma_start3A_1181 = arith.constant 0 : i32
    %dma_start3A_1182 = tpu.memref_slice %arg6[%dma_start3A_1167, %dma_start3A_1180, %dma_start3A_1181] : memref<4x208x64xf32, #tpu.memory_space<vmem>> -> memref<1x26x64xf32, #tpu.memory_space<vmem>>
    %dma_start3A_1183 = tpu.memref_squeeze %dma_start3A_1182 : memref<1x26x64xf32, #tpu.memory_space<vmem>> -> memref<26x64xf32, #tpu.memory_space<vmem>>
    tpu.enqueue_dma source(%dma_start3A_1183 : memref<26x64xf32, #tpu.memory_space<vmem>>) target(%dma_start3A_1179 : memref<26x64xf32, #tpu.memory_space<hbm>>) target_semaphore(%arg14 : memref<!tpu.dma_semaphore, #tpu.memory_space<semaphore_mem>>)
    %add3A_1184 = arith.constant 504 : i32
    %add3A_1185 = arith.addi %mul3A_2, %add3A_1184 : i32
    %add3A_1186 = arith.constant 4 : i32
    %add3A_1187 = arith.addi %add3A_1185, %add3A_1186 : i32
    %dma_start3A_1188 = arith.constant 3 : i32
    %dma_start3A_1189 = arith.constant 104 : i32
    %dma_start3A_1190 = arith.constant 0 : i32
    %dma_start3A_1191 = tpu.memref_slice %arg6[%dma_start3A_1188, %dma_start3A_1189, %dma_start3A_1190] : memref<4x208x64xf32, #tpu.memory_space<vmem>> -> memref<1x26x64xf32, #tpu.memory_space<vmem>>
    %dma_start3A_1192 = tpu.memref_squeeze %dma_start3A_1191 : memref<1x26x64xf32, #tpu.memory_space<vmem>> -> memref<26x64xf32, #tpu.memory_space<vmem>>
    %dma_start3A_1193 = arith.constant 0 : i32
    %dma_start3A_1194 = arith.constant 0 : i32
    %dma_start3A_1195 = tpu.memref_slice %arg4[%add3A_1187, %dma_start3A_1193, %dma_start3A_1194] : memref<16384x32x128xf32, #tpu.memory_space<hbm>> -> memref<1x26x64xf32, #tpu.memory_space<hbm>>
    %dma_start3A_1196 = tpu.memref_squeeze %dma_start3A_1195 : memref<1x26x64xf32, #tpu.memory_space<hbm>> -> memref<26x64xf32, #tpu.memory_space<hbm>>
    %dma_start3A_1197 = arith.constant 0 : i32
    %dma_start3A_1198 = arith.constant 0 : i32
    %dma_start3A_1199 = tpu.memref_slice %arg4[%add3A_1187, %dma_start3A_1197, %dma_start3A_1198] : memref<16384x32x128xf32, #tpu.memory_space<hbm>> -> memref<1x26x64xf32, #tpu.memory_space<hbm>>
    %dma_start3A_1200 = tpu.memref_squeeze %dma_start3A_1199 : memref<1x26x64xf32, #tpu.memory_space<hbm>> -> memref<26x64xf32, #tpu.memory_space<hbm>>
    %dma_start3A_1201 = arith.constant 104 : i32
    %dma_start3A_1202 = arith.constant 0 : i32
    %dma_start3A_1203 = tpu.memref_slice %arg6[%dma_start3A_1188, %dma_start3A_1201, %dma_start3A_1202] : memref<4x208x64xf32, #tpu.memory_space<vmem>> -> memref<1x26x64xf32, #tpu.memory_space<vmem>>
    %dma_start3A_1204 = tpu.memref_squeeze %dma_start3A_1203 : memref<1x26x64xf32, #tpu.memory_space<vmem>> -> memref<26x64xf32, #tpu.memory_space<vmem>>
    tpu.enqueue_dma source(%dma_start3A_1204 : memref<26x64xf32, #tpu.memory_space<vmem>>) target(%dma_start3A_1200 : memref<26x64xf32, #tpu.memory_space<hbm>>) target_semaphore(%arg14 : memref<!tpu.dma_semaphore, #tpu.memory_space<semaphore_mem>>)
    %add3A_1205 = arith.constant 504 : i32
    %add3A_1206 = arith.addi %mul3A_2, %add3A_1205 : i32
    %add3A_1207 = arith.constant 5 : i32
    %add3A_1208 = arith.addi %add3A_1206, %add3A_1207 : i32
    %dma_start3A_1209 = arith.constant 3 : i32
    %dma_start3A_1210 = arith.constant 130 : i32
    %dma_start3A_1211 = arith.constant 0 : i32
    %dma_start3A_1212 = tpu.memref_slice %arg6[%dma_start3A_1209, %dma_start3A_1210, %dma_start3A_1211] : memref<4x208x64xf32, #tpu.memory_space<vmem>> -> memref<1x26x64xf32, #tpu.memory_space<vmem>>
    %dma_start3A_1213 = tpu.memref_squeeze %dma_start3A_1212 : memref<1x26x64xf32, #tpu.memory_space<vmem>> -> memref<26x64xf32, #tpu.memory_space<vmem>>
    %dma_start3A_1214 = arith.constant 0 : i32
    %dma_start3A_1215 = arith.constant 0 : i32
    %dma_start3A_1216 = tpu.memref_slice %arg4[%add3A_1208, %dma_start3A_1214, %dma_start3A_1215] : memref<16384x32x128xf32, #tpu.memory_space<hbm>> -> memref<1x26x64xf32, #tpu.memory_space<hbm>>
    %dma_start3A_1217 = tpu.memref_squeeze %dma_start3A_1216 : memref<1x26x64xf32, #tpu.memory_space<hbm>> -> memref<26x64xf32, #tpu.memory_space<hbm>>
    %dma_start3A_1218 = arith.constant 0 : i32
    %dma_start3A_1219 = arith.constant 0 : i32
    %dma_start3A_1220 = tpu.memref_slice %arg4[%add3A_1208, %dma_start3A_1218, %dma_start3A_1219] : memref<16384x32x128xf32, #tpu.memory_space<hbm>> -> memref<1x26x64xf32, #tpu.memory_space<hbm>>
    %dma_start3A_1221 = tpu.memref_squeeze %dma_start3A_1220 : memref<1x26x64xf32, #tpu.memory_space<hbm>> -> memref<26x64xf32, #tpu.memory_space<hbm>>
    %dma_start3A_1222 = arith.constant 130 : i32
    %dma_start3A_1223 = arith.constant 0 : i32
    %dma_start3A_1224 = tpu.memref_slice %arg6[%dma_start3A_1209, %dma_start3A_1222, %dma_start3A_1223] : memref<4x208x64xf32, #tpu.memory_space<vmem>> -> memref<1x26x64xf32, #tpu.memory_space<vmem>>
    %dma_start3A_1225 = tpu.memref_squeeze %dma_start3A_1224 : memref<1x26x64xf32, #tpu.memory_space<vmem>> -> memref<26x64xf32, #tpu.memory_space<vmem>>
    tpu.enqueue_dma source(%dma_start3A_1225 : memref<26x64xf32, #tpu.memory_space<vmem>>) target(%dma_start3A_1221 : memref<26x64xf32, #tpu.memory_space<hbm>>) target_semaphore(%arg14 : memref<!tpu.dma_semaphore, #tpu.memory_space<semaphore_mem>>)
    %add3A_1226 = arith.constant 504 : i32
    %add3A_1227 = arith.addi %mul3A_2, %add3A_1226 : i32
    %add3A_1228 = arith.constant 6 : i32
    %add3A_1229 = arith.addi %add3A_1227, %add3A_1228 : i32
    %dma_start3A_1230 = arith.constant 3 : i32
    %dma_start3A_1231 = arith.constant 156 : i32
    %dma_start3A_1232 = arith.constant 0 : i32
    %dma_start3A_1233 = tpu.memref_slice %arg6[%dma_start3A_1230, %dma_start3A_1231, %dma_start3A_1232] : memref<4x208x64xf32, #tpu.memory_space<vmem>> -> memref<1x26x64xf32, #tpu.memory_space<vmem>>
    %dma_start3A_1234 = tpu.memref_squeeze %dma_start3A_1233 : memref<1x26x64xf32, #tpu.memory_space<vmem>> -> memref<26x64xf32, #tpu.memory_space<vmem>>
    %dma_start3A_1235 = arith.constant 0 : i32
    %dma_start3A_1236 = arith.constant 0 : i32
    %dma_start3A_1237 = tpu.memref_slice %arg4[%add3A_1229, %dma_start3A_1235, %dma_start3A_1236] : memref<16384x32x128xf32, #tpu.memory_space<hbm>> -> memref<1x26x64xf32, #tpu.memory_space<hbm>>
    %dma_start3A_1238 = tpu.memref_squeeze %dma_start3A_1237 : memref<1x26x64xf32, #tpu.memory_space<hbm>> -> memref<26x64xf32, #tpu.memory_space<hbm>>
    %dma_start3A_1239 = arith.constant 0 : i32
    %dma_start3A_1240 = arith.constant 0 : i32
    %dma_start3A_1241 = tpu.memref_slice %arg4[%add3A_1229, %dma_start3A_1239, %dma_start3A_1240] : memref<16384x32x128xf32, #tpu.memory_space<hbm>> -> memref<1x26x64xf32, #tpu.memory_space<hbm>>
    %dma_start3A_1242 = tpu.memref_squeeze %dma_start3A_1241 : memref<1x26x64xf32, #tpu.memory_space<hbm>> -> memref<26x64xf32, #tpu.memory_space<hbm>>
    %dma_start3A_1243 = arith.constant 156 : i32
    %dma_start3A_1244 = arith.constant 0 : i32
    %dma_start3A_1245 = tpu.memref_slice %arg6[%dma_start3A_1230, %dma_start3A_1243, %dma_start3A_1244] : memref<4x208x64xf32, #tpu.memory_space<vmem>> -> memref<1x26x64xf32, #tpu.memory_space<vmem>>
    %dma_start3A_1246 = tpu.memref_squeeze %dma_start3A_1245 : memref<1x26x64xf32, #tpu.memory_space<vmem>> -> memref<26x64xf32, #tpu.memory_space<vmem>>
    tpu.enqueue_dma source(%dma_start3A_1246 : memref<26x64xf32, #tpu.memory_space<vmem>>) target(%dma_start3A_1242 : memref<26x64xf32, #tpu.memory_space<hbm>>) target_semaphore(%arg14 : memref<!tpu.dma_semaphore, #tpu.memory_space<semaphore_mem>>)
    %add3A_1247 = arith.constant 504 : i32
    %add3A_1248 = arith.addi %mul3A_2, %add3A_1247 : i32
    %add3A_1249 = arith.constant 7 : i32
    %add3A_1250 = arith.addi %add3A_1248, %add3A_1249 : i32
    %dma_start3A_1251 = arith.constant 3 : i32
    %dma_start3A_1252 = arith.constant 182 : i32
    %dma_start3A_1253 = arith.constant 0 : i32
    %dma_start3A_1254 = tpu.memref_slice %arg6[%dma_start3A_1251, %dma_start3A_1252, %dma_start3A_1253] : memref<4x208x64xf32, #tpu.memory_space<vmem>> -> memref<1x26x64xf32, #tpu.memory_space<vmem>>
    %dma_start3A_1255 = tpu.memref_squeeze %dma_start3A_1254 : memref<1x26x64xf32, #tpu.memory_space<vmem>> -> memref<26x64xf32, #tpu.memory_space<vmem>>
    %dma_start3A_1256 = arith.constant 0 : i32
    %dma_start3A_1257 = arith.constant 0 : i32
    %dma_start3A_1258 = tpu.memref_slice %arg4[%add3A_1250, %dma_start3A_1256, %dma_start3A_1257] : memref<16384x32x128xf32, #tpu.memory_space<hbm>> -> memref<1x26x64xf32, #tpu.memory_space<hbm>>
    %dma_start3A_1259 = tpu.memref_squeeze %dma_start3A_1258 : memref<1x26x64xf32, #tpu.memory_space<hbm>> -> memref<26x64xf32, #tpu.memory_space<hbm>>
    %dma_start3A_1260 = arith.constant 0 : i32
    %dma_start3A_1261 = arith.constant 0 : i32
    %dma_start3A_1262 = tpu.memref_slice %arg4[%add3A_1250, %dma_start3A_1260, %dma_start3A_1261] : memref<16384x32x128xf32, #tpu.memory_space<hbm>> -> memref<1x26x64xf32, #tpu.memory_space<hbm>>
    %dma_start3A_1263 = tpu.memref_squeeze %dma_start3A_1262 : memref<1x26x64xf32, #tpu.memory_space<hbm>> -> memref<26x64xf32, #tpu.memory_space<hbm>>
    %dma_start3A_1264 = arith.constant 182 : i32
    %dma_start3A_1265 = arith.constant 0 : i32
    %dma_start3A_1266 = tpu.memref_slice %arg6[%dma_start3A_1251, %dma_start3A_1264, %dma_start3A_1265] : memref<4x208x64xf32, #tpu.memory_space<vmem>> -> memref<1x26x64xf32, #tpu.memory_space<vmem>>
    %dma_start3A_1267 = tpu.memref_squeeze %dma_start3A_1266 : memref<1x26x64xf32, #tpu.memory_space<vmem>> -> memref<26x64xf32, #tpu.memory_space<vmem>>
    tpu.enqueue_dma source(%dma_start3A_1267 : memref<26x64xf32, #tpu.memory_space<vmem>>) target(%dma_start3A_1263 : memref<26x64xf32, #tpu.memory_space<hbm>>) target_semaphore(%arg14 : memref<!tpu.dma_semaphore, #tpu.memory_space<semaphore_mem>>)
    %add3A_1268 = arith.constant 504 : i32
    %add3A_1269 = arith.addi %mul3A_2, %add3A_1268 : i32
    %add3A_1270 = arith.constant 0 : i32
    %add3A_1271 = arith.addi %add3A_1269, %add3A_1270 : i32
    %dma_wait3A_1272 = arith.constant 3 : i32
    %dma_wait3A_1273 = arith.constant 0 : i32
    %dma_wait3A_1274 = arith.constant 0 : i32
    %dma_wait3A_1275 = tpu.memref_slice %arg6[%dma_wait3A_1272, %dma_wait3A_1273, %dma_wait3A_1274] : memref<4x208x64xf32, #tpu.memory_space<vmem>> -> memref<1x26x64xf32, #tpu.memory_space<vmem>>
    %dma_wait3A_1276 = tpu.memref_squeeze %dma_wait3A_1275 : memref<1x26x64xf32, #tpu.memory_space<vmem>> -> memref<26x64xf32, #tpu.memory_space<vmem>>
    %dma_wait3A_1277 = arith.constant 0 : i32
    %dma_wait3A_1278 = arith.constant 0 : i32
    %dma_wait3A_1279 = tpu.memref_slice %arg4[%add3A_1271, %dma_wait3A_1277, %dma_wait3A_1278] : memref<16384x32x128xf32, #tpu.memory_space<hbm>> -> memref<1x26x64xf32, #tpu.memory_space<hbm>>
    %dma_wait3A_1280 = tpu.memref_squeeze %dma_wait3A_1279 : memref<1x26x64xf32, #tpu.memory_space<hbm>> -> memref<26x64xf32, #tpu.memory_space<hbm>>
    %dma_wait3A_1281 = arith.constant 0 : i32
    %dma_wait3A_1282 = arith.constant 0 : i32
    %dma_wait3A_1283 = tpu.memref_slice %arg4[%add3A_1271, %dma_wait3A_1281, %dma_wait3A_1282] : memref<16384x32x128xf32, #tpu.memory_space<hbm>> -> memref<1x26x64xf32, #tpu.memory_space<hbm>>
    %dma_wait3A_1284 = tpu.memref_squeeze %dma_wait3A_1283 : memref<1x26x64xf32, #tpu.memory_space<hbm>> -> memref<26x64xf32, #tpu.memory_space<hbm>>
    %dma_wait3A_1285 = arith.constant 0 : i32
    %dma_wait3A_1286 = arith.constant 0 : i32
    %dma_wait3A_1287 = tpu.memref_slice %arg6[%dma_wait3A_1272, %dma_wait3A_1285, %dma_wait3A_1286] : memref<4x208x64xf32, #tpu.memory_space<vmem>> -> memref<1x26x64xf32, #tpu.memory_space<vmem>>
    %dma_wait3A_1288 = tpu.memref_squeeze %dma_wait3A_1287 : memref<1x26x64xf32, #tpu.memory_space<vmem>> -> memref<26x64xf32, #tpu.memory_space<vmem>>
    tpu.wait_dma2 semaphore(%arg14 : memref<!tpu.dma_semaphore, #tpu.memory_space<semaphore_mem>>) src(%dma_wait3A_1288 : memref<26x64xf32, #tpu.memory_space<vmem>>) dst(%dma_wait3A_1284 : memref<26x64xf32, #tpu.memory_space<hbm>>)
    %add3A_1289 = arith.constant 504 : i32
    %add3A_1290 = arith.addi %mul3A_2, %add3A_1289 : i32
    %add3A_1291 = arith.constant 1 : i32
    %add3A_1292 = arith.addi %add3A_1290, %add3A_1291 : i32
    %dma_wait3A_1293 = arith.constant 3 : i32
    %dma_wait3A_1294 = arith.constant 26 : i32
    %dma_wait3A_1295 = arith.constant 0 : i32
    %dma_wait3A_1296 = tpu.memref_slice %arg6[%dma_wait3A_1293, %dma_wait3A_1294, %dma_wait3A_1295] : memref<4x208x64xf32, #tpu.memory_space<vmem>> -> memref<1x26x64xf32, #tpu.memory_space<vmem>>
    %dma_wait3A_1297 = tpu.memref_squeeze %dma_wait3A_1296 : memref<1x26x64xf32, #tpu.memory_space<vmem>> -> memref<26x64xf32, #tpu.memory_space<vmem>>
    %dma_wait3A_1298 = arith.constant 0 : i32
    %dma_wait3A_1299 = arith.constant 0 : i32
    %dma_wait3A_1300 = tpu.memref_slice %arg4[%add3A_1292, %dma_wait3A_1298, %dma_wait3A_1299] : memref<16384x32x128xf32, #tpu.memory_space<hbm>> -> memref<1x26x64xf32, #tpu.memory_space<hbm>>
    %dma_wait3A_1301 = tpu.memref_squeeze %dma_wait3A_1300 : memref<1x26x64xf32, #tpu.memory_space<hbm>> -> memref<26x64xf32, #tpu.memory_space<hbm>>
    %dma_wait3A_1302 = arith.constant 0 : i32
    %dma_wait3A_1303 = arith.constant 0 : i32
    %dma_wait3A_1304 = tpu.memref_slice %arg4[%add3A_1292, %dma_wait3A_1302, %dma_wait3A_1303] : memref<16384x32x128xf32, #tpu.memory_space<hbm>> -> memref<1x26x64xf32, #tpu.memory_space<hbm>>
    %dma_wait3A_1305 = tpu.memref_squeeze %dma_wait3A_1304 : memref<1x26x64xf32, #tpu.memory_space<hbm>> -> memref<26x64xf32, #tpu.memory_space<hbm>>
    %dma_wait3A_1306 = arith.constant 26 : i32
    %dma_wait3A_1307 = arith.constant 0 : i32
    %dma_wait3A_1308 = tpu.memref_slice %arg6[%dma_wait3A_1293, %dma_wait3A_1306, %dma_wait3A_1307] : memref<4x208x64xf32, #tpu.memory_space<vmem>> -> memref<1x26x64xf32, #tpu.memory_space<vmem>>
    %dma_wait3A_1309 = tpu.memref_squeeze %dma_wait3A_1308 : memref<1x26x64xf32, #tpu.memory_space<vmem>> -> memref<26x64xf32, #tpu.memory_space<vmem>>
    tpu.wait_dma2 semaphore(%arg14 : memref<!tpu.dma_semaphore, #tpu.memory_space<semaphore_mem>>) src(%dma_wait3A_1309 : memref<26x64xf32, #tpu.memory_space<vmem>>) dst(%dma_wait3A_1305 : memref<26x64xf32, #tpu.memory_space<hbm>>)
    %add3A_1310 = arith.constant 504 : i32
    %add3A_1311 = arith.addi %mul3A_2, %add3A_1310 : i32
    %add3A_1312 = arith.constant 2 : i32
    %add3A_1313 = arith.addi %add3A_1311, %add3A_1312 : i32
    %dma_wait3A_1314 = arith.constant 3 : i32
    %dma_wait3A_1315 = arith.constant 52 : i32
    %dma_wait3A_1316 = arith.constant 0 : i32
    %dma_wait3A_1317 = tpu.memref_slice %arg6[%dma_wait3A_1314, %dma_wait3A_1315, %dma_wait3A_1316] : memref<4x208x64xf32, #tpu.memory_space<vmem>> -> memref<1x26x64xf32, #tpu.memory_space<vmem>>
    %dma_wait3A_1318 = tpu.memref_squeeze %dma_wait3A_1317 : memref<1x26x64xf32, #tpu.memory_space<vmem>> -> memref<26x64xf32, #tpu.memory_space<vmem>>
    %dma_wait3A_1319 = arith.constant 0 : i32
    %dma_wait3A_1320 = arith.constant 0 : i32
    %dma_wait3A_1321 = tpu.memref_slice %arg4[%add3A_1313, %dma_wait3A_1319, %dma_wait3A_1320] : memref<16384x32x128xf32, #tpu.memory_space<hbm>> -> memref<1x26x64xf32, #tpu.memory_space<hbm>>
    %dma_wait3A_1322 = tpu.memref_squeeze %dma_wait3A_1321 : memref<1x26x64xf32, #tpu.memory_space<hbm>> -> memref<26x64xf32, #tpu.memory_space<hbm>>
    %dma_wait3A_1323 = arith.constant 0 : i32
    %dma_wait3A_1324 = arith.constant 0 : i32
    %dma_wait3A_1325 = tpu.memref_slice %arg4[%add3A_1313, %dma_wait3A_1323, %dma_wait3A_1324] : memref<16384x32x128xf32, #tpu.memory_space<hbm>> -> memref<1x26x64xf32, #tpu.memory_space<hbm>>
    %dma_wait3A_1326 = tpu.memref_squeeze %dma_wait3A_1325 : memref<1x26x64xf32, #tpu.memory_space<hbm>> -> memref<26x64xf32, #tpu.memory_space<hbm>>
    %dma_wait3A_1327 = arith.constant 52 : i32
    %dma_wait3A_1328 = arith.constant 0 : i32
    %dma_wait3A_1329 = tpu.memref_slice %arg6[%dma_wait3A_1314, %dma_wait3A_1327, %dma_wait3A_1328] : memref<4x208x64xf32, #tpu.memory_space<vmem>> -> memref<1x26x64xf32, #tpu.memory_space<vmem>>
    %dma_wait3A_1330 = tpu.memref_squeeze %dma_wait3A_1329 : memref<1x26x64xf32, #tpu.memory_space<vmem>> -> memref<26x64xf32, #tpu.memory_space<vmem>>
    tpu.wait_dma2 semaphore(%arg14 : memref<!tpu.dma_semaphore, #tpu.memory_space<semaphore_mem>>) src(%dma_wait3A_1330 : memref<26x64xf32, #tpu.memory_space<vmem>>) dst(%dma_wait3A_1326 : memref<26x64xf32, #tpu.memory_space<hbm>>)
    %add3A_1331 = arith.constant 504 : i32
    %add3A_1332 = arith.addi %mul3A_2, %add3A_1331 : i32
    %add3A_1333 = arith.constant 3 : i32
    %add3A_1334 = arith.addi %add3A_1332, %add3A_1333 : i32
    %dma_wait3A_1335 = arith.constant 3 : i32
    %dma_wait3A_1336 = arith.constant 78 : i32
    %dma_wait3A_1337 = arith.constant 0 : i32
    %dma_wait3A_1338 = tpu.memref_slice %arg6[%dma_wait3A_1335, %dma_wait3A_1336, %dma_wait3A_1337] : memref<4x208x64xf32, #tpu.memory_space<vmem>> -> memref<1x26x64xf32, #tpu.memory_space<vmem>>
    %dma_wait3A_1339 = tpu.memref_squeeze %dma_wait3A_1338 : memref<1x26x64xf32, #tpu.memory_space<vmem>> -> memref<26x64xf32, #tpu.memory_space<vmem>>
    %dma_wait3A_1340 = arith.constant 0 : i32
    %dma_wait3A_1341 = arith.constant 0 : i32
    %dma_wait3A_1342 = tpu.memref_slice %arg4[%add3A_1334, %dma_wait3A_1340, %dma_wait3A_1341] : memref<16384x32x128xf32, #tpu.memory_space<hbm>> -> memref<1x26x64xf32, #tpu.memory_space<hbm>>
    %dma_wait3A_1343 = tpu.memref_squeeze %dma_wait3A_1342 : memref<1x26x64xf32, #tpu.memory_space<hbm>> -> memref<26x64xf32, #tpu.memory_space<hbm>>
    %dma_wait3A_1344 = arith.constant 0 : i32
    %dma_wait3A_1345 = arith.constant 0 : i32
    %dma_wait3A_1346 = tpu.memref_slice %arg4[%add3A_1334, %dma_wait3A_1344, %dma_wait3A_1345] : memref<16384x32x128xf32, #tpu.memory_space<hbm>> -> memref<1x26x64xf32, #tpu.memory_space<hbm>>
    %dma_wait3A_1347 = tpu.memref_squeeze %dma_wait3A_1346 : memref<1x26x64xf32, #tpu.memory_space<hbm>> -> memref<26x64xf32, #tpu.memory_space<hbm>>
    %dma_wait3A_1348 = arith.constant 78 : i32
    %dma_wait3A_1349 = arith.constant 0 : i32
    %dma_wait3A_1350 = tpu.memref_slice %arg6[%dma_wait3A_1335, %dma_wait3A_1348, %dma_wait3A_1349] : memref<4x208x64xf32, #tpu.memory_space<vmem>> -> memref<1x26x64xf32, #tpu.memory_space<vmem>>
    %dma_wait3A_1351 = tpu.memref_squeeze %dma_wait3A_1350 : memref<1x26x64xf32, #tpu.memory_space<vmem>> -> memref<26x64xf32, #tpu.memory_space<vmem>>
    tpu.wait_dma2 semaphore(%arg14 : memref<!tpu.dma_semaphore, #tpu.memory_space<semaphore_mem>>) src(%dma_wait3A_1351 : memref<26x64xf32, #tpu.memory_space<vmem>>) dst(%dma_wait3A_1347 : memref<26x64xf32, #tpu.memory_space<hbm>>)
    %add3A_1352 = arith.constant 504 : i32
    %add3A_1353 = arith.addi %mul3A_2, %add3A_1352 : i32
    %add3A_1354 = arith.constant 4 : i32
    %add3A_1355 = arith.addi %add3A_1353, %add3A_1354 : i32
    %dma_wait3A_1356 = arith.constant 3 : i32
    %dma_wait3A_1357 = arith.constant 104 : i32
    %dma_wait3A_1358 = arith.constant 0 : i32
    %dma_wait3A_1359 = tpu.memref_slice %arg6[%dma_wait3A_1356, %dma_wait3A_1357, %dma_wait3A_1358] : memref<4x208x64xf32, #tpu.memory_space<vmem>> -> memref<1x26x64xf32, #tpu.memory_space<vmem>>
    %dma_wait3A_1360 = tpu.memref_squeeze %dma_wait3A_1359 : memref<1x26x64xf32, #tpu.memory_space<vmem>> -> memref<26x64xf32, #tpu.memory_space<vmem>>
    %dma_wait3A_1361 = arith.constant 0 : i32
    %dma_wait3A_1362 = arith.constant 0 : i32
    %dma_wait3A_1363 = tpu.memref_slice %arg4[%add3A_1355, %dma_wait3A_1361, %dma_wait3A_1362] : memref<16384x32x128xf32, #tpu.memory_space<hbm>> -> memref<1x26x64xf32, #tpu.memory_space<hbm>>
    %dma_wait3A_1364 = tpu.memref_squeeze %dma_wait3A_1363 : memref<1x26x64xf32, #tpu.memory_space<hbm>> -> memref<26x64xf32, #tpu.memory_space<hbm>>
    %dma_wait3A_1365 = arith.constant 0 : i32
    %dma_wait3A_1366 = arith.constant 0 : i32
    %dma_wait3A_1367 = tpu.memref_slice %arg4[%add3A_1355, %dma_wait3A_1365, %dma_wait3A_1366] : memref<16384x32x128xf32, #tpu.memory_space<hbm>> -> memref<1x26x64xf32, #tpu.memory_space<hbm>>
    %dma_wait3A_1368 = tpu.memref_squeeze %dma_wait3A_1367 : memref<1x26x64xf32, #tpu.memory_space<hbm>> -> memref<26x64xf32, #tpu.memory_space<hbm>>
    %dma_wait3A_1369 = arith.constant 104 : i32
    %dma_wait3A_1370 = arith.constant 0 : i32
    %dma_wait3A_1371 = tpu.memref_slice %arg6[%dma_wait3A_1356, %dma_wait3A_1369, %dma_wait3A_1370] : memref<4x208x64xf32, #tpu.memory_space<vmem>> -> memref<1x26x64xf32, #tpu.memory_space<vmem>>
    %dma_wait3A_1372 = tpu.memref_squeeze %dma_wait3A_1371 : memref<1x26x64xf32, #tpu.memory_space<vmem>> -> memref<26x64xf32, #tpu.memory_space<vmem>>
    tpu.wait_dma2 semaphore(%arg14 : memref<!tpu.dma_semaphore, #tpu.memory_space<semaphore_mem>>) src(%dma_wait3A_1372 : memref<26x64xf32, #tpu.memory_space<vmem>>) dst(%dma_wait3A_1368 : memref<26x64xf32, #tpu.memory_space<hbm>>)
    %add3A_1373 = arith.constant 504 : i32
    %add3A_1374 = arith.addi %mul3A_2, %add3A_1373 : i32
    %add3A_1375 = arith.constant 5 : i32
    %add3A_1376 = arith.addi %add3A_1374, %add3A_1375 : i32
    %dma_wait3A_1377 = arith.constant 3 : i32
    %dma_wait3A_1378 = arith.constant 130 : i32
    %dma_wait3A_1379 = arith.constant 0 : i32
    %dma_wait3A_1380 = tpu.memref_slice %arg6[%dma_wait3A_1377, %dma_wait3A_1378, %dma_wait3A_1379] : memref<4x208x64xf32, #tpu.memory_space<vmem>> -> memref<1x26x64xf32, #tpu.memory_space<vmem>>
    %dma_wait3A_1381 = tpu.memref_squeeze %dma_wait3A_1380 : memref<1x26x64xf32, #tpu.memory_space<vmem>> -> memref<26x64xf32, #tpu.memory_space<vmem>>
    %dma_wait3A_1382 = arith.constant 0 : i32
    %dma_wait3A_1383 = arith.constant 0 : i32
    %dma_wait3A_1384 = tpu.memref_slice %arg4[%add3A_1376, %dma_wait3A_1382, %dma_wait3A_1383] : memref<16384x32x128xf32, #tpu.memory_space<hbm>> -> memref<1x26x64xf32, #tpu.memory_space<hbm>>
    %dma_wait3A_1385 = tpu.memref_squeeze %dma_wait3A_1384 : memref<1x26x64xf32, #tpu.memory_space<hbm>> -> memref<26x64xf32, #tpu.memory_space<hbm>>
    %dma_wait3A_1386 = arith.constant 0 : i32
    %dma_wait3A_1387 = arith.constant 0 : i32
    %dma_wait3A_1388 = tpu.memref_slice %arg4[%add3A_1376, %dma_wait3A_1386, %dma_wait3A_1387] : memref<16384x32x128xf32, #tpu.memory_space<hbm>> -> memref<1x26x64xf32, #tpu.memory_space<hbm>>
    %dma_wait3A_1389 = tpu.memref_squeeze %dma_wait3A_1388 : memref<1x26x64xf32, #tpu.memory_space<hbm>> -> memref<26x64xf32, #tpu.memory_space<hbm>>
    %dma_wait3A_1390 = arith.constant 130 : i32
    %dma_wait3A_1391 = arith.constant 0 : i32
    %dma_wait3A_1392 = tpu.memref_slice %arg6[%dma_wait3A_1377, %dma_wait3A_1390, %dma_wait3A_1391] : memref<4x208x64xf32, #tpu.memory_space<vmem>> -> memref<1x26x64xf32, #tpu.memory_space<vmem>>
    %dma_wait3A_1393 = tpu.memref_squeeze %dma_wait3A_1392 : memref<1x26x64xf32, #tpu.memory_space<vmem>> -> memref<26x64xf32, #tpu.memory_space<vmem>>
    tpu.wait_dma2 semaphore(%arg14 : memref<!tpu.dma_semaphore, #tpu.memory_space<semaphore_mem>>) src(%dma_wait3A_1393 : memref<26x64xf32, #tpu.memory_space<vmem>>) dst(%dma_wait3A_1389 : memref<26x64xf32, #tpu.memory_space<hbm>>)
    %add3A_1394 = arith.constant 504 : i32
    %add3A_1395 = arith.addi %mul3A_2, %add3A_1394 : i32
    %add3A_1396 = arith.constant 6 : i32
    %add3A_1397 = arith.addi %add3A_1395, %add3A_1396 : i32
    %dma_wait3A_1398 = arith.constant 3 : i32
    %dma_wait3A_1399 = arith.constant 156 : i32
    %dma_wait3A_1400 = arith.constant 0 : i32
    %dma_wait3A_1401 = tpu.memref_slice %arg6[%dma_wait3A_1398, %dma_wait3A_1399, %dma_wait3A_1400] : memref<4x208x64xf32, #tpu.memory_space<vmem>> -> memref<1x26x64xf32, #tpu.memory_space<vmem>>
    %dma_wait3A_1402 = tpu.memref_squeeze %dma_wait3A_1401 : memref<1x26x64xf32, #tpu.memory_space<vmem>> -> memref<26x64xf32, #tpu.memory_space<vmem>>
    %dma_wait3A_1403 = arith.constant 0 : i32
    %dma_wait3A_1404 = arith.constant 0 : i32
    %dma_wait3A_1405 = tpu.memref_slice %arg4[%add3A_1397, %dma_wait3A_1403, %dma_wait3A_1404] : memref<16384x32x128xf32, #tpu.memory_space<hbm>> -> memref<1x26x64xf32, #tpu.memory_space<hbm>>
    %dma_wait3A_1406 = tpu.memref_squeeze %dma_wait3A_1405 : memref<1x26x64xf32, #tpu.memory_space<hbm>> -> memref<26x64xf32, #tpu.memory_space<hbm>>
    %dma_wait3A_1407 = arith.constant 0 : i32
    %dma_wait3A_1408 = arith.constant 0 : i32
    %dma_wait3A_1409 = tpu.memref_slice %arg4[%add3A_1397, %dma_wait3A_1407, %dma_wait3A_1408] : memref<16384x32x128xf32, #tpu.memory_space<hbm>> -> memref<1x26x64xf32, #tpu.memory_space<hbm>>
    %dma_wait3A_1410 = tpu.memref_squeeze %dma_wait3A_1409 : memref<1x26x64xf32, #tpu.memory_space<hbm>> -> memref<26x64xf32, #tpu.memory_space<hbm>>
    %dma_wait3A_1411 = arith.constant 156 : i32
    %dma_wait3A_1412 = arith.constant 0 : i32
    %dma_wait3A_1413 = tpu.memref_slice %arg6[%dma_wait3A_1398, %dma_wait3A_1411, %dma_wait3A_1412] : memref<4x208x64xf32, #tpu.memory_space<vmem>> -> memref<1x26x64xf32, #tpu.memory_space<vmem>>
    %dma_wait3A_1414 = tpu.memref_squeeze %dma_wait3A_1413 : memref<1x26x64xf32, #tpu.memory_space<vmem>> -> memref<26x64xf32, #tpu.memory_space<vmem>>
    tpu.wait_dma2 semaphore(%arg14 : memref<!tpu.dma_semaphore, #tpu.memory_space<semaphore_mem>>) src(%dma_wait3A_1414 : memref<26x64xf32, #tpu.memory_space<vmem>>) dst(%dma_wait3A_1410 : memref<26x64xf32, #tpu.memory_space<hbm>>)
    %add3A_1415 = arith.constant 504 : i32
    %add3A_1416 = arith.addi %mul3A_2, %add3A_1415 : i32
    %add3A_1417 = arith.constant 7 : i32
    %add3A_1418 = arith.addi %add3A_1416, %add3A_1417 : i32
    %dma_wait3A_1419 = arith.constant 3 : i32
    %dma_wait3A_1420 = arith.constant 182 : i32
    %dma_wait3A_1421 = arith.constant 0 : i32
    %dma_wait3A_1422 = tpu.memref_slice %arg6[%dma_wait3A_1419, %dma_wait3A_1420, %dma_wait3A_1421] : memref<4x208x64xf32, #tpu.memory_space<vmem>> -> memref<1x26x64xf32, #tpu.memory_space<vmem>>
    %dma_wait3A_1423 = tpu.memref_squeeze %dma_wait3A_1422 : memref<1x26x64xf32, #tpu.memory_space<vmem>> -> memref<26x64xf32, #tpu.memory_space<vmem>>
    %dma_wait3A_1424 = arith.constant 0 : i32
    %dma_wait3A_1425 = arith.constant 0 : i32
    %dma_wait3A_1426 = tpu.memref_slice %arg4[%add3A_1418, %dma_wait3A_1424, %dma_wait3A_1425] : memref<16384x32x128xf32, #tpu.memory_space<hbm>> -> memref<1x26x64xf32, #tpu.memory_space<hbm>>
    %dma_wait3A_1427 = tpu.memref_squeeze %dma_wait3A_1426 : memref<1x26x64xf32, #tpu.memory_space<hbm>> -> memref<26x64xf32, #tpu.memory_space<hbm>>
    %dma_wait3A_1428 = arith.constant 0 : i32
    %dma_wait3A_1429 = arith.constant 0 : i32
    %dma_wait3A_1430 = tpu.memref_slice %arg4[%add3A_1418, %dma_wait3A_1428, %dma_wait3A_1429] : memref<16384x32x128xf32, #tpu.memory_space<hbm>> -> memref<1x26x64xf32, #tpu.memory_space<hbm>>
    %dma_wait3A_1431 = tpu.memref_squeeze %dma_wait3A_1430 : memref<1x26x64xf32, #tpu.memory_space<hbm>> -> memref<26x64xf32, #tpu.memory_space<hbm>>
    %dma_wait3A_1432 = arith.constant 182 : i32
    %dma_wait3A_1433 = arith.constant 0 : i32
    %dma_wait3A_1434 = tpu.memref_slice %arg6[%dma_wait3A_1419, %dma_wait3A_1432, %dma_wait3A_1433] : memref<4x208x64xf32, #tpu.memory_space<vmem>> -> memref<1x26x64xf32, #tpu.memory_space<vmem>>
    %dma_wait3A_1435 = tpu.memref_squeeze %dma_wait3A_1434 : memref<1x26x64xf32, #tpu.memory_space<vmem>> -> memref<26x64xf32, #tpu.memory_space<vmem>>
    tpu.wait_dma2 semaphore(%arg14 : memref<!tpu.dma_semaphore, #tpu.memory_space<semaphore_mem>>) src(%dma_wait3A_1435 : memref<26x64xf32, #tpu.memory_space<vmem>>) dst(%dma_wait3A_1431 : memref<26x64xf32, #tpu.memory_space<hbm>>)
    return
  }
}

</mosaic_0001>

<sc_bundles>
// kernel: kernel.3.cloned.1.call-start
scs
__scs_entry_jumppad:
0x0: {  	(pc) =	sbr.rel $0x88, $3  }
0x1: {  	(tag) =	ssettag $0x0;
	lr =	simm.s32 $0x1  }
0x2: {  	[smem:$0x3F9F] =	sst lr;
	_ =	strace $0xD0000000  }
0x3: {  	_ = 	snop  }
0x4: {  	_ = 	snop  }
0x5: {  	_ = 	snop  }
0x6: {  	_ = 	snop  }
0x7: {  	_ = 	snop  }
__scs_overlays_trampoline_lowered:
0x8: {  	[smem:$0x3FAE] =	sst s0  }
0x9: {  	[smem:$0x3FAF] =	sst s1  }
0xa: {  	[smem:$0x3FB0] =	sst s2  }
0xb: {  	[smem:$0x3FB1] =	sst s3  }
0xc: {  	[smem:$0x3FB2] =	sst s4  }
0xd: {  	[smem:$0x3FB3] =	sst s5  }
0xe: {  	[smem:$0x3FB4] =	sst s6  }
0xf: {  	[smem:$0x3FB5] =	sst s7  }
0x10: {  	[smem:$0x3FB6] =	sst s8  }
0x11: {  	[smem:$0x3FB7] =	sst s9;
	s0 =	simm.s32 @!p0 $0x0  }
0x12: {  	s1 =	sld [smem:$0x3F9D];
	s0 =	simm.s32 @p0 $0x1  }
0x13: {  	[smem:$0x3FB8] =	sst s0;
	s0 =	simm.s32 @!p1 $0x0  }
0x14: {  	s2 =	sld [smem:$0x3F9C];
	s0 =	simm.s32 @p1 $0x1  }
0x15: {  	[smem:$0x3FB9] =	sst s0;
	s0 =	simm.s32 @!p2 $0x0  }
0x16: {  	s3 =	sld [smem:$0x3FDB];
	s0 =	simm.s32 @p2 $0x1  }
0x17: {  	s4 =	simm.s32 $0x1BF5;
	[smem:$0x3FBB] =	sst s0  }
0x18: {  	s0 =	sld [smem:$0x3F9E];
	_ =	swait.ge [sflag:s4], $0x0  }
0x19: {  	s7 =	sld [smem:$0x3F9F]  }
0x1a: {  	s8 =	sadd.s32 $0xFFFFE003, lr  }
0x1b: {  	s9 =	sadd.s32 $0xFFFFFEF7, lr;
	s5 =	simm.s32 $0xFFFFFFFF;
	p2 =	slt.u32 s8, $0xFFFFF086  }
0x1c: {  	p1 =	slt.u32 s9, $0xF7A;
	s5 =	simm.s32 @!p2 $0x0  }
0x1d: {  	s5 =	simm.s32 @p1 $0x1;
	p0 =	seq.s32 s7, s2  }
0x1e: {  	s7 =	smul.u32 @!p0 $0xF7A, s2;
	p2 =	seq.s32 @!p0 s5, $0x0  }
0x1f: {  	s9 =	smul.u32 $0xF7A, s1;
	s8 =	simm.s32 @!p0 $0x1BF5;
	p2 =	por !p2, p0  }
0x20: {  	[sflag:s8] =	ssyncset.s32 @!p0 $0xFFFFF086;
	s6 =	sadd.s32 @!p0 s3, s7;
	s7 =	simm.s32 @!p0 $0x108  }
0x21: {  	s3 =	sadd.s32 s3, s9;
	s6 =	sadd.s32 @!p0 $0x88, s6;
	s7 =	simm.s32 @p2 $0x1082  }
0x22: {  	[simem:s7], [sflag:s8] =	dma.local @!p0 [hbm:s6], $0xF7A  }
0x23: {  	s9 =	sor.u32 $0xD0000000, s2;
	s6 =	simm.s32 $0x108;
	_ =	swait.ge @!p0 [sflag:s8], $0x0  }
0x24: {  	s3 =	sadd.s32 $0x88, s3;
	s6 =	simm.s32 @!p1 $0x1082;
	[sflag:s4] =	ssyncset.s32 $0xFFFFF086  }
0x25: {  	[simem:s6], [sflag:s4] =	dma.local [hbm:s3], $0xF7A  }
0x26: {  	[smem:$0x3F9F] =	sst s1;
	(tag) =	ssettag s2;
	_ =	strace s9  }
0x27: {  	s1 =	sld [smem:$0x3FAF]  }
0x28: {  	s2 =	sld [smem:$0x3FB0]  }
0x29: {  	s4 =	sld [smem:$0x3FB2]  }
0x2a: {  	p0 =	seq.s32 s5, $0x0;
	s5 =	sld [smem:$0x3FB3]  }
0x2b: {  	s6 =	sld [smem:$0x3FB4]  }
0x2c: {  	s7 =	sld [smem:$0x3FB5]  }
0x2d: {  	s3 =	simm.s32 $0x108;
	s8 =	sld [smem:$0x3FB6]  }
0x2e: {  	s3 =	simm.s32 @!p0 $0x1082;
	s9 =	sld [smem:$0x3FB7]  }
0x2f: {  	lr =	sadd.s32 s0, s3;
	s0 =	sld [smem:$0x3FAE]  }
0x30: {  	s3 =	sld [smem:$0x3FB1]  }
0x31: {  	[smem:$0x3FBA] =	sst s10  }
0x32: {  	s10 =	sld [smem:$0x3FB8];
	_ =	sdelay $0x3  }
0x33: {  	p0 =	seq.s32 s10, $0x1;
	s10 =	sld [smem:$0x3FBA];
	_ =	sdelay $0x3  }
0x34: {  	[smem:$0x3FBA] =	sst s10  }
0x35: {  	s10 =	sld [smem:$0x3FB9];
	_ =	sdelay $0x3  }
0x36: {  	p1 =	seq.s32 s10, $0x1;
	s10 =	sld [smem:$0x3FBA];
	_ =	sdelay $0x3  }
0x37: {  	[smem:$0x3FBA] =	sst s10  }
0x38: {  	s10 =	sld [smem:$0x3FBB]  }
0x39: {  	_ = 	snop;
	(pc) =	sbr.ind lr, $3  }
0x3a: {  	_ = 	snop  }
0x3b: {  	_ = 	snop  }
0x3c: {  	p2 =	seq.s32 s10, $0x1;
	s10 =	sld [smem:$0x3FBA]  }
0x3d: {  	_ =	shalt  }
0x3e: {  	_ =	shalt  }
0x3f: {  	_ =	shalt  }
0x40: {  	_ =	shalt  }
0x41: {  	_ =	shalt  }
0x42: {  	_ =	shalt  }
0x43: {  	_ =	shalt  }
0x44: {  	_ =	shalt  }
0x45: {  	_ =	shalt  }
0x46: {  	_ =	shalt  }
0x47: {  	_ =	shalt  }
0x48: {  	_ =	shalt  }
0x49: {  	_ =	shalt  }
0x4a: {  	_ =	shalt  }
0x4b: {  	_ =	shalt  }
0x4c: {  	_ =	shalt  }
0x4d: {  	_ =	shalt  }
0x4e: {  	_ =	shalt  }
0x4f: {  	_ =	shalt  }
0x50: {  	_ =	shalt  }
0x51: {  	_ =	shalt  }
0x52: {  	_ =	shalt  }
0x53: {  	_ =	shalt  }
0x54: {  	_ =	shalt  }
0x55: {  	_ =	shalt  }
0x56: {  	_ =	shalt  }
0x57: {  	_ =	shalt  }
0x58: {  	_ =	shalt  }
0x59: {  	_ =	shalt  }
0x5a: {  	_ =	shalt  }
0x5b: {  	_ =	shalt  }
0x5c: {  	_ =	shalt  }
0x5d: {  	_ =	shalt  }
0x5e: {  	_ =	shalt  }
0x5f: {  	_ =	shalt  }
0x60: {  	_ =	shalt  }
0x61: {  	_ =	shalt  }
0x62: {  	_ =	shalt  }
0x63: {  	_ =	shalt  }
0x64: {  	_ =	shalt  }
0x65: {  	_ =	shalt  }
0x66: {  	_ =	shalt  }
0x67: {  	_ =	shalt  }
0x68: {  	_ =	shalt  }
0x69: {  	_ =	shalt  }
0x6a: {  	_ =	shalt  }
0x6b: {  	_ =	shalt  }
0x6c: {  	_ =	shalt  }
0x6d: {  	_ =	shalt  }
0x6e: {  	_ =	shalt  }
0x6f: {  	_ =	shalt  }
0x70: {  	_ =	shalt  }
0x71: {  	_ =	shalt  }
0x72: {  	_ =	shalt  }
0x73: {  	_ =	shalt  }
0x74: {  	_ =	shalt  }
0x75: {  	_ =	shalt  }
0x76: {  	_ =	shalt  }
0x77: {  	_ =	shalt  }
0x78: {  	_ =	shalt  }
0x79: {  	_ =	shalt  }
0x7a: {  	_ =	shalt  }
0x7b: {  	_ =	shalt  }
0x7c: {  	_ =	shalt  }
0x7d: {  	_ =	shalt  }
0x7e: {  	_ =	shalt  }
0x7f: {  	_ =	shalt  }
0x80: {  	_ =	shalt  }
0x81: {  	_ =	shalt  }
0x82: {  	_ =	shalt  }
0x83: {  	_ =	shalt  }
0x84: {  	_ =	shalt  }
0x85: {  	_ =	shalt  }
0x86: {  	_ =	shalt  }
0x87: {  	_ =	shalt  }
.Lfunc_end0:
.L_simem_size_0:
called_computation.1_lowered:
.L_overlay_start_0:
0x88: {  	s2 =	sld [smem:$0x3FD9]  }
0x89: {  	s3 =	sld [smem:$0x3FFE];
	_ =	sdelay $0x1  }
0x8a: {  	s1 =	srdreg.scid  }
0x8b: {  	s0 =	sand.u32 $0x1, s1  }
0x8c: {  	s17 =	sshll.u32 s0, $0xA;
	s2 =	sadd.s32 s3, s2  }
0x8d: {  	s2 =	sadd.s32 s2, s17  }
0x8e: {  	[smem:$0x3FC6] =	sst s2  }
0x8f: {  	_ = 	snop  }
0x90: {  	s2 =	sld [smem:$0x3FD0];
	(tm) =	ssettm $0x1  }
0x91: {  	s18 =	sld [smem:$0x3FFB];
	_ =	sdelay $0x3  }
0x92: {  	_ =	strace s18  }
0x93: {  	s3 =	sld [smem:$0x3FFC];
	_ =	sdelay $0x3  }
0x94: {  	_ =	strace s3  }
0x95: {  	s3 =	sld [smem:$0x3FFD];
	_ =	sdelay $0x3  }
0x96: {  	_ =	strace s3  }
0x97: {  	_ =	strace $0x8FFFFFFF  }
0x98: {  	s19 =	sld [smem:$0x3FDB];
	_ =	sdelay $0x1  }
0x99: {  	s4 =	simm.s32 $_scs_section_size  }
0x9a: {  	s5 =	simm.s32 $_size__tile_overlayer_lowered;
	s6 =	simm.s32 $_tile_overlayer_lowered  }
0x9b: {  	s22 =	simm.s32 $0x1BFF;
	s21 =	sshll.u32 s6, $0x1;
	s3 =	sadd.s32 s4, s19  }
0x9c: {  	s7 =	simm.s32 $0x0;
	s20 =	sshll.u32 s5, $0x1;
	s5 =	sadd.s32 s21, s3  }
0x9d: {  	[timem:s7], [sflag:s22] =	dma.local [hbm:s5], s20  }
0x9e: {  	_ =	swait.ge [sflag:s22], s20  }
0x9f: {  	s4 =	ssub.s32 $0x0, s20;
	[sflag:s22] =	ssyncset.done $0x0  }
0xa0: {  	[sflag:s22] =	ssyncadd.s32 s4;
	_ =	sdelay $0x1  }
0xa1: {  	s23 =	simm.s32 $0x1B8B  }
0xa2: {  	_ =	swait.ge [sflag:s23], $0x1  }
0xa3: {  	[sflag:s23] =	ssyncset.done $0x0  }
0xa4: {  	s25 =	simm.s32 $0x1B8E;
	s24 =	sld [smem:$0x3FFE];
	[sflag:s23] =	ssyncadd.s32 $0xFFFFFFFF  }
0xa5: {  	s26 =	simm.s32 $execute0_lowered;
	[smem:$0x3FD2] =	sst s25  }
0xa6: {  	s5 =	sshll.u32 s26, $0x1;
	_ =	strace $0x80000046;
	[dreg:$0x1] =	wrdreg $0xFFFFFFFF  }
0xa7: {  	s28 =	simm.s32 $_size_execute0_lowered;
	s3 =	sadd.s32 s3, s5;
	[dreg:$0x0] =	wrdreg $0x0  }
0xa8: {  	s5 =	sshll.u32 s28, $0x1;
	[dreg:$0x2] =	wrdreg s3  }
0xa9: {  	[dreg:$0x3] =	wrdreg s5  }
0xaa: {  	[dreg:$0x4] =	wrdreg $0xC0  }
0xab: {  	_ =	task [dreg:s7], $0x5FFFF  }
0xac: {  	[dreg:$0x1] =	wrdreg $0xFFFFFFFF  }
0xad: {  	[dreg:$0x0] =	wrdreg $0x60  }
0xae: {  	[dreg:$0x2] =	wrdreg s2  }
0xaf: {  	[dreg:$0x3] =	wrdreg s24  }
0xb0: {  	[dreg:$0x4] =	wrdreg $0x9  }
0xb1: {  	_ =	task.clear_ibuf [dreg:s7], $0x5FFFF;
	_ =	strace $0x90000046  }
0xb2: {  	s29 =	simm.s32 $0x9;
	_ =	strace $0x80000048  }
0xb3: {  	_ =	swait.ge [sflag:s29], $0x1  }
0xb4: {  	[sflag:s29] =	ssyncadd.s32 $0xFFFFFFFF  }
0xb5: {  	_ =	strace $0x90000048  }
0xb6: {  	_ =	sfence  }
0xb7: {  	s30 =	sld [smem:$0x0];
	_ =	sdelay $0x2  }
0xb8: {  	s31 =	sshll.u32 s1, $0xD;
	s1 =	sshrl.u32 s1, $0x2  }
0xb9: {  	s3 =	sand.u32 $0x4000, s31;
	s1 =	sadd.s32 s1, s30  }
0xba: {  	s0 =	sor.u32 s3, s0;
	s1 =	sshll.u32 s1, $0x11  }
0xbb: {  	s0 =	sor.u32 s1, s0  }
0xbc: {  	s0 =	sadd.s32 $0x8F2B, s0  }
0xbd: {  	[sflag:s0] =	ssyncadd.remote.s32 $0x1  }
0xbe: {  	_ =	sfence.sel $0xFFFF  }
0xbf: {  	[dreg:$0x0] =	wrdreg $0xFFFFFFFF;
	(pc) =	sbr.abs _section_cstart, $3  }
0xc0: {  	[dreg:$0x1] =	wrdreg $0xFFFFFFFF  }
0xc1: {  	_ =	task.clear_ibuf [dreg:s7], $0x2FFFF;
	_ =	strace $0x9FFFFFFF  }
0xc2: {  	(tm) =	ssettm $0x7FFFFFFF  }
0xc3: {  	_ =	shalt  }
tec
execute0_lowered:
.L_overlay_start_1:
0x0: {  	(tag) =	ssettag $0x1  }
0x1: {  	s1 =	rddreg [dreg:$0x1]  }
0x2: {  	s2 =	srdreg.scid;
	s8 =	stileid.u32  }
0x3: {  	s3 =	simm.s32 $0x0;
	s2 =	sand.u32 $0x1, s2;
	s23 =	sshll.u32 s8, $0x1  }
0x4: {  	[smem:$0x7FF] =	sst s3;
	s3 =	sadd.s32 $0xF42E00, s1;
	s4 =	sor.u32 s2, s23  }
0x5: {  	s1 =	sadd.s32 $0xA00, s1;
	s6 =	smul.u32 $0x3400, s4;
	s4 =	sshll.u32 s4, $0x12  }
0x6: {  	s4 =	sadd.s32 s4, s1  }
0x7: {  	s0 =	rddreg [dreg:$0x0];
	s24 =	sadd.s32 $0x3C000, s4  }
0x8: {  	_ =	strace $0x80000047;
	s25 =	sadd.s32 $0x3C200, s4;
	[dreg:$0x8] =	wrdreg s24  }
0x9: {  	s26 =	sadd.s32 $0x3C400, s4;
	[dreg:$0x9] =	wrdreg s25  }
0xa: {  	s9 =	sadd.s32 $0x3C800, s4;
	[dreg:$0xa] =	wrdreg s26  }
0xb: {  	s10 =	sadd.s32 $0x3CA00, s4;
	[dreg:$0xc] =	wrdreg s9  }
0xc: {  	s11 =	sadd.s32 $0x3CC00, s4;
	[dreg:$0xd] =	wrdreg s10  }
0xd: {  	s12 =	sadd.s32 $0x3CE00, s4;
	[dreg:$0xe] =	wrdreg s11  }
0xe: {  	s13 =	sadd.s32 $0x3D000, s4;
	[dreg:$0xf] =	wrdreg s12  }
0xf: {  	s14 =	sadd.s32 $0x3D200, s4;
	[dreg:$0x10] =	wrdreg s13  }
0x10: {  	s17 =	sshll.u32 s8, $0x13;
	s15 =	sadd.s32 $0x3D400, s4;
	[dreg:$0x11] =	wrdreg s14  }
0x11: {  	s5 =	ssub.s32 $0x2, s2;
	s16 =	sadd.s32 $0x3D600, s4;
	[dreg:$0x12] =	wrdreg s15  }
0x12: {  	s2 =	sshll.u32 s2, $0x12;
	s18 =	sadd.s32 $0x3D800, s4;
	[dreg:$0x13] =	wrdreg s16  }
0x13: {  	s19 =	sadd.s32 s17, s1;
	s20 =	sadd.s32 $0x3DA00, s4;
	[dreg:$0x14] =	wrdreg s18  }
0x14: {  	s7 =	sshrl.u32 s5, $0x1;
	s21 =	sadd.s32 $0x3DC00, s4;
	[dreg:$0x15] =	wrdreg s20  }
0x15: {  	s5 =	ssub.s32 s5, s7;
	s23 =	sadd.s32 $0x3DE00, s4;
	[dreg:$0x16] =	wrdreg s21  }
0x16: {  	s6 =	sshrl.u32 s6, $0x3;
	s8 =	sadd.s32 $0x3EA00, s4;
	[dreg:$0x17] =	wrdreg s23  }
0x17: {  	s7 =	sadd.s32 s0, s6;
	s6 =	sadd.s32 $0x3C600, s4;
	[dreg:$0x1d] =	wrdreg s8  }
0x18: {  	s0 =	sor.u32 s2, s17;
	s2 =	sadd.s32 s2, s19;
	[dreg:$0xb] =	wrdreg s6  }
0x19: {  	s25 =	sadd.s32 $0x3E000, s4;
	[dreg:$0x3] =	wrdreg s2  }
0x1a: {  	s26 =	sadd.s32 $0x3E200, s4;
	[dreg:$0x18] =	wrdreg s25  }
0x1b: {  	s9 =	sadd.s32 $0x3EC00, s4;
	[dreg:$0x19] =	wrdreg s26  }
0x1c: {  	s10 =	sadd.s32 $0x3EE00, s4;
	[dreg:$0x1e] =	wrdreg s9  }
0x1d: {  	s11 =	sadd.s32 $0x3F000, s4;
	[dreg:$0x1f] =	wrdreg s10  }
0x1e: {  	s12 =	sadd.s32 $0x3F200, s4;
	[smem:$0x7EE] =	sst s11  }
0x1f: {  	s13 =	sadd.s32 $0x3F400, s4;
	[smem:$0x7EF] =	sst s12  }
0x20: {  	s14 =	sadd.s32 $0x3F600, s4;
	[smem:$0x7F0] =	sst s13  }
0x21: {  	s28 =	simm.s32 $0x4;
	s15 =	sadd.s32 $0x3F800, s4;
	[smem:$0x7F1] =	sst s14  }
0x22: {  	s29 =	simm.s32 $0xD680;
	s16 =	sadd.s32 $0x3FA00, s4;
	[smem:$0x7F2] =	sst s15  }
0x23: {  	s30 =	simm.s32 $0xDD00;
	s17 =	sadd.s32 $0x3FC00, s4;
	[smem:$0x7F3] =	sst s16  }
0x24: {  	s31 =	simm.s32 $0xE380;
	s18 =	sadd.s32 $0x3FE00, s4;
	[smem:$0x7F4] =	sst s17  }
0x25: {  	s19 =	smax.u32 s5, $0x1;
	s5 =	simm.s32 $0x2;
	[smem:$0x7F5] =	sst s18  }
0x26: {  	s8 =	simm.s32 $0x5;
	s0 =	sadd.s32 s0, s1;
	[smem:$0x7F6] =	sst s19  }
0x27: {  	s1 =	sadd.s32 $0x3E400, s4;
	s2 =	sadd.s32 $0x3E600, s4;
	[dreg:$0x7] =	wrdreg s7  }
0x28: {  	s6 =	sadd.s32 $0x3E800, s4;
	s20 =	sadd.s32 $0xD0, s7;
	[dreg:$0x1a] =	wrdreg s1  }
0x29: {  	s21 =	sadd.s32 $0x1A0, s7;
	s23 =	sadd.s32 $0x340, s7;
	[dreg:$0x1b] =	wrdreg s2  }
0x2a: {  	s25 =	sadd.s32 $0x4E0, s7;
	s26 =	sadd.s32 $0x5B0, s7;
	[dreg:$0x1c] =	wrdreg s6  }
0x2b: {  	s18 =	simm.s32 $0xD0;
	s19 =	simm.s32 $0x3400;
	[smem:$0x7F7] =	sst s20  }
0x2c: {  	s13 =	simm.s32 $0x3;
	s9 =	simm.s32 $0x6;
	[smem:$0x7F8] =	sst s21  }
0x2d: {  	s10 =	simm.s32 $0x7;
	s11 =	simm.s32 $0x8;
	[smem:$0x7FA] =	sst s23  }
0x2e: {  	s4 =	simm.s32 $0x0;
	s22 =	sadd.s32 $0x3000, s0;
	[smem:$0x7FC] =	sst s25  }
0x2f: {  	s24 =	sadd.s32 $0x2000, s0;
	s0 =	sadd.s32 $0x1000, s0;
	[smem:$0x7FD] =	sst s26  }
0x30: {  	s20 =	simm.s32 $0x6800;
	s21 =	simm.s32 $0x9C00;
	s23 =	simm.s32 $0x1  }
0x31: {  	s25 =	simm.s32 $0x80;
	s26 =	simm.s32 $0xC980;
	[dreg:$0x4] =	wrdreg s22  }
0x32: {  	s1 =	simm.s32 $0xF080;
	s6 =	simm.s32 $0xF700;
	[dreg:$0x5] =	wrdreg s24  }
0x33: {  	[dreg:$0x6] =	wrdreg s0;
	s22 =	sadd.s32 $0x270, s7;
	s24 =	sadd.s32 $0x410, s7  }
0x34: {  	s0 =	simm.s32 $0xEA00;
	s7 =	simm.s32 $0xFD80;
	[smem:$0x7F9] =	sst s22  }
0x35: {  	[smem:$0x7FB] =	sst s24;
	s22 =	simm.s32 $0xD000;
	s24 =	simm.s32 $0x40  }
.LBB2_1:
0x36: {  	[smem:$0x7ED] =	sst s4  }
0x37: {  	s2 =	simm.s32 $0x0;
	s14 =	rddreg [dreg:$0x7];
	s12 =	simm.s32 $0x9  }
0x38: {  	[tilespmem:s2], [sflag:$0x9] =	stream.linear.gather [hbm4b:s14+s2], $0x680, $0x38;
	[tilespmem:$0x10400] =	vst v63  }
0x39: {  	_ =	swait.ge [sflag:s12], $0x680  }
0x3a: {  	s15 =	sld [smem:$0x7F7]  }
0x3b: {  	[sflag:s12] =	ssyncset.done $0x0  }
0x3c: {  	s14 =	simm.s32 $0x680;
	[sflag:s12] =	ssyncadd.s32 $0xFFFFF980  }
0x3d: {  	[tilespmem:s14], [sflag:$0x9] =	stream.linear.gather [hbm4b:s15+s2], $0x680, $0x38;
	[tilespmem:$0x10400] =	vst v63  }
0x3e: {  	_ =	swait.ge [sflag:s12], $0x680  }
0x3f: {  	s16 =	sld [smem:$0x7F8]  }
0x40: {  	[sflag:s12] =	ssyncset.done $0x0  }
0x41: {  	s17 =	simm.s32 $0xD00;
	[sflag:s12] =	ssyncadd.s32 $0xFFFFF980  }
0x42: {  	[tilespmem:s17], [sflag:$0x9] =	stream.linear.gather [hbm4b:s16+s2], $0x680, $0x38;
	[tilespmem:$0x10400] =	vst v63  }
0x43: {  	_ =	swait.ge [sflag:s12], $0x680  }
0x44: {  	s14 =	sld [smem:$0x7F9]  }
0x45: {  	[sflag:s12] =	ssyncset.done $0x0  }
0x46: {  	s15 =	simm.s32 $0x1380;
	[sflag:s12] =	ssyncadd.s32 $0xFFFFF980  }
0x47: {  	[tilespmem:s15], [sflag:$0x9] =	stream.linear.gather [hbm4b:s14+s2], $0x680, $0x38;
	[tilespmem:$0x10400] =	vst v63  }
0x48: {  	_ =	swait.ge [sflag:s12], $0x680  }
0x49: {  	s16 =	sld [smem:$0x7FA]  }
0x4a: {  	[sflag:s12] =	ssyncset.done $0x0  }
0x4b: {  	s17 =	simm.s32 $0x1A00;
	[sflag:s12] =	ssyncadd.s32 $0xFFFFF980  }
0x4c: {  	[tilespmem:s17], [sflag:$0x9] =	stream.linear.gather [hbm4b:s16+s2], $0x680, $0x38;
	[tilespmem:$0x10400] =	vst v63  }
0x4d: {  	_ =	swait.ge [sflag:s12], $0x680  }
0x4e: {  	s14 =	sld [smem:$0x7FB]  }
0x4f: {  	[sflag:s12] =	ssyncset.done $0x0  }
0x50: {  	s15 =	simm.s32 $0x2080;
	[sflag:s12] =	ssyncadd.s32 $0xFFFFF980  }
0x51: {  	[tilespmem:s15], [sflag:$0x9] =	stream.linear.gather [hbm4b:s14+s2], $0x680, $0x38;
	[tilespmem:$0x10400] =	vst v63  }
0x52: {  	_ =	swait.ge [sflag:s12], $0x680  }
0x53: {  	s16 =	sld [smem:$0x7FC]  }
0x54: {  	[sflag:s12] =	ssyncset.done $0x0  }
0x55: {  	s17 =	simm.s32 $0x2700;
	[sflag:s12] =	ssyncadd.s32 $0xFFFFF980  }
0x56: {  	[tilespmem:s17], [sflag:$0x9] =	stream.linear.gather [hbm4b:s16+s2], $0x680, $0x38;
	[tilespmem:$0x10400] =	vst v63  }
0x57: {  	_ =	swait.ge [sflag:s12], $0x680  }
0x58: {  	s14 =	sld [smem:$0x7FD]  }
0x59: {  	[sflag:s12] =	ssyncset.done $0x0  }
0x5a: {  	s15 =	simm.s32 $0x2D80;
	[sflag:s12] =	ssyncadd.s32 $0xFFFFF980  }
0x5b: {  	[tilespmem:s15], [sflag:$0x9] =	stream.linear.gather [hbm4b:s14+s2], $0x680, $0x38;
	[tilespmem:$0x10400] =	vst v63  }
0x5c: {  	_ =	swait.ge [sflag:s12], $0x680  }
0x5d: {  	[sflag:s12] =	ssyncset.done $0x0  }
0x5e: {  	[sflag:s12] =	ssyncadd.s32 $0xFFFFF980  }
0x5f: {  	[tilespmem:s19], [sflag:$0x1] =	stream.indirect.gather [hbm4b:s3+s18], $0x40, s2, s18, $0xb8;
	[tilespmem:$0x10400] =	vst v63  }
0x60: {  	_ = 	snop  }
0x61: {  	[tilespmem:s20], [sflag:$0x2] =	stream.indirect.gather [hbm4b:s3+s18], $0x40, s18, s18, $0xb8;
	[tilespmem:$0x10400] =	vst v63  }
0x62: {  	s16 =	simm.s32 $0x1A0  }
0x63: {  	[tilespmem:s21], [sflag:$0x3] =	stream.indirect.gather [hbm4b:s3+s18], $0x40, s16, s18, $0xb8;
	[tilespmem:$0x10400] =	vst v63  }
0x64: {  	s17 =	simm.s32 $0x270  }
0x65: {  	[tilespmem:s22], [sflag:$0x4] =	stream.indirect.gather [hbm4b:s3+s18], $0x40, s17, s18, $0xb8;
	[tilespmem:$0x10400] =	vst v63  }
0x66: {  	_ =	swait.ge [sflag:s23], $0x3400  }
0x67: {  	s2 =	rddreg [dreg:$0x3];
	[sflag:s23] =	ssyncset.done $0x0  }
0x68: {  	[sflag:s23] =	ssyncadd.s32 $0xFFFFCC00;
	s12 =	sadd.s32 $0x0, s2  }
0x69: {  	[hbm4b:s12+s24] =	stream.strided.scatter [tilespmem:s19], [sflag:$0x5], $0x680, s25, s24, $0x38;
	[tilespmem:$0x10400] =	vst v63  }
0x6a: {  	s15 =	simm.s32 $0x3A80;
	s4 =	sadd.s32 $0x200, s12  }
0x6b: {  	[hbm4b:s4+s24] =	stream.strided.scatter [tilespmem:s15], [sflag:$0x5], $0x680, s25, s24, $0x38;
	[tilespmem:$0x10400] =	vst v63  }
0x6c: {  	s17 =	simm.s32 $0x4100;
	s16 =	sadd.s32 $0x400, s12  }
0x6d: {  	[hbm4b:s16+s24] =	stream.strided.scatter [tilespmem:s17], [sflag:$0x5], $0x680, s25, s24, $0x38;
	[tilespmem:$0x10400] =	vst v63  }
0x6e: {  	s4 =	sadd.s32 $0x600, s12;
	s15 =	simm.s32 $0x4780  }
0x6f: {  	[hbm4b:s4+s24] =	stream.strided.scatter [tilespmem:s15], [sflag:$0x5], $0x680, s25, s24, $0x38;
	[tilespmem:$0x10400] =	vst v63  }
0x70: {  	s16 =	sadd.s32 $0x800, s12;
	s17 =	simm.s32 $0x4E00  }
0x71: {  	[hbm4b:s16+s24] =	stream.strided.scatter [tilespmem:s17], [sflag:$0x5], $0x680, s25, s24, $0x38;
	[tilespmem:$0x10400] =	vst v63  }
0x72: {  	s2 =	sadd.s32 $0xA00, s12;
	s4 =	simm.s32 $0x5480  }
0x73: {  	[hbm4b:s2+s24] =	stream.strided.scatter [tilespmem:s4], [sflag:$0x5], $0x680, s25, s24, $0x38;
	[tilespmem:$0x10400] =	vst v63  }
0x74: {  	s15 =	sadd.s32 $0xC00, s12;
	s16 =	simm.s32 $0x5B00  }
0x75: {  	[hbm4b:s15+s24] =	stream.strided.scatter [tilespmem:s16], [sflag:$0x5], $0x680, s25, s24, $0x38;
	[tilespmem:$0x10400] =	vst v63  }
0x76: {  	s12 =	sadd.s32 $0xE00, s12;
	s17 =	simm.s32 $0x6180  }
0x77: {  	[hbm4b:s12+s24] =	stream.strided.scatter [tilespmem:s17], [sflag:$0x5], $0x680, s25, s24, $0x38;
	[tilespmem:$0x10400] =	vst v63  }
0x78: {  	_ =	swait.ge [sflag:s5], $0x3400  }
0x79: {  	s2 =	rddreg [dreg:$0x6];
	[sflag:s5] =	ssyncset.done $0x0  }
0x7a: {  	[sflag:s5] =	ssyncadd.s32 $0xFFFFCC00;
	s12 =	sadd.s32 $0x0, s2  }
0x7b: {  	[hbm4b:s12+s24] =	stream.strided.scatter [tilespmem:s20], [sflag:$0x6], $0x680, s25, s24, $0x38;
	[tilespmem:$0x10400] =	vst v63  }
0x7c: {  	s15 =	simm.s32 $0x6E80;
	s4 =	sadd.s32 $0x200, s12  }
0x7d: {  	[hbm4b:s4+s24] =	stream.strided.scatter [tilespmem:s15], [sflag:$0x6], $0x680, s25, s24, $0x38;
	[tilespmem:$0x10400] =	vst v63  }
0x7e: {  	s17 =	simm.s32 $0x7500;
	s16 =	sadd.s32 $0x400, s12  }
0x7f: {  	[hbm4b:s16+s24] =	stream.strided.scatter [tilespmem:s17], [sflag:$0x6], $0x680, s25, s24, $0x38;
	[tilespmem:$0x10400] =	vst v63  }
0x80: {  	s4 =	sadd.s32 $0x600, s12;
	s15 =	simm.s32 $0x7B80  }
0x81: {  	[hbm4b:s4+s24] =	stream.strided.scatter [tilespmem:s15], [sflag:$0x6], $0x680, s25, s24, $0x38;
	[tilespmem:$0x10400] =	vst v63  }
0x82: {  	s16 =	sadd.s32 $0x800, s12;
	s17 =	simm.s32 $0x8200  }
0x83: {  	[hbm4b:s16+s24] =	stream.strided.scatter [tilespmem:s17], [sflag:$0x6], $0x680, s25, s24, $0x38;
	[tilespmem:$0x10400] =	vst v63  }
0x84: {  	s2 =	sadd.s32 $0xA00, s12;
	s4 =	simm.s32 $0x8880  }
0x85: {  	[hbm4b:s2+s24] =	stream.strided.scatter [tilespmem:s4], [sflag:$0x6], $0x680, s25, s24, $0x38;
	[tilespmem:$0x10400] =	vst v63  }
0x86: {  	s15 =	sadd.s32 $0xC00, s12;
	s16 =	simm.s32 $0x8F00  }
0x87: {  	[hbm4b:s15+s24] =	stream.strided.scatter [tilespmem:s16], [sflag:$0x6], $0x680, s25, s24, $0x38;
	[tilespmem:$0x10400] =	vst v63  }
0x88: {  	s12 =	sadd.s32 $0xE00, s12;
	s17 =	simm.s32 $0x9580  }
0x89: {  	[hbm4b:s12+s24] =	stream.strided.scatter [tilespmem:s17], [sflag:$0x6], $0x680, s25, s24, $0x38;
	[tilespmem:$0x10400] =	vst v63  }
0x8a: {  	_ =	swait.ge [sflag:s13], $0x3400  }
0x8b: {  	s2 =	rddreg [dreg:$0x5];
	[sflag:s13] =	ssyncset.done $0x0  }
0x8c: {  	[sflag:s13] =	ssyncadd.s32 $0xFFFFCC00;
	s12 =	sadd.s32 $0x0, s2  }
0x8d: {  	[hbm4b:s12+s24] =	stream.strided.scatter [tilespmem:s21], [sflag:$0x7], $0x680, s25, s24, $0x38;
	[tilespmem:$0x10400] =	vst v63  }
0x8e: {  	s15 =	simm.s32 $0xA280;
	s4 =	sadd.s32 $0x200, s12  }
0x8f: {  	[hbm4b:s4+s24] =	stream.strided.scatter [tilespmem:s15], [sflag:$0x7], $0x680, s25, s24, $0x38;
	[tilespmem:$0x10400] =	vst v63  }
0x90: {  	s17 =	simm.s32 $0xA900;
	s16 =	sadd.s32 $0x400, s12  }
0x91: {  	[hbm4b:s16+s24] =	stream.strided.scatter [tilespmem:s17], [sflag:$0x7], $0x680, s25, s24, $0x38;
	[tilespmem:$0x10400] =	vst v63  }
0x92: {  	s4 =	sadd.s32 $0x600, s12;
	s15 =	simm.s32 $0xAF80  }
0x93: {  	[hbm4b:s4+s24] =	stream.strided.scatter [tilespmem:s15], [sflag:$0x7], $0x680, s25, s24, $0x38;
	[tilespmem:$0x10400] =	vst v63  }
0x94: {  	s16 =	sadd.s32 $0x800, s12;
	s17 =	simm.s32 $0xB600  }
0x95: {  	[hbm4b:s16+s24] =	stream.strided.scatter [tilespmem:s17], [sflag:$0x7], $0x680, s25, s24, $0x38;
	[tilespmem:$0x10400] =	vst v63  }
0x96: {  	s4 =	sadd.s32 $0xA00, s12;
	s15 =	simm.s32 $0xBC80  }
0x97: {  	[hbm4b:s4+s24] =	stream.strided.scatter [tilespmem:s15], [sflag:$0x7], $0x680, s25, s24, $0x38;
	[tilespmem:$0x10400] =	vst v63  }
0x98: {  	s16 =	sadd.s32 $0xC00, s12;
	s17 =	simm.s32 $0xC300  }
0x99: {  	[hbm4b:s16+s24] =	stream.strided.scatter [tilespmem:s17], [sflag:$0x7], $0x680, s25, s24, $0x38;
	[tilespmem:$0x10400] =	vst v63  }
0x9a: {  	s12 =	sadd.s32 $0xE00, s12  }
0x9b: {  	[hbm4b:s12+s24] =	stream.strided.scatter [tilespmem:s26], [sflag:$0x7], $0x680, s25, s24, $0x38;
	[tilespmem:$0x10400] =	vst v63  }
0x9c: {  	_ =	swait.ge [sflag:s28], $0x3400  }
0x9d: {  	s2 =	rddreg [dreg:$0x4];
	[sflag:s28] =	ssyncset.done $0x0  }
0x9e: {  	[sflag:s28] =	ssyncadd.s32 $0xFFFFCC00;
	s12 =	sadd.s32 $0x0, s2  }
0x9f: {  	[hbm4b:s12+s24] =	stream.strided.scatter [tilespmem:s22], [sflag:$0x8], $0x680, s25, s24, $0x38;
	[tilespmem:$0x10400] =	vst v63  }
0xa0: {  	s4 =	sadd.s32 $0x200, s12  }
0xa1: {  	[hbm4b:s4+s24] =	stream.strided.scatter [tilespmem:s29], [sflag:$0x8], $0x680, s25, s24, $0x38;
	[tilespmem:$0x10400] =	vst v63  }
0xa2: {  	s15 =	sadd.s32 $0x400, s12  }
0xa3: {  	[hbm4b:s15+s24] =	stream.strided.scatter [tilespmem:s30], [sflag:$0x8], $0x680, s25, s24, $0x38;
	[tilespmem:$0x10400] =	vst v63  }
0xa4: {  	s16 =	sadd.s32 $0x600, s12  }
0xa5: {  	[hbm4b:s16+s24] =	stream.strided.scatter [tilespmem:s31], [sflag:$0x8], $0x680, s25, s24, $0x38;
	[tilespmem:$0x10400] =	vst v63  }
0xa6: {  	s17 =	sadd.s32 $0x800, s12  }
0xa7: {  	[hbm4b:s17+s24] =	stream.strided.scatter [tilespmem:s0], [sflag:$0x8], $0x680, s25, s24, $0x38;
	[tilespmem:$0x10400] =	vst v63  }
0xa8: {  	s2 =	sadd.s32 $0xA00, s12  }
0xa9: {  	[hbm4b:s2+s24] =	stream.strided.scatter [tilespmem:s1], [sflag:$0x8], $0x680, s25, s24, $0x38;
	[tilespmem:$0x10400] =	vst v63  }
0xaa: {  	s4 =	sadd.s32 $0xC00, s12  }
0xab: {  	[hbm4b:s4+s24] =	stream.strided.scatter [tilespmem:s6], [sflag:$0x8], $0x680, s25, s24, $0x38;
	[tilespmem:$0x10400] =	vst v63  }
0xac: {  	s12 =	sadd.s32 $0xE00, s12  }
0xad: {  	[hbm4b:s12+s24] =	stream.strided.scatter [tilespmem:s7], [sflag:$0x8], $0x680, s25, s24, $0x38;
	[tilespmem:$0x10400] =	vst v63  }
0xae: {  	_ =	swait.ge [sflag:s8], $0x680  }
0xaf: {  	[sflag:s8] =	ssyncset.done $0x0  }
0xb0: {  	[sflag:s8] =	ssyncadd.s32 $0xFFFFF980  }
0xb1: {  	_ =	swait.ge [sflag:s8], $0x680  }
0xb2: {  	[sflag:s8] =	ssyncset.done $0x0  }
0xb3: {  	[sflag:s8] =	ssyncadd.s32 $0xFFFFF980  }
0xb4: {  	_ =	swait.ge [sflag:s8], $0x680  }
0xb5: {  	[sflag:s8] =	ssyncset.done $0x0  }
0xb6: {  	[sflag:s8] =	ssyncadd.s32 $0xFFFFF980  }
0xb7: {  	_ =	swait.ge [sflag:s8], $0x680  }
0xb8: {  	[sflag:s8] =	ssyncset.done $0x0  }
0xb9: {  	[sflag:s8] =	ssyncadd.s32 $0xFFFFF980  }
0xba: {  	_ =	swait.ge [sflag:s8], $0x680  }
0xbb: {  	[sflag:s8] =	ssyncset.done $0x0  }
0xbc: {  	[sflag:s8] =	ssyncadd.s32 $0xFFFFF980  }
0xbd: {  	_ =	swait.ge [sflag:s8], $0x680  }
0xbe: {  	[sflag:s8] =	ssyncset.done $0x0  }
0xbf: {  	[sflag:s8] =	ssyncadd.s32 $0xFFFFF980  }
0xc0: {  	_ =	swait.ge [sflag:s8], $0x680  }
0xc1: {  	[sflag:s8] =	ssyncset.done $0x0  }
0xc2: {  	[sflag:s8] =	ssyncadd.s32 $0xFFFFF980  }
0xc3: {  	_ =	swait.ge [sflag:s8], $0x680  }
0xc4: {  	[sflag:s8] =	ssyncset.done $0x0  }
0xc5: {  	s15 =	simm.s32 $0x340;
	[sflag:s8] =	ssyncadd.s32 $0xFFFFF980  }
0xc6: {  	[tilespmem:s19], [sflag:$0x1] =	stream.indirect.gather [hbm4b:s3+s18], $0x40, s15, s18, $0xb8;
	[tilespmem:$0x10400] =	vst v63  }
0xc7: {  	_ =	swait.ge [sflag:s9], $0x680  }
0xc8: {  	[sflag:s9] =	ssyncset.done $0x0  }
0xc9: {  	[sflag:s9] =	ssyncadd.s32 $0xFFFFF980  }
0xca: {  	_ =	swait.ge [sflag:s9], $0x680  }
0xcb: {  	[sflag:s9] =	ssyncset.done $0x0  }
0xcc: {  	[sflag:s9] =	ssyncadd.s32 $0xFFFFF980  }
0xcd: {  	_ =	swait.ge [sflag:s9], $0x680  }
0xce: {  	[sflag:s9] =	ssyncset.done $0x0  }
0xcf: {  	[sflag:s9] =	ssyncadd.s32 $0xFFFFF980  }
0xd0: {  	_ =	swait.ge [sflag:s9], $0x680  }
0xd1: {  	[sflag:s9] =	ssyncset.done $0x0  }
0xd2: {  	[sflag:s9] =	ssyncadd.s32 $0xFFFFF980  }
0xd3: {  	_ =	swait.ge [sflag:s9], $0x680  }
0xd4: {  	[sflag:s9] =	ssyncset.done $0x0  }
0xd5: {  	[sflag:s9] =	ssyncadd.s32 $0xFFFFF980  }
0xd6: {  	_ =	swait.ge [sflag:s9], $0x680  }
0xd7: {  	[sflag:s9] =	ssyncset.done $0x0  }
0xd8: {  	[sflag:s9] =	ssyncadd.s32 $0xFFFFF980  }
0xd9: {  	_ =	swait.ge [sflag:s9], $0x680  }
0xda: {  	[sflag:s9] =	ssyncset.done $0x0  }
0xdb: {  	[sflag:s9] =	ssyncadd.s32 $0xFFFFF980  }
0xdc: {  	_ =	swait.ge [sflag:s9], $0x680  }
0xdd: {  	[sflag:s9] =	ssyncset.done $0x0  }
0xde: {  	s16 =	simm.s32 $0x410;
	[sflag:s9] =	ssyncadd.s32 $0xFFFFF980  }
0xdf: {  	[tilespmem:s20], [sflag:$0x2] =	stream.indirect.gather [hbm4b:s3+s18], $0x40, s16, s18, $0xb8;
	[tilespmem:$0x10400] =	vst v63  }
0xe0: {  	_ =	swait.ge [sflag:s10], $0x680  }
0xe1: {  	[sflag:s10] =	ssyncset.done $0x0  }
0xe2: {  	[sflag:s10] =	ssyncadd.s32 $0xFFFFF980  }
0xe3: {  	_ =	swait.ge [sflag:s10], $0x680  }
0xe4: {  	[sflag:s10] =	ssyncset.done $0x0  }
0xe5: {  	[sflag:s10] =	ssyncadd.s32 $0xFFFFF980  }
0xe6: {  	_ =	swait.ge [sflag:s10], $0x680  }
0xe7: {  	[sflag:s10] =	ssyncset.done $0x0  }
0xe8: {  	[sflag:s10] =	ssyncadd.s32 $0xFFFFF980  }
0xe9: {  	_ =	swait.ge [sflag:s10], $0x680  }
0xea: {  	[sflag:s10] =	ssyncset.done $0x0  }
0xeb: {  	[sflag:s10] =	ssyncadd.s32 $0xFFFFF980  }
0xec: {  	_ =	swait.ge [sflag:s10], $0x680  }
0xed: {  	[sflag:s10] =	ssyncset.done $0x0  }
0xee: {  	[sflag:s10] =	ssyncadd.s32 $0xFFFFF980  }
0xef: {  	_ =	swait.ge [sflag:s10], $0x680  }
0xf0: {  	[sflag:s10] =	ssyncset.done $0x0  }
0xf1: {  	[sflag:s10] =	ssyncadd.s32 $0xFFFFF980  }
0xf2: {  	_ =	swait.ge [sflag:s10], $0x680  }
0xf3: {  	[sflag:s10] =	ssyncset.done $0x0  }
0xf4: {  	[sflag:s10] =	ssyncadd.s32 $0xFFFFF980  }
0xf5: {  	_ =	swait.ge [sflag:s10], $0x680  }
0xf6: {  	[sflag:s10] =	ssyncset.done $0x0  }
0xf7: {  	s17 =	simm.s32 $0x4E0;
	[sflag:s10] =	ssyncadd.s32 $0xFFFFF980  }
0xf8: {  	[tilespmem:s21], [sflag:$0x3] =	stream.indirect.gather [hbm4b:s3+s18], $0x40, s17, s18, $0xb8;
	[tilespmem:$0x10400] =	vst v63  }
0xf9: {  	_ =	swait.ge [sflag:s11], $0x680  }
0xfa: {  	[sflag:s11] =	ssyncset.done $0x0  }
0xfb: {  	[sflag:s11] =	ssyncadd.s32 $0xFFFFF980  }
0xfc: {  	_ =	swait.ge [sflag:s11], $0x680  }
0xfd: {  	[sflag:s11] =	ssyncset.done $0x0  }
0xfe: {  	[sflag:s11] =	ssyncadd.s32 $0xFFFFF980  }
0xff: {  	_ =	swait.ge [sflag:s11], $0x680  }
0x100: {  	[sflag:s11] =	ssyncset.done $0x0  }
0x101: {  	[sflag:s11] =	ssyncadd.s32 $0xFFFFF980  }
0x102: {  	_ =	swait.ge [sflag:s11], $0x680  }
0x103: {  	[sflag:s11] =	ssyncset.done $0x0  }
0x104: {  	[sflag:s11] =	ssyncadd.s32 $0xFFFFF980  }
0x105: {  	_ =	swait.ge [sflag:s11], $0x680  }
0x106: {  	[sflag:s11] =	ssyncset.done $0x0  }
0x107: {  	[sflag:s11] =	ssyncadd.s32 $0xFFFFF980  }
0x108: {  	_ =	swait.ge [sflag:s11], $0x680  }
0x109: {  	[sflag:s11] =	ssyncset.done $0x0  }
0x10a: {  	[sflag:s11] =	ssyncadd.s32 $0xFFFFF980  }
0x10b: {  	_ =	swait.ge [sflag:s11], $0x680  }
0x10c: {  	[sflag:s11] =	ssyncset.done $0x0  }
0x10d: {  	[sflag:s11] =	ssyncadd.s32 $0xFFFFF980  }
0x10e: {  	_ =	swait.ge [sflag:s11], $0x680  }
0x10f: {  	s14 =	simm.s32 $0x4000;
	[sflag:s11] =	ssyncset.done $0x0  }
0x110: {  	s12 =	simm.s32 $0x5B0;
	s15 =	simm.s32 $0x8F0;
	[sflag:s11] =	ssyncadd.s32 $0xFFFFF980  }
.LBB2_2:
0x111: {  	[tilespmem:s22], [sflag:$0x4] =	stream.indirect.gather [hbm4b:s3+s18], $0x40, s12, s18, $0xb8;
	[tilespmem:$0x10400] =	vst v63  }
0x112: {  	_ =	swait.ge [sflag:s23], $0x3400  }
0x113: {  	s16 =	smov.u32 s14;
	s4 =	rddreg [dreg:$0x3];
	[sflag:s23] =	ssyncset.done $0x0  }
0x114: {  	[sflag:s23] =	ssyncadd.s32 $0xFFFFCC00;
	s4 =	sadd.s32 s16, s4  }
0x115: {  	[hbm4b:s4+s24] =	stream.strided.scatter [tilespmem:s19], [sflag:$0x5], $0x680, s25, s24, $0x38;
	[tilespmem:$0x10400] =	vst v63  }
0x116: {  	s17 =	simm.s32 $0x3A80;
	s2 =	sadd.s32 $0x200, s4  }
0x117: {  	[hbm4b:s2+s24] =	stream.strided.scatter [tilespmem:s17], [sflag:$0x5], $0x680, s25, s24, $0x38;
	[tilespmem:$0x10400] =	vst v63  }
0x118: {  	s2 =	sadd.s32 $0x400, s4;
	s17 =	simm.s32 $0x4100  }
0x119: {  	[hbm4b:s2+s24] =	stream.strided.scatter [tilespmem:s17], [sflag:$0x5], $0x680, s25, s24, $0x38;
	[tilespmem:$0x10400] =	vst v63  }
0x11a: {  	s2 =	sadd.s32 $0x600, s4;
	s17 =	simm.s32 $0x4780  }
0x11b: {  	[hbm4b:s2+s24] =	stream.strided.scatter [tilespmem:s17], [sflag:$0x5], $0x680, s25, s24, $0x38;
	[tilespmem:$0x10400] =	vst v63  }
0x11c: {  	s2 =	sadd.s32 $0x800, s4;
	s17 =	simm.s32 $0x4E00  }
0x11d: {  	[hbm4b:s2+s24] =	stream.strided.scatter [tilespmem:s17], [sflag:$0x5], $0x680, s25, s24, $0x38;
	[tilespmem:$0x10400] =	vst v63  }
0x11e: {  	s2 =	sadd.s32 $0xA00, s4;
	s17 =	simm.s32 $0x5480  }
0x11f: {  	[hbm4b:s2+s24] =	stream.strided.scatter [tilespmem:s17], [sflag:$0x5], $0x680, s25, s24, $0x38;
	[tilespmem:$0x10400] =	vst v63  }
0x120: {  	s2 =	sadd.s32 $0xC00, s4;
	s17 =	simm.s32 $0x5B00  }
0x121: {  	[hbm4b:s2+s24] =	stream.strided.scatter [tilespmem:s17], [sflag:$0x5], $0x680, s25, s24, $0x38;
	[tilespmem:$0x10400] =	vst v63  }
0x122: {  	s4 =	sadd.s32 $0xE00, s4;
	s17 =	simm.s32 $0x6180  }
0x123: {  	[hbm4b:s4+s24] =	stream.strided.scatter [tilespmem:s17], [sflag:$0x5], $0x680, s25, s24, $0x38;
	[tilespmem:$0x10400] =	vst v63  }
0x124: {  	_ =	swait.ge [sflag:s5], $0x3400  }
0x125: {  	s4 =	rddreg [dreg:$0x6];
	[sflag:s5] =	ssyncset.done $0x0  }
0x126: {  	[sflag:s5] =	ssyncadd.s32 $0xFFFFCC00;
	s2 =	sadd.s32 s16, s4  }
0x127: {  	[hbm4b:s2+s24] =	stream.strided.scatter [tilespmem:s20], [sflag:$0x6], $0x680, s25, s24, $0x38;
	[tilespmem:$0x10400] =	vst v63  }
0x128: {  	s17 =	simm.s32 $0x6E80;
	s4 =	sadd.s32 $0x200, s2  }
0x129: {  	[hbm4b:s4+s24] =	stream.strided.scatter [tilespmem:s17], [sflag:$0x6], $0x680, s25, s24, $0x38;
	[tilespmem:$0x10400] =	vst v63  }
0x12a: {  	s4 =	sadd.s32 $0x400, s2;
	s17 =	simm.s32 $0x7500  }
0x12b: {  	[hbm4b:s4+s24] =	stream.strided.scatter [tilespmem:s17], [sflag:$0x6], $0x680, s25, s24, $0x38;
	[tilespmem:$0x10400] =	vst v63  }
0x12c: {  	s4 =	sadd.s32 $0x600, s2;
	s17 =	simm.s32 $0x7B80  }
0x12d: {  	[hbm4b:s4+s24] =	stream.strided.scatter [tilespmem:s17], [sflag:$0x6], $0x680, s25, s24, $0x38;
	[tilespmem:$0x10400] =	vst v63  }
0x12e: {  	s4 =	sadd.s32 $0x800, s2;
	s17 =	simm.s32 $0x8200  }
0x12f: {  	[hbm4b:s4+s24] =	stream.strided.scatter [tilespmem:s17], [sflag:$0x6], $0x680, s25, s24, $0x38;
	[tilespmem:$0x10400] =	vst v63  }
0x130: {  	s4 =	sadd.s32 $0xA00, s2;
	s17 =	simm.s32 $0x8880  }
0x131: {  	[hbm4b:s4+s24] =	stream.strided.scatter [tilespmem:s17], [sflag:$0x6], $0x680, s25, s24, $0x38;
	[tilespmem:$0x10400] =	vst v63  }
0x132: {  	s4 =	sadd.s32 $0xC00, s2;
	s17 =	simm.s32 $0x8F00  }
0x133: {  	[hbm4b:s4+s24] =	stream.strided.scatter [tilespmem:s17], [sflag:$0x6], $0x680, s25, s24, $0x38;
	[tilespmem:$0x10400] =	vst v63  }
0x134: {  	s2 =	sadd.s32 $0xE00, s2;
	s17 =	simm.s32 $0x9580  }
0x135: {  	[hbm4b:s2+s24] =	stream.strided.scatter [tilespmem:s17], [sflag:$0x6], $0x680, s25, s24, $0x38;
	[tilespmem:$0x10400] =	vst v63  }
0x136: {  	_ =	swait.ge [sflag:s13], $0x3400  }
0x137: {  	s17 =	rddreg [dreg:$0x5];
	[sflag:s13] =	ssyncset.done $0x0  }
0x138: {  	[sflag:s13] =	ssyncadd.s32 $0xFFFFCC00;
	s2 =	sadd.s32 s16, s17  }
0x139: {  	[hbm4b:s2+s24] =	stream.strided.scatter [tilespmem:s21], [sflag:$0x7], $0x680, s25, s24, $0x38;
	[tilespmem:$0x10400] =	vst v63  }
0x13a: {  	s17 =	simm.s32 $0xA280;
	s4 =	sadd.s32 $0x200, s2  }
0x13b: {  	[hbm4b:s4+s24] =	stream.strided.scatter [tilespmem:s17], [sflag:$0x7], $0x680, s25, s24, $0x38;
	[tilespmem:$0x10400] =	vst v63  }
0x13c: {  	s4 =	sadd.s32 $0x400, s2;
	s17 =	simm.s32 $0xA900  }
0x13d: {  	[hbm4b:s4+s24] =	stream.strided.scatter [tilespmem:s17], [sflag:$0x7], $0x680, s25, s24, $0x38;
	[tilespmem:$0x10400] =	vst v63  }
0x13e: {  	s4 =	sadd.s32 $0x600, s2;
	s17 =	simm.s32 $0xAF80  }
0x13f: {  	[hbm4b:s4+s24] =	stream.strided.scatter [tilespmem:s17], [sflag:$0x7], $0x680, s25, s24, $0x38;
	[tilespmem:$0x10400] =	vst v63  }
0x140: {  	s4 =	sadd.s32 $0x800, s2;
	s17 =	simm.s32 $0xB600  }
0x141: {  	[hbm4b:s4+s24] =	stream.strided.scatter [tilespmem:s17], [sflag:$0x7], $0x680, s25, s24, $0x38;
	[tilespmem:$0x10400] =	vst v63  }
0x142: {  	s4 =	sadd.s32 $0xA00, s2;
	s17 =	simm.s32 $0xBC80  }
0x143: {  	[hbm4b:s4+s24] =	stream.strided.scatter [tilespmem:s17], [sflag:$0x7], $0x680, s25, s24, $0x38;
	[tilespmem:$0x10400] =	vst v63  }
0x144: {  	s4 =	sadd.s32 $0xC00, s2;
	s17 =	simm.s32 $0xC300  }
0x145: {  	[hbm4b:s4+s24] =	stream.strided.scatter [tilespmem:s17], [sflag:$0x7], $0x680, s25, s24, $0x38;
	[tilespmem:$0x10400] =	vst v63  }
0x146: {  	s2 =	sadd.s32 $0xE00, s2  }
0x147: {  	[hbm4b:s2+s24] =	stream.strided.scatter [tilespmem:s26], [sflag:$0x7], $0x680, s25, s24, $0x38;
	[tilespmem:$0x10400] =	vst v63  }
0x148: {  	_ =	swait.ge [sflag:s28], $0x3400  }
0x149: {  	s4 =	rddreg [dreg:$0x4];
	[sflag:s28] =	ssyncset.done $0x0  }
0x14a: {  	[sflag:s28] =	ssyncadd.s32 $0xFFFFCC00;
	s2 =	sadd.s32 s16, s4  }
0x14b: {  	[hbm4b:s2+s24] =	stream.strided.scatter [tilespmem:s22], [sflag:$0x8], $0x680, s25, s24, $0x38;
	[tilespmem:$0x10400] =	vst v63  }
0x14c: {  	s16 =	sadd.s32 $0x200, s2  }
0x14d: {  	[hbm4b:s16+s24] =	stream.strided.scatter [tilespmem:s29], [sflag:$0x8], $0x680, s25, s24, $0x38;
	[tilespmem:$0x10400] =	vst v63  }
0x14e: {  	s17 =	sadd.s32 $0x400, s2  }
0x14f: {  	[hbm4b:s17+s24] =	stream.strided.scatter [tilespmem:s30], [sflag:$0x8], $0x680, s25, s24, $0x38;
	[tilespmem:$0x10400] =	vst v63  }
0x150: {  	s16 =	sadd.s32 $0x600, s2  }
0x151: {  	[hbm4b:s16+s24] =	stream.strided.scatter [tilespmem:s31], [sflag:$0x8], $0x680, s25, s24, $0x38;
	[tilespmem:$0x10400] =	vst v63  }
0x152: {  	s17 =	sadd.s32 $0x800, s2  }
0x153: {  	[hbm4b:s17+s24] =	stream.strided.scatter [tilespmem:s0], [sflag:$0x8], $0x680, s25, s24, $0x38;
	[tilespmem:$0x10400] =	vst v63  }
0x154: {  	s16 =	sadd.s32 $0xA00, s2  }
0x155: {  	[hbm4b:s16+s24] =	stream.strided.scatter [tilespmem:s1], [sflag:$0x8], $0x680, s25, s24, $0x38;
	[tilespmem:$0x10400] =	vst v63  }
0x156: {  	s17 =	sadd.s32 $0xC00, s2  }
0x157: {  	[hbm4b:s17+s24] =	stream.strided.scatter [tilespmem:s6], [sflag:$0x8], $0x680, s25, s24, $0x38;
	[tilespmem:$0x10400] =	vst v63  }
0x158: {  	s2 =	sadd.s32 $0xE00, s2  }
0x159: {  	[hbm4b:s2+s24] =	stream.strided.scatter [tilespmem:s7], [sflag:$0x8], $0x680, s25, s24, $0x38;
	[tilespmem:$0x10400] =	vst v63  }
0x15a: {  	_ =	swait.ge [sflag:s8], $0x680  }
0x15b: {  	[sflag:s8] =	ssyncset.done $0x0  }
0x15c: {  	[sflag:s8] =	ssyncadd.s32 $0xFFFFF980  }
0x15d: {  	_ =	swait.ge [sflag:s8], $0x680  }
0x15e: {  	[sflag:s8] =	ssyncset.done $0x0  }
0x15f: {  	[sflag:s8] =	ssyncadd.s32 $0xFFFFF980  }
0x160: {  	_ =	swait.ge [sflag:s8], $0x680  }
0x161: {  	[sflag:s8] =	ssyncset.done $0x0  }
0x162: {  	[sflag:s8] =	ssyncadd.s32 $0xFFFFF980  }
0x163: {  	_ =	swait.ge [sflag:s8], $0x680  }
0x164: {  	[sflag:s8] =	ssyncset.done $0x0  }
0x165: {  	[sflag:s8] =	ssyncadd.s32 $0xFFFFF980  }
0x166: {  	_ =	swait.ge [sflag:s8], $0x680  }
0x167: {  	[sflag:s8] =	ssyncset.done $0x0  }
0x168: {  	[sflag:s8] =	ssyncadd.s32 $0xFFFFF980  }
0x169: {  	_ =	swait.ge [sflag:s8], $0x680  }
0x16a: {  	[sflag:s8] =	ssyncset.done $0x0  }
0x16b: {  	[sflag:s8] =	ssyncadd.s32 $0xFFFFF980  }
0x16c: {  	_ =	swait.ge [sflag:s8], $0x680  }
0x16d: {  	[sflag:s8] =	ssyncset.done $0x0  }
0x16e: {  	[sflag:s8] =	ssyncadd.s32 $0xFFFFF980  }
0x16f: {  	_ =	swait.ge [sflag:s8], $0x680  }
0x170: {  	[sflag:s8] =	ssyncset.done $0x0  }
0x171: {  	s4 =	sadd.s32 $0xFFFFFD90, s15;
	[sflag:s8] =	ssyncadd.s32 $0xFFFFF980  }
0x172: {  	[tilespmem:s19], [sflag:$0x1] =	stream.indirect.gather [hbm4b:s3+s18], $0x40, s4, s18, $0xb8;
	[tilespmem:$0x10400] =	vst v63  }
0x173: {  	_ =	swait.ge [sflag:s9], $0x680  }
0x174: {  	[sflag:s9] =	ssyncset.done $0x0  }
0x175: {  	[sflag:s9] =	ssyncadd.s32 $0xFFFFF980  }
0x176: {  	_ =	swait.ge [sflag:s9], $0x680  }
0x177: {  	[sflag:s9] =	ssyncset.done $0x0  }
0x178: {  	[sflag:s9] =	ssyncadd.s32 $0xFFFFF980  }
0x179: {  	_ =	swait.ge [sflag:s9], $0x680  }
0x17a: {  	[sflag:s9] =	ssyncset.done $0x0  }
0x17b: {  	[sflag:s9] =	ssyncadd.s32 $0xFFFFF980  }
0x17c: {  	_ =	swait.ge [sflag:s9], $0x680  }
0x17d: {  	[sflag:s9] =	ssyncset.done $0x0  }
0x17e: {  	[sflag:s9] =	ssyncadd.s32 $0xFFFFF980  }
0x17f: {  	_ =	swait.ge [sflag:s9], $0x680  }
0x180: {  	[sflag:s9] =	ssyncset.done $0x0  }
0x181: {  	[sflag:s9] =	ssyncadd.s32 $0xFFFFF980  }
0x182: {  	_ =	swait.ge [sflag:s9], $0x680  }
0x183: {  	[sflag:s9] =	ssyncset.done $0x0  }
0x184: {  	[sflag:s9] =	ssyncadd.s32 $0xFFFFF980  }
0x185: {  	_ =	swait.ge [sflag:s9], $0x680  }
0x186: {  	[sflag:s9] =	ssyncset.done $0x0  }
0x187: {  	[sflag:s9] =	ssyncadd.s32 $0xFFFFF980  }
0x188: {  	_ =	swait.ge [sflag:s9], $0x680  }
0x189: {  	[sflag:s9] =	ssyncset.done $0x0  }
0x18a: {  	s16 =	sadd.s32 $0xFFFFFE60, s15;
	[sflag:s9] =	ssyncadd.s32 $0xFFFFF980  }
0x18b: {  	[tilespmem:s20], [sflag:$0x2] =	stream.indirect.gather [hbm4b:s3+s18], $0x40, s16, s18, $0xb8;
	[tilespmem:$0x10400] =	vst v63  }
0x18c: {  	_ =	swait.ge [sflag:s10], $0x680  }
0x18d: {  	[sflag:s10] =	ssyncset.done $0x0  }
0x18e: {  	[sflag:s10] =	ssyncadd.s32 $0xFFFFF980  }
0x18f: {  	_ =	swait.ge [sflag:s10], $0x680  }
0x190: {  	[sflag:s10] =	ssyncset.done $0x0  }
0x191: {  	[sflag:s10] =	ssyncadd.s32 $0xFFFFF980  }
0x192: {  	_ =	swait.ge [sflag:s10], $0x680  }
0x193: {  	[sflag:s10] =	ssyncset.done $0x0  }
0x194: {  	[sflag:s10] =	ssyncadd.s32 $0xFFFFF980  }
0x195: {  	_ =	swait.ge [sflag:s10], $0x680  }
0x196: {  	[sflag:s10] =	ssyncset.done $0x0  }
0x197: {  	[sflag:s10] =	ssyncadd.s32 $0xFFFFF980  }
0x198: {  	_ =	swait.ge [sflag:s10], $0x680  }
0x199: {  	[sflag:s10] =	ssyncset.done $0x0  }
0x19a: {  	[sflag:s10] =	ssyncadd.s32 $0xFFFFF980  }
0x19b: {  	_ =	swait.ge [sflag:s10], $0x680  }
0x19c: {  	[sflag:s10] =	ssyncset.done $0x0  }
0x19d: {  	[sflag:s10] =	ssyncadd.s32 $0xFFFFF980  }
0x19e: {  	_ =	swait.ge [sflag:s10], $0x680  }
0x19f: {  	[sflag:s10] =	ssyncset.done $0x0  }
0x1a0: {  	[sflag:s10] =	ssyncadd.s32 $0xFFFFF980  }
0x1a1: {  	_ =	swait.ge [sflag:s10], $0x680  }
0x1a2: {  	[sflag:s10] =	ssyncset.done $0x0  }
0x1a3: {  	s17 =	sadd.s32 $0xFFFFFF30, s15;
	[sflag:s10] =	ssyncadd.s32 $0xFFFFF980  }
0x1a4: {  	[tilespmem:s21], [sflag:$0x3] =	stream.indirect.gather [hbm4b:s3+s18], $0x40, s17, s18, $0xb8;
	[tilespmem:$0x10400] =	vst v63  }
0x1a5: {  	_ =	swait.ge [sflag:s11], $0x680  }
0x1a6: {  	[sflag:s11] =	ssyncset.done $0x0  }
0x1a7: {  	[sflag:s11] =	ssyncadd.s32 $0xFFFFF980  }
0x1a8: {  	_ =	swait.ge [sflag:s11], $0x680  }
0x1a9: {  	[sflag:s11] =	ssyncset.done $0x0  }
0x1aa: {  	[sflag:s11] =	ssyncadd.s32 $0xFFFFF980  }
0x1ab: {  	_ =	swait.ge [sflag:s11], $0x680  }
0x1ac: {  	[sflag:s11] =	ssyncset.done $0x0  }
0x1ad: {  	[sflag:s11] =	ssyncadd.s32 $0xFFFFF980  }
0x1ae: {  	_ =	swait.ge [sflag:s11], $0x680  }
0x1af: {  	[sflag:s11] =	ssyncset.done $0x0  }
0x1b0: {  	[sflag:s11] =	ssyncadd.s32 $0xFFFFF980  }
0x1b1: {  	_ =	swait.ge [sflag:s11], $0x680  }
0x1b2: {  	[sflag:s11] =	ssyncset.done $0x0  }
0x1b3: {  	[sflag:s11] =	ssyncadd.s32 $0xFFFFF980  }
0x1b4: {  	_ =	swait.ge [sflag:s11], $0x680  }
0x1b5: {  	[sflag:s11] =	ssyncset.done $0x0  }
0x1b6: {  	[sflag:s11] =	ssyncadd.s32 $0xFFFFF980  }
0x1b7: {  	p0 =	sne.s32 s14, $0x38000;
	_ =	swait.ge [sflag:s11], $0x680  }
.Ltmp0:
0x1b8: {  	[sflag:s11] =	ssyncset.done $0x0;
	(pc) =	sbr.rel @p0 .LBB2_2-.Ltmp0, $4  }
0x1b9: {  	[sflag:s11] =	ssyncadd.s32 $0xFFFFF980  }
0x1ba: {  	_ =	swait.ge [sflag:s11], $0x680  }
0x1bb: {  	s12 =	smov.u32 s15;
	[sflag:s11] =	ssyncset.done $0x0  }
0x1bc: {  	s14 =	sadd.s32 $0x4000, s14;
	s15 =	sadd.s32 $0x340, s15;
	[sflag:s11] =	ssyncadd.s32 $0xFFFFF980  }
0x1bd: {  	[tilespmem:s22], [sflag:$0x4] =	stream.indirect.gather [hbm4b:s3+s18], $0x40, s12, s18, $0xb8;
	[tilespmem:$0x10400] =	vst v63  }
0x1be: {  	_ =	swait.ge [sflag:s23], $0x3400  }
0x1bf: {  	[sflag:s23] =	ssyncset.done $0x0  }
0x1c0: {  	s2 =	rddreg [dreg:$0x8];
	[sflag:s23] =	ssyncadd.s32 $0xFFFFCC00  }
0x1c1: {  	[hbm4b:s2+s24] =	stream.strided.scatter [tilespmem:s19], [sflag:$0x5], $0x680, s25, s24, $0x38;
	[tilespmem:$0x10400] =	vst v63  }
0x1c2: {  	s4 =	simm.s32 $0x3A80;
	s17 =	rddreg [dreg:$0x9]  }
0x1c3: {  	[hbm4b:s17+s24] =	stream.strided.scatter [tilespmem:s4], [sflag:$0x5], $0x680, s25, s24, $0x38;
	[tilespmem:$0x10400] =	vst v63  }
0x1c4: {  	s12 =	simm.s32 $0x4100;
	s4 =	rddreg [dreg:$0xa]  }
0x1c5: {  	[hbm4b:s4+s24] =	stream.strided.scatter [tilespmem:s12], [sflag:$0x5], $0x680, s25, s24, $0x38;
	[tilespmem:$0x10400] =	vst v63  }
0x1c6: {  	s15 =	simm.s32 $0x4780;
	s14 =	rddreg [dreg:$0xb]  }
0x1c7: {  	[hbm4b:s14+s24] =	stream.strided.scatter [tilespmem:s15], [sflag:$0x5], $0x680, s25, s24, $0x38;
	[tilespmem:$0x10400] =	vst v63  }
0x1c8: {  	s16 =	rddreg [dreg:$0xc];
	s17 =	simm.s32 $0x4E00  }
0x1c9: {  	[hbm4b:s16+s24] =	stream.strided.scatter [tilespmem:s17], [sflag:$0x5], $0x680, s25, s24, $0x38;
	[tilespmem:$0x10400] =	vst v63  }
0x1ca: {  	s4 =	rddreg [dreg:$0xd];
	s12 =	simm.s32 $0x5480  }
0x1cb: {  	[hbm4b:s4+s24] =	stream.strided.scatter [tilespmem:s12], [sflag:$0x5], $0x680, s25, s24, $0x38;
	[tilespmem:$0x10400] =	vst v63  }
0x1cc: {  	s14 =	rddreg [dreg:$0xe];
	s15 =	simm.s32 $0x5B00  }
0x1cd: {  	[hbm4b:s14+s24] =	stream.strided.scatter [tilespmem:s15], [sflag:$0x5], $0x680, s25, s24, $0x38;
	[tilespmem:$0x10400] =	vst v63  }
0x1ce: {  	s16 =	rddreg [dreg:$0xf];
	s17 =	simm.s32 $0x6180  }
0x1cf: {  	[hbm4b:s16+s24] =	stream.strided.scatter [tilespmem:s17], [sflag:$0x5], $0x680, s25, s24, $0x38;
	[tilespmem:$0x10400] =	vst v63  }
0x1d0: {  	_ =	swait.ge [sflag:s8], $0x680  }
0x1d1: {  	[sflag:s8] =	ssyncset.done $0x0  }
0x1d2: {  	[sflag:s8] =	ssyncadd.s32 $0xFFFFF980  }
0x1d3: {  	_ =	swait.ge [sflag:s8], $0x680  }
0x1d4: {  	[sflag:s8] =	ssyncset.done $0x0  }
0x1d5: {  	[sflag:s8] =	ssyncadd.s32 $0xFFFFF980  }
0x1d6: {  	_ =	swait.ge [sflag:s8], $0x680  }
0x1d7: {  	[sflag:s8] =	ssyncset.done $0x0  }
0x1d8: {  	[sflag:s8] =	ssyncadd.s32 $0xFFFFF980  }
0x1d9: {  	_ =	swait.ge [sflag:s8], $0x680  }
0x1da: {  	[sflag:s8] =	ssyncset.done $0x0  }
0x1db: {  	[sflag:s8] =	ssyncadd.s32 $0xFFFFF980  }
0x1dc: {  	_ =	swait.ge [sflag:s8], $0x680  }
0x1dd: {  	[sflag:s8] =	ssyncset.done $0x0  }
0x1de: {  	[sflag:s8] =	ssyncadd.s32 $0xFFFFF980  }
0x1df: {  	_ =	swait.ge [sflag:s8], $0x680  }
0x1e0: {  	[sflag:s8] =	ssyncset.done $0x0  }
0x1e1: {  	[sflag:s8] =	ssyncadd.s32 $0xFFFFF980  }
0x1e2: {  	_ =	swait.ge [sflag:s8], $0x680  }
0x1e3: {  	[sflag:s8] =	ssyncset.done $0x0  }
0x1e4: {  	[sflag:s8] =	ssyncadd.s32 $0xFFFFF980  }
0x1e5: {  	_ =	swait.ge [sflag:s8], $0x680  }
0x1e6: {  	[sflag:s8] =	ssyncset.done $0x0  }
0x1e7: {  	[sflag:s8] =	ssyncadd.s32 $0xFFFFF980  }
0x1e8: {  	_ =	swait.ge [sflag:s5], $0x3400  }
0x1e9: {  	[sflag:s5] =	ssyncset.done $0x0  }
0x1ea: {  	s12 =	rddreg [dreg:$0x10];
	[sflag:s5] =	ssyncadd.s32 $0xFFFFCC00  }
0x1eb: {  	[hbm4b:s12+s24] =	stream.strided.scatter [tilespmem:s20], [sflag:$0x6], $0x680, s25, s24, $0x38;
	[tilespmem:$0x10400] =	vst v63  }
0x1ec: {  	s15 =	simm.s32 $0x6E80;
	s14 =	rddreg [dreg:$0x11]  }
0x1ed: {  	[hbm4b:s14+s24] =	stream.strided.scatter [tilespmem:s15], [sflag:$0x6], $0x680, s25, s24, $0x38;
	[tilespmem:$0x10400] =	vst v63  }
0x1ee: {  	s17 =	simm.s32 $0x7500;
	s16 =	rddreg [dreg:$0x12]  }
0x1ef: {  	[hbm4b:s16+s24] =	stream.strided.scatter [tilespmem:s17], [sflag:$0x6], $0x680, s25, s24, $0x38;
	[tilespmem:$0x10400] =	vst v63  }
0x1f0: {  	s4 =	rddreg [dreg:$0x13];
	s12 =	simm.s32 $0x7B80  }
0x1f1: {  	[hbm4b:s4+s24] =	stream.strided.scatter [tilespmem:s12], [sflag:$0x6], $0x680, s25, s24, $0x38;
	[tilespmem:$0x10400] =	vst v63  }
0x1f2: {  	s14 =	rddreg [dreg:$0x14];
	s15 =	simm.s32 $0x8200  }
0x1f3: {  	[hbm4b:s14+s24] =	stream.strided.scatter [tilespmem:s15], [sflag:$0x6], $0x680, s25, s24, $0x38;
	[tilespmem:$0x10400] =	vst v63  }
0x1f4: {  	s16 =	rddreg [dreg:$0x15];
	s17 =	simm.s32 $0x8880  }
0x1f5: {  	[hbm4b:s16+s24] =	stream.strided.scatter [tilespmem:s17], [sflag:$0x6], $0x680, s25, s24, $0x38;
	[tilespmem:$0x10400] =	vst v63  }
0x1f6: {  	s12 =	rddreg [dreg:$0x16];
	s14 =	simm.s32 $0x8F00  }
0x1f7: {  	[hbm4b:s12+s24] =	stream.strided.scatter [tilespmem:s14], [sflag:$0x6], $0x680, s25, s24, $0x38;
	[tilespmem:$0x10400] =	vst v63  }
0x1f8: {  	s15 =	rddreg [dreg:$0x17];
	s16 =	simm.s32 $0x9580  }
0x1f9: {  	[hbm4b:s15+s24] =	stream.strided.scatter [tilespmem:s16], [sflag:$0x6], $0x680, s25, s24, $0x38;
	[tilespmem:$0x10400] =	vst v63  }
0x1fa: {  	_ =	swait.ge [sflag:s9], $0x680  }
0x1fb: {  	[sflag:s9] =	ssyncset.done $0x0  }
0x1fc: {  	[sflag:s9] =	ssyncadd.s32 $0xFFFFF980  }
0x1fd: {  	_ =	swait.ge [sflag:s9], $0x680  }
0x1fe: {  	[sflag:s9] =	ssyncset.done $0x0  }
0x1ff: {  	[sflag:s9] =	ssyncadd.s32 $0xFFFFF980  }
0x200: {  	_ =	swait.ge [sflag:s9], $0x680  }
0x201: {  	[sflag:s9] =	ssyncset.done $0x0  }
0x202: {  	[sflag:s9] =	ssyncadd.s32 $0xFFFFF980  }
0x203: {  	_ =	swait.ge [sflag:s9], $0x680  }
0x204: {  	[sflag:s9] =	ssyncset.done $0x0  }
0x205: {  	[sflag:s9] =	ssyncadd.s32 $0xFFFFF980  }
0x206: {  	_ =	swait.ge [sflag:s9], $0x680  }
0x207: {  	[sflag:s9] =	ssyncset.done $0x0  }
0x208: {  	[sflag:s9] =	ssyncadd.s32 $0xFFFFF980  }
0x209: {  	_ =	swait.ge [sflag:s9], $0x680  }
0x20a: {  	[sflag:s9] =	ssyncset.done $0x0  }
0x20b: {  	[sflag:s9] =	ssyncadd.s32 $0xFFFFF980  }
0x20c: {  	_ =	swait.ge [sflag:s9], $0x680  }
0x20d: {  	[sflag:s9] =	ssyncset.done $0x0  }
0x20e: {  	[sflag:s9] =	ssyncadd.s32 $0xFFFFF980  }
0x20f: {  	_ =	swait.ge [sflag:s9], $0x680  }
0x210: {  	[sflag:s9] =	ssyncset.done $0x0  }
0x211: {  	[sflag:s9] =	ssyncadd.s32 $0xFFFFF980  }
0x212: {  	_ =	swait.ge [sflag:s13], $0x3400  }
0x213: {  	[sflag:s13] =	ssyncset.done $0x0  }
0x214: {  	s17 =	rddreg [dreg:$0x18];
	[sflag:s13] =	ssyncadd.s32 $0xFFFFCC00  }
0x215: {  	[hbm4b:s17+s24] =	stream.strided.scatter [tilespmem:s21], [sflag:$0x7], $0x680, s25, s24, $0x38;
	[tilespmem:$0x10400] =	vst v63  }
0x216: {  	s12 =	simm.s32 $0xA280;
	s4 =	rddreg [dreg:$0x19]  }
0x217: {  	[hbm4b:s4+s24] =	stream.strided.scatter [tilespmem:s12], [sflag:$0x7], $0x680, s25, s24, $0x38;
	[tilespmem:$0x10400] =	vst v63  }
0x218: {  	s15 =	simm.s32 $0xA900;
	s14 =	rddreg [dreg:$0x1a]  }
0x219: {  	[hbm4b:s14+s24] =	stream.strided.scatter [tilespmem:s15], [sflag:$0x7], $0x680, s25, s24, $0x38;
	[tilespmem:$0x10400] =	vst v63  }
0x21a: {  	s16 =	rddreg [dreg:$0x1b];
	s17 =	simm.s32 $0xAF80  }
0x21b: {  	[hbm4b:s16+s24] =	stream.strided.scatter [tilespmem:s17], [sflag:$0x7], $0x680, s25, s24, $0x38;
	[tilespmem:$0x10400] =	vst v63  }
0x21c: {  	s4 =	rddreg [dreg:$0x1c];
	s12 =	simm.s32 $0xB600  }
0x21d: {  	[hbm4b:s4+s24] =	stream.strided.scatter [tilespmem:s12], [sflag:$0x7], $0x680, s25, s24, $0x38;
	[tilespmem:$0x10400] =	vst v63  }
0x21e: {  	s14 =	rddreg [dreg:$0x1d];
	s15 =	simm.s32 $0xBC80  }
0x21f: {  	[hbm4b:s14+s24] =	stream.strided.scatter [tilespmem:s15], [sflag:$0x7], $0x680, s25, s24, $0x38;
	[tilespmem:$0x10400] =	vst v63  }
0x220: {  	s16 =	rddreg [dreg:$0x1e];
	s17 =	simm.s32 $0xC300  }
0x221: {  	[hbm4b:s16+s24] =	stream.strided.scatter [tilespmem:s17], [sflag:$0x7], $0x680, s25, s24, $0x38;
	[tilespmem:$0x10400] =	vst v63  }
0x222: {  	s12 =	rddreg [dreg:$0x1f]  }
0x223: {  	[hbm4b:s12+s24] =	stream.strided.scatter [tilespmem:s26], [sflag:$0x7], $0x680, s25, s24, $0x38;
	[tilespmem:$0x10400] =	vst v63  }
0x224: {  	_ =	swait.ge [sflag:s10], $0x680  }
0x225: {  	[sflag:s10] =	ssyncset.done $0x0  }
0x226: {  	[sflag:s10] =	ssyncadd.s32 $0xFFFFF980  }
0x227: {  	_ =	swait.ge [sflag:s10], $0x680  }
0x228: {  	[sflag:s10] =	ssyncset.done $0x0  }
0x229: {  	[sflag:s10] =	ssyncadd.s32 $0xFFFFF980  }
0x22a: {  	_ =	swait.ge [sflag:s10], $0x680  }
0x22b: {  	[sflag:s10] =	ssyncset.done $0x0  }
0x22c: {  	[sflag:s10] =	ssyncadd.s32 $0xFFFFF980  }
0x22d: {  	_ =	swait.ge [sflag:s10], $0x680  }
0x22e: {  	[sflag:s10] =	ssyncset.done $0x0  }
0x22f: {  	[sflag:s10] =	ssyncadd.s32 $0xFFFFF980  }
0x230: {  	_ =	swait.ge [sflag:s10], $0x680  }
0x231: {  	[sflag:s10] =	ssyncset.done $0x0  }
0x232: {  	[sflag:s10] =	ssyncadd.s32 $0xFFFFF980  }
0x233: {  	_ =	swait.ge [sflag:s10], $0x680  }
0x234: {  	[sflag:s10] =	ssyncset.done $0x0  }
0x235: {  	[sflag:s10] =	ssyncadd.s32 $0xFFFFF980  }
0x236: {  	_ =	swait.ge [sflag:s10], $0x680  }
0x237: {  	[sflag:s10] =	ssyncset.done $0x0  }
0x238: {  	[sflag:s10] =	ssyncadd.s32 $0xFFFFF980  }
0x239: {  	_ =	swait.ge [sflag:s10], $0x680  }
0x23a: {  	[sflag:s10] =	ssyncset.done $0x0  }
0x23b: {  	[sflag:s10] =	ssyncadd.s32 $0xFFFFF980  }
0x23c: {  	_ =	swait.ge [sflag:s28], $0x3400  }
0x23d: {  	s14 =	sld [smem:$0x7EE]  }
0x23e: {  	[sflag:s28] =	ssyncset.done $0x0  }
0x23f: {  	s15 =	sld [smem:$0x7EF];
	[sflag:s28] =	ssyncadd.s32 $0xFFFFCC00  }
0x240: {  	[hbm4b:s14+s24] =	stream.strided.scatter [tilespmem:s22], [sflag:$0x8], $0x680, s25, s24, $0x38;
	[tilespmem:$0x10400] =	vst v63  }
0x241: {  	s16 =	sld [smem:$0x7F0]  }
0x242: {  	[hbm4b:s15+s24] =	stream.strided.scatter [tilespmem:s29], [sflag:$0x8], $0x680, s25, s24, $0x38;
	[tilespmem:$0x10400] =	vst v63  }
0x243: {  	s17 =	sld [smem:$0x7F1]  }
0x244: {  	[hbm4b:s16+s24] =	stream.strided.scatter [tilespmem:s30], [sflag:$0x8], $0x680, s25, s24, $0x38;
	[tilespmem:$0x10400] =	vst v63  }
0x245: {  	s4 =	sld [smem:$0x7F2]  }
0x246: {  	[hbm4b:s17+s24] =	stream.strided.scatter [tilespmem:s31], [sflag:$0x8], $0x680, s25, s24, $0x38;
	[tilespmem:$0x10400] =	vst v63  }
0x247: {  	s12 =	sld [smem:$0x7F3]  }
0x248: {  	[hbm4b:s4+s24] =	stream.strided.scatter [tilespmem:s0], [sflag:$0x8], $0x680, s25, s24, $0x38;
	[tilespmem:$0x10400] =	vst v63  }
0x249: {  	s14 =	sld [smem:$0x7F4]  }
0x24a: {  	[hbm4b:s12+s24] =	stream.strided.scatter [tilespmem:s1], [sflag:$0x8], $0x680, s25, s24, $0x38;
	[tilespmem:$0x10400] =	vst v63  }
0x24b: {  	s15 =	sld [smem:$0x7F5]  }
0x24c: {  	[hbm4b:s14+s24] =	stream.strided.scatter [tilespmem:s6], [sflag:$0x8], $0x680, s25, s24, $0x38;
	[tilespmem:$0x10400] =	vst v63  }
0x24d: {  	_ = 	snop  }
0x24e: {  	[hbm4b:s15+s24] =	stream.strided.scatter [tilespmem:s7], [sflag:$0x8], $0x680, s25, s24, $0x38;
	[tilespmem:$0x10400] =	vst v63  }
0x24f: {  	_ =	swait.ge [sflag:s11], $0x680  }
0x250: {  	[sflag:s11] =	ssyncset.done $0x0  }
0x251: {  	[sflag:s11] =	ssyncadd.s32 $0xFFFFF980  }
0x252: {  	_ =	swait.ge [sflag:s11], $0x680  }
0x253: {  	[sflag:s11] =	ssyncset.done $0x0  }
0x254: {  	[sflag:s11] =	ssyncadd.s32 $0xFFFFF980  }
0x255: {  	_ =	swait.ge [sflag:s11], $0x680  }
0x256: {  	[sflag:s11] =	ssyncset.done $0x0  }
0x257: {  	[sflag:s11] =	ssyncadd.s32 $0xFFFFF980  }
0x258: {  	_ =	swait.ge [sflag:s11], $0x680  }
0x259: {  	[sflag:s11] =	ssyncset.done $0x0  }
0x25a: {  	[sflag:s11] =	ssyncadd.s32 $0xFFFFF980  }
0x25b: {  	_ =	swait.ge [sflag:s11], $0x680  }
0x25c: {  	[sflag:s11] =	ssyncset.done $0x0  }
0x25d: {  	[sflag:s11] =	ssyncadd.s32 $0xFFFFF980  }
0x25e: {  	_ =	swait.ge [sflag:s11], $0x680  }
0x25f: {  	[sflag:s11] =	ssyncset.done $0x0  }
0x260: {  	[sflag:s11] =	ssyncadd.s32 $0xFFFFF980  }
0x261: {  	_ =	swait.ge [sflag:s11], $0x680  }
0x262: {  	[sflag:s11] =	ssyncset.done $0x0  }
0x263: {  	[sflag:s11] =	ssyncadd.s32 $0xFFFFF980  }
0x264: {  	_ =	swait.ge [sflag:s11], $0x680  }
0x265: {  	s16 =	sld [smem:$0x7ED]  }
0x266: {  	s17 =	sld [smem:$0x7F6];
	_ =	sdelay $0x1  }
0x267: {  	s4 =	sadd.s32 $0x1, s16  }
0x268: {  	p0 =	sne.s32 s4, s17  }
.Ltmp1:
0x269: {  	_ = 	snop;
	(pc) =	sbr.rel @p0 .LBB2_1-.Ltmp1, $3  }
0x26a: {  	_ =	sdelay $0x1  }
0x26b: {  	[sflag:s11] =	ssyncset.done $0x0  }
0x26c: {  	[sflag:s11] =	ssyncadd.s32 $0xFFFFF980  }
0x26d: {  	_ =	sfence.sel $0x180000  }
0x26e: {  	[bflag:$0x0] =	sbarrier.arrive $0xFFFF  }
0x26f: {  	_ =	strace $0x90000047  }
0x270: {  	s0 =	stileid.u32;
	[bflag:$0x2] =	sbarrier.arrive $0xFFFF  }
0x271: {  	p0 =	sne.s32 s0, $0x0;
	s0 =	rddreg [dreg:$0x2]  }
0x272: {  	s0 =	sadd.s32 @!p0 $0x100000, s0  }
0x273: {  	[sflag:s0] =	ssyncadd.tile.s32 @!p0 $0x1;
	_ =	shalt  }
.Lfunc_end2:
_tile_overlayer_lowered:
.L_overlay_start_2:
0x274: {  	(tag) =	ssettag $0x2  }
0x275: {  	s0 =	rddreg [dreg:$0x0];
	s2 =	stileid.u32  }
0x276: {  	s1 =	rddreg [dreg:$0x1];
	p0 =	sne.s32 s2, $0x0  }
0x277: {  	s3 =	rddreg [dreg:$0x2];
	[bflag:$0x3] =	sbarrier.arrive $0xFFFF;
	s2 =	simm.s32 @!p0 $0x1C09  }
0x278: {  	[timem:s3], [sflag:s2] =	dma.local @!p0 [hbm:s0], s1  }
0x279: {  	s0 =	simm.s32 @!p0 $0x9  }
0x27a: {  	_ =	swait.ge @!p0 [sflag:s0], s1  }
0x27b: {  	s1 =	ssub.s32 @!p0 $0x0, s1;
	[sflag:s0] =	ssyncset.done @!p0 $0x0  }
0x27c: {  	[sflag:s0] =	ssyncadd.s32 @!p0 s1  }
0x27d: {  	[bflag:$0x3] =	sbarrier.arrive $0xFFFF  }
0x27e: {  	_ =	shalt  }

// kernel: sparse-core-data-format-call.cloned.1.call-start
scs
called_computation_lowered:
.L_overlay_start_0:
0x0: {  	s2 =	sld [smem:$0x3FD9]  }
0x1: {  	s3 =	sld [smem:$0x3FFE];
	_ =	sdelay $0x1  }
0x2: {  	s1 =	srdreg.scid  }
0x3: {  	s0 =	sand.u32 $0x1, s1  }
0x4: {  	s18 =	sshll.u32 s0, $0xA;
	s2 =	sadd.s32 s3, s2  }
0x5: {  	s2 =	sadd.s32 s2, s18  }
0x6: {  	[smem:$0x3FC6] =	sst s2  }
0x7: {  	_ = 	snop  }
0x8: {  	s2 =	sld [smem:$0x3FD0];
	(tm) =	ssettm $0x1  }
0x9: {  	s19 =	sld [smem:$0x3FFB];
	_ =	sdelay $0x3  }
0xa: {  	_ =	strace s19  }
0xb: {  	s3 =	sld [smem:$0x3FFC];
	_ =	sdelay $0x3  }
0xc: {  	_ =	strace s3  }
0xd: {  	s3 =	sld [smem:$0x3FFD];
	_ =	sdelay $0x3  }
0xe: {  	_ =	strace s3  }
0xf: {  	_ =	strace $0x8FFFFFFF  }
0x10: {  	s20 =	sld [smem:$0x3FDB];
	_ =	sdelay $0x1  }
0x11: {  	s4 =	simm.s32 $_scs_section_size  }
0x12: {  	s5 =	simm.s32 $_size__tile_overlayer_lowered;
	s6 =	simm.s32 $_tile_overlayer_lowered  }
0x13: {  	s23 =	simm.s32 $0x1BFF;
	s22 =	sshll.u32 s6, $0x1;
	s3 =	sadd.s32 s4, s20  }
0x14: {  	s7 =	simm.s32 $0x0;
	s21 =	sshll.u32 s5, $0x1;
	s5 =	sadd.s32 s22, s3  }
0x15: {  	[timem:s7], [sflag:s23] =	dma.local [hbm:s5], s21  }
0x16: {  	_ =	swait.ge [sflag:s23], s21  }
0x17: {  	s4 =	ssub.s32 $0x0, s21;
	[sflag:s23] =	ssyncset.done $0x0  }
0x18: {  	[sflag:s23] =	ssyncadd.s32 s4;
	_ =	sdelay $0x1  }
0x19: {  	s24 =	simm.s32 $0x1B8B  }
0x1a: {  	_ =	swait.ge [sflag:s24], $0x1  }
0x1b: {  	[sflag:s24] =	ssyncset.done $0x0  }
0x1c: {  	s26 =	simm.s32 $0x1B8E;
	s25 =	sld [smem:$0x3FFE];
	[sflag:s24] =	ssyncadd.s32 $0xFFFFFFFF  }
0x1d: {  	s27 =	simm.s32 $execute0_lowered;
	[smem:$0x3FD2] =	sst s26  }
0x1e: {  	s5 =	sshll.u32 s27, $0x1;
	_ =	strace $0x80000049;
	[dreg:$0x1] =	wrdreg $0xFFFFFFFF  }
0x1f: {  	s28 =	simm.s32 $_size_execute0_lowered;
	s3 =	sadd.s32 s3, s5;
	[dreg:$0x0] =	wrdreg $0x0  }
0x20: {  	s5 =	sshll.u32 s28, $0x1;
	[dreg:$0x2] =	wrdreg s3  }
0x21: {  	[dreg:$0x3] =	wrdreg s5  }
0x22: {  	[dreg:$0x4] =	wrdreg $0xC0  }
0x23: {  	_ =	task [dreg:s7], $0x5FFFF  }
0x24: {  	[dreg:$0x1] =	wrdreg $0xFFFFFFFF  }
0x25: {  	[dreg:$0x0] =	wrdreg $0x60  }
0x26: {  	[dreg:$0x2] =	wrdreg s25  }
0x27: {  	[dreg:$0x3] =	wrdreg s2  }
0x28: {  	[dreg:$0x4] =	wrdreg $0x9  }
0x29: {  	_ =	task.clear_ibuf [dreg:s7], $0x5FFFF;
	_ =	strace $0x90000049  }
0x2a: {  	s29 =	simm.s32 $0x9;
	_ =	strace $0x8000004B  }
0x2b: {  	_ =	swait.ge [sflag:s29], $0x1  }
0x2c: {  	[sflag:s29] =	ssyncadd.s32 $0xFFFFFFFF  }
0x2d: {  	_ =	strace $0x9000004B  }
0x2e: {  	_ =	sfence  }
0x2f: {  	s30 =	sld [smem:$0x0];
	_ =	sdelay $0x2  }
0x30: {  	s31 =	sshll.u32 s1, $0xD;
	s1 =	sshrl.u32 s1, $0x2  }
0x31: {  	s3 =	sand.u32 $0x4000, s31;
	s1 =	sadd.s32 s1, s30  }
0x32: {  	s0 =	sor.u32 s3, s0;
	s1 =	sshll.u32 s1, $0x11  }
0x33: {  	s0 =	sor.u32 s1, s0  }
0x34: {  	s0 =	sadd.s32 $0x8F2B, s0  }
0x35: {  	[sflag:s0] =	ssyncadd.remote.s32 $0x1  }
0x36: {  	_ =	sfence.sel $0xFFFF  }
0x37: {  	[dreg:$0x0] =	wrdreg $0xFFFFFFFF;
	(pc) =	sbr.abs _section_cstart, $3  }
0x38: {  	[dreg:$0x1] =	wrdreg $0xFFFFFFFF  }
0x39: {  	_ =	task.clear_ibuf [dreg:s7], $0x2FFFF;
	_ =	strace $0x9FFFFFFF  }
0x3a: {  	(tm) =	ssettm $0x7FFFFFFF  }
0x3b: {  	_ =	shalt  }
tec
execute0_lowered:
.L_overlay_start_1:
0x0: {  	(tag) =	ssettag $0x1  }
0x1: {  	s0 =	srdreg.scid  }
0x2: {  	s1 =	sshll.u32 s0, $0x4  }
0x3: {  	s0 =	stileid.u32;
	s1 =	sand.u32 $0x10, s1  }
0x4: {  	s1 =	sor.u32 s0, s1  }
0x5: {  	s6 =	rddreg [dreg:$0x0];
	s4 =	simm.s32 $0x1;
	s2 =	sshll.u32 s1, $0x7  }
0x6: {  	s7 =	simm.s32 $0x2;
	s12 =	simm.s32 $0x0;
	s1 =	ssub.s32 $0x4000, s2  }
0x7: {  	s8 =	simm.s32 $0x20000;
	s13 =	simm.s32 $0x0;
	s3 =	sand.u32 $0xF80, s1  }
0x8: {  	s9 =	simm.s32 $0x0;
	s5 =	sshrl.u32 s1, $0xC;
	p0 =	sne.s32 s3, $0x0  }
.Ltmp0:
0x9: {  	s1 =	rddreg [dreg:$0x2];
	s4 =	simm.s32 @!p0 $0x0;
	(pc) =	sbr.rel .LBB1_1-.Ltmp0, $4  }
0xa: {  	s11 =	simm.s32 $0x0;
	s3 =	rddreg [dreg:$0x1];
	s5 =	sadd.s32 s4, s5  }
0xb: {  	_ =	strace $0x8000004A;
	s4 =	simm.s32 $0x1;
	s5 =	smul.u32 $0x1A, s5  }
0xc: {  	s6 =	sadd.s32 $0xA00, s6;
	s10 =	smov.u32 s2;
	[sflag:s4] =	ssyncpa.u1 $0x0  }
0xd: {  	p0 =	por $0x0, $0x0;
	[sflag:s7] =	ssyncpa.u1 $0x0;
	s7 =	sor.u32 $0x1, s5  }
.LBB1_4:
0xe: {  	s16 =	sshll.u32 s13, $0x3;
	s17 =	sand.u32 $0x78, s13  }
0xf: {  	s30 =	sand.u32 $0x1F800, s13;
	s12 =	sshll.u32 s12, $0x11;
	s16 =	sand.u32 $0x3C00, s16  }
0x10: {  	[tilespmem:s15+$0x810 ss:$0x81] =	vst.msk $0xffff, v2;
	s31 =	sand.u32 $0x7, s13;
	s16 =	sor.u32 s17, s16;
	s17 =	sadd.s32 s3, s30  }
0x11: {  	[tilespmem:s15+$0x1020 ss:$0x81] =	vst.msk $0xffff, v0;
	s13 =	sshll.u32 s31, $0x12;
	s12 =	sadd.s32 s12, s17;
	s16 =	sshrl.u32 s16, $0x3  }
0x12: {  	[tilespmem:s15+$0x0 ss:$0x81] =	vst.msk $0xffff, v1;
	s13 =	sor.u32 $0x400, s13;
	s12 =	sadd.s32 s16, s12  }
0x13: {  	[hbm4b:s12+s13] =	stream.strided.scatter [tilespmem:s14], [sflag:$0x2], $0x2000, s8, s13, $0x20;
	[tilespmem:$0x8080] =	vst v63  }
.LBB1_5:
0x14: {  	s14 =	sadd.s32 $0x1, s9  }
0x15: {  	s12 =	sadd.s32 $0x1000, s10;
	s16 =	smov.u32 s10;
	p2 =	sgt.s32 s14, $0x19  }
0x16: {  	s16 =	smov.u32 @p2 s12  }
0x17: {  	s14 =	simm.s32 @p2 $0x0;
	p2 =	sgt.s32 s16, $0x3FFF  }
0x18: {  	s16 =	smov.u32 @p2 s2;
	p2 =	sne.s32 s11, s7  }
.Ltmp1:
0x19: {  	p1 =	slt.u32 s11, $0x2;
	(pc) =	sbr.rel @!p2 .LBB1_6-.Ltmp1, $4  }
0x1a: {  	s15 =	simm.s32 @!p1 $0x2  }
0x1b: {  	s13 =	smov.u32 s10;
	p0 =	por !p0, !p0;
	_ =	swait.ge @!p1 [sflag:s15], $0x2000  }
0x1c: {  	s12 =	smov.u32 s9;
	[sflag:s15] =	ssyncset.done @!p1 $0x0;
	s9 =	smov.u32 s14  }
0x1d: {  	s11 =	sadd.s32 $0x1, s11;
	[sflag:s15] =	ssyncadd.s32 @!p1 $0xFFFFE000;
	s10 =	smov.u32 s16  }
.LBB1_1:
0x1e: {  	p1 =	sge.u32 s11, s5  }
0x1f: {  	s31 =	sadd.s32 $0xFFFFFFFF, s11;
	s14 =	sxor.u32 @!p1 $0xFFFFFFFF, s11  }
0x20: {  	s15 =	sshll.u32 @!p1 s10, $0x9;
	s16 =	sshll.u32 @!p1 s9, $0x4;
	s17 =	simm.s32 @!p1 $0x1000  }
0x21: {  	s14 =	sshll.u32 @!p1 s14, $0xD;
	s16 =	sand.u32 @!p1 $0x1F0, s16;
	s15 =	sadd.s32 @!p1 s6, s15  }
0x22: {  	s14 =	sand.u32 @!p1 $0x2000, s14;
	s15 =	sadd.s32 @!p1 s16, s15;
	s16 =	simm.s32 @!p1 $0x40  }
0x23: {  	[tilespmem:s14], [sflag:$0x1] =	stream.strided.gather @!p1 [hbm4b:s15+s16], $0x2000, s17, s16, $0x38;
	[tilespmem:$0x8080] =	vst v63  }
0x24: {  	p1 =	sge.u32 s31, s5  }
.Ltmp2:
0x25: {  	_ = 	snop;
	(pc) =	sbr.rel @p1 .LBB1_5-.Ltmp2, $1  }
0x26: {  	_ =	sdelay $0x3  }
0x27: {  	s14 =	simm.s32 $0x1  }
0x28: {  	_ =	swait.ge [sflag:s4], $0x2000;
	s14 =	simm.s32 @!p0 $0x0  }
0x29: {  	[sflag:s4] =	ssyncset.done $0x0;
	s15 =	sshll.u32 s14, $0xD  }
0x2a: {  	[sflag:s4] =	ssyncadd.s32 $0xFFFFE000;
	s18 =	sor.u32 $0x20, s15  }
0x2b: {  	s14 =	smul.u32 $0x8100, s14;
	v3 =	vld [tilespmem:s18+$0x10]  }
0x2c: {  	s30 =	sand.u32 $0x1, s11;
	v2 =	vld [tilespmem:s18+$0xFFFFFFF0]  }
0x2d: {  	s15 =	smul.u32 $0x8100, s30;
	s14 =	sshrl.u32 s14, $0x2;
	v0 =	vld [tilespmem:s18+$0x0]  }
0x2e: {  	v1 =	vld [tilespmem:s18+$0xFFFFFFE0];
	s16 =	sor.u32 $0x4000, s14  }
0x2f: {  	s31 =	sshrl.u32 s15, $0x2;
	s15 =	sadd.s32 $0x0, s16  }
0x30: {  	s17 =	simm.s32 $0x4;
	s18 =	sadd.s32 $0x40, s18;
	s14 =	sor.u32 $0x4000, s31;
	[tilespmem:s15+$0x1830 ss:$0x81] =	vst.msk $0xffff, v3  }
.LBB1_3:
0x31: {  	v3 =	vld [tilespmem:s18+$0x10];
	p1 =	sne.s32 s17, $0x1FC;
	[tilespmem:s15+$0x810 ss:$0x81] =	vst.msk $0xffff, v2;
	s19 =	smov.u32 s17;
	s17 =	sadd.s32 $0x4, s17  }
.Ltmp3:
0x32: {  	v2 =	vld [tilespmem:s18+$0xFFFFFFF0];
	[tilespmem:s15+$0x1020 ss:$0x81] =	vst.msk $0xffff, v0;
	(pc) =	sbr.rel @p1 .LBB1_3-.Ltmp3, $4  }
0x33: {  	v0 =	vld [tilespmem:s18+$0x0];
	[tilespmem:s15+$0x0 ss:$0x81] =	vst.msk $0xffff, v1  }
0x34: {  	s15 =	sshra.s32 s19, $0x2;
	v1 =	vld [tilespmem:s18+$0xFFFFFFE0]  }
0x35: {  	s15 =	sadd.s32 s15, s16  }
0x36: {  	s18 =	sadd.s32 $0x40, s18;
	[tilespmem:s15+$0x1830 ss:$0x81] =	vst.msk $0xffff, v3  }
.Ltmp4:
0x37: {  	_ = 	snop;
	(pc) =	sbr.rel .LBB1_4-.Ltmp4, $1  }
0x38: {  	_ =	sdelay $0x3  }
.LBB1_6:
0x39: {  	_ =	sfence.sel $0x180000  }
0x3a: {  	s2 =	simm.s32 $0x1;
	[bflag:$0x0] =	sbarrier.arrive $0xFFFF  }
0x3b: {  	s31 =	simm.s32 $0x2;
	[sflag:s2] =	ssyncpa.u1 $0x1  }
0x3c: {  	[sflag:s31] =	ssyncpa.u1 $0x1  }
0x3d: {  	p0 =	sne.s32 s0, $0x0;
	_ =	strace $0x9000004A  }
0x3e: {  	s0 =	sadd.s32 @!p0 $0x100000, s1;
	[bflag:$0x2] =	sbarrier.arrive $0xFFFF  }
0x3f: {  	[sflag:s0] =	ssyncadd.tile.s32 @!p0 $0x1;
	_ =	shalt  }
.Lfunc_end1:
_tile_overlayer_lowered:
.L_overlay_start_2:
0x40: {  	(tag) =	ssettag $0x2  }
0x41: {  	s0 =	rddreg [dreg:$0x0];
	s2 =	stileid.u32  }
0x42: {  	s1 =	rddreg [dreg:$0x1];
	p0 =	sne.s32 s2, $0x0  }
0x43: {  	s3 =	rddreg [dreg:$0x2];
	[bflag:$0x3] =	sbarrier.arrive $0xFFFF;
	s2 =	simm.s32 @!p0 $0x1C01  }
0x44: {  	[timem:s3], [sflag:s2] =	dma.local @!p0 [hbm:s0], s1  }
0x45: {  	s0 =	simm.s32 @!p0 $0x1  }
0x46: {  	_ =	swait.ge @!p0 [sflag:s0], s1  }
0x47: {  	s1 =	ssub.s32 @!p0 $0x0, s1;
	[sflag:s0] =	ssyncset.done @!p0 $0x0  }
0x48: {  	[sflag:s0] =	ssyncadd.s32 @!p0 s1  }
0x49: {  	[bflag:$0x3] =	sbarrier.arrive $0xFFFF  }
0x4a: {  	_ =	shalt  }

</sc_bundles>
